<compile_context>
chip_gen: v7x
topology: tpu7x:2x2x1
jax: 0.10.2.dev20260603
libtpu: 0.0.44.dev20260713+nightly
codegen_flags: <defaults>
</compile_context>

<pallas_src>
import functools

import jax
import jax.numpy as jnp
from jax import lax
from jax.experimental import pallas as pl
from jax.experimental.pallas import tpu as pltpu
from jax.experimental.pallas import tpu_sc as plsc

N_NODES = 10000
D = 128
E_POS = 160000

NC = 2
NS = 16
NW = NC * NS
BSZ = 128
NB = (E_POS + NW * BSZ - 1) // (NW * BSZ)
CAP = NW * NB * BSZ
SLAB = 640
NPAD = NS * SLAB

def _mesh():
    return plsc.VectorSubcoreMesh(
        core_axis_name="c", subcore_axis_name="s", num_cores=NC, num_subcores=NS
    )


def _deg_body(cols_hbm, out_hbm, cols_v, ones_v, zeros_v, deg_sh):
    cid = lax.axis_index("c")
    sid = lax.axis_index("s")
    wid = sid * NC + cid
    pltpu.sync_copy(cols_hbm.at[wid], cols_v)

    def _fill(i, carry):
        ones_v[i, :] = jnp.ones((16,), jnp.float32)
        zeros_v[i, :] = jnp.zeros((16,), jnp.float32)
        return carry

    lax.fori_loop(0, BSZ, _fill, 0)
    for z in range(SLAB // BSZ):
        pltpu.sync_copy(zeros_v, deg_sh.at[pl.ds(sid * SLAB + z * BSZ, BSZ)])
    plsc.subcore_barrier()
    for j in range(NB):
        pltpu.sync_copy(ones_v, deg_sh.at[cols_v.at[j]], add=True)
    plsc.subcore_barrier()
    pltpu.sync_copy(
        deg_sh.at[pl.ds(sid * SLAB, SLAB)],
        out_hbm.at[cid, pl.ds(sid * SLAB, SLAB)],
    )


@functools.lru_cache(maxsize=None)
def _deg_kernel():
    return pl.kernel(
        _deg_body,
        out_type=jax.ShapeDtypeStruct((NC, NPAD, 16), jnp.float32),
        mesh=_mesh(),
        scratch_types=[
            pltpu.VMEM((NB, BSZ), jnp.int32),
            pltpu.VMEM((BSZ, 16), jnp.float32),
            pltpu.VMEM((BSZ, 16), jnp.float32),
            pltpu.VMEM_SHARED((NPAD, 16), jnp.float32),
        ],
    )


def _mm_body(degp_ref, x_ref, w_ref, y_ref):
    deg = degp_ref[0, :, 0:1] + degp_ref[1, :, 0:1] + 1.0
    dis = lax.rsqrt(deg)
    y_ref[...] = dis * jnp.dot(
        x_ref[...], w_ref[...], preferred_element_type=jnp.float32
    )


def _mm_call(degp, x, W):
    blk = 1000
    g = N_NODES // blk
    return pl.pallas_call(
        _mm_body,
        grid=(g,),
        in_specs=[
            pl.BlockSpec((NC, blk, 16), lambda i: (0, i, 0)),
            pl.BlockSpec((blk, D), lambda i: (i, 0)),
            pl.BlockSpec((D, D), lambda i: (0, 0)),
        ],
        out_specs=pl.BlockSpec((blk, D), lambda i: (i, 0)),
        out_shape=jax.ShapeDtypeStruct((N_NODES, D), jnp.float32),
    )(degp, x, W)


def _agg_body(rows_hbm, cols_hbm, y_hbm, out_hbm,
              rows_v, cols_v, buf0, buf1, agg_sh, sem0, sem1):
    cid = lax.axis_index("c")
    sid = lax.axis_index("s")
    wid = sid * NC + cid
    pltpu.sync_copy(rows_hbm.at[wid], rows_v)
    pltpu.sync_copy(cols_hbm.at[wid], cols_v)

    def _zero(i, carry):
        for k in range(D // 16):
            buf0[i, 16 * k:16 * (k + 1)] = jnp.zeros((16,), jnp.float32)
        return carry

    lax.fori_loop(0, BSZ, _zero, 0)
    for z in range(SLAB // BSZ):
        pltpu.sync_copy(buf0, agg_sh.at[pl.ds(sid * SLAB + z * BSZ, BSZ)])
    plsc.subcore_barrier()

    bufs = (buf0, buf1)
    sems = (sem0, sem1)
    descs = [None, None]
    descs[0] = pltpu.async_copy(y_hbm.at[rows_v.at[0]], buf0, sem0)
    for j in range(NB):
        cur = j & 1
        nxt = (j + 1) & 1
        if j + 1 < NB:
            descs[nxt] = pltpu.async_copy(
                y_hbm.at[rows_v.at[j + 1]], bufs[nxt], sems[nxt]
            )
        descs[cur].wait()
        pltpu.sync_copy(bufs[cur], agg_sh.at[cols_v.at[j]], add=True)
    plsc.subcore_barrier()
    for z in range(SLAB // BSZ):
        off = sid * SLAB + z * BSZ
        pltpu.sync_copy(agg_sh.at[pl.ds(off, BSZ)], out_hbm.at[cid, pl.ds(off, BSZ)])


@functools.lru_cache(maxsize=None)
def _agg_kernel():
    return pl.kernel(
        _agg_body,
        out_type=jax.ShapeDtypeStruct((NC, NPAD, D), jnp.float32),
        mesh=_mesh(),
        scratch_types=[
            pltpu.VMEM((NB, BSZ), jnp.int32),
            pltpu.VMEM((NB, BSZ), jnp.int32),
            pltpu.VMEM((BSZ, D), jnp.float32),
            pltpu.VMEM((BSZ, D), jnp.float32),
            pltpu.VMEM_SHARED((NPAD, D), jnp.float32),
            pltpu.SemaphoreType.DMA,
            pltpu.SemaphoreType.DMA,
        ],
    )


def _stat_body(aggp_ref, y_ref, degp_ref, b_ref, t_ref, s1_ref, s2_ref):
    i = pl.program_id(0)
    deg = degp_ref[0, :, 0:1] + degp_ref[1, :, 0:1] + 1.0
    dis = lax.rsqrt(deg)
    t = dis * (aggp_ref[0] + aggp_ref[1] + y_ref[...]) + b_ref[...]
    t_ref[...] = t

    @pl.when(i == 0)
    def _():
        s1_ref[...] = jnp.zeros_like(s1_ref)
        s2_ref[...] = jnp.zeros_like(s2_ref)

    s1_ref[...] += jnp.sum(t, axis=0, keepdims=True)
    s2_ref[...] += jnp.sum(t * t, axis=0, keepdims=True)


def _stat_call(aggp, y, degp, b2):
    blk = 1000
    g = N_NODES // blk
    return pl.pallas_call(
        _stat_body,
        grid=(g,),
        in_specs=[
            pl.BlockSpec((NC, blk, D), lambda i: (0, i, 0)),
            pl.BlockSpec((blk, D), lambda i: (i, 0)),
            pl.BlockSpec((NC, blk, 16), lambda i: (0, i, 0)),
            pl.BlockSpec((1, D), lambda i: (0, 0)),
        ],
        out_specs=[
            pl.BlockSpec((blk, D), lambda i: (i, 0)),
            pl.BlockSpec((1, D), lambda i: (0, 0)),
            pl.BlockSpec((1, D), lambda i: (0, 0)),
        ],
        out_shape=[
            jax.ShapeDtypeStruct((N_NODES, D), jnp.float32),
            jax.ShapeDtypeStruct((1, D), jnp.float32),
            jax.ShapeDtypeStruct((1, D), jnp.float32),
        ],
    )(aggp, y, degp, b2)


def _bn_body(t_ref, s1_ref, s2_ref, g_ref, be_ref, o_ref):
    n = jnp.float32(N_NODES)
    mean = s1_ref[...] / n
    var = s2_ref[...] / n - mean * mean
    scale = g_ref[...] * lax.rsqrt(var + 1e-5)
    shift = be_ref[...] - mean * scale
    o_ref[...] = jnp.maximum(t_ref[...] * scale + shift, 0.0)


def _bn_call(t, s1, s2, g2, be2):
    blk = 1000
    g = N_NODES // blk
    return pl.pallas_call(
        _bn_body,
        grid=(g,),
        in_specs=[
            pl.BlockSpec((blk, D), lambda i: (i, 0)),
            pl.BlockSpec((1, D), lambda i: (0, 0)),
            pl.BlockSpec((1, D), lambda i: (0, 0)),
            pl.BlockSpec((1, D), lambda i: (0, 0)),
            pl.BlockSpec((1, D), lambda i: (0, 0)),
        ],
        out_specs=pl.BlockSpec((blk, D), lambda i: (i, 0)),
        out_shape=jax.ShapeDtypeStruct((N_NODES, D), jnp.float32),
    )(t, s1, s2, g2, be2)


def kernel(x, pos_edge_index, neg_edge_index, W, b, gamma, beta):
    del neg_edge_index
    row = pos_edge_index[0].astype(jnp.int32)
    col = pos_edge_index[1].astype(jnp.int32)
    pad = CAP - E_POS
    rows_r = jnp.concatenate([row, jnp.zeros((pad,), jnp.int32)]).reshape(NW, NB, BSZ)
    cols_r = jnp.concatenate(
        [col, jnp.full((pad,), N_NODES, jnp.int32)]
    ).reshape(NW, NB, BSZ)

    degp = _deg_kernel()(cols_r)
    y = _mm_call(degp, x, W)
    aggp = _agg_kernel()(rows_r, cols_r, y)
    t, s1, s2 = _stat_call(aggp, y, degp, b.reshape(1, D))
    return _bn_call(t, s1, s2, gamma.reshape(1, D), beta.reshape(1, D))

# --- scband reference (transcript-rebuilt; emitter-appended) ---
"""Pipeline reference for scband-gcnblock-17540646437112 (READ-ONLY COPY).

The authoritative reference and input builder live on the scoring server;
editing this copy changes nothing except your own understanding.
"""

import jax, jax.numpy as jnp
import numpy as np

N_NODES = 10000
D_IN = 128
D_OUT = 128
E_POS = 160000
E_NEG = 160000


def setup_inputs(seed: int = 0) -> dict:
    key = jax.random.key(seed)
    k_x, k_pos, k_neg, k_w, k_b = jax.random.split(key, 5)
    x = jax.random.normal(k_x, (N_NODES, D_IN), dtype=jnp.float32)
    pos_edge_index = jax.random.randint(k_pos, (2, E_POS), 0, N_NODES, dtype=jnp.int64)
    neg_edge_index = jax.random.randint(k_neg, (2, E_NEG), 0, N_NODES, dtype=jnp.int64)
    # GCNConv linear weight (torch lin has no bias inside; conv bias added after aggregation)
    W = jax.random.normal(k_w, (D_IN, D_OUT), dtype=jnp.float32) * (1.0 / np.sqrt(D_IN))
    b = jnp.zeros((D_OUT,), dtype=jnp.float32)
    # BatchNorm1d affine params (fresh module: gamma=1, beta=0)
    gamma = jnp.ones((D_OUT,), dtype=jnp.float32)
    beta = jnp.zeros((D_OUT,), dtype=jnp.float32)
    return {"x": x, "pos_edge_index": pos_edge_index, "neg_edge_index": neg_edge_index,
            "W": W, "b": b, "gamma": gamma, "beta": beta}


def reference(x, pos_edge_index, neg_edge_index, W, b, gamma, beta):
    N = x.shape[0]
    # weights: ones for pos edges, zeros for neg edges
    w_pos = jnp.ones((pos_edge_index.shape[1],), dtype=jnp.float32)
    w_neg = jnp.zeros((neg_edge_index.shape[1],), dtype=jnp.float32)
    edge_index = jnp.concatenate((pos_edge_index, neg_edge_index), axis=1)
    ew = jnp.concatenate((w_pos, w_neg))
    # gcn_norm: add self-loops with weight 1
    loop = jnp.arange(N, dtype=edge_index.dtype)
    row = jnp.concatenate((edge_index[0], loop))
    col = jnp.concatenate((edge_index[1], loop))
    w = jnp.concatenate((ew, jnp.ones((N,), dtype=jnp.float32)))
    deg = jax.ops.segment_sum(w, col, num_segments=N)
    deg_inv_sqrt = jnp.where(deg > 0, deg ** -0.5, 0.0)
    norm = deg_inv_sqrt[row] * w * deg_inv_sqrt[col]
    # linear transform first (GCNConv: x = lin(x))
    xw = x @ W
    # message passing: scatter-add norm * xw[row] into col
    msg = norm[:, None] * jnp.take(xw, row, axis=0)
    out = jax.ops.segment_sum(msg, col, num_segments=N) + b
    # BatchNorm1d (training mode: batch statistics, biased variance)
    eps = 1e-5
    mean = jnp.mean(out, axis=0)
    var = jnp.var(out, axis=0)
    out = gamma * (out - mean) / jnp.sqrt(var + eps) + beta
    # ReLU
    return jax.nn.relu(out)

if __name__ == "__main__":
    import jax
    _d = setup_inputs()
    print(jax.jit(kernel)(*tuple(_d.values())))

</pallas_src>

<mosaic_0001>
#map = affine_map<(d0, d1) -> (0, 0, 0)>
#map1 = affine_map<(d0, d1) -> (0, 0)>
module attributes {stable_mosaic.version = 14 : i64} {
  func.func @_agg_body(%arg0: i32, %arg1: i32, %arg2: memref<32x40x128xi32, #tpu.memory_space<hbm>>, %arg3: memref<32x40x128xi32, #tpu.memory_space<hbm>>, %arg4: memref<10000x128xf32, #tpu.memory_space<hbm>>, %arg5: memref<2x10240x128xf32, #tpu.memory_space<hbm>>, %arg6: memref<40x128xi32, #tpu.memory_space<vmem>>, %arg7: memref<40x128xi32, #tpu.memory_space<vmem>>, %arg8: memref<128x128xf32, #tpu.memory_space<vmem>>, %arg9: memref<128x128xf32, #tpu.memory_space<vmem>>, %arg10: memref<10240x128xf32, #tpu.memory_space<vmem_shared>>, %arg11: memref<!tpu.dma_semaphore, #tpu.memory_space<semaphore_mem>>, %arg12: memref<!tpu.dma_semaphore, #tpu.memory_space<semaphore_mem>>) attributes {dimension_semantics = [#tpu.dimension_semantics<core_parallel>, #tpu.dimension_semantics<subcore_parallel>], iteration_bounds = array<i64: 2, 16>, scalar_prefetch = 0 : i64, scratch_operands = 7 : i64, tpu.core_type = #tpu.core_type<sc_vector_subcore>, window_params = [{transform_indices = #map}, {transform_indices = #map}, {transform_indices = #map1}, {transform_indices = #map}]} {
    %mul3A = arith.constant 2 : i32
    %mul3A_0 = arith.muli %arg1, %mul3A : i32
    %add3A = arith.addi %mul3A_0, %arg0 : i32
    "tpu.region"() ({
      %run_scoped3A_644 = tpu.sem_alloc : memref<!tpu.dma_semaphore, #tpu.memory_space<semaphore_mem>>
      %dma_start3A_645 = arith.constant 0 : i32
      %dma_start3A_646 = arith.constant 0 : i32
      %dma_start3A_647 = tpu.memref_slice %arg2[%add3A, %dma_start3A_645, %dma_start3A_646] : memref<32x40x128xi32, #tpu.memory_space<hbm>> -> memref<1x40x128xi32, #tpu.memory_space<hbm>>
      %dma_start3A_648 = tpu.memref_squeeze %dma_start3A_647 : memref<1x40x128xi32, #tpu.memory_space<hbm>> -> memref<40x128xi32, #tpu.memory_space<hbm>>
      %dma_start3A_649 = arith.constant 0 : i32
      %dma_start3A_650 = arith.constant 0 : i32
      %dma_start3A_651 = tpu.memref_slice %arg2[%add3A, %dma_start3A_649, %dma_start3A_650] : memref<32x40x128xi32, #tpu.memory_space<hbm>> -> memref<1x40x128xi32, #tpu.memory_space<hbm>>
      %dma_start3A_652 = tpu.memref_squeeze %dma_start3A_651 : memref<1x40x128xi32, #tpu.memory_space<hbm>> -> memref<40x128xi32, #tpu.memory_space<hbm>>
      tpu.enqueue_dma source(%dma_start3A_652 : memref<40x128xi32, #tpu.memory_space<hbm>>) target(%arg6 : memref<40x128xi32, #tpu.memory_space<vmem>>) target_semaphore(%run_scoped3A_644 : memref<!tpu.dma_semaphore, #tpu.memory_space<semaphore_mem>>)
      %dma_wait3A_653 = arith.constant 0 : i32
      %dma_wait3A_654 = arith.constant 0 : i32
      %dma_wait3A_655 = tpu.memref_slice %arg2[%add3A, %dma_wait3A_653, %dma_wait3A_654] : memref<32x40x128xi32, #tpu.memory_space<hbm>> -> memref<1x40x128xi32, #tpu.memory_space<hbm>>
      %dma_wait3A_656 = tpu.memref_squeeze %dma_wait3A_655 : memref<1x40x128xi32, #tpu.memory_space<hbm>> -> memref<40x128xi32, #tpu.memory_space<hbm>>
      %dma_wait3A_657 = arith.constant 0 : i32
      %dma_wait3A_658 = arith.constant 0 : i32
      %dma_wait3A_659 = tpu.memref_slice %arg2[%add3A, %dma_wait3A_657, %dma_wait3A_658] : memref<32x40x128xi32, #tpu.memory_space<hbm>> -> memref<1x40x128xi32, #tpu.memory_space<hbm>>
      %dma_wait3A_660 = tpu.memref_squeeze %dma_wait3A_659 : memref<1x40x128xi32, #tpu.memory_space<hbm>> -> memref<40x128xi32, #tpu.memory_space<hbm>>
      tpu.wait_dma2 semaphore(%run_scoped3A_644 : memref<!tpu.dma_semaphore, #tpu.memory_space<semaphore_mem>>) src(%dma_wait3A_660 : memref<40x128xi32, #tpu.memory_space<hbm>>) dst(%arg6 : memref<40x128xi32, #tpu.memory_space<vmem>>)
      tpu.yield
    }) : () -> ()
    "tpu.region"() ({
      %run_scoped3A_644 = tpu.sem_alloc : memref<!tpu.dma_semaphore, #tpu.memory_space<semaphore_mem>>
      %dma_start3A_645 = arith.constant 0 : i32
      %dma_start3A_646 = arith.constant 0 : i32
      %dma_start3A_647 = tpu.memref_slice %arg3[%add3A, %dma_start3A_645, %dma_start3A_646] : memref<32x40x128xi32, #tpu.memory_space<hbm>> -> memref<1x40x128xi32, #tpu.memory_space<hbm>>
      %dma_start3A_648 = tpu.memref_squeeze %dma_start3A_647 : memref<1x40x128xi32, #tpu.memory_space<hbm>> -> memref<40x128xi32, #tpu.memory_space<hbm>>
      %dma_start3A_649 = arith.constant 0 : i32
      %dma_start3A_650 = arith.constant 0 : i32
      %dma_start3A_651 = tpu.memref_slice %arg3[%add3A, %dma_start3A_649, %dma_start3A_650] : memref<32x40x128xi32, #tpu.memory_space<hbm>> -> memref<1x40x128xi32, #tpu.memory_space<hbm>>
      %dma_start3A_652 = tpu.memref_squeeze %dma_start3A_651 : memref<1x40x128xi32, #tpu.memory_space<hbm>> -> memref<40x128xi32, #tpu.memory_space<hbm>>
      tpu.enqueue_dma source(%dma_start3A_652 : memref<40x128xi32, #tpu.memory_space<hbm>>) target(%arg7 : memref<40x128xi32, #tpu.memory_space<vmem>>) target_semaphore(%run_scoped3A_644 : memref<!tpu.dma_semaphore, #tpu.memory_space<semaphore_mem>>)
      %dma_wait3A_653 = arith.constant 0 : i32
      %dma_wait3A_654 = arith.constant 0 : i32
      %dma_wait3A_655 = tpu.memref_slice %arg3[%add3A, %dma_wait3A_653, %dma_wait3A_654] : memref<32x40x128xi32, #tpu.memory_space<hbm>> -> memref<1x40x128xi32, #tpu.memory_space<hbm>>
      %dma_wait3A_656 = tpu.memref_squeeze %dma_wait3A_655 : memref<1x40x128xi32, #tpu.memory_space<hbm>> -> memref<40x128xi32, #tpu.memory_space<hbm>>
      %dma_wait3A_657 = arith.constant 0 : i32
      %dma_wait3A_658 = arith.constant 0 : i32
      %dma_wait3A_659 = tpu.memref_slice %arg3[%add3A, %dma_wait3A_657, %dma_wait3A_658] : memref<32x40x128xi32, #tpu.memory_space<hbm>> -> memref<1x40x128xi32, #tpu.memory_space<hbm>>
      %dma_wait3A_660 = tpu.memref_squeeze %dma_wait3A_659 : memref<1x40x128xi32, #tpu.memory_space<hbm>> -> memref<40x128xi32, #tpu.memory_space<hbm>>
      tpu.wait_dma2 semaphore(%run_scoped3A_644 : memref<!tpu.dma_semaphore, #tpu.memory_space<semaphore_mem>>) src(%dma_wait3A_660 : memref<40x128xi32, #tpu.memory_space<hbm>>) dst(%arg7 : memref<40x128xi32, #tpu.memory_space<vmem>>)
      tpu.yield
    }) : () -> ()
    %scan3A = arith.constant 0 : i32
    %scan3A_1 = arith.constant 0 : i32
    %scan3A_2 = arith.constant 128 : i32
    %scan3A_3 = arith.addi %scan3A_1, %scan3A_2 : i32
    %scan3A_4 = arith.constant 1 : i32
    scf.for %scan3A_644 = %scan3A_1 to %scan3A_3 step %scan3A_4  : i32 {
      %broadcast_in_dim3A = arith.constant 0.000000e+00 : f32
      %broadcast_in_dim3A_645 = vector.broadcast %broadcast_in_dim3A : f32 to vector<16xf32>
      %swap3A = arith.index_cast %scan3A_644 : i32 to index
      %swap3A_646 = arith.constant 0 : index
      %swap3A_647 = tpu.vector_load %arg8[%swap3A, %swap3A_646] {strides = array<i32>} : memref<128x128xf32, #tpu.memory_space<vmem>>, vector<1x16xf32>,
      %swap3A_648 = vector.shape_cast %swap3A_647 : vector<1x16xf32> to vector<16xf32>
      %swap3A_649 = vector.shape_cast %broadcast_in_dim3A_645 : vector<16xf32> to vector<1x16xf32>
      tpu.vector_store %arg8[%swap3A, %swap3A_646], %swap3A_649 {strides = array<i32>} : memref<128x128xf32, #tpu.memory_space<vmem>>, vector<1x16xf32>,
      %broadcast_in_dim3A_650 = arith.constant 0.000000e+00 : f32
      %broadcast_in_dim3A_651 = vector.broadcast %broadcast_in_dim3A_650 : f32 to vector<16xf32>
      %swap3A_652 = arith.index_cast %scan3A_644 : i32 to index
      %swap3A_653 = arith.constant 16 : index
      %swap3A_654 = tpu.vector_load %arg8[%swap3A_652, %swap3A_653] {strides = array<i32>} : memref<128x128xf32, #tpu.memory_space<vmem>>, vector<1x16xf32>,
      %swap3A_655 = vector.shape_cast %swap3A_654 : vector<1x16xf32> to vector<16xf32>
      %swap3A_656 = vector.shape_cast %broadcast_in_dim3A_651 : vector<16xf32> to vector<1x16xf32>
      tpu.vector_store %arg8[%swap3A_652, %swap3A_653], %swap3A_656 {strides = array<i32>} : memref<128x128xf32, #tpu.memory_space<vmem>>, vector<1x16xf32>,
      %broadcast_in_dim3A_657 = arith.constant 0.000000e+00 : f32
      %broadcast_in_dim3A_658 = vector.broadcast %broadcast_in_dim3A_657 : f32 to vector<16xf32>
      %swap3A_659 = arith.index_cast %scan3A_644 : i32 to index
      %swap3A_660 = arith.constant 32 : index
      %swap3A_661 = tpu.vector_load %arg8[%swap3A_659, %swap3A_660] {strides = array<i32>} : memref<128x128xf32, #tpu.memory_space<vmem>>, vector<1x16xf32>,
      %swap3A_662 = vector.shape_cast %swap3A_661 : vector<1x16xf32> to vector<16xf32>
      %swap3A_663 = vector.shape_cast %broadcast_in_dim3A_658 : vector<16xf32> to vector<1x16xf32>
      tpu.vector_store %arg8[%swap3A_659, %swap3A_660], %swap3A_663 {strides = array<i32>} : memref<128x128xf32, #tpu.memory_space<vmem>>, vector<1x16xf32>,
      %broadcast_in_dim3A_664 = arith.constant 0.000000e+00 : f32
      %broadcast_in_dim3A_665 = vector.broadcast %broadcast_in_dim3A_664 : f32 to vector<16xf32>
      %swap3A_666 = arith.index_cast %scan3A_644 : i32 to index
      %swap3A_667 = arith.constant 48 : index
      %swap3A_668 = tpu.vector_load %arg8[%swap3A_666, %swap3A_667] {strides = array<i32>} : memref<128x128xf32, #tpu.memory_space<vmem>>, vector<1x16xf32>,
      %swap3A_669 = vector.shape_cast %swap3A_668 : vector<1x16xf32> to vector<16xf32>
      %swap3A_670 = vector.shape_cast %broadcast_in_dim3A_665 : vector<16xf32> to vector<1x16xf32>
      tpu.vector_store %arg8[%swap3A_666, %swap3A_667], %swap3A_670 {strides = array<i32>} : memref<128x128xf32, #tpu.memory_space<vmem>>, vector<1x16xf32>,
      %broadcast_in_dim3A_671 = arith.constant 0.000000e+00 : f32
      %broadcast_in_dim3A_672 = vector.broadcast %broadcast_in_dim3A_671 : f32 to vector<16xf32>
      %swap3A_673 = arith.index_cast %scan3A_644 : i32 to index
      %swap3A_674 = arith.constant 64 : index
      %swap3A_675 = tpu.vector_load %arg8[%swap3A_673, %swap3A_674] {strides = array<i32>} : memref<128x128xf32, #tpu.memory_space<vmem>>, vector<1x16xf32>,
      %swap3A_676 = vector.shape_cast %swap3A_675 : vector<1x16xf32> to vector<16xf32>
      %swap3A_677 = vector.shape_cast %broadcast_in_dim3A_672 : vector<16xf32> to vector<1x16xf32>
      tpu.vector_store %arg8[%swap3A_673, %swap3A_674], %swap3A_677 {strides = array<i32>} : memref<128x128xf32, #tpu.memory_space<vmem>>, vector<1x16xf32>,
      %broadcast_in_dim3A_678 = arith.constant 0.000000e+00 : f32
      %broadcast_in_dim3A_679 = vector.broadcast %broadcast_in_dim3A_678 : f32 to vector<16xf32>
      %swap3A_680 = arith.index_cast %scan3A_644 : i32 to index
      %swap3A_681 = arith.constant 80 : index
      %swap3A_682 = tpu.vector_load %arg8[%swap3A_680, %swap3A_681] {strides = array<i32>} : memref<128x128xf32, #tpu.memory_space<vmem>>, vector<1x16xf32>,
      %swap3A_683 = vector.shape_cast %swap3A_682 : vector<1x16xf32> to vector<16xf32>
      %swap3A_684 = vector.shape_cast %broadcast_in_dim3A_679 : vector<16xf32> to vector<1x16xf32>
      tpu.vector_store %arg8[%swap3A_680, %swap3A_681], %swap3A_684 {strides = array<i32>} : memref<128x128xf32, #tpu.memory_space<vmem>>, vector<1x16xf32>,
      %broadcast_in_dim3A_685 = arith.constant 0.000000e+00 : f32
      %broadcast_in_dim3A_686 = vector.broadcast %broadcast_in_dim3A_685 : f32 to vector<16xf32>
      %swap3A_687 = arith.index_cast %scan3A_644 : i32 to index
      %swap3A_688 = arith.constant 96 : index
      %swap3A_689 = tpu.vector_load %arg8[%swap3A_687, %swap3A_688] {strides = array<i32>} : memref<128x128xf32, #tpu.memory_space<vmem>>, vector<1x16xf32>,
      %swap3A_690 = vector.shape_cast %swap3A_689 : vector<1x16xf32> to vector<16xf32>
      %swap3A_691 = vector.shape_cast %broadcast_in_dim3A_686 : vector<16xf32> to vector<1x16xf32>
      tpu.vector_store %arg8[%swap3A_687, %swap3A_688], %swap3A_691 {strides = array<i32>} : memref<128x128xf32, #tpu.memory_space<vmem>>, vector<1x16xf32>,
      %broadcast_in_dim3A_692 = arith.constant 0.000000e+00 : f32
      %broadcast_in_dim3A_693 = vector.broadcast %broadcast_in_dim3A_692 : f32 to vector<16xf32>
      %swap3A_694 = arith.index_cast %scan3A_644 : i32 to index
      %swap3A_695 = arith.constant 112 : index
      %swap3A_696 = tpu.vector_load %arg8[%swap3A_694, %swap3A_695] {strides = array<i32>} : memref<128x128xf32, #tpu.memory_space<vmem>>, vector<1x16xf32>,
      %swap3A_697 = vector.shape_cast %swap3A_696 : vector<1x16xf32> to vector<16xf32>
      %swap3A_698 = vector.shape_cast %broadcast_in_dim3A_693 : vector<16xf32> to vector<1x16xf32>
      tpu.vector_store %arg8[%swap3A_694, %swap3A_695], %swap3A_698 {strides = array<i32>} : memref<128x128xf32, #tpu.memory_space<vmem>>, vector<1x16xf32>,
    }
    %scan3A_5 = arith.constant 128 : i32
    %mul3A_6 = arith.constant 640 : i32
    %mul3A_7 = arith.muli %arg1, %mul3A_6 : i32
    %add3A_8 = arith.constant 0 : i32
    %add3A_9 = arith.addi %mul3A_7, %add3A_8 : i32
    "tpu.region"() ({
      %run_scoped3A_644 = tpu.sem_alloc : memref<!tpu.dma_semaphore, #tpu.memory_space<semaphore_mem>>
      %dma_start3A_645 = arith.constant 0 : i32
      %dma_start3A_646 = tpu.memref_slice %arg10[%add3A_9, %dma_start3A_645] : memref<10240x128xf32, #tpu.memory_space<vmem_shared>> -> memref<128x128xf32, #tpu.memory_space<vmem_shared>>
      %dma_start3A_647 = arith.constant 0 : i32
      %dma_start3A_648 = tpu.memref_slice %arg10[%add3A_9, %dma_start3A_647] : memref<10240x128xf32, #tpu.memory_space<vmem_shared>> -> memref<128x128xf32, #tpu.memory_space<vmem_shared>>
      tpu.enqueue_dma source(%arg8 : memref<128x128xf32, #tpu.memory_space<vmem>>) target(%dma_start3A_648 : memref<128x128xf32, #tpu.memory_space<vmem_shared>>) target_semaphore(%run_scoped3A_644 : memref<!tpu.dma_semaphore, #tpu.memory_space<semaphore_mem>>)
      %dma_wait3A_649 = arith.constant 0 : i32
      %dma_wait3A_650 = tpu.memref_slice %arg10[%add3A_9, %dma_wait3A_649] : memref<10240x128xf32, #tpu.memory_space<vmem_shared>> -> memref<128x128xf32, #tpu.memory_space<vmem_shared>>
      %dma_wait3A_651 = arith.constant 0 : i32
      %dma_wait3A_652 = tpu.memref_slice %arg10[%add3A_9, %dma_wait3A_651] : memref<10240x128xf32, #tpu.memory_space<vmem_shared>> -> memref<128x128xf32, #tpu.memory_space<vmem_shared>>
      tpu.wait_dma2 semaphore(%run_scoped3A_644 : memref<!tpu.dma_semaphore, #tpu.memory_space<semaphore_mem>>) src(%arg8 : memref<128x128xf32, #tpu.memory_space<vmem>>) dst(%dma_wait3A_652 : memref<128x128xf32, #tpu.memory_space<vmem_shared>>)
      tpu.yield
    }) : () -> ()
    %mul3A_10 = arith.constant 640 : i32
    %mul3A_11 = arith.muli %arg1, %mul3A_10 : i32
    %add3A_12 = arith.constant 128 : i32
    %add3A_13 = arith.addi %mul3A_11, %add3A_12 : i32
    "tpu.region"() ({
      %run_scoped3A_644 = tpu.sem_alloc : memref<!tpu.dma_semaphore, #tpu.memory_space<semaphore_mem>>
      %dma_start3A_645 = arith.constant 0 : i32
      %dma_start3A_646 = tpu.memref_slice %arg10[%add3A_13, %dma_start3A_645] : memref<10240x128xf32, #tpu.memory_space<vmem_shared>> -> memref<128x128xf32, #tpu.memory_space<vmem_shared>>
      %dma_start3A_647 = arith.constant 0 : i32
      %dma_start3A_648 = tpu.memref_slice %arg10[%add3A_13, %dma_start3A_647] : memref<10240x128xf32, #tpu.memory_space<vmem_shared>> -> memref<128x128xf32, #tpu.memory_space<vmem_shared>>
      tpu.enqueue_dma source(%arg8 : memref<128x128xf32, #tpu.memory_space<vmem>>) target(%dma_start3A_648 : memref<128x128xf32, #tpu.memory_space<vmem_shared>>) target_semaphore(%run_scoped3A_644 : memref<!tpu.dma_semaphore, #tpu.memory_space<semaphore_mem>>)
      %dma_wait3A_649 = arith.constant 0 : i32
      %dma_wait3A_650 = tpu.memref_slice %arg10[%add3A_13, %dma_wait3A_649] : memref<10240x128xf32, #tpu.memory_space<vmem_shared>> -> memref<128x128xf32, #tpu.memory_space<vmem_shared>>
      %dma_wait3A_651 = arith.constant 0 : i32
      %dma_wait3A_652 = tpu.memref_slice %arg10[%add3A_13, %dma_wait3A_651] : memref<10240x128xf32, #tpu.memory_space<vmem_shared>> -> memref<128x128xf32, #tpu.memory_space<vmem_shared>>
      tpu.wait_dma2 semaphore(%run_scoped3A_644 : memref<!tpu.dma_semaphore, #tpu.memory_space<semaphore_mem>>) src(%arg8 : memref<128x128xf32, #tpu.memory_space<vmem>>) dst(%dma_wait3A_652 : memref<128x128xf32, #tpu.memory_space<vmem_shared>>)
      tpu.yield
    }) : () -> ()
    %mul3A_14 = arith.constant 640 : i32
    %mul3A_15 = arith.muli %arg1, %mul3A_14 : i32
    %add3A_16 = arith.constant 256 : i32
    %add3A_17 = arith.addi %mul3A_15, %add3A_16 : i32
    "tpu.region"() ({
      %run_scoped3A_644 = tpu.sem_alloc : memref<!tpu.dma_semaphore, #tpu.memory_space<semaphore_mem>>
      %dma_start3A_645 = arith.constant 0 : i32
      %dma_start3A_646 = tpu.memref_slice %arg10[%add3A_17, %dma_start3A_645] : memref<10240x128xf32, #tpu.memory_space<vmem_shared>> -> memref<128x128xf32, #tpu.memory_space<vmem_shared>>
      %dma_start3A_647 = arith.constant 0 : i32
      %dma_start3A_648 = tpu.memref_slice %arg10[%add3A_17, %dma_start3A_647] : memref<10240x128xf32, #tpu.memory_space<vmem_shared>> -> memref<128x128xf32, #tpu.memory_space<vmem_shared>>
      tpu.enqueue_dma source(%arg8 : memref<128x128xf32, #tpu.memory_space<vmem>>) target(%dma_start3A_648 : memref<128x128xf32, #tpu.memory_space<vmem_shared>>) target_semaphore(%run_scoped3A_644 : memref<!tpu.dma_semaphore, #tpu.memory_space<semaphore_mem>>)
      %dma_wait3A_649 = arith.constant 0 : i32
      %dma_wait3A_650 = tpu.memref_slice %arg10[%add3A_17, %dma_wait3A_649] : memref<10240x128xf32, #tpu.memory_space<vmem_shared>> -> memref<128x128xf32, #tpu.memory_space<vmem_shared>>
      %dma_wait3A_651 = arith.constant 0 : i32
      %dma_wait3A_652 = tpu.memref_slice %arg10[%add3A_17, %dma_wait3A_651] : memref<10240x128xf32, #tpu.memory_space<vmem_shared>> -> memref<128x128xf32, #tpu.memory_space<vmem_shared>>
      tpu.wait_dma2 semaphore(%run_scoped3A_644 : memref<!tpu.dma_semaphore, #tpu.memory_space<semaphore_mem>>) src(%arg8 : memref<128x128xf32, #tpu.memory_space<vmem>>) dst(%dma_wait3A_652 : memref<128x128xf32, #tpu.memory_space<vmem_shared>>)
      tpu.yield
    }) : () -> ()
    %mul3A_18 = arith.constant 640 : i32
    %mul3A_19 = arith.muli %arg1, %mul3A_18 : i32
    %add3A_20 = arith.constant 384 : i32
    %add3A_21 = arith.addi %mul3A_19, %add3A_20 : i32
    "tpu.region"() ({
      %run_scoped3A_644 = tpu.sem_alloc : memref<!tpu.dma_semaphore, #tpu.memory_space<semaphore_mem>>
      %dma_start3A_645 = arith.constant 0 : i32
      %dma_start3A_646 = tpu.memref_slice %arg10[%add3A_21, %dma_start3A_645] : memref<10240x128xf32, #tpu.memory_space<vmem_shared>> -> memref<128x128xf32, #tpu.memory_space<vmem_shared>>
      %dma_start3A_647 = arith.constant 0 : i32
      %dma_start3A_648 = tpu.memref_slice %arg10[%add3A_21, %dma_start3A_647] : memref<10240x128xf32, #tpu.memory_space<vmem_shared>> -> memref<128x128xf32, #tpu.memory_space<vmem_shared>>
      tpu.enqueue_dma source(%arg8 : memref<128x128xf32, #tpu.memory_space<vmem>>) target(%dma_start3A_648 : memref<128x128xf32, #tpu.memory_space<vmem_shared>>) target_semaphore(%run_scoped3A_644 : memref<!tpu.dma_semaphore, #tpu.memory_space<semaphore_mem>>)
      %dma_wait3A_649 = arith.constant 0 : i32
      %dma_wait3A_650 = tpu.memref_slice %arg10[%add3A_21, %dma_wait3A_649] : memref<10240x128xf32, #tpu.memory_space<vmem_shared>> -> memref<128x128xf32, #tpu.memory_space<vmem_shared>>
      %dma_wait3A_651 = arith.constant 0 : i32
      %dma_wait3A_652 = tpu.memref_slice %arg10[%add3A_21, %dma_wait3A_651] : memref<10240x128xf32, #tpu.memory_space<vmem_shared>> -> memref<128x128xf32, #tpu.memory_space<vmem_shared>>
      tpu.wait_dma2 semaphore(%run_scoped3A_644 : memref<!tpu.dma_semaphore, #tpu.memory_space<semaphore_mem>>) src(%arg8 : memref<128x128xf32, #tpu.memory_space<vmem>>) dst(%dma_wait3A_652 : memref<128x128xf32, #tpu.memory_space<vmem_shared>>)
      tpu.yield
    }) : () -> ()
    %mul3A_22 = arith.constant 640 : i32
    %mul3A_23 = arith.muli %arg1, %mul3A_22 : i32
    %add3A_24 = arith.constant 512 : i32
    %add3A_25 = arith.addi %mul3A_23, %add3A_24 : i32
    "tpu.region"() ({
      %run_scoped3A_644 = tpu.sem_alloc : memref<!tpu.dma_semaphore, #tpu.memory_space<semaphore_mem>>
      %dma_start3A_645 = arith.constant 0 : i32
      %dma_start3A_646 = tpu.memref_slice %arg10[%add3A_25, %dma_start3A_645] : memref<10240x128xf32, #tpu.memory_space<vmem_shared>> -> memref<128x128xf32, #tpu.memory_space<vmem_shared>>
      %dma_start3A_647 = arith.constant 0 : i32
      %dma_start3A_648 = tpu.memref_slice %arg10[%add3A_25, %dma_start3A_647] : memref<10240x128xf32, #tpu.memory_space<vmem_shared>> -> memref<128x128xf32, #tpu.memory_space<vmem_shared>>
      tpu.enqueue_dma source(%arg8 : memref<128x128xf32, #tpu.memory_space<vmem>>) target(%dma_start3A_648 : memref<128x128xf32, #tpu.memory_space<vmem_shared>>) target_semaphore(%run_scoped3A_644 : memref<!tpu.dma_semaphore, #tpu.memory_space<semaphore_mem>>)
      %dma_wait3A_649 = arith.constant 0 : i32
      %dma_wait3A_650 = tpu.memref_slice %arg10[%add3A_25, %dma_wait3A_649] : memref<10240x128xf32, #tpu.memory_space<vmem_shared>> -> memref<128x128xf32, #tpu.memory_space<vmem_shared>>
      %dma_wait3A_651 = arith.constant 0 : i32
      %dma_wait3A_652 = tpu.memref_slice %arg10[%add3A_25, %dma_wait3A_651] : memref<10240x128xf32, #tpu.memory_space<vmem_shared>> -> memref<128x128xf32, #tpu.memory_space<vmem_shared>>
      tpu.wait_dma2 semaphore(%run_scoped3A_644 : memref<!tpu.dma_semaphore, #tpu.memory_space<semaphore_mem>>) src(%arg8 : memref<128x128xf32, #tpu.memory_space<vmem>>) dst(%dma_wait3A_652 : memref<128x128xf32, #tpu.memory_space<vmem_shared>>)
      tpu.yield
    }) : () -> ()
    %barrier3A = arith.constant 0 : index
    tpu.barrier barrier_id(%barrier3A)
    %dma_start3A = arith.constant 0 : i32
    %dma_start3A_26 = arith.constant 0 : i32
    %dma_start3A_27 = tpu.memref_slice %arg6[%dma_start3A, %dma_start3A_26] : memref<40x128xi32, #tpu.memory_space<vmem>> -> memref<1x128xi32, #tpu.memory_space<vmem>>
    %dma_start3A_28 = tpu.memref_squeeze %dma_start3A_27 : memref<1x128xi32, #tpu.memory_space<vmem>> -> memref<128xi32, #tpu.memory_space<vmem>>
    %dma_start3A_29 = arith.constant 0 : i32
    %dma_start3A_30 = arith.constant 0 : i32
    %dma_start3A_31 = tpu.memref_slice %arg4[%dma_start3A_29, %dma_start3A_30] : memref<10000x128xf32, #tpu.memory_space<hbm>> -> memref<10000x128xf32, #tpu.memory_space<hbm>>
    tpu.enqueue_indirect_dma source(%dma_start3A_31 : memref<10000x128xf32, #tpu.memory_space<hbm>>) target(%arg8 : memref<128x128xf32, #tpu.memory_space<vmem>>) offsets(%dma_start3A_28 : memref<128xi32, #tpu.memory_space<vmem>>) semaphore(%arg11 : memref<!tpu.dma_semaphore, #tpu.memory_space<semaphore_mem>>)
    %dma_start3A_32 = arith.constant 1 : i32
    %dma_start3A_33 = arith.constant 0 : i32
    %dma_start3A_34 = tpu.memref_slice %arg6[%dma_start3A_32, %dma_start3A_33] : memref<40x128xi32, #tpu.memory_space<vmem>> -> memref<1x128xi32, #tpu.memory_space<vmem>>
    %dma_start3A_35 = tpu.memref_squeeze %dma_start3A_34 : memref<1x128xi32, #tpu.memory_space<vmem>> -> memref<128xi32, #tpu.memory_space<vmem>>
    %dma_start3A_36 = arith.constant 0 : i32
    %dma_start3A_37 = arith.constant 0 : i32
    %dma_start3A_38 = tpu.memref_slice %arg4[%dma_start3A_36, %dma_start3A_37] : memref<10000x128xf32, #tpu.memory_space<hbm>> -> memref<10000x128xf32, #tpu.memory_space<hbm>>
    tpu.enqueue_indirect_dma source(%dma_start3A_38 : memref<10000x128xf32, #tpu.memory_space<hbm>>) target(%arg9 : memref<128x128xf32, #tpu.memory_space<vmem>>) offsets(%dma_start3A_35 : memref<128xi32, #tpu.memory_space<vmem>>) semaphore(%arg12 : memref<!tpu.dma_semaphore, #tpu.memory_space<semaphore_mem>>)
    %dma_wait3A = arith.constant 0 : i32
    %dma_wait3A_39 = arith.constant 0 : i32
    %dma_wait3A_40 = tpu.memref_slice %arg6[%dma_wait3A, %dma_wait3A_39] : memref<40x128xi32, #tpu.memory_space<vmem>> -> memref<1x128xi32, #tpu.memory_space<vmem>>
    %dma_wait3A_41 = tpu.memref_squeeze %dma_wait3A_40 : memref<1x128xi32, #tpu.memory_space<vmem>> -> memref<128xi32, #tpu.memory_space<vmem>>
    %dma_wait3A_42 = arith.constant 0 : i32
    %dma_wait3A_43 = arith.constant 0 : i32
    %dma_wait3A_44 = tpu.memref_slice %arg4[%dma_wait3A_42, %dma_wait3A_43] : memref<10000x128xf32, #tpu.memory_space<hbm>> -> memref<10000x128xf32, #tpu.memory_space<hbm>>
    tpu.wait_indirect_dma semaphore(%arg11 : memref<!tpu.dma_semaphore, #tpu.memory_space<semaphore_mem>>) src(%dma_wait3A_44 : memref<10000x128xf32, #tpu.memory_space<hbm>>) dst(%arg8 : memref<128x128xf32, #tpu.memory_space<vmem>>)
    %run_scoped3A = arith.constant 0 : i32
    "tpu.region"() ({
      %run_scoped3A_644 = tpu.sem_alloc : memref<!tpu.dma_semaphore, #tpu.memory_space<semaphore_mem>>
      %dma_start3A_645 = arith.constant 0 : i32
      %dma_start3A_646 = tpu.memref_slice %arg7[%run_scoped3A, %dma_start3A_645] : memref<40x128xi32, #tpu.memory_space<vmem>> -> memref<1x128xi32, #tpu.memory_space<vmem>>
      %dma_start3A_647 = tpu.memref_squeeze %dma_start3A_646 : memref<1x128xi32, #tpu.memory_space<vmem>> -> memref<128xi32, #tpu.memory_space<vmem>>
      %dma_start3A_648 = arith.constant 0 : i32
      %dma_start3A_649 = arith.constant 0 : i32
      %dma_start3A_650 = tpu.memref_slice %arg10[%dma_start3A_648, %dma_start3A_649] : memref<10240x128xf32, #tpu.memory_space<vmem_shared>> -> memref<10240x128xf32, #tpu.memory_space<vmem_shared>>
      tpu.enqueue_indirect_dma source(%arg8 : memref<128x128xf32, #tpu.memory_space<vmem>>) target(%dma_start3A_650 : memref<10240x128xf32, #tpu.memory_space<vmem_shared>>) offsets(%dma_start3A_647 : memref<128xi32, #tpu.memory_space<vmem>>) semaphore(%run_scoped3A_644 : memref<!tpu.dma_semaphore, #tpu.memory_space<semaphore_mem>>) {add = true}
      %dma_wait3A_651 = arith.constant 0 : i32
      %dma_wait3A_652 = tpu.memref_slice %arg7[%run_scoped3A, %dma_wait3A_651] : memref<40x128xi32, #tpu.memory_space<vmem>> -> memref<1x128xi32, #tpu.memory_space<vmem>>
      %dma_wait3A_653 = tpu.memref_squeeze %dma_wait3A_652 : memref<1x128xi32, #tpu.memory_space<vmem>> -> memref<128xi32, #tpu.memory_space<vmem>>
      %dma_wait3A_654 = arith.constant 0 : i32
      %dma_wait3A_655 = arith.constant 0 : i32
      %dma_wait3A_656 = tpu.memref_slice %arg10[%dma_wait3A_654, %dma_wait3A_655] : memref<10240x128xf32, #tpu.memory_space<vmem_shared>> -> memref<10240x128xf32, #tpu.memory_space<vmem_shared>>
      tpu.wait_indirect_dma semaphore(%run_scoped3A_644 : memref<!tpu.dma_semaphore, #tpu.memory_space<semaphore_mem>>) src(%arg8 : memref<128x128xf32, #tpu.memory_space<vmem>>) dst(%dma_wait3A_656 : memref<10240x128xf32, #tpu.memory_space<vmem_shared>>)
      tpu.yield
    }) : () -> ()
    %dma_start3A_45 = arith.constant 2 : i32
    %dma_start3A_46 = arith.constant 0 : i32
    %dma_start3A_47 = tpu.memref_slice %arg6[%dma_start3A_45, %dma_start3A_46] : memref<40x128xi32, #tpu.memory_space<vmem>> -> memref<1x128xi32, #tpu.memory_space<vmem>>
    %dma_start3A_48 = tpu.memref_squeeze %dma_start3A_47 : memref<1x128xi32, #tpu.memory_space<vmem>> -> memref<128xi32, #tpu.memory_space<vmem>>
    %dma_start3A_49 = arith.constant 0 : i32
    %dma_start3A_50 = arith.constant 0 : i32
    %dma_start3A_51 = tpu.memref_slice %arg4[%dma_start3A_49, %dma_start3A_50] : memref<10000x128xf32, #tpu.memory_space<hbm>> -> memref<10000x128xf32, #tpu.memory_space<hbm>>
    tpu.enqueue_indirect_dma source(%dma_start3A_51 : memref<10000x128xf32, #tpu.memory_space<hbm>>) target(%arg8 : memref<128x128xf32, #tpu.memory_space<vmem>>) offsets(%dma_start3A_48 : memref<128xi32, #tpu.memory_space<vmem>>) semaphore(%arg11 : memref<!tpu.dma_semaphore, #tpu.memory_space<semaphore_mem>>)
    %dma_wait3A_52 = arith.constant 1 : i32
    %dma_wait3A_53 = arith.constant 0 : i32
    %dma_wait3A_54 = tpu.memref_slice %arg6[%dma_wait3A_52, %dma_wait3A_53] : memref<40x128xi32, #tpu.memory_space<vmem>> -> memref<1x128xi32, #tpu.memory_space<vmem>>
    %dma_wait3A_55 = tpu.memref_squeeze %dma_wait3A_54 : memref<1x128xi32, #tpu.memory_space<vmem>> -> memref<128xi32, #tpu.memory_space<vmem>>
    %dma_wait3A_56 = arith.constant 0 : i32
    %dma_wait3A_57 = arith.constant 0 : i32
    %dma_wait3A_58 = tpu.memref_slice %arg4[%dma_wait3A_56, %dma_wait3A_57] : memref<10000x128xf32, #tpu.memory_space<hbm>> -> memref<10000x128xf32, #tpu.memory_space<hbm>>
    tpu.wait_indirect_dma semaphore(%arg12 : memref<!tpu.dma_semaphore, #tpu.memory_space<semaphore_mem>>) src(%dma_wait3A_58 : memref<10000x128xf32, #tpu.memory_space<hbm>>) dst(%arg9 : memref<128x128xf32, #tpu.memory_space<vmem>>)
    %run_scoped3A_59 = arith.constant 1 : i32
    "tpu.region"() ({
      %run_scoped3A_644 = tpu.sem_alloc : memref<!tpu.dma_semaphore, #tpu.memory_space<semaphore_mem>>
      %dma_start3A_645 = arith.constant 0 : i32
      %dma_start3A_646 = tpu.memref_slice %arg7[%run_scoped3A_59, %dma_start3A_645] : memref<40x128xi32, #tpu.memory_space<vmem>> -> memref<1x128xi32, #tpu.memory_space<vmem>>
      %dma_start3A_647 = tpu.memref_squeeze %dma_start3A_646 : memref<1x128xi32, #tpu.memory_space<vmem>> -> memref<128xi32, #tpu.memory_space<vmem>>
      %dma_start3A_648 = arith.constant 0 : i32
      %dma_start3A_649 = arith.constant 0 : i32
      %dma_start3A_650 = tpu.memref_slice %arg10[%dma_start3A_648, %dma_start3A_649] : memref<10240x128xf32, #tpu.memory_space<vmem_shared>> -> memref<10240x128xf32, #tpu.memory_space<vmem_shared>>
      tpu.enqueue_indirect_dma source(%arg9 : memref<128x128xf32, #tpu.memory_space<vmem>>) target(%dma_start3A_650 : memref<10240x128xf32, #tpu.memory_space<vmem_shared>>) offsets(%dma_start3A_647 : memref<128xi32, #tpu.memory_space<vmem>>) semaphore(%run_scoped3A_644 : memref<!tpu.dma_semaphore, #tpu.memory_space<semaphore_mem>>) {add = true}
      %dma_wait3A_651 = arith.constant 0 : i32
      %dma_wait3A_652 = tpu.memref_slice %arg7[%run_scoped3A_59, %dma_wait3A_651] : memref<40x128xi32, #tpu.memory_space<vmem>> -> memref<1x128xi32, #tpu.memory_space<vmem>>
      %dma_wait3A_653 = tpu.memref_squeeze %dma_wait3A_652 : memref<1x128xi32, #tpu.memory_space<vmem>> -> memref<128xi32, #tpu.memory_space<vmem>>
      %dma_wait3A_654 = arith.constant 0 : i32
      %dma_wait3A_655 = arith.constant 0 : i32
      %dma_wait3A_656 = tpu.memref_slice %arg10[%dma_wait3A_654, %dma_wait3A_655] : memref<10240x128xf32, #tpu.memory_space<vmem_shared>> -> memref<10240x128xf32, #tpu.memory_space<vmem_shared>>
      tpu.wait_indirect_dma semaphore(%run_scoped3A_644 : memref<!tpu.dma_semaphore, #tpu.memory_space<semaphore_mem>>) src(%arg9 : memref<128x128xf32, #tpu.memory_space<vmem>>) dst(%dma_wait3A_656 : memref<10240x128xf32, #tpu.memory_space<vmem_shared>>)
      tpu.yield
    }) : () -> ()
    %dma_start3A_60 = arith.constant 3 : i32
    %dma_start3A_61 = arith.constant 0 : i32
    %dma_start3A_62 = tpu.memref_slice %arg6[%dma_start3A_60, %dma_start3A_61] : memref<40x128xi32, #tpu.memory_space<vmem>> -> memref<1x128xi32, #tpu.memory_space<vmem>>
    %dma_start3A_63 = tpu.memref_squeeze %dma_start3A_62 : memref<1x128xi32, #tpu.memory_space<vmem>> -> memref<128xi32, #tpu.memory_space<vmem>>
    %dma_start3A_64 = arith.constant 0 : i32
    %dma_start3A_65 = arith.constant 0 : i32
    %dma_start3A_66 = tpu.memref_slice %arg4[%dma_start3A_64, %dma_start3A_65] : memref<10000x128xf32, #tpu.memory_space<hbm>> -> memref<10000x128xf32, #tpu.memory_space<hbm>>
    tpu.enqueue_indirect_dma source(%dma_start3A_66 : memref<10000x128xf32, #tpu.memory_space<hbm>>) target(%arg9 : memref<128x128xf32, #tpu.memory_space<vmem>>) offsets(%dma_start3A_63 : memref<128xi32, #tpu.memory_space<vmem>>) semaphore(%arg12 : memref<!tpu.dma_semaphore, #tpu.memory_space<semaphore_mem>>)
    %dma_wait3A_67 = arith.constant 2 : i32
    %dma_wait3A_68 = arith.constant 0 : i32
    %dma_wait3A_69 = tpu.memref_slice %arg6[%dma_wait3A_67, %dma_wait3A_68] : memref<40x128xi32, #tpu.memory_space<vmem>> -> memref<1x128xi32, #tpu.memory_space<vmem>>
    %dma_wait3A_70 = tpu.memref_squeeze %dma_wait3A_69 : memref<1x128xi32, #tpu.memory_space<vmem>> -> memref<128xi32, #tpu.memory_space<vmem>>
    %dma_wait3A_71 = arith.constant 0 : i32
    %dma_wait3A_72 = arith.constant 0 : i32
    %dma_wait3A_73 = tpu.memref_slice %arg4[%dma_wait3A_71, %dma_wait3A_72] : memref<10000x128xf32, #tpu.memory_space<hbm>> -> memref<10000x128xf32, #tpu.memory_space<hbm>>
    tpu.wait_indirect_dma semaphore(%arg11 : memref<!tpu.dma_semaphore, #tpu.memory_space<semaphore_mem>>) src(%dma_wait3A_73 : memref<10000x128xf32, #tpu.memory_space<hbm>>) dst(%arg8 : memref<128x128xf32, #tpu.memory_space<vmem>>)
    %run_scoped3A_74 = arith.constant 2 : i32
    "tpu.region"() ({
      %run_scoped3A_644 = tpu.sem_alloc : memref<!tpu.dma_semaphore, #tpu.memory_space<semaphore_mem>>
      %dma_start3A_645 = arith.constant 0 : i32
      %dma_start3A_646 = tpu.memref_slice %arg7[%run_scoped3A_74, %dma_start3A_645] : memref<40x128xi32, #tpu.memory_space<vmem>> -> memref<1x128xi32, #tpu.memory_space<vmem>>
      %dma_start3A_647 = tpu.memref_squeeze %dma_start3A_646 : memref<1x128xi32, #tpu.memory_space<vmem>> -> memref<128xi32, #tpu.memory_space<vmem>>
      %dma_start3A_648 = arith.constant 0 : i32
      %dma_start3A_649 = arith.constant 0 : i32
      %dma_start3A_650 = tpu.memref_slice %arg10[%dma_start3A_648, %dma_start3A_649] : memref<10240x128xf32, #tpu.memory_space<vmem_shared>> -> memref<10240x128xf32, #tpu.memory_space<vmem_shared>>
      tpu.enqueue_indirect_dma source(%arg8 : memref<128x128xf32, #tpu.memory_space<vmem>>) target(%dma_start3A_650 : memref<10240x128xf32, #tpu.memory_space<vmem_shared>>) offsets(%dma_start3A_647 : memref<128xi32, #tpu.memory_space<vmem>>) semaphore(%run_scoped3A_644 : memref<!tpu.dma_semaphore, #tpu.memory_space<semaphore_mem>>) {add = true}
      %dma_wait3A_651 = arith.constant 0 : i32
      %dma_wait3A_652 = tpu.memref_slice %arg7[%run_scoped3A_74, %dma_wait3A_651] : memref<40x128xi32, #tpu.memory_space<vmem>> -> memref<1x128xi32, #tpu.memory_space<vmem>>
      %dma_wait3A_653 = tpu.memref_squeeze %dma_wait3A_652 : memref<1x128xi32, #tpu.memory_space<vmem>> -> memref<128xi32, #tpu.memory_space<vmem>>
      %dma_wait3A_654 = arith.constant 0 : i32
      %dma_wait3A_655 = arith.constant 0 : i32
      %dma_wait3A_656 = tpu.memref_slice %arg10[%dma_wait3A_654, %dma_wait3A_655] : memref<10240x128xf32, #tpu.memory_space<vmem_shared>> -> memref<10240x128xf32, #tpu.memory_space<vmem_shared>>
      tpu.wait_indirect_dma semaphore(%run_scoped3A_644 : memref<!tpu.dma_semaphore, #tpu.memory_space<semaphore_mem>>) src(%arg8 : memref<128x128xf32, #tpu.memory_space<vmem>>) dst(%dma_wait3A_656 : memref<10240x128xf32, #tpu.memory_space<vmem_shared>>)
      tpu.yield
    }) : () -> ()
    %dma_start3A_75 = arith.constant 4 : i32
    %dma_start3A_76 = arith.constant 0 : i32
    %dma_start3A_77 = tpu.memref_slice %arg6[%dma_start3A_75, %dma_start3A_76] : memref<40x128xi32, #tpu.memory_space<vmem>> -> memref<1x128xi32, #tpu.memory_space<vmem>>
    %dma_start3A_78 = tpu.memref_squeeze %dma_start3A_77 : memref<1x128xi32, #tpu.memory_space<vmem>> -> memref<128xi32, #tpu.memory_space<vmem>>
    %dma_start3A_79 = arith.constant 0 : i32
    %dma_start3A_80 = arith.constant 0 : i32
    %dma_start3A_81 = tpu.memref_slice %arg4[%dma_start3A_79, %dma_start3A_80] : memref<10000x128xf32, #tpu.memory_space<hbm>> -> memref<10000x128xf32, #tpu.memory_space<hbm>>
    tpu.enqueue_indirect_dma source(%dma_start3A_81 : memref<10000x128xf32, #tpu.memory_space<hbm>>) target(%arg8 : memref<128x128xf32, #tpu.memory_space<vmem>>) offsets(%dma_start3A_78 : memref<128xi32, #tpu.memory_space<vmem>>) semaphore(%arg11 : memref<!tpu.dma_semaphore, #tpu.memory_space<semaphore_mem>>)
    %dma_wait3A_82 = arith.constant 3 : i32
    %dma_wait3A_83 = arith.constant 0 : i32
    %dma_wait3A_84 = tpu.memref_slice %arg6[%dma_wait3A_82, %dma_wait3A_83] : memref<40x128xi32, #tpu.memory_space<vmem>> -> memref<1x128xi32, #tpu.memory_space<vmem>>
    %dma_wait3A_85 = tpu.memref_squeeze %dma_wait3A_84 : memref<1x128xi32, #tpu.memory_space<vmem>> -> memref<128xi32, #tpu.memory_space<vmem>>
    %dma_wait3A_86 = arith.constant 0 : i32
    %dma_wait3A_87 = arith.constant 0 : i32
    %dma_wait3A_88 = tpu.memref_slice %arg4[%dma_wait3A_86, %dma_wait3A_87] : memref<10000x128xf32, #tpu.memory_space<hbm>> -> memref<10000x128xf32, #tpu.memory_space<hbm>>
    tpu.wait_indirect_dma semaphore(%arg12 : memref<!tpu.dma_semaphore, #tpu.memory_space<semaphore_mem>>) src(%dma_wait3A_88 : memref<10000x128xf32, #tpu.memory_space<hbm>>) dst(%arg9 : memref<128x128xf32, #tpu.memory_space<vmem>>)
    %run_scoped3A_89 = arith.constant 3 : i32
    "tpu.region"() ({
      %run_scoped3A_644 = tpu.sem_alloc : memref<!tpu.dma_semaphore, #tpu.memory_space<semaphore_mem>>
      %dma_start3A_645 = arith.constant 0 : i32
      %dma_start3A_646 = tpu.memref_slice %arg7[%run_scoped3A_89, %dma_start3A_645] : memref<40x128xi32, #tpu.memory_space<vmem>> -> memref<1x128xi32, #tpu.memory_space<vmem>>
      %dma_start3A_647 = tpu.memref_squeeze %dma_start3A_646 : memref<1x128xi32, #tpu.memory_space<vmem>> -> memref<128xi32, #tpu.memory_space<vmem>>
      %dma_start3A_648 = arith.constant 0 : i32
      %dma_start3A_649 = arith.constant 0 : i32
      %dma_start3A_650 = tpu.memref_slice %arg10[%dma_start3A_648, %dma_start3A_649] : memref<10240x128xf32, #tpu.memory_space<vmem_shared>> -> memref<10240x128xf32, #tpu.memory_space<vmem_shared>>
      tpu.enqueue_indirect_dma source(%arg9 : memref<128x128xf32, #tpu.memory_space<vmem>>) target(%dma_start3A_650 : memref<10240x128xf32, #tpu.memory_space<vmem_shared>>) offsets(%dma_start3A_647 : memref<128xi32, #tpu.memory_space<vmem>>) semaphore(%run_scoped3A_644 : memref<!tpu.dma_semaphore, #tpu.memory_space<semaphore_mem>>) {add = true}
      %dma_wait3A_651 = arith.constant 0 : i32
      %dma_wait3A_652 = tpu.memref_slice %arg7[%run_scoped3A_89, %dma_wait3A_651] : memref<40x128xi32, #tpu.memory_space<vmem>> -> memref<1x128xi32, #tpu.memory_space<vmem>>
      %dma_wait3A_653 = tpu.memref_squeeze %dma_wait3A_652 : memref<1x128xi32, #tpu.memory_space<vmem>> -> memref<128xi32, #tpu.memory_space<vmem>>
      %dma_wait3A_654 = arith.constant 0 : i32
      %dma_wait3A_655 = arith.constant 0 : i32
      %dma_wait3A_656 = tpu.memref_slice %arg10[%dma_wait3A_654, %dma_wait3A_655] : memref<10240x128xf32, #tpu.memory_space<vmem_shared>> -> memref<10240x128xf32, #tpu.memory_space<vmem_shared>>
      tpu.wait_indirect_dma semaphore(%run_scoped3A_644 : memref<!tpu.dma_semaphore, #tpu.memory_space<semaphore_mem>>) src(%arg9 : memref<128x128xf32, #tpu.memory_space<vmem>>) dst(%dma_wait3A_656 : memref<10240x128xf32, #tpu.memory_space<vmem_shared>>)
      tpu.yield
    }) : () -> ()
    %dma_start3A_90 = arith.constant 5 : i32
    %dma_start3A_91 = arith.constant 0 : i32
    %dma_start3A_92 = tpu.memref_slice %arg6[%dma_start3A_90, %dma_start3A_91] : memref<40x128xi32, #tpu.memory_space<vmem>> -> memref<1x128xi32, #tpu.memory_space<vmem>>
    %dma_start3A_93 = tpu.memref_squeeze %dma_start3A_92 : memref<1x128xi32, #tpu.memory_space<vmem>> -> memref<128xi32, #tpu.memory_space<vmem>>
    %dma_start3A_94 = arith.constant 0 : i32
    %dma_start3A_95 = arith.constant 0 : i32
    %dma_start3A_96 = tpu.memref_slice %arg4[%dma_start3A_94, %dma_start3A_95] : memref<10000x128xf32, #tpu.memory_space<hbm>> -> memref<10000x128xf32, #tpu.memory_space<hbm>>
    tpu.enqueue_indirect_dma source(%dma_start3A_96 : memref<10000x128xf32, #tpu.memory_space<hbm>>) target(%arg9 : memref<128x128xf32, #tpu.memory_space<vmem>>) offsets(%dma_start3A_93 : memref<128xi32, #tpu.memory_space<vmem>>) semaphore(%arg12 : memref<!tpu.dma_semaphore, #tpu.memory_space<semaphore_mem>>)
    %dma_wait3A_97 = arith.constant 4 : i32
    %dma_wait3A_98 = arith.constant 0 : i32
    %dma_wait3A_99 = tpu.memref_slice %arg6[%dma_wait3A_97, %dma_wait3A_98] : memref<40x128xi32, #tpu.memory_space<vmem>> -> memref<1x128xi32, #tpu.memory_space<vmem>>
    %dma_wait3A_100 = tpu.memref_squeeze %dma_wait3A_99 : memref<1x128xi32, #tpu.memory_space<vmem>> -> memref<128xi32, #tpu.memory_space<vmem>>
    %dma_wait3A_101 = arith.constant 0 : i32
    %dma_wait3A_102 = arith.constant 0 : i32
    %dma_wait3A_103 = tpu.memref_slice %arg4[%dma_wait3A_101, %dma_wait3A_102] : memref<10000x128xf32, #tpu.memory_space<hbm>> -> memref<10000x128xf32, #tpu.memory_space<hbm>>
    tpu.wait_indirect_dma semaphore(%arg11 : memref<!tpu.dma_semaphore, #tpu.memory_space<semaphore_mem>>) src(%dma_wait3A_103 : memref<10000x128xf32, #tpu.memory_space<hbm>>) dst(%arg8 : memref<128x128xf32, #tpu.memory_space<vmem>>)
    %run_scoped3A_104 = arith.constant 4 : i32
    "tpu.region"() ({
      %run_scoped3A_644 = tpu.sem_alloc : memref<!tpu.dma_semaphore, #tpu.memory_space<semaphore_mem>>
      %dma_start3A_645 = arith.constant 0 : i32
      %dma_start3A_646 = tpu.memref_slice %arg7[%run_scoped3A_104, %dma_start3A_645] : memref<40x128xi32, #tpu.memory_space<vmem>> -> memref<1x128xi32, #tpu.memory_space<vmem>>
      %dma_start3A_647 = tpu.memref_squeeze %dma_start3A_646 : memref<1x128xi32, #tpu.memory_space<vmem>> -> memref<128xi32, #tpu.memory_space<vmem>>
      %dma_start3A_648 = arith.constant 0 : i32
      %dma_start3A_649 = arith.constant 0 : i32
      %dma_start3A_650 = tpu.memref_slice %arg10[%dma_start3A_648, %dma_start3A_649] : memref<10240x128xf32, #tpu.memory_space<vmem_shared>> -> memref<10240x128xf32, #tpu.memory_space<vmem_shared>>
      tpu.enqueue_indirect_dma source(%arg8 : memref<128x128xf32, #tpu.memory_space<vmem>>) target(%dma_start3A_650 : memref<10240x128xf32, #tpu.memory_space<vmem_shared>>) offsets(%dma_start3A_647 : memref<128xi32, #tpu.memory_space<vmem>>) semaphore(%run_scoped3A_644 : memref<!tpu.dma_semaphore, #tpu.memory_space<semaphore_mem>>) {add = true}
      %dma_wait3A_651 = arith.constant 0 : i32
      %dma_wait3A_652 = tpu.memref_slice %arg7[%run_scoped3A_104, %dma_wait3A_651] : memref<40x128xi32, #tpu.memory_space<vmem>> -> memref<1x128xi32, #tpu.memory_space<vmem>>
      %dma_wait3A_653 = tpu.memref_squeeze %dma_wait3A_652 : memref<1x128xi32, #tpu.memory_space<vmem>> -> memref<128xi32, #tpu.memory_space<vmem>>
      %dma_wait3A_654 = arith.constant 0 : i32
      %dma_wait3A_655 = arith.constant 0 : i32
      %dma_wait3A_656 = tpu.memref_slice %arg10[%dma_wait3A_654, %dma_wait3A_655] : memref<10240x128xf32, #tpu.memory_space<vmem_shared>> -> memref<10240x128xf32, #tpu.memory_space<vmem_shared>>
      tpu.wait_indirect_dma semaphore(%run_scoped3A_644 : memref<!tpu.dma_semaphore, #tpu.memory_space<semaphore_mem>>) src(%arg8 : memref<128x128xf32, #tpu.memory_space<vmem>>) dst(%dma_wait3A_656 : memref<10240x128xf32, #tpu.memory_space<vmem_shared>>)
      tpu.yield
    }) : () -> ()
    %dma_start3A_105 = arith.constant 6 : i32
    %dma_start3A_106 = arith.constant 0 : i32
    %dma_start3A_107 = tpu.memref_slice %arg6[%dma_start3A_105, %dma_start3A_106] : memref<40x128xi32, #tpu.memory_space<vmem>> -> memref<1x128xi32, #tpu.memory_space<vmem>>
    %dma_start3A_108 = tpu.memref_squeeze %dma_start3A_107 : memref<1x128xi32, #tpu.memory_space<vmem>> -> memref<128xi32, #tpu.memory_space<vmem>>
    %dma_start3A_109 = arith.constant 0 : i32
    %dma_start3A_110 = arith.constant 0 : i32
    %dma_start3A_111 = tpu.memref_slice %arg4[%dma_start3A_109, %dma_start3A_110] : memref<10000x128xf32, #tpu.memory_space<hbm>> -> memref<10000x128xf32, #tpu.memory_space<hbm>>
    tpu.enqueue_indirect_dma source(%dma_start3A_111 : memref<10000x128xf32, #tpu.memory_space<hbm>>) target(%arg8 : memref<128x128xf32, #tpu.memory_space<vmem>>) offsets(%dma_start3A_108 : memref<128xi32, #tpu.memory_space<vmem>>) semaphore(%arg11 : memref<!tpu.dma_semaphore, #tpu.memory_space<semaphore_mem>>)
    %dma_wait3A_112 = arith.constant 5 : i32
    %dma_wait3A_113 = arith.constant 0 : i32
    %dma_wait3A_114 = tpu.memref_slice %arg6[%dma_wait3A_112, %dma_wait3A_113] : memref<40x128xi32, #tpu.memory_space<vmem>> -> memref<1x128xi32, #tpu.memory_space<vmem>>
    %dma_wait3A_115 = tpu.memref_squeeze %dma_wait3A_114 : memref<1x128xi32, #tpu.memory_space<vmem>> -> memref<128xi32, #tpu.memory_space<vmem>>
    %dma_wait3A_116 = arith.constant 0 : i32
    %dma_wait3A_117 = arith.constant 0 : i32
    %dma_wait3A_118 = tpu.memref_slice %arg4[%dma_wait3A_116, %dma_wait3A_117] : memref<10000x128xf32, #tpu.memory_space<hbm>> -> memref<10000x128xf32, #tpu.memory_space<hbm>>
    tpu.wait_indirect_dma semaphore(%arg12 : memref<!tpu.dma_semaphore, #tpu.memory_space<semaphore_mem>>) src(%dma_wait3A_118 : memref<10000x128xf32, #tpu.memory_space<hbm>>) dst(%arg9 : memref<128x128xf32, #tpu.memory_space<vmem>>)
    %run_scoped3A_119 = arith.constant 5 : i32
    "tpu.region"() ({
      %run_scoped3A_644 = tpu.sem_alloc : memref<!tpu.dma_semaphore, #tpu.memory_space<semaphore_mem>>
      %dma_start3A_645 = arith.constant 0 : i32
      %dma_start3A_646 = tpu.memref_slice %arg7[%run_scoped3A_119, %dma_start3A_645] : memref<40x128xi32, #tpu.memory_space<vmem>> -> memref<1x128xi32, #tpu.memory_space<vmem>>
      %dma_start3A_647 = tpu.memref_squeeze %dma_start3A_646 : memref<1x128xi32, #tpu.memory_space<vmem>> -> memref<128xi32, #tpu.memory_space<vmem>>
      %dma_start3A_648 = arith.constant 0 : i32
      %dma_start3A_649 = arith.constant 0 : i32
      %dma_start3A_650 = tpu.memref_slice %arg10[%dma_start3A_648, %dma_start3A_649] : memref<10240x128xf32, #tpu.memory_space<vmem_shared>> -> memref<10240x128xf32, #tpu.memory_space<vmem_shared>>
      tpu.enqueue_indirect_dma source(%arg9 : memref<128x128xf32, #tpu.memory_space<vmem>>) target(%dma_start3A_650 : memref<10240x128xf32, #tpu.memory_space<vmem_shared>>) offsets(%dma_start3A_647 : memref<128xi32, #tpu.memory_space<vmem>>) semaphore(%run_scoped3A_644 : memref<!tpu.dma_semaphore, #tpu.memory_space<semaphore_mem>>) {add = true}
      %dma_wait3A_651 = arith.constant 0 : i32
      %dma_wait3A_652 = tpu.memref_slice %arg7[%run_scoped3A_119, %dma_wait3A_651] : memref<40x128xi32, #tpu.memory_space<vmem>> -> memref<1x128xi32, #tpu.memory_space<vmem>>
      %dma_wait3A_653 = tpu.memref_squeeze %dma_wait3A_652 : memref<1x128xi32, #tpu.memory_space<vmem>> -> memref<128xi32, #tpu.memory_space<vmem>>
      %dma_wait3A_654 = arith.constant 0 : i32
      %dma_wait3A_655 = arith.constant 0 : i32
      %dma_wait3A_656 = tpu.memref_slice %arg10[%dma_wait3A_654, %dma_wait3A_655] : memref<10240x128xf32, #tpu.memory_space<vmem_shared>> -> memref<10240x128xf32, #tpu.memory_space<vmem_shared>>
      tpu.wait_indirect_dma semaphore(%run_scoped3A_644 : memref<!tpu.dma_semaphore, #tpu.memory_space<semaphore_mem>>) src(%arg9 : memref<128x128xf32, #tpu.memory_space<vmem>>) dst(%dma_wait3A_656 : memref<10240x128xf32, #tpu.memory_space<vmem_shared>>)
      tpu.yield
    }) : () -> ()
    %dma_start3A_120 = arith.constant 7 : i32
    %dma_start3A_121 = arith.constant 0 : i32
    %dma_start3A_122 = tpu.memref_slice %arg6[%dma_start3A_120, %dma_start3A_121] : memref<40x128xi32, #tpu.memory_space<vmem>> -> memref<1x128xi32, #tpu.memory_space<vmem>>
    %dma_start3A_123 = tpu.memref_squeeze %dma_start3A_122 : memref<1x128xi32, #tpu.memory_space<vmem>> -> memref<128xi32, #tpu.memory_space<vmem>>
    %dma_start3A_124 = arith.constant 0 : i32
    %dma_start3A_125 = arith.constant 0 : i32
    %dma_start3A_126 = tpu.memref_slice %arg4[%dma_start3A_124, %dma_start3A_125] : memref<10000x128xf32, #tpu.memory_space<hbm>> -> memref<10000x128xf32, #tpu.memory_space<hbm>>
    tpu.enqueue_indirect_dma source(%dma_start3A_126 : memref<10000x128xf32, #tpu.memory_space<hbm>>) target(%arg9 : memref<128x128xf32, #tpu.memory_space<vmem>>) offsets(%dma_start3A_123 : memref<128xi32, #tpu.memory_space<vmem>>) semaphore(%arg12 : memref<!tpu.dma_semaphore, #tpu.memory_space<semaphore_mem>>)
    %dma_wait3A_127 = arith.constant 6 : i32
    %dma_wait3A_128 = arith.constant 0 : i32
    %dma_wait3A_129 = tpu.memref_slice %arg6[%dma_wait3A_127, %dma_wait3A_128] : memref<40x128xi32, #tpu.memory_space<vmem>> -> memref<1x128xi32, #tpu.memory_space<vmem>>
    %dma_wait3A_130 = tpu.memref_squeeze %dma_wait3A_129 : memref<1x128xi32, #tpu.memory_space<vmem>> -> memref<128xi32, #tpu.memory_space<vmem>>
    %dma_wait3A_131 = arith.constant 0 : i32
    %dma_wait3A_132 = arith.constant 0 : i32
    %dma_wait3A_133 = tpu.memref_slice %arg4[%dma_wait3A_131, %dma_wait3A_132] : memref<10000x128xf32, #tpu.memory_space<hbm>> -> memref<10000x128xf32, #tpu.memory_space<hbm>>
    tpu.wait_indirect_dma semaphore(%arg11 : memref<!tpu.dma_semaphore, #tpu.memory_space<semaphore_mem>>) src(%dma_wait3A_133 : memref<10000x128xf32, #tpu.memory_space<hbm>>) dst(%arg8 : memref<128x128xf32, #tpu.memory_space<vmem>>)
    %run_scoped3A_134 = arith.constant 6 : i32
    "tpu.region"() ({
      %run_scoped3A_644 = tpu.sem_alloc : memref<!tpu.dma_semaphore, #tpu.memory_space<semaphore_mem>>
      %dma_start3A_645 = arith.constant 0 : i32
      %dma_start3A_646 = tpu.memref_slice %arg7[%run_scoped3A_134, %dma_start3A_645] : memref<40x128xi32, #tpu.memory_space<vmem>> -> memref<1x128xi32, #tpu.memory_space<vmem>>
      %dma_start3A_647 = tpu.memref_squeeze %dma_start3A_646 : memref<1x128xi32, #tpu.memory_space<vmem>> -> memref<128xi32, #tpu.memory_space<vmem>>
      %dma_start3A_648 = arith.constant 0 : i32
      %dma_start3A_649 = arith.constant 0 : i32
      %dma_start3A_650 = tpu.memref_slice %arg10[%dma_start3A_648, %dma_start3A_649] : memref<10240x128xf32, #tpu.memory_space<vmem_shared>> -> memref<10240x128xf32, #tpu.memory_space<vmem_shared>>
      tpu.enqueue_indirect_dma source(%arg8 : memref<128x128xf32, #tpu.memory_space<vmem>>) target(%dma_start3A_650 : memref<10240x128xf32, #tpu.memory_space<vmem_shared>>) offsets(%dma_start3A_647 : memref<128xi32, #tpu.memory_space<vmem>>) semaphore(%run_scoped3A_644 : memref<!tpu.dma_semaphore, #tpu.memory_space<semaphore_mem>>) {add = true}
      %dma_wait3A_651 = arith.constant 0 : i32
      %dma_wait3A_652 = tpu.memref_slice %arg7[%run_scoped3A_134, %dma_wait3A_651] : memref<40x128xi32, #tpu.memory_space<vmem>> -> memref<1x128xi32, #tpu.memory_space<vmem>>
      %dma_wait3A_653 = tpu.memref_squeeze %dma_wait3A_652 : memref<1x128xi32, #tpu.memory_space<vmem>> -> memref<128xi32, #tpu.memory_space<vmem>>
      %dma_wait3A_654 = arith.constant 0 : i32
      %dma_wait3A_655 = arith.constant 0 : i32
      %dma_wait3A_656 = tpu.memref_slice %arg10[%dma_wait3A_654, %dma_wait3A_655] : memref<10240x128xf32, #tpu.memory_space<vmem_shared>> -> memref<10240x128xf32, #tpu.memory_space<vmem_shared>>
      tpu.wait_indirect_dma semaphore(%run_scoped3A_644 : memref<!tpu.dma_semaphore, #tpu.memory_space<semaphore_mem>>) src(%arg8 : memref<128x128xf32, #tpu.memory_space<vmem>>) dst(%dma_wait3A_656 : memref<10240x128xf32, #tpu.memory_space<vmem_shared>>)
      tpu.yield
    }) : () -> ()
    %dma_start3A_135 = arith.constant 8 : i32
    %dma_start3A_136 = arith.constant 0 : i32
    %dma_start3A_137 = tpu.memref_slice %arg6[%dma_start3A_135, %dma_start3A_136] : memref<40x128xi32, #tpu.memory_space<vmem>> -> memref<1x128xi32, #tpu.memory_space<vmem>>
    %dma_start3A_138 = tpu.memref_squeeze %dma_start3A_137 : memref<1x128xi32, #tpu.memory_space<vmem>> -> memref<128xi32, #tpu.memory_space<vmem>>
    %dma_start3A_139 = arith.constant 0 : i32
    %dma_start3A_140 = arith.constant 0 : i32
    %dma_start3A_141 = tpu.memref_slice %arg4[%dma_start3A_139, %dma_start3A_140] : memref<10000x128xf32, #tpu.memory_space<hbm>> -> memref<10000x128xf32, #tpu.memory_space<hbm>>
    tpu.enqueue_indirect_dma source(%dma_start3A_141 : memref<10000x128xf32, #tpu.memory_space<hbm>>) target(%arg8 : memref<128x128xf32, #tpu.memory_space<vmem>>) offsets(%dma_start3A_138 : memref<128xi32, #tpu.memory_space<vmem>>) semaphore(%arg11 : memref<!tpu.dma_semaphore, #tpu.memory_space<semaphore_mem>>)
    %dma_wait3A_142 = arith.constant 7 : i32
    %dma_wait3A_143 = arith.constant 0 : i32
    %dma_wait3A_144 = tpu.memref_slice %arg6[%dma_wait3A_142, %dma_wait3A_143] : memref<40x128xi32, #tpu.memory_space<vmem>> -> memref<1x128xi32, #tpu.memory_space<vmem>>
    %dma_wait3A_145 = tpu.memref_squeeze %dma_wait3A_144 : memref<1x128xi32, #tpu.memory_space<vmem>> -> memref<128xi32, #tpu.memory_space<vmem>>
    %dma_wait3A_146 = arith.constant 0 : i32
    %dma_wait3A_147 = arith.constant 0 : i32
    %dma_wait3A_148 = tpu.memref_slice %arg4[%dma_wait3A_146, %dma_wait3A_147] : memref<10000x128xf32, #tpu.memory_space<hbm>> -> memref<10000x128xf32, #tpu.memory_space<hbm>>
    tpu.wait_indirect_dma semaphore(%arg12 : memref<!tpu.dma_semaphore, #tpu.memory_space<semaphore_mem>>) src(%dma_wait3A_148 : memref<10000x128xf32, #tpu.memory_space<hbm>>) dst(%arg9 : memref<128x128xf32, #tpu.memory_space<vmem>>)
    %run_scoped3A_149 = arith.constant 7 : i32
    "tpu.region"() ({
      %run_scoped3A_644 = tpu.sem_alloc : memref<!tpu.dma_semaphore, #tpu.memory_space<semaphore_mem>>
      %dma_start3A_645 = arith.constant 0 : i32
      %dma_start3A_646 = tpu.memref_slice %arg7[%run_scoped3A_149, %dma_start3A_645] : memref<40x128xi32, #tpu.memory_space<vmem>> -> memref<1x128xi32, #tpu.memory_space<vmem>>
      %dma_start3A_647 = tpu.memref_squeeze %dma_start3A_646 : memref<1x128xi32, #tpu.memory_space<vmem>> -> memref<128xi32, #tpu.memory_space<vmem>>
      %dma_start3A_648 = arith.constant 0 : i32
      %dma_start3A_649 = arith.constant 0 : i32
      %dma_start3A_650 = tpu.memref_slice %arg10[%dma_start3A_648, %dma_start3A_649] : memref<10240x128xf32, #tpu.memory_space<vmem_shared>> -> memref<10240x128xf32, #tpu.memory_space<vmem_shared>>
      tpu.enqueue_indirect_dma source(%arg9 : memref<128x128xf32, #tpu.memory_space<vmem>>) target(%dma_start3A_650 : memref<10240x128xf32, #tpu.memory_space<vmem_shared>>) offsets(%dma_start3A_647 : memref<128xi32, #tpu.memory_space<vmem>>) semaphore(%run_scoped3A_644 : memref<!tpu.dma_semaphore, #tpu.memory_space<semaphore_mem>>) {add = true}
      %dma_wait3A_651 = arith.constant 0 : i32
      %dma_wait3A_652 = tpu.memref_slice %arg7[%run_scoped3A_149, %dma_wait3A_651] : memref<40x128xi32, #tpu.memory_space<vmem>> -> memref<1x128xi32, #tpu.memory_space<vmem>>
      %dma_wait3A_653 = tpu.memref_squeeze %dma_wait3A_652 : memref<1x128xi32, #tpu.memory_space<vmem>> -> memref<128xi32, #tpu.memory_space<vmem>>
      %dma_wait3A_654 = arith.constant 0 : i32
      %dma_wait3A_655 = arith.constant 0 : i32
      %dma_wait3A_656 = tpu.memref_slice %arg10[%dma_wait3A_654, %dma_wait3A_655] : memref<10240x128xf32, #tpu.memory_space<vmem_shared>> -> memref<10240x128xf32, #tpu.memory_space<vmem_shared>>
      tpu.wait_indirect_dma semaphore(%run_scoped3A_644 : memref<!tpu.dma_semaphore, #tpu.memory_space<semaphore_mem>>) src(%arg9 : memref<128x128xf32, #tpu.memory_space<vmem>>) dst(%dma_wait3A_656 : memref<10240x128xf32, #tpu.memory_space<vmem_shared>>)
      tpu.yield
    }) : () -> ()
    %dma_start3A_150 = arith.constant 9 : i32
    %dma_start3A_151 = arith.constant 0 : i32
    %dma_start3A_152 = tpu.memref_slice %arg6[%dma_start3A_150, %dma_start3A_151] : memref<40x128xi32, #tpu.memory_space<vmem>> -> memref<1x128xi32, #tpu.memory_space<vmem>>
    %dma_start3A_153 = tpu.memref_squeeze %dma_start3A_152 : memref<1x128xi32, #tpu.memory_space<vmem>> -> memref<128xi32, #tpu.memory_space<vmem>>
    %dma_start3A_154 = arith.constant 0 : i32
    %dma_start3A_155 = arith.constant 0 : i32
    %dma_start3A_156 = tpu.memref_slice %arg4[%dma_start3A_154, %dma_start3A_155] : memref<10000x128xf32, #tpu.memory_space<hbm>> -> memref<10000x128xf32, #tpu.memory_space<hbm>>
    tpu.enqueue_indirect_dma source(%dma_start3A_156 : memref<10000x128xf32, #tpu.memory_space<hbm>>) target(%arg9 : memref<128x128xf32, #tpu.memory_space<vmem>>) offsets(%dma_start3A_153 : memref<128xi32, #tpu.memory_space<vmem>>) semaphore(%arg12 : memref<!tpu.dma_semaphore, #tpu.memory_space<semaphore_mem>>)
    %dma_wait3A_157 = arith.constant 8 : i32
    %dma_wait3A_158 = arith.constant 0 : i32
    %dma_wait3A_159 = tpu.memref_slice %arg6[%dma_wait3A_157, %dma_wait3A_158] : memref<40x128xi32, #tpu.memory_space<vmem>> -> memref<1x128xi32, #tpu.memory_space<vmem>>
    %dma_wait3A_160 = tpu.memref_squeeze %dma_wait3A_159 : memref<1x128xi32, #tpu.memory_space<vmem>> -> memref<128xi32, #tpu.memory_space<vmem>>
    %dma_wait3A_161 = arith.constant 0 : i32
    %dma_wait3A_162 = arith.constant 0 : i32
    %dma_wait3A_163 = tpu.memref_slice %arg4[%dma_wait3A_161, %dma_wait3A_162] : memref<10000x128xf32, #tpu.memory_space<hbm>> -> memref<10000x128xf32, #tpu.memory_space<hbm>>
    tpu.wait_indirect_dma semaphore(%arg11 : memref<!tpu.dma_semaphore, #tpu.memory_space<semaphore_mem>>) src(%dma_wait3A_163 : memref<10000x128xf32, #tpu.memory_space<hbm>>) dst(%arg8 : memref<128x128xf32, #tpu.memory_space<vmem>>)
    %run_scoped3A_164 = arith.constant 8 : i32
    "tpu.region"() ({
      %run_scoped3A_644 = tpu.sem_alloc : memref<!tpu.dma_semaphore, #tpu.memory_space<semaphore_mem>>
      %dma_start3A_645 = arith.constant 0 : i32
      %dma_start3A_646 = tpu.memref_slice %arg7[%run_scoped3A_164, %dma_start3A_645] : memref<40x128xi32, #tpu.memory_space<vmem>> -> memref<1x128xi32, #tpu.memory_space<vmem>>
      %dma_start3A_647 = tpu.memref_squeeze %dma_start3A_646 : memref<1x128xi32, #tpu.memory_space<vmem>> -> memref<128xi32, #tpu.memory_space<vmem>>
      %dma_start3A_648 = arith.constant 0 : i32
      %dma_start3A_649 = arith.constant 0 : i32
      %dma_start3A_650 = tpu.memref_slice %arg10[%dma_start3A_648, %dma_start3A_649] : memref<10240x128xf32, #tpu.memory_space<vmem_shared>> -> memref<10240x128xf32, #tpu.memory_space<vmem_shared>>
      tpu.enqueue_indirect_dma source(%arg8 : memref<128x128xf32, #tpu.memory_space<vmem>>) target(%dma_start3A_650 : memref<10240x128xf32, #tpu.memory_space<vmem_shared>>) offsets(%dma_start3A_647 : memref<128xi32, #tpu.memory_space<vmem>>) semaphore(%run_scoped3A_644 : memref<!tpu.dma_semaphore, #tpu.memory_space<semaphore_mem>>) {add = true}
      %dma_wait3A_651 = arith.constant 0 : i32
      %dma_wait3A_652 = tpu.memref_slice %arg7[%run_scoped3A_164, %dma_wait3A_651] : memref<40x128xi32, #tpu.memory_space<vmem>> -> memref<1x128xi32, #tpu.memory_space<vmem>>
      %dma_wait3A_653 = tpu.memref_squeeze %dma_wait3A_652 : memref<1x128xi32, #tpu.memory_space<vmem>> -> memref<128xi32, #tpu.memory_space<vmem>>
      %dma_wait3A_654 = arith.constant 0 : i32
      %dma_wait3A_655 = arith.constant 0 : i32
      %dma_wait3A_656 = tpu.memref_slice %arg10[%dma_wait3A_654, %dma_wait3A_655] : memref<10240x128xf32, #tpu.memory_space<vmem_shared>> -> memref<10240x128xf32, #tpu.memory_space<vmem_shared>>
      tpu.wait_indirect_dma semaphore(%run_scoped3A_644 : memref<!tpu.dma_semaphore, #tpu.memory_space<semaphore_mem>>) src(%arg8 : memref<128x128xf32, #tpu.memory_space<vmem>>) dst(%dma_wait3A_656 : memref<10240x128xf32, #tpu.memory_space<vmem_shared>>)
      tpu.yield
    }) : () -> ()
    %dma_start3A_165 = arith.constant 10 : i32
    %dma_start3A_166 = arith.constant 0 : i32
    %dma_start3A_167 = tpu.memref_slice %arg6[%dma_start3A_165, %dma_start3A_166] : memref<40x128xi32, #tpu.memory_space<vmem>> -> memref<1x128xi32, #tpu.memory_space<vmem>>
    %dma_start3A_168 = tpu.memref_squeeze %dma_start3A_167 : memref<1x128xi32, #tpu.memory_space<vmem>> -> memref<128xi32, #tpu.memory_space<vmem>>
    %dma_start3A_169 = arith.constant 0 : i32
    %dma_start3A_170 = arith.constant 0 : i32
    %dma_start3A_171 = tpu.memref_slice %arg4[%dma_start3A_169, %dma_start3A_170] : memref<10000x128xf32, #tpu.memory_space<hbm>> -> memref<10000x128xf32, #tpu.memory_space<hbm>>
    tpu.enqueue_indirect_dma source(%dma_start3A_171 : memref<10000x128xf32, #tpu.memory_space<hbm>>) target(%arg8 : memref<128x128xf32, #tpu.memory_space<vmem>>) offsets(%dma_start3A_168 : memref<128xi32, #tpu.memory_space<vmem>>) semaphore(%arg11 : memref<!tpu.dma_semaphore, #tpu.memory_space<semaphore_mem>>)
    %dma_wait3A_172 = arith.constant 9 : i32
    %dma_wait3A_173 = arith.constant 0 : i32
    %dma_wait3A_174 = tpu.memref_slice %arg6[%dma_wait3A_172, %dma_wait3A_173] : memref<40x128xi32, #tpu.memory_space<vmem>> -> memref<1x128xi32, #tpu.memory_space<vmem>>
    %dma_wait3A_175 = tpu.memref_squeeze %dma_wait3A_174 : memref<1x128xi32, #tpu.memory_space<vmem>> -> memref<128xi32, #tpu.memory_space<vmem>>
    %dma_wait3A_176 = arith.constant 0 : i32
    %dma_wait3A_177 = arith.constant 0 : i32
    %dma_wait3A_178 = tpu.memref_slice %arg4[%dma_wait3A_176, %dma_wait3A_177] : memref<10000x128xf32, #tpu.memory_space<hbm>> -> memref<10000x128xf32, #tpu.memory_space<hbm>>
    tpu.wait_indirect_dma semaphore(%arg12 : memref<!tpu.dma_semaphore, #tpu.memory_space<semaphore_mem>>) src(%dma_wait3A_178 : memref<10000x128xf32, #tpu.memory_space<hbm>>) dst(%arg9 : memref<128x128xf32, #tpu.memory_space<vmem>>)
    %run_scoped3A_179 = arith.constant 9 : i32
    "tpu.region"() ({
      %run_scoped3A_644 = tpu.sem_alloc : memref<!tpu.dma_semaphore, #tpu.memory_space<semaphore_mem>>
      %dma_start3A_645 = arith.constant 0 : i32
      %dma_start3A_646 = tpu.memref_slice %arg7[%run_scoped3A_179, %dma_start3A_645] : memref<40x128xi32, #tpu.memory_space<vmem>> -> memref<1x128xi32, #tpu.memory_space<vmem>>
      %dma_start3A_647 = tpu.memref_squeeze %dma_start3A_646 : memref<1x128xi32, #tpu.memory_space<vmem>> -> memref<128xi32, #tpu.memory_space<vmem>>
      %dma_start3A_648 = arith.constant 0 : i32
      %dma_start3A_649 = arith.constant 0 : i32
      %dma_start3A_650 = tpu.memref_slice %arg10[%dma_start3A_648, %dma_start3A_649] : memref<10240x128xf32, #tpu.memory_space<vmem_shared>> -> memref<10240x128xf32, #tpu.memory_space<vmem_shared>>
      tpu.enqueue_indirect_dma source(%arg9 : memref<128x128xf32, #tpu.memory_space<vmem>>) target(%dma_start3A_650 : memref<10240x128xf32, #tpu.memory_space<vmem_shared>>) offsets(%dma_start3A_647 : memref<128xi32, #tpu.memory_space<vmem>>) semaphore(%run_scoped3A_644 : memref<!tpu.dma_semaphore, #tpu.memory_space<semaphore_mem>>) {add = true}
      %dma_wait3A_651 = arith.constant 0 : i32
      %dma_wait3A_652 = tpu.memref_slice %arg7[%run_scoped3A_179, %dma_wait3A_651] : memref<40x128xi32, #tpu.memory_space<vmem>> -> memref<1x128xi32, #tpu.memory_space<vmem>>
      %dma_wait3A_653 = tpu.memref_squeeze %dma_wait3A_652 : memref<1x128xi32, #tpu.memory_space<vmem>> -> memref<128xi32, #tpu.memory_space<vmem>>
      %dma_wait3A_654 = arith.constant 0 : i32
      %dma_wait3A_655 = arith.constant 0 : i32
      %dma_wait3A_656 = tpu.memref_slice %arg10[%dma_wait3A_654, %dma_wait3A_655] : memref<10240x128xf32, #tpu.memory_space<vmem_shared>> -> memref<10240x128xf32, #tpu.memory_space<vmem_shared>>
      tpu.wait_indirect_dma semaphore(%run_scoped3A_644 : memref<!tpu.dma_semaphore, #tpu.memory_space<semaphore_mem>>) src(%arg9 : memref<128x128xf32, #tpu.memory_space<vmem>>) dst(%dma_wait3A_656 : memref<10240x128xf32, #tpu.memory_space<vmem_shared>>)
      tpu.yield
    }) : () -> ()
    %dma_start3A_180 = arith.constant 11 : i32
    %dma_start3A_181 = arith.constant 0 : i32
    %dma_start3A_182 = tpu.memref_slice %arg6[%dma_start3A_180, %dma_start3A_181] : memref<40x128xi32, #tpu.memory_space<vmem>> -> memref<1x128xi32, #tpu.memory_space<vmem>>
    %dma_start3A_183 = tpu.memref_squeeze %dma_start3A_182 : memref<1x128xi32, #tpu.memory_space<vmem>> -> memref<128xi32, #tpu.memory_space<vmem>>
    %dma_start3A_184 = arith.constant 0 : i32
    %dma_start3A_185 = arith.constant 0 : i32
    %dma_start3A_186 = tpu.memref_slice %arg4[%dma_start3A_184, %dma_start3A_185] : memref<10000x128xf32, #tpu.memory_space<hbm>> -> memref<10000x128xf32, #tpu.memory_space<hbm>>
    tpu.enqueue_indirect_dma source(%dma_start3A_186 : memref<10000x128xf32, #tpu.memory_space<hbm>>) target(%arg9 : memref<128x128xf32, #tpu.memory_space<vmem>>) offsets(%dma_start3A_183 : memref<128xi32, #tpu.memory_space<vmem>>) semaphore(%arg12 : memref<!tpu.dma_semaphore, #tpu.memory_space<semaphore_mem>>)
    %dma_wait3A_187 = arith.constant 10 : i32
    %dma_wait3A_188 = arith.constant 0 : i32
    %dma_wait3A_189 = tpu.memref_slice %arg6[%dma_wait3A_187, %dma_wait3A_188] : memref<40x128xi32, #tpu.memory_space<vmem>> -> memref<1x128xi32, #tpu.memory_space<vmem>>
    %dma_wait3A_190 = tpu.memref_squeeze %dma_wait3A_189 : memref<1x128xi32, #tpu.memory_space<vmem>> -> memref<128xi32, #tpu.memory_space<vmem>>
    %dma_wait3A_191 = arith.constant 0 : i32
    %dma_wait3A_192 = arith.constant 0 : i32
    %dma_wait3A_193 = tpu.memref_slice %arg4[%dma_wait3A_191, %dma_wait3A_192] : memref<10000x128xf32, #tpu.memory_space<hbm>> -> memref<10000x128xf32, #tpu.memory_space<hbm>>
    tpu.wait_indirect_dma semaphore(%arg11 : memref<!tpu.dma_semaphore, #tpu.memory_space<semaphore_mem>>) src(%dma_wait3A_193 : memref<10000x128xf32, #tpu.memory_space<hbm>>) dst(%arg8 : memref<128x128xf32, #tpu.memory_space<vmem>>)
    %run_scoped3A_194 = arith.constant 10 : i32
    "tpu.region"() ({
      %run_scoped3A_644 = tpu.sem_alloc : memref<!tpu.dma_semaphore, #tpu.memory_space<semaphore_mem>>
      %dma_start3A_645 = arith.constant 0 : i32
      %dma_start3A_646 = tpu.memref_slice %arg7[%run_scoped3A_194, %dma_start3A_645] : memref<40x128xi32, #tpu.memory_space<vmem>> -> memref<1x128xi32, #tpu.memory_space<vmem>>
      %dma_start3A_647 = tpu.memref_squeeze %dma_start3A_646 : memref<1x128xi32, #tpu.memory_space<vmem>> -> memref<128xi32, #tpu.memory_space<vmem>>
      %dma_start3A_648 = arith.constant 0 : i32
      %dma_start3A_649 = arith.constant 0 : i32
      %dma_start3A_650 = tpu.memref_slice %arg10[%dma_start3A_648, %dma_start3A_649] : memref<10240x128xf32, #tpu.memory_space<vmem_shared>> -> memref<10240x128xf32, #tpu.memory_space<vmem_shared>>
      tpu.enqueue_indirect_dma source(%arg8 : memref<128x128xf32, #tpu.memory_space<vmem>>) target(%dma_start3A_650 : memref<10240x128xf32, #tpu.memory_space<vmem_shared>>) offsets(%dma_start3A_647 : memref<128xi32, #tpu.memory_space<vmem>>) semaphore(%run_scoped3A_644 : memref<!tpu.dma_semaphore, #tpu.memory_space<semaphore_mem>>) {add = true}
      %dma_wait3A_651 = arith.constant 0 : i32
      %dma_wait3A_652 = tpu.memref_slice %arg7[%run_scoped3A_194, %dma_wait3A_651] : memref<40x128xi32, #tpu.memory_space<vmem>> -> memref<1x128xi32, #tpu.memory_space<vmem>>
      %dma_wait3A_653 = tpu.memref_squeeze %dma_wait3A_652 : memref<1x128xi32, #tpu.memory_space<vmem>> -> memref<128xi32, #tpu.memory_space<vmem>>
      %dma_wait3A_654 = arith.constant 0 : i32
      %dma_wait3A_655 = arith.constant 0 : i32
      %dma_wait3A_656 = tpu.memref_slice %arg10[%dma_wait3A_654, %dma_wait3A_655] : memref<10240x128xf32, #tpu.memory_space<vmem_shared>> -> memref<10240x128xf32, #tpu.memory_space<vmem_shared>>
      tpu.wait_indirect_dma semaphore(%run_scoped3A_644 : memref<!tpu.dma_semaphore, #tpu.memory_space<semaphore_mem>>) src(%arg8 : memref<128x128xf32, #tpu.memory_space<vmem>>) dst(%dma_wait3A_656 : memref<10240x128xf32, #tpu.memory_space<vmem_shared>>)
      tpu.yield
    }) : () -> ()
    %dma_start3A_195 = arith.constant 12 : i32
    %dma_start3A_196 = arith.constant 0 : i32
    %dma_start3A_197 = tpu.memref_slice %arg6[%dma_start3A_195, %dma_start3A_196] : memref<40x128xi32, #tpu.memory_space<vmem>> -> memref<1x128xi32, #tpu.memory_space<vmem>>
    %dma_start3A_198 = tpu.memref_squeeze %dma_start3A_197 : memref<1x128xi32, #tpu.memory_space<vmem>> -> memref<128xi32, #tpu.memory_space<vmem>>
    %dma_start3A_199 = arith.constant 0 : i32
    %dma_start3A_200 = arith.constant 0 : i32
    %dma_start3A_201 = tpu.memref_slice %arg4[%dma_start3A_199, %dma_start3A_200] : memref<10000x128xf32, #tpu.memory_space<hbm>> -> memref<10000x128xf32, #tpu.memory_space<hbm>>
    tpu.enqueue_indirect_dma source(%dma_start3A_201 : memref<10000x128xf32, #tpu.memory_space<hbm>>) target(%arg8 : memref<128x128xf32, #tpu.memory_space<vmem>>) offsets(%dma_start3A_198 : memref<128xi32, #tpu.memory_space<vmem>>) semaphore(%arg11 : memref<!tpu.dma_semaphore, #tpu.memory_space<semaphore_mem>>)
    %dma_wait3A_202 = arith.constant 11 : i32
    %dma_wait3A_203 = arith.constant 0 : i32
    %dma_wait3A_204 = tpu.memref_slice %arg6[%dma_wait3A_202, %dma_wait3A_203] : memref<40x128xi32, #tpu.memory_space<vmem>> -> memref<1x128xi32, #tpu.memory_space<vmem>>
    %dma_wait3A_205 = tpu.memref_squeeze %dma_wait3A_204 : memref<1x128xi32, #tpu.memory_space<vmem>> -> memref<128xi32, #tpu.memory_space<vmem>>
    %dma_wait3A_206 = arith.constant 0 : i32
    %dma_wait3A_207 = arith.constant 0 : i32
    %dma_wait3A_208 = tpu.memref_slice %arg4[%dma_wait3A_206, %dma_wait3A_207] : memref<10000x128xf32, #tpu.memory_space<hbm>> -> memref<10000x128xf32, #tpu.memory_space<hbm>>
    tpu.wait_indirect_dma semaphore(%arg12 : memref<!tpu.dma_semaphore, #tpu.memory_space<semaphore_mem>>) src(%dma_wait3A_208 : memref<10000x128xf32, #tpu.memory_space<hbm>>) dst(%arg9 : memref<128x128xf32, #tpu.memory_space<vmem>>)
    %run_scoped3A_209 = arith.constant 11 : i32
    "tpu.region"() ({
      %run_scoped3A_644 = tpu.sem_alloc : memref<!tpu.dma_semaphore, #tpu.memory_space<semaphore_mem>>
      %dma_start3A_645 = arith.constant 0 : i32
      %dma_start3A_646 = tpu.memref_slice %arg7[%run_scoped3A_209, %dma_start3A_645] : memref<40x128xi32, #tpu.memory_space<vmem>> -> memref<1x128xi32, #tpu.memory_space<vmem>>
      %dma_start3A_647 = tpu.memref_squeeze %dma_start3A_646 : memref<1x128xi32, #tpu.memory_space<vmem>> -> memref<128xi32, #tpu.memory_space<vmem>>
      %dma_start3A_648 = arith.constant 0 : i32
      %dma_start3A_649 = arith.constant 0 : i32
      %dma_start3A_650 = tpu.memref_slice %arg10[%dma_start3A_648, %dma_start3A_649] : memref<10240x128xf32, #tpu.memory_space<vmem_shared>> -> memref<10240x128xf32, #tpu.memory_space<vmem_shared>>
      tpu.enqueue_indirect_dma source(%arg9 : memref<128x128xf32, #tpu.memory_space<vmem>>) target(%dma_start3A_650 : memref<10240x128xf32, #tpu.memory_space<vmem_shared>>) offsets(%dma_start3A_647 : memref<128xi32, #tpu.memory_space<vmem>>) semaphore(%run_scoped3A_644 : memref<!tpu.dma_semaphore, #tpu.memory_space<semaphore_mem>>) {add = true}
      %dma_wait3A_651 = arith.constant 0 : i32
      %dma_wait3A_652 = tpu.memref_slice %arg7[%run_scoped3A_209, %dma_wait3A_651] : memref<40x128xi32, #tpu.memory_space<vmem>> -> memref<1x128xi32, #tpu.memory_space<vmem>>
      %dma_wait3A_653 = tpu.memref_squeeze %dma_wait3A_652 : memref<1x128xi32, #tpu.memory_space<vmem>> -> memref<128xi32, #tpu.memory_space<vmem>>
      %dma_wait3A_654 = arith.constant 0 : i32
      %dma_wait3A_655 = arith.constant 0 : i32
      %dma_wait3A_656 = tpu.memref_slice %arg10[%dma_wait3A_654, %dma_wait3A_655] : memref<10240x128xf32, #tpu.memory_space<vmem_shared>> -> memref<10240x128xf32, #tpu.memory_space<vmem_shared>>
      tpu.wait_indirect_dma semaphore(%run_scoped3A_644 : memref<!tpu.dma_semaphore, #tpu.memory_space<semaphore_mem>>) src(%arg9 : memref<128x128xf32, #tpu.memory_space<vmem>>) dst(%dma_wait3A_656 : memref<10240x128xf32, #tpu.memory_space<vmem_shared>>)
      tpu.yield
    }) : () -> ()
    %dma_start3A_210 = arith.constant 13 : i32
    %dma_start3A_211 = arith.constant 0 : i32
    %dma_start3A_212 = tpu.memref_slice %arg6[%dma_start3A_210, %dma_start3A_211] : memref<40x128xi32, #tpu.memory_space<vmem>> -> memref<1x128xi32, #tpu.memory_space<vmem>>
    %dma_start3A_213 = tpu.memref_squeeze %dma_start3A_212 : memref<1x128xi32, #tpu.memory_space<vmem>> -> memref<128xi32, #tpu.memory_space<vmem>>
    %dma_start3A_214 = arith.constant 0 : i32
    %dma_start3A_215 = arith.constant 0 : i32
    %dma_start3A_216 = tpu.memref_slice %arg4[%dma_start3A_214, %dma_start3A_215] : memref<10000x128xf32, #tpu.memory_space<hbm>> -> memref<10000x128xf32, #tpu.memory_space<hbm>>
    tpu.enqueue_indirect_dma source(%dma_start3A_216 : memref<10000x128xf32, #tpu.memory_space<hbm>>) target(%arg9 : memref<128x128xf32, #tpu.memory_space<vmem>>) offsets(%dma_start3A_213 : memref<128xi32, #tpu.memory_space<vmem>>) semaphore(%arg12 : memref<!tpu.dma_semaphore, #tpu.memory_space<semaphore_mem>>)
    %dma_wait3A_217 = arith.constant 12 : i32
    %dma_wait3A_218 = arith.constant 0 : i32
    %dma_wait3A_219 = tpu.memref_slice %arg6[%dma_wait3A_217, %dma_wait3A_218] : memref<40x128xi32, #tpu.memory_space<vmem>> -> memref<1x128xi32, #tpu.memory_space<vmem>>
    %dma_wait3A_220 = tpu.memref_squeeze %dma_wait3A_219 : memref<1x128xi32, #tpu.memory_space<vmem>> -> memref<128xi32, #tpu.memory_space<vmem>>
    %dma_wait3A_221 = arith.constant 0 : i32
    %dma_wait3A_222 = arith.constant 0 : i32
    %dma_wait3A_223 = tpu.memref_slice %arg4[%dma_wait3A_221, %dma_wait3A_222] : memref<10000x128xf32, #tpu.memory_space<hbm>> -> memref<10000x128xf32, #tpu.memory_space<hbm>>
    tpu.wait_indirect_dma semaphore(%arg11 : memref<!tpu.dma_semaphore, #tpu.memory_space<semaphore_mem>>) src(%dma_wait3A_223 : memref<10000x128xf32, #tpu.memory_space<hbm>>) dst(%arg8 : memref<128x128xf32, #tpu.memory_space<vmem>>)
    %run_scoped3A_224 = arith.constant 12 : i32
    "tpu.region"() ({
      %run_scoped3A_644 = tpu.sem_alloc : memref<!tpu.dma_semaphore, #tpu.memory_space<semaphore_mem>>
      %dma_start3A_645 = arith.constant 0 : i32
      %dma_start3A_646 = tpu.memref_slice %arg7[%run_scoped3A_224, %dma_start3A_645] : memref<40x128xi32, #tpu.memory_space<vmem>> -> memref<1x128xi32, #tpu.memory_space<vmem>>
      %dma_start3A_647 = tpu.memref_squeeze %dma_start3A_646 : memref<1x128xi32, #tpu.memory_space<vmem>> -> memref<128xi32, #tpu.memory_space<vmem>>
      %dma_start3A_648 = arith.constant 0 : i32
      %dma_start3A_649 = arith.constant 0 : i32
      %dma_start3A_650 = tpu.memref_slice %arg10[%dma_start3A_648, %dma_start3A_649] : memref<10240x128xf32, #tpu.memory_space<vmem_shared>> -> memref<10240x128xf32, #tpu.memory_space<vmem_shared>>
      tpu.enqueue_indirect_dma source(%arg8 : memref<128x128xf32, #tpu.memory_space<vmem>>) target(%dma_start3A_650 : memref<10240x128xf32, #tpu.memory_space<vmem_shared>>) offsets(%dma_start3A_647 : memref<128xi32, #tpu.memory_space<vmem>>) semaphore(%run_scoped3A_644 : memref<!tpu.dma_semaphore, #tpu.memory_space<semaphore_mem>>) {add = true}
      %dma_wait3A_651 = arith.constant 0 : i32
      %dma_wait3A_652 = tpu.memref_slice %arg7[%run_scoped3A_224, %dma_wait3A_651] : memref<40x128xi32, #tpu.memory_space<vmem>> -> memref<1x128xi32, #tpu.memory_space<vmem>>
      %dma_wait3A_653 = tpu.memref_squeeze %dma_wait3A_652 : memref<1x128xi32, #tpu.memory_space<vmem>> -> memref<128xi32, #tpu.memory_space<vmem>>
      %dma_wait3A_654 = arith.constant 0 : i32
      %dma_wait3A_655 = arith.constant 0 : i32
      %dma_wait3A_656 = tpu.memref_slice %arg10[%dma_wait3A_654, %dma_wait3A_655] : memref<10240x128xf32, #tpu.memory_space<vmem_shared>> -> memref<10240x128xf32, #tpu.memory_space<vmem_shared>>
      tpu.wait_indirect_dma semaphore(%run_scoped3A_644 : memref<!tpu.dma_semaphore, #tpu.memory_space<semaphore_mem>>) src(%arg8 : memref<128x128xf32, #tpu.memory_space<vmem>>) dst(%dma_wait3A_656 : memref<10240x128xf32, #tpu.memory_space<vmem_shared>>)
      tpu.yield
    }) : () -> ()
    %dma_start3A_225 = arith.constant 14 : i32
    %dma_start3A_226 = arith.constant 0 : i32
    %dma_start3A_227 = tpu.memref_slice %arg6[%dma_start3A_225, %dma_start3A_226] : memref<40x128xi32, #tpu.memory_space<vmem>> -> memref<1x128xi32, #tpu.memory_space<vmem>>
    %dma_start3A_228 = tpu.memref_squeeze %dma_start3A_227 : memref<1x128xi32, #tpu.memory_space<vmem>> -> memref<128xi32, #tpu.memory_space<vmem>>
    %dma_start3A_229 = arith.constant 0 : i32
    %dma_start3A_230 = arith.constant 0 : i32
    %dma_start3A_231 = tpu.memref_slice %arg4[%dma_start3A_229, %dma_start3A_230] : memref<10000x128xf32, #tpu.memory_space<hbm>> -> memref<10000x128xf32, #tpu.memory_space<hbm>>
    tpu.enqueue_indirect_dma source(%dma_start3A_231 : memref<10000x128xf32, #tpu.memory_space<hbm>>) target(%arg8 : memref<128x128xf32, #tpu.memory_space<vmem>>) offsets(%dma_start3A_228 : memref<128xi32, #tpu.memory_space<vmem>>) semaphore(%arg11 : memref<!tpu.dma_semaphore, #tpu.memory_space<semaphore_mem>>)
    %dma_wait3A_232 = arith.constant 13 : i32
    %dma_wait3A_233 = arith.constant 0 : i32
    %dma_wait3A_234 = tpu.memref_slice %arg6[%dma_wait3A_232, %dma_wait3A_233] : memref<40x128xi32, #tpu.memory_space<vmem>> -> memref<1x128xi32, #tpu.memory_space<vmem>>
    %dma_wait3A_235 = tpu.memref_squeeze %dma_wait3A_234 : memref<1x128xi32, #tpu.memory_space<vmem>> -> memref<128xi32, #tpu.memory_space<vmem>>
    %dma_wait3A_236 = arith.constant 0 : i32
    %dma_wait3A_237 = arith.constant 0 : i32
    %dma_wait3A_238 = tpu.memref_slice %arg4[%dma_wait3A_236, %dma_wait3A_237] : memref<10000x128xf32, #tpu.memory_space<hbm>> -> memref<10000x128xf32, #tpu.memory_space<hbm>>
    tpu.wait_indirect_dma semaphore(%arg12 : memref<!tpu.dma_semaphore, #tpu.memory_space<semaphore_mem>>) src(%dma_wait3A_238 : memref<10000x128xf32, #tpu.memory_space<hbm>>) dst(%arg9 : memref<128x128xf32, #tpu.memory_space<vmem>>)
    %run_scoped3A_239 = arith.constant 13 : i32
    "tpu.region"() ({
      %run_scoped3A_644 = tpu.sem_alloc : memref<!tpu.dma_semaphore, #tpu.memory_space<semaphore_mem>>
      %dma_start3A_645 = arith.constant 0 : i32
      %dma_start3A_646 = tpu.memref_slice %arg7[%run_scoped3A_239, %dma_start3A_645] : memref<40x128xi32, #tpu.memory_space<vmem>> -> memref<1x128xi32, #tpu.memory_space<vmem>>
      %dma_start3A_647 = tpu.memref_squeeze %dma_start3A_646 : memref<1x128xi32, #tpu.memory_space<vmem>> -> memref<128xi32, #tpu.memory_space<vmem>>
      %dma_start3A_648 = arith.constant 0 : i32
      %dma_start3A_649 = arith.constant 0 : i32
      %dma_start3A_650 = tpu.memref_slice %arg10[%dma_start3A_648, %dma_start3A_649] : memref<10240x128xf32, #tpu.memory_space<vmem_shared>> -> memref<10240x128xf32, #tpu.memory_space<vmem_shared>>
      tpu.enqueue_indirect_dma source(%arg9 : memref<128x128xf32, #tpu.memory_space<vmem>>) target(%dma_start3A_650 : memref<10240x128xf32, #tpu.memory_space<vmem_shared>>) offsets(%dma_start3A_647 : memref<128xi32, #tpu.memory_space<vmem>>) semaphore(%run_scoped3A_644 : memref<!tpu.dma_semaphore, #tpu.memory_space<semaphore_mem>>) {add = true}
      %dma_wait3A_651 = arith.constant 0 : i32
      %dma_wait3A_652 = tpu.memref_slice %arg7[%run_scoped3A_239, %dma_wait3A_651] : memref<40x128xi32, #tpu.memory_space<vmem>> -> memref<1x128xi32, #tpu.memory_space<vmem>>
      %dma_wait3A_653 = tpu.memref_squeeze %dma_wait3A_652 : memref<1x128xi32, #tpu.memory_space<vmem>> -> memref<128xi32, #tpu.memory_space<vmem>>
      %dma_wait3A_654 = arith.constant 0 : i32
      %dma_wait3A_655 = arith.constant 0 : i32
      %dma_wait3A_656 = tpu.memref_slice %arg10[%dma_wait3A_654, %dma_wait3A_655] : memref<10240x128xf32, #tpu.memory_space<vmem_shared>> -> memref<10240x128xf32, #tpu.memory_space<vmem_shared>>
      tpu.wait_indirect_dma semaphore(%run_scoped3A_644 : memref<!tpu.dma_semaphore, #tpu.memory_space<semaphore_mem>>) src(%arg9 : memref<128x128xf32, #tpu.memory_space<vmem>>) dst(%dma_wait3A_656 : memref<10240x128xf32, #tpu.memory_space<vmem_shared>>)
      tpu.yield
    }) : () -> ()
    %dma_start3A_240 = arith.constant 15 : i32
    %dma_start3A_241 = arith.constant 0 : i32
    %dma_start3A_242 = tpu.memref_slice %arg6[%dma_start3A_240, %dma_start3A_241] : memref<40x128xi32, #tpu.memory_space<vmem>> -> memref<1x128xi32, #tpu.memory_space<vmem>>
    %dma_start3A_243 = tpu.memref_squeeze %dma_start3A_242 : memref<1x128xi32, #tpu.memory_space<vmem>> -> memref<128xi32, #tpu.memory_space<vmem>>
    %dma_start3A_244 = arith.constant 0 : i32
    %dma_start3A_245 = arith.constant 0 : i32
    %dma_start3A_246 = tpu.memref_slice %arg4[%dma_start3A_244, %dma_start3A_245] : memref<10000x128xf32, #tpu.memory_space<hbm>> -> memref<10000x128xf32, #tpu.memory_space<hbm>>
    tpu.enqueue_indirect_dma source(%dma_start3A_246 : memref<10000x128xf32, #tpu.memory_space<hbm>>) target(%arg9 : memref<128x128xf32, #tpu.memory_space<vmem>>) offsets(%dma_start3A_243 : memref<128xi32, #tpu.memory_space<vmem>>) semaphore(%arg12 : memref<!tpu.dma_semaphore, #tpu.memory_space<semaphore_mem>>)
    %dma_wait3A_247 = arith.constant 14 : i32
    %dma_wait3A_248 = arith.constant 0 : i32
    %dma_wait3A_249 = tpu.memref_slice %arg6[%dma_wait3A_247, %dma_wait3A_248] : memref<40x128xi32, #tpu.memory_space<vmem>> -> memref<1x128xi32, #tpu.memory_space<vmem>>
    %dma_wait3A_250 = tpu.memref_squeeze %dma_wait3A_249 : memref<1x128xi32, #tpu.memory_space<vmem>> -> memref<128xi32, #tpu.memory_space<vmem>>
    %dma_wait3A_251 = arith.constant 0 : i32
    %dma_wait3A_252 = arith.constant 0 : i32
    %dma_wait3A_253 = tpu.memref_slice %arg4[%dma_wait3A_251, %dma_wait3A_252] : memref<10000x128xf32, #tpu.memory_space<hbm>> -> memref<10000x128xf32, #tpu.memory_space<hbm>>
    tpu.wait_indirect_dma semaphore(%arg11 : memref<!tpu.dma_semaphore, #tpu.memory_space<semaphore_mem>>) src(%dma_wait3A_253 : memref<10000x128xf32, #tpu.memory_space<hbm>>) dst(%arg8 : memref<128x128xf32, #tpu.memory_space<vmem>>)
    %run_scoped3A_254 = arith.constant 14 : i32
    "tpu.region"() ({
      %run_scoped3A_644 = tpu.sem_alloc : memref<!tpu.dma_semaphore, #tpu.memory_space<semaphore_mem>>
      %dma_start3A_645 = arith.constant 0 : i32
      %dma_start3A_646 = tpu.memref_slice %arg7[%run_scoped3A_254, %dma_start3A_645] : memref<40x128xi32, #tpu.memory_space<vmem>> -> memref<1x128xi32, #tpu.memory_space<vmem>>
      %dma_start3A_647 = tpu.memref_squeeze %dma_start3A_646 : memref<1x128xi32, #tpu.memory_space<vmem>> -> memref<128xi32, #tpu.memory_space<vmem>>
      %dma_start3A_648 = arith.constant 0 : i32
      %dma_start3A_649 = arith.constant 0 : i32
      %dma_start3A_650 = tpu.memref_slice %arg10[%dma_start3A_648, %dma_start3A_649] : memref<10240x128xf32, #tpu.memory_space<vmem_shared>> -> memref<10240x128xf32, #tpu.memory_space<vmem_shared>>
      tpu.enqueue_indirect_dma source(%arg8 : memref<128x128xf32, #tpu.memory_space<vmem>>) target(%dma_start3A_650 : memref<10240x128xf32, #tpu.memory_space<vmem_shared>>) offsets(%dma_start3A_647 : memref<128xi32, #tpu.memory_space<vmem>>) semaphore(%run_scoped3A_644 : memref<!tpu.dma_semaphore, #tpu.memory_space<semaphore_mem>>) {add = true}
      %dma_wait3A_651 = arith.constant 0 : i32
      %dma_wait3A_652 = tpu.memref_slice %arg7[%run_scoped3A_254, %dma_wait3A_651] : memref<40x128xi32, #tpu.memory_space<vmem>> -> memref<1x128xi32, #tpu.memory_space<vmem>>
      %dma_wait3A_653 = tpu.memref_squeeze %dma_wait3A_652 : memref<1x128xi32, #tpu.memory_space<vmem>> -> memref<128xi32, #tpu.memory_space<vmem>>
      %dma_wait3A_654 = arith.constant 0 : i32
      %dma_wait3A_655 = arith.constant 0 : i32
      %dma_wait3A_656 = tpu.memref_slice %arg10[%dma_wait3A_654, %dma_wait3A_655] : memref<10240x128xf32, #tpu.memory_space<vmem_shared>> -> memref<10240x128xf32, #tpu.memory_space<vmem_shared>>
      tpu.wait_indirect_dma semaphore(%run_scoped3A_644 : memref<!tpu.dma_semaphore, #tpu.memory_space<semaphore_mem>>) src(%arg8 : memref<128x128xf32, #tpu.memory_space<vmem>>) dst(%dma_wait3A_656 : memref<10240x128xf32, #tpu.memory_space<vmem_shared>>)
      tpu.yield
    }) : () -> ()
    %dma_start3A_255 = arith.constant 16 : i32
    %dma_start3A_256 = arith.constant 0 : i32
    %dma_start3A_257 = tpu.memref_slice %arg6[%dma_start3A_255, %dma_start3A_256] : memref<40x128xi32, #tpu.memory_space<vmem>> -> memref<1x128xi32, #tpu.memory_space<vmem>>
    %dma_start3A_258 = tpu.memref_squeeze %dma_start3A_257 : memref<1x128xi32, #tpu.memory_space<vmem>> -> memref<128xi32, #tpu.memory_space<vmem>>
    %dma_start3A_259 = arith.constant 0 : i32
    %dma_start3A_260 = arith.constant 0 : i32
    %dma_start3A_261 = tpu.memref_slice %arg4[%dma_start3A_259, %dma_start3A_260] : memref<10000x128xf32, #tpu.memory_space<hbm>> -> memref<10000x128xf32, #tpu.memory_space<hbm>>
    tpu.enqueue_indirect_dma source(%dma_start3A_261 : memref<10000x128xf32, #tpu.memory_space<hbm>>) target(%arg8 : memref<128x128xf32, #tpu.memory_space<vmem>>) offsets(%dma_start3A_258 : memref<128xi32, #tpu.memory_space<vmem>>) semaphore(%arg11 : memref<!tpu.dma_semaphore, #tpu.memory_space<semaphore_mem>>)
    %dma_wait3A_262 = arith.constant 15 : i32
    %dma_wait3A_263 = arith.constant 0 : i32
    %dma_wait3A_264 = tpu.memref_slice %arg6[%dma_wait3A_262, %dma_wait3A_263] : memref<40x128xi32, #tpu.memory_space<vmem>> -> memref<1x128xi32, #tpu.memory_space<vmem>>
    %dma_wait3A_265 = tpu.memref_squeeze %dma_wait3A_264 : memref<1x128xi32, #tpu.memory_space<vmem>> -> memref<128xi32, #tpu.memory_space<vmem>>
    %dma_wait3A_266 = arith.constant 0 : i32
    %dma_wait3A_267 = arith.constant 0 : i32
    %dma_wait3A_268 = tpu.memref_slice %arg4[%dma_wait3A_266, %dma_wait3A_267] : memref<10000x128xf32, #tpu.memory_space<hbm>> -> memref<10000x128xf32, #tpu.memory_space<hbm>>
    tpu.wait_indirect_dma semaphore(%arg12 : memref<!tpu.dma_semaphore, #tpu.memory_space<semaphore_mem>>) src(%dma_wait3A_268 : memref<10000x128xf32, #tpu.memory_space<hbm>>) dst(%arg9 : memref<128x128xf32, #tpu.memory_space<vmem>>)
    %run_scoped3A_269 = arith.constant 15 : i32
    "tpu.region"() ({
      %run_scoped3A_644 = tpu.sem_alloc : memref<!tpu.dma_semaphore, #tpu.memory_space<semaphore_mem>>
      %dma_start3A_645 = arith.constant 0 : i32
      %dma_start3A_646 = tpu.memref_slice %arg7[%run_scoped3A_269, %dma_start3A_645] : memref<40x128xi32, #tpu.memory_space<vmem>> -> memref<1x128xi32, #tpu.memory_space<vmem>>
      %dma_start3A_647 = tpu.memref_squeeze %dma_start3A_646 : memref<1x128xi32, #tpu.memory_space<vmem>> -> memref<128xi32, #tpu.memory_space<vmem>>
      %dma_start3A_648 = arith.constant 0 : i32
      %dma_start3A_649 = arith.constant 0 : i32
      %dma_start3A_650 = tpu.memref_slice %arg10[%dma_start3A_648, %dma_start3A_649] : memref<10240x128xf32, #tpu.memory_space<vmem_shared>> -> memref<10240x128xf32, #tpu.memory_space<vmem_shared>>
      tpu.enqueue_indirect_dma source(%arg9 : memref<128x128xf32, #tpu.memory_space<vmem>>) target(%dma_start3A_650 : memref<10240x128xf32, #tpu.memory_space<vmem_shared>>) offsets(%dma_start3A_647 : memref<128xi32, #tpu.memory_space<vmem>>) semaphore(%run_scoped3A_644 : memref<!tpu.dma_semaphore, #tpu.memory_space<semaphore_mem>>) {add = true}
      %dma_wait3A_651 = arith.constant 0 : i32
      %dma_wait3A_652 = tpu.memref_slice %arg7[%run_scoped3A_269, %dma_wait3A_651] : memref<40x128xi32, #tpu.memory_space<vmem>> -> memref<1x128xi32, #tpu.memory_space<vmem>>
      %dma_wait3A_653 = tpu.memref_squeeze %dma_wait3A_652 : memref<1x128xi32, #tpu.memory_space<vmem>> -> memref<128xi32, #tpu.memory_space<vmem>>
      %dma_wait3A_654 = arith.constant 0 : i32
      %dma_wait3A_655 = arith.constant 0 : i32
      %dma_wait3A_656 = tpu.memref_slice %arg10[%dma_wait3A_654, %dma_wait3A_655] : memref<10240x128xf32, #tpu.memory_space<vmem_shared>> -> memref<10240x128xf32, #tpu.memory_space<vmem_shared>>
      tpu.wait_indirect_dma semaphore(%run_scoped3A_644 : memref<!tpu.dma_semaphore, #tpu.memory_space<semaphore_mem>>) src(%arg9 : memref<128x128xf32, #tpu.memory_space<vmem>>) dst(%dma_wait3A_656 : memref<10240x128xf32, #tpu.memory_space<vmem_shared>>)
      tpu.yield
    }) : () -> ()
    %dma_start3A_270 = arith.constant 17 : i32
    %dma_start3A_271 = arith.constant 0 : i32
    %dma_start3A_272 = tpu.memref_slice %arg6[%dma_start3A_270, %dma_start3A_271] : memref<40x128xi32, #tpu.memory_space<vmem>> -> memref<1x128xi32, #tpu.memory_space<vmem>>
    %dma_start3A_273 = tpu.memref_squeeze %dma_start3A_272 : memref<1x128xi32, #tpu.memory_space<vmem>> -> memref<128xi32, #tpu.memory_space<vmem>>
    %dma_start3A_274 = arith.constant 0 : i32
    %dma_start3A_275 = arith.constant 0 : i32
    %dma_start3A_276 = tpu.memref_slice %arg4[%dma_start3A_274, %dma_start3A_275] : memref<10000x128xf32, #tpu.memory_space<hbm>> -> memref<10000x128xf32, #tpu.memory_space<hbm>>
    tpu.enqueue_indirect_dma source(%dma_start3A_276 : memref<10000x128xf32, #tpu.memory_space<hbm>>) target(%arg9 : memref<128x128xf32, #tpu.memory_space<vmem>>) offsets(%dma_start3A_273 : memref<128xi32, #tpu.memory_space<vmem>>) semaphore(%arg12 : memref<!tpu.dma_semaphore, #tpu.memory_space<semaphore_mem>>)
    %dma_wait3A_277 = arith.constant 16 : i32
    %dma_wait3A_278 = arith.constant 0 : i32
    %dma_wait3A_279 = tpu.memref_slice %arg6[%dma_wait3A_277, %dma_wait3A_278] : memref<40x128xi32, #tpu.memory_space<vmem>> -> memref<1x128xi32, #tpu.memory_space<vmem>>
    %dma_wait3A_280 = tpu.memref_squeeze %dma_wait3A_279 : memref<1x128xi32, #tpu.memory_space<vmem>> -> memref<128xi32, #tpu.memory_space<vmem>>
    %dma_wait3A_281 = arith.constant 0 : i32
    %dma_wait3A_282 = arith.constant 0 : i32
    %dma_wait3A_283 = tpu.memref_slice %arg4[%dma_wait3A_281, %dma_wait3A_282] : memref<10000x128xf32, #tpu.memory_space<hbm>> -> memref<10000x128xf32, #tpu.memory_space<hbm>>
    tpu.wait_indirect_dma semaphore(%arg11 : memref<!tpu.dma_semaphore, #tpu.memory_space<semaphore_mem>>) src(%dma_wait3A_283 : memref<10000x128xf32, #tpu.memory_space<hbm>>) dst(%arg8 : memref<128x128xf32, #tpu.memory_space<vmem>>)
    %run_scoped3A_284 = arith.constant 16 : i32
    "tpu.region"() ({
      %run_scoped3A_644 = tpu.sem_alloc : memref<!tpu.dma_semaphore, #tpu.memory_space<semaphore_mem>>
      %dma_start3A_645 = arith.constant 0 : i32
      %dma_start3A_646 = tpu.memref_slice %arg7[%run_scoped3A_284, %dma_start3A_645] : memref<40x128xi32, #tpu.memory_space<vmem>> -> memref<1x128xi32, #tpu.memory_space<vmem>>
      %dma_start3A_647 = tpu.memref_squeeze %dma_start3A_646 : memref<1x128xi32, #tpu.memory_space<vmem>> -> memref<128xi32, #tpu.memory_space<vmem>>
      %dma_start3A_648 = arith.constant 0 : i32
      %dma_start3A_649 = arith.constant 0 : i32
      %dma_start3A_650 = tpu.memref_slice %arg10[%dma_start3A_648, %dma_start3A_649] : memref<10240x128xf32, #tpu.memory_space<vmem_shared>> -> memref<10240x128xf32, #tpu.memory_space<vmem_shared>>
      tpu.enqueue_indirect_dma source(%arg8 : memref<128x128xf32, #tpu.memory_space<vmem>>) target(%dma_start3A_650 : memref<10240x128xf32, #tpu.memory_space<vmem_shared>>) offsets(%dma_start3A_647 : memref<128xi32, #tpu.memory_space<vmem>>) semaphore(%run_scoped3A_644 : memref<!tpu.dma_semaphore, #tpu.memory_space<semaphore_mem>>) {add = true}
      %dma_wait3A_651 = arith.constant 0 : i32
      %dma_wait3A_652 = tpu.memref_slice %arg7[%run_scoped3A_284, %dma_wait3A_651] : memref<40x128xi32, #tpu.memory_space<vmem>> -> memref<1x128xi32, #tpu.memory_space<vmem>>
      %dma_wait3A_653 = tpu.memref_squeeze %dma_wait3A_652 : memref<1x128xi32, #tpu.memory_space<vmem>> -> memref<128xi32, #tpu.memory_space<vmem>>
      %dma_wait3A_654 = arith.constant 0 : i32
      %dma_wait3A_655 = arith.constant 0 : i32
      %dma_wait3A_656 = tpu.memref_slice %arg10[%dma_wait3A_654, %dma_wait3A_655] : memref<10240x128xf32, #tpu.memory_space<vmem_shared>> -> memref<10240x128xf32, #tpu.memory_space<vmem_shared>>
      tpu.wait_indirect_dma semaphore(%run_scoped3A_644 : memref<!tpu.dma_semaphore, #tpu.memory_space<semaphore_mem>>) src(%arg8 : memref<128x128xf32, #tpu.memory_space<vmem>>) dst(%dma_wait3A_656 : memref<10240x128xf32, #tpu.memory_space<vmem_shared>>)
      tpu.yield
    }) : () -> ()
    %dma_start3A_285 = arith.constant 18 : i32
    %dma_start3A_286 = arith.constant 0 : i32
    %dma_start3A_287 = tpu.memref_slice %arg6[%dma_start3A_285, %dma_start3A_286] : memref<40x128xi32, #tpu.memory_space<vmem>> -> memref<1x128xi32, #tpu.memory_space<vmem>>
    %dma_start3A_288 = tpu.memref_squeeze %dma_start3A_287 : memref<1x128xi32, #tpu.memory_space<vmem>> -> memref<128xi32, #tpu.memory_space<vmem>>
    %dma_start3A_289 = arith.constant 0 : i32
    %dma_start3A_290 = arith.constant 0 : i32
    %dma_start3A_291 = tpu.memref_slice %arg4[%dma_start3A_289, %dma_start3A_290] : memref<10000x128xf32, #tpu.memory_space<hbm>> -> memref<10000x128xf32, #tpu.memory_space<hbm>>
    tpu.enqueue_indirect_dma source(%dma_start3A_291 : memref<10000x128xf32, #tpu.memory_space<hbm>>) target(%arg8 : memref<128x128xf32, #tpu.memory_space<vmem>>) offsets(%dma_start3A_288 : memref<128xi32, #tpu.memory_space<vmem>>) semaphore(%arg11 : memref<!tpu.dma_semaphore, #tpu.memory_space<semaphore_mem>>)
    %dma_wait3A_292 = arith.constant 17 : i32
    %dma_wait3A_293 = arith.constant 0 : i32
    %dma_wait3A_294 = tpu.memref_slice %arg6[%dma_wait3A_292, %dma_wait3A_293] : memref<40x128xi32, #tpu.memory_space<vmem>> -> memref<1x128xi32, #tpu.memory_space<vmem>>
    %dma_wait3A_295 = tpu.memref_squeeze %dma_wait3A_294 : memref<1x128xi32, #tpu.memory_space<vmem>> -> memref<128xi32, #tpu.memory_space<vmem>>
    %dma_wait3A_296 = arith.constant 0 : i32
    %dma_wait3A_297 = arith.constant 0 : i32
    %dma_wait3A_298 = tpu.memref_slice %arg4[%dma_wait3A_296, %dma_wait3A_297] : memref<10000x128xf32, #tpu.memory_space<hbm>> -> memref<10000x128xf32, #tpu.memory_space<hbm>>
    tpu.wait_indirect_dma semaphore(%arg12 : memref<!tpu.dma_semaphore, #tpu.memory_space<semaphore_mem>>) src(%dma_wait3A_298 : memref<10000x128xf32, #tpu.memory_space<hbm>>) dst(%arg9 : memref<128x128xf32, #tpu.memory_space<vmem>>)
    %run_scoped3A_299 = arith.constant 17 : i32
    "tpu.region"() ({
      %run_scoped3A_644 = tpu.sem_alloc : memref<!tpu.dma_semaphore, #tpu.memory_space<semaphore_mem>>
      %dma_start3A_645 = arith.constant 0 : i32
      %dma_start3A_646 = tpu.memref_slice %arg7[%run_scoped3A_299, %dma_start3A_645] : memref<40x128xi32, #tpu.memory_space<vmem>> -> memref<1x128xi32, #tpu.memory_space<vmem>>
      %dma_start3A_647 = tpu.memref_squeeze %dma_start3A_646 : memref<1x128xi32, #tpu.memory_space<vmem>> -> memref<128xi32, #tpu.memory_space<vmem>>
      %dma_start3A_648 = arith.constant 0 : i32
      %dma_start3A_649 = arith.constant 0 : i32
      %dma_start3A_650 = tpu.memref_slice %arg10[%dma_start3A_648, %dma_start3A_649] : memref<10240x128xf32, #tpu.memory_space<vmem_shared>> -> memref<10240x128xf32, #tpu.memory_space<vmem_shared>>
      tpu.enqueue_indirect_dma source(%arg9 : memref<128x128xf32, #tpu.memory_space<vmem>>) target(%dma_start3A_650 : memref<10240x128xf32, #tpu.memory_space<vmem_shared>>) offsets(%dma_start3A_647 : memref<128xi32, #tpu.memory_space<vmem>>) semaphore(%run_scoped3A_644 : memref<!tpu.dma_semaphore, #tpu.memory_space<semaphore_mem>>) {add = true}
      %dma_wait3A_651 = arith.constant 0 : i32
      %dma_wait3A_652 = tpu.memref_slice %arg7[%run_scoped3A_299, %dma_wait3A_651] : memref<40x128xi32, #tpu.memory_space<vmem>> -> memref<1x128xi32, #tpu.memory_space<vmem>>
      %dma_wait3A_653 = tpu.memref_squeeze %dma_wait3A_652 : memref<1x128xi32, #tpu.memory_space<vmem>> -> memref<128xi32, #tpu.memory_space<vmem>>
      %dma_wait3A_654 = arith.constant 0 : i32
      %dma_wait3A_655 = arith.constant 0 : i32
      %dma_wait3A_656 = tpu.memref_slice %arg10[%dma_wait3A_654, %dma_wait3A_655] : memref<10240x128xf32, #tpu.memory_space<vmem_shared>> -> memref<10240x128xf32, #tpu.memory_space<vmem_shared>>
      tpu.wait_indirect_dma semaphore(%run_scoped3A_644 : memref<!tpu.dma_semaphore, #tpu.memory_space<semaphore_mem>>) src(%arg9 : memref<128x128xf32, #tpu.memory_space<vmem>>) dst(%dma_wait3A_656 : memref<10240x128xf32, #tpu.memory_space<vmem_shared>>)
      tpu.yield
    }) : () -> ()
    %dma_start3A_300 = arith.constant 19 : i32
    %dma_start3A_301 = arith.constant 0 : i32
    %dma_start3A_302 = tpu.memref_slice %arg6[%dma_start3A_300, %dma_start3A_301] : memref<40x128xi32, #tpu.memory_space<vmem>> -> memref<1x128xi32, #tpu.memory_space<vmem>>
    %dma_start3A_303 = tpu.memref_squeeze %dma_start3A_302 : memref<1x128xi32, #tpu.memory_space<vmem>> -> memref<128xi32, #tpu.memory_space<vmem>>
    %dma_start3A_304 = arith.constant 0 : i32
    %dma_start3A_305 = arith.constant 0 : i32
    %dma_start3A_306 = tpu.memref_slice %arg4[%dma_start3A_304, %dma_start3A_305] : memref<10000x128xf32, #tpu.memory_space<hbm>> -> memref<10000x128xf32, #tpu.memory_space<hbm>>
    tpu.enqueue_indirect_dma source(%dma_start3A_306 : memref<10000x128xf32, #tpu.memory_space<hbm>>) target(%arg9 : memref<128x128xf32, #tpu.memory_space<vmem>>) offsets(%dma_start3A_303 : memref<128xi32, #tpu.memory_space<vmem>>) semaphore(%arg12 : memref<!tpu.dma_semaphore, #tpu.memory_space<semaphore_mem>>)
    %dma_wait3A_307 = arith.constant 18 : i32
    %dma_wait3A_308 = arith.constant 0 : i32
    %dma_wait3A_309 = tpu.memref_slice %arg6[%dma_wait3A_307, %dma_wait3A_308] : memref<40x128xi32, #tpu.memory_space<vmem>> -> memref<1x128xi32, #tpu.memory_space<vmem>>
    %dma_wait3A_310 = tpu.memref_squeeze %dma_wait3A_309 : memref<1x128xi32, #tpu.memory_space<vmem>> -> memref<128xi32, #tpu.memory_space<vmem>>
    %dma_wait3A_311 = arith.constant 0 : i32
    %dma_wait3A_312 = arith.constant 0 : i32
    %dma_wait3A_313 = tpu.memref_slice %arg4[%dma_wait3A_311, %dma_wait3A_312] : memref<10000x128xf32, #tpu.memory_space<hbm>> -> memref<10000x128xf32, #tpu.memory_space<hbm>>
    tpu.wait_indirect_dma semaphore(%arg11 : memref<!tpu.dma_semaphore, #tpu.memory_space<semaphore_mem>>) src(%dma_wait3A_313 : memref<10000x128xf32, #tpu.memory_space<hbm>>) dst(%arg8 : memref<128x128xf32, #tpu.memory_space<vmem>>)
    %run_scoped3A_314 = arith.constant 18 : i32
    "tpu.region"() ({
      %run_scoped3A_644 = tpu.sem_alloc : memref<!tpu.dma_semaphore, #tpu.memory_space<semaphore_mem>>
      %dma_start3A_645 = arith.constant 0 : i32
      %dma_start3A_646 = tpu.memref_slice %arg7[%run_scoped3A_314, %dma_start3A_645] : memref<40x128xi32, #tpu.memory_space<vmem>> -> memref<1x128xi32, #tpu.memory_space<vmem>>
      %dma_start3A_647 = tpu.memref_squeeze %dma_start3A_646 : memref<1x128xi32, #tpu.memory_space<vmem>> -> memref<128xi32, #tpu.memory_space<vmem>>
      %dma_start3A_648 = arith.constant 0 : i32
      %dma_start3A_649 = arith.constant 0 : i32
      %dma_start3A_650 = tpu.memref_slice %arg10[%dma_start3A_648, %dma_start3A_649] : memref<10240x128xf32, #tpu.memory_space<vmem_shared>> -> memref<10240x128xf32, #tpu.memory_space<vmem_shared>>
      tpu.enqueue_indirect_dma source(%arg8 : memref<128x128xf32, #tpu.memory_space<vmem>>) target(%dma_start3A_650 : memref<10240x128xf32, #tpu.memory_space<vmem_shared>>) offsets(%dma_start3A_647 : memref<128xi32, #tpu.memory_space<vmem>>) semaphore(%run_scoped3A_644 : memref<!tpu.dma_semaphore, #tpu.memory_space<semaphore_mem>>) {add = true}
      %dma_wait3A_651 = arith.constant 0 : i32
      %dma_wait3A_652 = tpu.memref_slice %arg7[%run_scoped3A_314, %dma_wait3A_651] : memref<40x128xi32, #tpu.memory_space<vmem>> -> memref<1x128xi32, #tpu.memory_space<vmem>>
      %dma_wait3A_653 = tpu.memref_squeeze %dma_wait3A_652 : memref<1x128xi32, #tpu.memory_space<vmem>> -> memref<128xi32, #tpu.memory_space<vmem>>
      %dma_wait3A_654 = arith.constant 0 : i32
      %dma_wait3A_655 = arith.constant 0 : i32
      %dma_wait3A_656 = tpu.memref_slice %arg10[%dma_wait3A_654, %dma_wait3A_655] : memref<10240x128xf32, #tpu.memory_space<vmem_shared>> -> memref<10240x128xf32, #tpu.memory_space<vmem_shared>>
      tpu.wait_indirect_dma semaphore(%run_scoped3A_644 : memref<!tpu.dma_semaphore, #tpu.memory_space<semaphore_mem>>) src(%arg8 : memref<128x128xf32, #tpu.memory_space<vmem>>) dst(%dma_wait3A_656 : memref<10240x128xf32, #tpu.memory_space<vmem_shared>>)
      tpu.yield
    }) : () -> ()
    %dma_start3A_315 = arith.constant 20 : i32
    %dma_start3A_316 = arith.constant 0 : i32
    %dma_start3A_317 = tpu.memref_slice %arg6[%dma_start3A_315, %dma_start3A_316] : memref<40x128xi32, #tpu.memory_space<vmem>> -> memref<1x128xi32, #tpu.memory_space<vmem>>
    %dma_start3A_318 = tpu.memref_squeeze %dma_start3A_317 : memref<1x128xi32, #tpu.memory_space<vmem>> -> memref<128xi32, #tpu.memory_space<vmem>>
    %dma_start3A_319 = arith.constant 0 : i32
    %dma_start3A_320 = arith.constant 0 : i32
    %dma_start3A_321 = tpu.memref_slice %arg4[%dma_start3A_319, %dma_start3A_320] : memref<10000x128xf32, #tpu.memory_space<hbm>> -> memref<10000x128xf32, #tpu.memory_space<hbm>>
    tpu.enqueue_indirect_dma source(%dma_start3A_321 : memref<10000x128xf32, #tpu.memory_space<hbm>>) target(%arg8 : memref<128x128xf32, #tpu.memory_space<vmem>>) offsets(%dma_start3A_318 : memref<128xi32, #tpu.memory_space<vmem>>) semaphore(%arg11 : memref<!tpu.dma_semaphore, #tpu.memory_space<semaphore_mem>>)
    %dma_wait3A_322 = arith.constant 19 : i32
    %dma_wait3A_323 = arith.constant 0 : i32
    %dma_wait3A_324 = tpu.memref_slice %arg6[%dma_wait3A_322, %dma_wait3A_323] : memref<40x128xi32, #tpu.memory_space<vmem>> -> memref<1x128xi32, #tpu.memory_space<vmem>>
    %dma_wait3A_325 = tpu.memref_squeeze %dma_wait3A_324 : memref<1x128xi32, #tpu.memory_space<vmem>> -> memref<128xi32, #tpu.memory_space<vmem>>
    %dma_wait3A_326 = arith.constant 0 : i32
    %dma_wait3A_327 = arith.constant 0 : i32
    %dma_wait3A_328 = tpu.memref_slice %arg4[%dma_wait3A_326, %dma_wait3A_327] : memref<10000x128xf32, #tpu.memory_space<hbm>> -> memref<10000x128xf32, #tpu.memory_space<hbm>>
    tpu.wait_indirect_dma semaphore(%arg12 : memref<!tpu.dma_semaphore, #tpu.memory_space<semaphore_mem>>) src(%dma_wait3A_328 : memref<10000x128xf32, #tpu.memory_space<hbm>>) dst(%arg9 : memref<128x128xf32, #tpu.memory_space<vmem>>)
    %run_scoped3A_329 = arith.constant 19 : i32
    "tpu.region"() ({
      %run_scoped3A_644 = tpu.sem_alloc : memref<!tpu.dma_semaphore, #tpu.memory_space<semaphore_mem>>
      %dma_start3A_645 = arith.constant 0 : i32
      %dma_start3A_646 = tpu.memref_slice %arg7[%run_scoped3A_329, %dma_start3A_645] : memref<40x128xi32, #tpu.memory_space<vmem>> -> memref<1x128xi32, #tpu.memory_space<vmem>>
      %dma_start3A_647 = tpu.memref_squeeze %dma_start3A_646 : memref<1x128xi32, #tpu.memory_space<vmem>> -> memref<128xi32, #tpu.memory_space<vmem>>
      %dma_start3A_648 = arith.constant 0 : i32
      %dma_start3A_649 = arith.constant 0 : i32
      %dma_start3A_650 = tpu.memref_slice %arg10[%dma_start3A_648, %dma_start3A_649] : memref<10240x128xf32, #tpu.memory_space<vmem_shared>> -> memref<10240x128xf32, #tpu.memory_space<vmem_shared>>
      tpu.enqueue_indirect_dma source(%arg9 : memref<128x128xf32, #tpu.memory_space<vmem>>) target(%dma_start3A_650 : memref<10240x128xf32, #tpu.memory_space<vmem_shared>>) offsets(%dma_start3A_647 : memref<128xi32, #tpu.memory_space<vmem>>) semaphore(%run_scoped3A_644 : memref<!tpu.dma_semaphore, #tpu.memory_space<semaphore_mem>>) {add = true}
      %dma_wait3A_651 = arith.constant 0 : i32
      %dma_wait3A_652 = tpu.memref_slice %arg7[%run_scoped3A_329, %dma_wait3A_651] : memref<40x128xi32, #tpu.memory_space<vmem>> -> memref<1x128xi32, #tpu.memory_space<vmem>>
      %dma_wait3A_653 = tpu.memref_squeeze %dma_wait3A_652 : memref<1x128xi32, #tpu.memory_space<vmem>> -> memref<128xi32, #tpu.memory_space<vmem>>
      %dma_wait3A_654 = arith.constant 0 : i32
      %dma_wait3A_655 = arith.constant 0 : i32
      %dma_wait3A_656 = tpu.memref_slice %arg10[%dma_wait3A_654, %dma_wait3A_655] : memref<10240x128xf32, #tpu.memory_space<vmem_shared>> -> memref<10240x128xf32, #tpu.memory_space<vmem_shared>>
      tpu.wait_indirect_dma semaphore(%run_scoped3A_644 : memref<!tpu.dma_semaphore, #tpu.memory_space<semaphore_mem>>) src(%arg9 : memref<128x128xf32, #tpu.memory_space<vmem>>) dst(%dma_wait3A_656 : memref<10240x128xf32, #tpu.memory_space<vmem_shared>>)
      tpu.yield
    }) : () -> ()
    %dma_start3A_330 = arith.constant 21 : i32
    %dma_start3A_331 = arith.constant 0 : i32
    %dma_start3A_332 = tpu.memref_slice %arg6[%dma_start3A_330, %dma_start3A_331] : memref<40x128xi32, #tpu.memory_space<vmem>> -> memref<1x128xi32, #tpu.memory_space<vmem>>
    %dma_start3A_333 = tpu.memref_squeeze %dma_start3A_332 : memref<1x128xi32, #tpu.memory_space<vmem>> -> memref<128xi32, #tpu.memory_space<vmem>>
    %dma_start3A_334 = arith.constant 0 : i32
    %dma_start3A_335 = arith.constant 0 : i32
    %dma_start3A_336 = tpu.memref_slice %arg4[%dma_start3A_334, %dma_start3A_335] : memref<10000x128xf32, #tpu.memory_space<hbm>> -> memref<10000x128xf32, #tpu.memory_space<hbm>>
    tpu.enqueue_indirect_dma source(%dma_start3A_336 : memref<10000x128xf32, #tpu.memory_space<hbm>>) target(%arg9 : memref<128x128xf32, #tpu.memory_space<vmem>>) offsets(%dma_start3A_333 : memref<128xi32, #tpu.memory_space<vmem>>) semaphore(%arg12 : memref<!tpu.dma_semaphore, #tpu.memory_space<semaphore_mem>>)
    %dma_wait3A_337 = arith.constant 20 : i32
    %dma_wait3A_338 = arith.constant 0 : i32
    %dma_wait3A_339 = tpu.memref_slice %arg6[%dma_wait3A_337, %dma_wait3A_338] : memref<40x128xi32, #tpu.memory_space<vmem>> -> memref<1x128xi32, #tpu.memory_space<vmem>>
    %dma_wait3A_340 = tpu.memref_squeeze %dma_wait3A_339 : memref<1x128xi32, #tpu.memory_space<vmem>> -> memref<128xi32, #tpu.memory_space<vmem>>
    %dma_wait3A_341 = arith.constant 0 : i32
    %dma_wait3A_342 = arith.constant 0 : i32
    %dma_wait3A_343 = tpu.memref_slice %arg4[%dma_wait3A_341, %dma_wait3A_342] : memref<10000x128xf32, #tpu.memory_space<hbm>> -> memref<10000x128xf32, #tpu.memory_space<hbm>>
    tpu.wait_indirect_dma semaphore(%arg11 : memref<!tpu.dma_semaphore, #tpu.memory_space<semaphore_mem>>) src(%dma_wait3A_343 : memref<10000x128xf32, #tpu.memory_space<hbm>>) dst(%arg8 : memref<128x128xf32, #tpu.memory_space<vmem>>)
    %run_scoped3A_344 = arith.constant 20 : i32
    "tpu.region"() ({
      %run_scoped3A_644 = tpu.sem_alloc : memref<!tpu.dma_semaphore, #tpu.memory_space<semaphore_mem>>
      %dma_start3A_645 = arith.constant 0 : i32
      %dma_start3A_646 = tpu.memref_slice %arg7[%run_scoped3A_344, %dma_start3A_645] : memref<40x128xi32, #tpu.memory_space<vmem>> -> memref<1x128xi32, #tpu.memory_space<vmem>>
      %dma_start3A_647 = tpu.memref_squeeze %dma_start3A_646 : memref<1x128xi32, #tpu.memory_space<vmem>> -> memref<128xi32, #tpu.memory_space<vmem>>
      %dma_start3A_648 = arith.constant 0 : i32
      %dma_start3A_649 = arith.constant 0 : i32
      %dma_start3A_650 = tpu.memref_slice %arg10[%dma_start3A_648, %dma_start3A_649] : memref<10240x128xf32, #tpu.memory_space<vmem_shared>> -> memref<10240x128xf32, #tpu.memory_space<vmem_shared>>
      tpu.enqueue_indirect_dma source(%arg8 : memref<128x128xf32, #tpu.memory_space<vmem>>) target(%dma_start3A_650 : memref<10240x128xf32, #tpu.memory_space<vmem_shared>>) offsets(%dma_start3A_647 : memref<128xi32, #tpu.memory_space<vmem>>) semaphore(%run_scoped3A_644 : memref<!tpu.dma_semaphore, #tpu.memory_space<semaphore_mem>>) {add = true}
      %dma_wait3A_651 = arith.constant 0 : i32
      %dma_wait3A_652 = tpu.memref_slice %arg7[%run_scoped3A_344, %dma_wait3A_651] : memref<40x128xi32, #tpu.memory_space<vmem>> -> memref<1x128xi32, #tpu.memory_space<vmem>>
      %dma_wait3A_653 = tpu.memref_squeeze %dma_wait3A_652 : memref<1x128xi32, #tpu.memory_space<vmem>> -> memref<128xi32, #tpu.memory_space<vmem>>
      %dma_wait3A_654 = arith.constant 0 : i32
      %dma_wait3A_655 = arith.constant 0 : i32
      %dma_wait3A_656 = tpu.memref_slice %arg10[%dma_wait3A_654, %dma_wait3A_655] : memref<10240x128xf32, #tpu.memory_space<vmem_shared>> -> memref<10240x128xf32, #tpu.memory_space<vmem_shared>>
      tpu.wait_indirect_dma semaphore(%run_scoped3A_644 : memref<!tpu.dma_semaphore, #tpu.memory_space<semaphore_mem>>) src(%arg8 : memref<128x128xf32, #tpu.memory_space<vmem>>) dst(%dma_wait3A_656 : memref<10240x128xf32, #tpu.memory_space<vmem_shared>>)
      tpu.yield
    }) : () -> ()
    %dma_start3A_345 = arith.constant 22 : i32
    %dma_start3A_346 = arith.constant 0 : i32
    %dma_start3A_347 = tpu.memref_slice %arg6[%dma_start3A_345, %dma_start3A_346] : memref<40x128xi32, #tpu.memory_space<vmem>> -> memref<1x128xi32, #tpu.memory_space<vmem>>
    %dma_start3A_348 = tpu.memref_squeeze %dma_start3A_347 : memref<1x128xi32, #tpu.memory_space<vmem>> -> memref<128xi32, #tpu.memory_space<vmem>>
    %dma_start3A_349 = arith.constant 0 : i32
    %dma_start3A_350 = arith.constant 0 : i32
    %dma_start3A_351 = tpu.memref_slice %arg4[%dma_start3A_349, %dma_start3A_350] : memref<10000x128xf32, #tpu.memory_space<hbm>> -> memref<10000x128xf32, #tpu.memory_space<hbm>>
    tpu.enqueue_indirect_dma source(%dma_start3A_351 : memref<10000x128xf32, #tpu.memory_space<hbm>>) target(%arg8 : memref<128x128xf32, #tpu.memory_space<vmem>>) offsets(%dma_start3A_348 : memref<128xi32, #tpu.memory_space<vmem>>) semaphore(%arg11 : memref<!tpu.dma_semaphore, #tpu.memory_space<semaphore_mem>>)
    %dma_wait3A_352 = arith.constant 21 : i32
    %dma_wait3A_353 = arith.constant 0 : i32
    %dma_wait3A_354 = tpu.memref_slice %arg6[%dma_wait3A_352, %dma_wait3A_353] : memref<40x128xi32, #tpu.memory_space<vmem>> -> memref<1x128xi32, #tpu.memory_space<vmem>>
    %dma_wait3A_355 = tpu.memref_squeeze %dma_wait3A_354 : memref<1x128xi32, #tpu.memory_space<vmem>> -> memref<128xi32, #tpu.memory_space<vmem>>
    %dma_wait3A_356 = arith.constant 0 : i32
    %dma_wait3A_357 = arith.constant 0 : i32
    %dma_wait3A_358 = tpu.memref_slice %arg4[%dma_wait3A_356, %dma_wait3A_357] : memref<10000x128xf32, #tpu.memory_space<hbm>> -> memref<10000x128xf32, #tpu.memory_space<hbm>>
    tpu.wait_indirect_dma semaphore(%arg12 : memref<!tpu.dma_semaphore, #tpu.memory_space<semaphore_mem>>) src(%dma_wait3A_358 : memref<10000x128xf32, #tpu.memory_space<hbm>>) dst(%arg9 : memref<128x128xf32, #tpu.memory_space<vmem>>)
    %run_scoped3A_359 = arith.constant 21 : i32
    "tpu.region"() ({
      %run_scoped3A_644 = tpu.sem_alloc : memref<!tpu.dma_semaphore, #tpu.memory_space<semaphore_mem>>
      %dma_start3A_645 = arith.constant 0 : i32
      %dma_start3A_646 = tpu.memref_slice %arg7[%run_scoped3A_359, %dma_start3A_645] : memref<40x128xi32, #tpu.memory_space<vmem>> -> memref<1x128xi32, #tpu.memory_space<vmem>>
      %dma_start3A_647 = tpu.memref_squeeze %dma_start3A_646 : memref<1x128xi32, #tpu.memory_space<vmem>> -> memref<128xi32, #tpu.memory_space<vmem>>
      %dma_start3A_648 = arith.constant 0 : i32
      %dma_start3A_649 = arith.constant 0 : i32
      %dma_start3A_650 = tpu.memref_slice %arg10[%dma_start3A_648, %dma_start3A_649] : memref<10240x128xf32, #tpu.memory_space<vmem_shared>> -> memref<10240x128xf32, #tpu.memory_space<vmem_shared>>
      tpu.enqueue_indirect_dma source(%arg9 : memref<128x128xf32, #tpu.memory_space<vmem>>) target(%dma_start3A_650 : memref<10240x128xf32, #tpu.memory_space<vmem_shared>>) offsets(%dma_start3A_647 : memref<128xi32, #tpu.memory_space<vmem>>) semaphore(%run_scoped3A_644 : memref<!tpu.dma_semaphore, #tpu.memory_space<semaphore_mem>>) {add = true}
      %dma_wait3A_651 = arith.constant 0 : i32
      %dma_wait3A_652 = tpu.memref_slice %arg7[%run_scoped3A_359, %dma_wait3A_651] : memref<40x128xi32, #tpu.memory_space<vmem>> -> memref<1x128xi32, #tpu.memory_space<vmem>>
      %dma_wait3A_653 = tpu.memref_squeeze %dma_wait3A_652 : memref<1x128xi32, #tpu.memory_space<vmem>> -> memref<128xi32, #tpu.memory_space<vmem>>
      %dma_wait3A_654 = arith.constant 0 : i32
      %dma_wait3A_655 = arith.constant 0 : i32
      %dma_wait3A_656 = tpu.memref_slice %arg10[%dma_wait3A_654, %dma_wait3A_655] : memref<10240x128xf32, #tpu.memory_space<vmem_shared>> -> memref<10240x128xf32, #tpu.memory_space<vmem_shared>>
      tpu.wait_indirect_dma semaphore(%run_scoped3A_644 : memref<!tpu.dma_semaphore, #tpu.memory_space<semaphore_mem>>) src(%arg9 : memref<128x128xf32, #tpu.memory_space<vmem>>) dst(%dma_wait3A_656 : memref<10240x128xf32, #tpu.memory_space<vmem_shared>>)
      tpu.yield
    }) : () -> ()
    %dma_start3A_360 = arith.constant 23 : i32
    %dma_start3A_361 = arith.constant 0 : i32
    %dma_start3A_362 = tpu.memref_slice %arg6[%dma_start3A_360, %dma_start3A_361] : memref<40x128xi32, #tpu.memory_space<vmem>> -> memref<1x128xi32, #tpu.memory_space<vmem>>
    %dma_start3A_363 = tpu.memref_squeeze %dma_start3A_362 : memref<1x128xi32, #tpu.memory_space<vmem>> -> memref<128xi32, #tpu.memory_space<vmem>>
    %dma_start3A_364 = arith.constant 0 : i32
    %dma_start3A_365 = arith.constant 0 : i32
    %dma_start3A_366 = tpu.memref_slice %arg4[%dma_start3A_364, %dma_start3A_365] : memref<10000x128xf32, #tpu.memory_space<hbm>> -> memref<10000x128xf32, #tpu.memory_space<hbm>>
    tpu.enqueue_indirect_dma source(%dma_start3A_366 : memref<10000x128xf32, #tpu.memory_space<hbm>>) target(%arg9 : memref<128x128xf32, #tpu.memory_space<vmem>>) offsets(%dma_start3A_363 : memref<128xi32, #tpu.memory_space<vmem>>) semaphore(%arg12 : memref<!tpu.dma_semaphore, #tpu.memory_space<semaphore_mem>>)
    %dma_wait3A_367 = arith.constant 22 : i32
    %dma_wait3A_368 = arith.constant 0 : i32
    %dma_wait3A_369 = tpu.memref_slice %arg6[%dma_wait3A_367, %dma_wait3A_368] : memref<40x128xi32, #tpu.memory_space<vmem>> -> memref<1x128xi32, #tpu.memory_space<vmem>>
    %dma_wait3A_370 = tpu.memref_squeeze %dma_wait3A_369 : memref<1x128xi32, #tpu.memory_space<vmem>> -> memref<128xi32, #tpu.memory_space<vmem>>
    %dma_wait3A_371 = arith.constant 0 : i32
    %dma_wait3A_372 = arith.constant 0 : i32
    %dma_wait3A_373 = tpu.memref_slice %arg4[%dma_wait3A_371, %dma_wait3A_372] : memref<10000x128xf32, #tpu.memory_space<hbm>> -> memref<10000x128xf32, #tpu.memory_space<hbm>>
    tpu.wait_indirect_dma semaphore(%arg11 : memref<!tpu.dma_semaphore, #tpu.memory_space<semaphore_mem>>) src(%dma_wait3A_373 : memref<10000x128xf32, #tpu.memory_space<hbm>>) dst(%arg8 : memref<128x128xf32, #tpu.memory_space<vmem>>)
    %run_scoped3A_374 = arith.constant 22 : i32
    "tpu.region"() ({
      %run_scoped3A_644 = tpu.sem_alloc : memref<!tpu.dma_semaphore, #tpu.memory_space<semaphore_mem>>
      %dma_start3A_645 = arith.constant 0 : i32
      %dma_start3A_646 = tpu.memref_slice %arg7[%run_scoped3A_374, %dma_start3A_645] : memref<40x128xi32, #tpu.memory_space<vmem>> -> memref<1x128xi32, #tpu.memory_space<vmem>>
      %dma_start3A_647 = tpu.memref_squeeze %dma_start3A_646 : memref<1x128xi32, #tpu.memory_space<vmem>> -> memref<128xi32, #tpu.memory_space<vmem>>
      %dma_start3A_648 = arith.constant 0 : i32
      %dma_start3A_649 = arith.constant 0 : i32
      %dma_start3A_650 = tpu.memref_slice %arg10[%dma_start3A_648, %dma_start3A_649] : memref<10240x128xf32, #tpu.memory_space<vmem_shared>> -> memref<10240x128xf32, #tpu.memory_space<vmem_shared>>
      tpu.enqueue_indirect_dma source(%arg8 : memref<128x128xf32, #tpu.memory_space<vmem>>) target(%dma_start3A_650 : memref<10240x128xf32, #tpu.memory_space<vmem_shared>>) offsets(%dma_start3A_647 : memref<128xi32, #tpu.memory_space<vmem>>) semaphore(%run_scoped3A_644 : memref<!tpu.dma_semaphore, #tpu.memory_space<semaphore_mem>>) {add = true}
      %dma_wait3A_651 = arith.constant 0 : i32
      %dma_wait3A_652 = tpu.memref_slice %arg7[%run_scoped3A_374, %dma_wait3A_651] : memref<40x128xi32, #tpu.memory_space<vmem>> -> memref<1x128xi32, #tpu.memory_space<vmem>>
      %dma_wait3A_653 = tpu.memref_squeeze %dma_wait3A_652 : memref<1x128xi32, #tpu.memory_space<vmem>> -> memref<128xi32, #tpu.memory_space<vmem>>
      %dma_wait3A_654 = arith.constant 0 : i32
      %dma_wait3A_655 = arith.constant 0 : i32
      %dma_wait3A_656 = tpu.memref_slice %arg10[%dma_wait3A_654, %dma_wait3A_655] : memref<10240x128xf32, #tpu.memory_space<vmem_shared>> -> memref<10240x128xf32, #tpu.memory_space<vmem_shared>>
      tpu.wait_indirect_dma semaphore(%run_scoped3A_644 : memref<!tpu.dma_semaphore, #tpu.memory_space<semaphore_mem>>) src(%arg8 : memref<128x128xf32, #tpu.memory_space<vmem>>) dst(%dma_wait3A_656 : memref<10240x128xf32, #tpu.memory_space<vmem_shared>>)
      tpu.yield
    }) : () -> ()
    %dma_start3A_375 = arith.constant 24 : i32
    %dma_start3A_376 = arith.constant 0 : i32
    %dma_start3A_377 = tpu.memref_slice %arg6[%dma_start3A_375, %dma_start3A_376] : memref<40x128xi32, #tpu.memory_space<vmem>> -> memref<1x128xi32, #tpu.memory_space<vmem>>
    %dma_start3A_378 = tpu.memref_squeeze %dma_start3A_377 : memref<1x128xi32, #tpu.memory_space<vmem>> -> memref<128xi32, #tpu.memory_space<vmem>>
    %dma_start3A_379 = arith.constant 0 : i32
    %dma_start3A_380 = arith.constant 0 : i32
    %dma_start3A_381 = tpu.memref_slice %arg4[%dma_start3A_379, %dma_start3A_380] : memref<10000x128xf32, #tpu.memory_space<hbm>> -> memref<10000x128xf32, #tpu.memory_space<hbm>>
    tpu.enqueue_indirect_dma source(%dma_start3A_381 : memref<10000x128xf32, #tpu.memory_space<hbm>>) target(%arg8 : memref<128x128xf32, #tpu.memory_space<vmem>>) offsets(%dma_start3A_378 : memref<128xi32, #tpu.memory_space<vmem>>) semaphore(%arg11 : memref<!tpu.dma_semaphore, #tpu.memory_space<semaphore_mem>>)
    %dma_wait3A_382 = arith.constant 23 : i32
    %dma_wait3A_383 = arith.constant 0 : i32
    %dma_wait3A_384 = tpu.memref_slice %arg6[%dma_wait3A_382, %dma_wait3A_383] : memref<40x128xi32, #tpu.memory_space<vmem>> -> memref<1x128xi32, #tpu.memory_space<vmem>>
    %dma_wait3A_385 = tpu.memref_squeeze %dma_wait3A_384 : memref<1x128xi32, #tpu.memory_space<vmem>> -> memref<128xi32, #tpu.memory_space<vmem>>
    %dma_wait3A_386 = arith.constant 0 : i32
    %dma_wait3A_387 = arith.constant 0 : i32
    %dma_wait3A_388 = tpu.memref_slice %arg4[%dma_wait3A_386, %dma_wait3A_387] : memref<10000x128xf32, #tpu.memory_space<hbm>> -> memref<10000x128xf32, #tpu.memory_space<hbm>>
    tpu.wait_indirect_dma semaphore(%arg12 : memref<!tpu.dma_semaphore, #tpu.memory_space<semaphore_mem>>) src(%dma_wait3A_388 : memref<10000x128xf32, #tpu.memory_space<hbm>>) dst(%arg9 : memref<128x128xf32, #tpu.memory_space<vmem>>)
    %run_scoped3A_389 = arith.constant 23 : i32
    "tpu.region"() ({
      %run_scoped3A_644 = tpu.sem_alloc : memref<!tpu.dma_semaphore, #tpu.memory_space<semaphore_mem>>
      %dma_start3A_645 = arith.constant 0 : i32
      %dma_start3A_646 = tpu.memref_slice %arg7[%run_scoped3A_389, %dma_start3A_645] : memref<40x128xi32, #tpu.memory_space<vmem>> -> memref<1x128xi32, #tpu.memory_space<vmem>>
      %dma_start3A_647 = tpu.memref_squeeze %dma_start3A_646 : memref<1x128xi32, #tpu.memory_space<vmem>> -> memref<128xi32, #tpu.memory_space<vmem>>
      %dma_start3A_648 = arith.constant 0 : i32
      %dma_start3A_649 = arith.constant 0 : i32
      %dma_start3A_650 = tpu.memref_slice %arg10[%dma_start3A_648, %dma_start3A_649] : memref<10240x128xf32, #tpu.memory_space<vmem_shared>> -> memref<10240x128xf32, #tpu.memory_space<vmem_shared>>
      tpu.enqueue_indirect_dma source(%arg9 : memref<128x128xf32, #tpu.memory_space<vmem>>) target(%dma_start3A_650 : memref<10240x128xf32, #tpu.memory_space<vmem_shared>>) offsets(%dma_start3A_647 : memref<128xi32, #tpu.memory_space<vmem>>) semaphore(%run_scoped3A_644 : memref<!tpu.dma_semaphore, #tpu.memory_space<semaphore_mem>>) {add = true}
      %dma_wait3A_651 = arith.constant 0 : i32
      %dma_wait3A_652 = tpu.memref_slice %arg7[%run_scoped3A_389, %dma_wait3A_651] : memref<40x128xi32, #tpu.memory_space<vmem>> -> memref<1x128xi32, #tpu.memory_space<vmem>>
      %dma_wait3A_653 = tpu.memref_squeeze %dma_wait3A_652 : memref<1x128xi32, #tpu.memory_space<vmem>> -> memref<128xi32, #tpu.memory_space<vmem>>
      %dma_wait3A_654 = arith.constant 0 : i32
      %dma_wait3A_655 = arith.constant 0 : i32
      %dma_wait3A_656 = tpu.memref_slice %arg10[%dma_wait3A_654, %dma_wait3A_655] : memref<10240x128xf32, #tpu.memory_space<vmem_shared>> -> memref<10240x128xf32, #tpu.memory_space<vmem_shared>>
      tpu.wait_indirect_dma semaphore(%run_scoped3A_644 : memref<!tpu.dma_semaphore, #tpu.memory_space<semaphore_mem>>) src(%arg9 : memref<128x128xf32, #tpu.memory_space<vmem>>) dst(%dma_wait3A_656 : memref<10240x128xf32, #tpu.memory_space<vmem_shared>>)
      tpu.yield
    }) : () -> ()
    %dma_start3A_390 = arith.constant 25 : i32
    %dma_start3A_391 = arith.constant 0 : i32
    %dma_start3A_392 = tpu.memref_slice %arg6[%dma_start3A_390, %dma_start3A_391] : memref<40x128xi32, #tpu.memory_space<vmem>> -> memref<1x128xi32, #tpu.memory_space<vmem>>
    %dma_start3A_393 = tpu.memref_squeeze %dma_start3A_392 : memref<1x128xi32, #tpu.memory_space<vmem>> -> memref<128xi32, #tpu.memory_space<vmem>>
    %dma_start3A_394 = arith.constant 0 : i32
    %dma_start3A_395 = arith.constant 0 : i32
    %dma_start3A_396 = tpu.memref_slice %arg4[%dma_start3A_394, %dma_start3A_395] : memref<10000x128xf32, #tpu.memory_space<hbm>> -> memref<10000x128xf32, #tpu.memory_space<hbm>>
    tpu.enqueue_indirect_dma source(%dma_start3A_396 : memref<10000x128xf32, #tpu.memory_space<hbm>>) target(%arg9 : memref<128x128xf32, #tpu.memory_space<vmem>>) offsets(%dma_start3A_393 : memref<128xi32, #tpu.memory_space<vmem>>) semaphore(%arg12 : memref<!tpu.dma_semaphore, #tpu.memory_space<semaphore_mem>>)
    %dma_wait3A_397 = arith.constant 24 : i32
    %dma_wait3A_398 = arith.constant 0 : i32
    %dma_wait3A_399 = tpu.memref_slice %arg6[%dma_wait3A_397, %dma_wait3A_398] : memref<40x128xi32, #tpu.memory_space<vmem>> -> memref<1x128xi32, #tpu.memory_space<vmem>>
    %dma_wait3A_400 = tpu.memref_squeeze %dma_wait3A_399 : memref<1x128xi32, #tpu.memory_space<vmem>> -> memref<128xi32, #tpu.memory_space<vmem>>
    %dma_wait3A_401 = arith.constant 0 : i32
    %dma_wait3A_402 = arith.constant 0 : i32
    %dma_wait3A_403 = tpu.memref_slice %arg4[%dma_wait3A_401, %dma_wait3A_402] : memref<10000x128xf32, #tpu.memory_space<hbm>> -> memref<10000x128xf32, #tpu.memory_space<hbm>>
    tpu.wait_indirect_dma semaphore(%arg11 : memref<!tpu.dma_semaphore, #tpu.memory_space<semaphore_mem>>) src(%dma_wait3A_403 : memref<10000x128xf32, #tpu.memory_space<hbm>>) dst(%arg8 : memref<128x128xf32, #tpu.memory_space<vmem>>)
    %run_scoped3A_404 = arith.constant 24 : i32
    "tpu.region"() ({
      %run_scoped3A_644 = tpu.sem_alloc : memref<!tpu.dma_semaphore, #tpu.memory_space<semaphore_mem>>
      %dma_start3A_645 = arith.constant 0 : i32
      %dma_start3A_646 = tpu.memref_slice %arg7[%run_scoped3A_404, %dma_start3A_645] : memref<40x128xi32, #tpu.memory_space<vmem>> -> memref<1x128xi32, #tpu.memory_space<vmem>>
      %dma_start3A_647 = tpu.memref_squeeze %dma_start3A_646 : memref<1x128xi32, #tpu.memory_space<vmem>> -> memref<128xi32, #tpu.memory_space<vmem>>
      %dma_start3A_648 = arith.constant 0 : i32
      %dma_start3A_649 = arith.constant 0 : i32
      %dma_start3A_650 = tpu.memref_slice %arg10[%dma_start3A_648, %dma_start3A_649] : memref<10240x128xf32, #tpu.memory_space<vmem_shared>> -> memref<10240x128xf32, #tpu.memory_space<vmem_shared>>
      tpu.enqueue_indirect_dma source(%arg8 : memref<128x128xf32, #tpu.memory_space<vmem>>) target(%dma_start3A_650 : memref<10240x128xf32, #tpu.memory_space<vmem_shared>>) offsets(%dma_start3A_647 : memref<128xi32, #tpu.memory_space<vmem>>) semaphore(%run_scoped3A_644 : memref<!tpu.dma_semaphore, #tpu.memory_space<semaphore_mem>>) {add = true}
      %dma_wait3A_651 = arith.constant 0 : i32
      %dma_wait3A_652 = tpu.memref_slice %arg7[%run_scoped3A_404, %dma_wait3A_651] : memref<40x128xi32, #tpu.memory_space<vmem>> -> memref<1x128xi32, #tpu.memory_space<vmem>>
      %dma_wait3A_653 = tpu.memref_squeeze %dma_wait3A_652 : memref<1x128xi32, #tpu.memory_space<vmem>> -> memref<128xi32, #tpu.memory_space<vmem>>
      %dma_wait3A_654 = arith.constant 0 : i32
      %dma_wait3A_655 = arith.constant 0 : i32
      %dma_wait3A_656 = tpu.memref_slice %arg10[%dma_wait3A_654, %dma_wait3A_655] : memref<10240x128xf32, #tpu.memory_space<vmem_shared>> -> memref<10240x128xf32, #tpu.memory_space<vmem_shared>>
      tpu.wait_indirect_dma semaphore(%run_scoped3A_644 : memref<!tpu.dma_semaphore, #tpu.memory_space<semaphore_mem>>) src(%arg8 : memref<128x128xf32, #tpu.memory_space<vmem>>) dst(%dma_wait3A_656 : memref<10240x128xf32, #tpu.memory_space<vmem_shared>>)
      tpu.yield
    }) : () -> ()
    %dma_start3A_405 = arith.constant 26 : i32
    %dma_start3A_406 = arith.constant 0 : i32
    %dma_start3A_407 = tpu.memref_slice %arg6[%dma_start3A_405, %dma_start3A_406] : memref<40x128xi32, #tpu.memory_space<vmem>> -> memref<1x128xi32, #tpu.memory_space<vmem>>
    %dma_start3A_408 = tpu.memref_squeeze %dma_start3A_407 : memref<1x128xi32, #tpu.memory_space<vmem>> -> memref<128xi32, #tpu.memory_space<vmem>>
    %dma_start3A_409 = arith.constant 0 : i32
    %dma_start3A_410 = arith.constant 0 : i32
    %dma_start3A_411 = tpu.memref_slice %arg4[%dma_start3A_409, %dma_start3A_410] : memref<10000x128xf32, #tpu.memory_space<hbm>> -> memref<10000x128xf32, #tpu.memory_space<hbm>>
    tpu.enqueue_indirect_dma source(%dma_start3A_411 : memref<10000x128xf32, #tpu.memory_space<hbm>>) target(%arg8 : memref<128x128xf32, #tpu.memory_space<vmem>>) offsets(%dma_start3A_408 : memref<128xi32, #tpu.memory_space<vmem>>) semaphore(%arg11 : memref<!tpu.dma_semaphore, #tpu.memory_space<semaphore_mem>>)
    %dma_wait3A_412 = arith.constant 25 : i32
    %dma_wait3A_413 = arith.constant 0 : i32
    %dma_wait3A_414 = tpu.memref_slice %arg6[%dma_wait3A_412, %dma_wait3A_413] : memref<40x128xi32, #tpu.memory_space<vmem>> -> memref<1x128xi32, #tpu.memory_space<vmem>>
    %dma_wait3A_415 = tpu.memref_squeeze %dma_wait3A_414 : memref<1x128xi32, #tpu.memory_space<vmem>> -> memref<128xi32, #tpu.memory_space<vmem>>
    %dma_wait3A_416 = arith.constant 0 : i32
    %dma_wait3A_417 = arith.constant 0 : i32
    %dma_wait3A_418 = tpu.memref_slice %arg4[%dma_wait3A_416, %dma_wait3A_417] : memref<10000x128xf32, #tpu.memory_space<hbm>> -> memref<10000x128xf32, #tpu.memory_space<hbm>>
    tpu.wait_indirect_dma semaphore(%arg12 : memref<!tpu.dma_semaphore, #tpu.memory_space<semaphore_mem>>) src(%dma_wait3A_418 : memref<10000x128xf32, #tpu.memory_space<hbm>>) dst(%arg9 : memref<128x128xf32, #tpu.memory_space<vmem>>)
    %run_scoped3A_419 = arith.constant 25 : i32
    "tpu.region"() ({
      %run_scoped3A_644 = tpu.sem_alloc : memref<!tpu.dma_semaphore, #tpu.memory_space<semaphore_mem>>
      %dma_start3A_645 = arith.constant 0 : i32
      %dma_start3A_646 = tpu.memref_slice %arg7[%run_scoped3A_419, %dma_start3A_645] : memref<40x128xi32, #tpu.memory_space<vmem>> -> memref<1x128xi32, #tpu.memory_space<vmem>>
      %dma_start3A_647 = tpu.memref_squeeze %dma_start3A_646 : memref<1x128xi32, #tpu.memory_space<vmem>> -> memref<128xi32, #tpu.memory_space<vmem>>
      %dma_start3A_648 = arith.constant 0 : i32
      %dma_start3A_649 = arith.constant 0 : i32
      %dma_start3A_650 = tpu.memref_slice %arg10[%dma_start3A_648, %dma_start3A_649] : memref<10240x128xf32, #tpu.memory_space<vmem_shared>> -> memref<10240x128xf32, #tpu.memory_space<vmem_shared>>
      tpu.enqueue_indirect_dma source(%arg9 : memref<128x128xf32, #tpu.memory_space<vmem>>) target(%dma_start3A_650 : memref<10240x128xf32, #tpu.memory_space<vmem_shared>>) offsets(%dma_start3A_647 : memref<128xi32, #tpu.memory_space<vmem>>) semaphore(%run_scoped3A_644 : memref<!tpu.dma_semaphore, #tpu.memory_space<semaphore_mem>>) {add = true}
      %dma_wait3A_651 = arith.constant 0 : i32
      %dma_wait3A_652 = tpu.memref_slice %arg7[%run_scoped3A_419, %dma_wait3A_651] : memref<40x128xi32, #tpu.memory_space<vmem>> -> memref<1x128xi32, #tpu.memory_space<vmem>>
      %dma_wait3A_653 = tpu.memref_squeeze %dma_wait3A_652 : memref<1x128xi32, #tpu.memory_space<vmem>> -> memref<128xi32, #tpu.memory_space<vmem>>
      %dma_wait3A_654 = arith.constant 0 : i32
      %dma_wait3A_655 = arith.constant 0 : i32
      %dma_wait3A_656 = tpu.memref_slice %arg10[%dma_wait3A_654, %dma_wait3A_655] : memref<10240x128xf32, #tpu.memory_space<vmem_shared>> -> memref<10240x128xf32, #tpu.memory_space<vmem_shared>>
      tpu.wait_indirect_dma semaphore(%run_scoped3A_644 : memref<!tpu.dma_semaphore, #tpu.memory_space<semaphore_mem>>) src(%arg9 : memref<128x128xf32, #tpu.memory_space<vmem>>) dst(%dma_wait3A_656 : memref<10240x128xf32, #tpu.memory_space<vmem_shared>>)
      tpu.yield
    }) : () -> ()
    %dma_start3A_420 = arith.constant 27 : i32
    %dma_start3A_421 = arith.constant 0 : i32
    %dma_start3A_422 = tpu.memref_slice %arg6[%dma_start3A_420, %dma_start3A_421] : memref<40x128xi32, #tpu.memory_space<vmem>> -> memref<1x128xi32, #tpu.memory_space<vmem>>
    %dma_start3A_423 = tpu.memref_squeeze %dma_start3A_422 : memref<1x128xi32, #tpu.memory_space<vmem>> -> memref<128xi32, #tpu.memory_space<vmem>>
    %dma_start3A_424 = arith.constant 0 : i32
    %dma_start3A_425 = arith.constant 0 : i32
    %dma_start3A_426 = tpu.memref_slice %arg4[%dma_start3A_424, %dma_start3A_425] : memref<10000x128xf32, #tpu.memory_space<hbm>> -> memref<10000x128xf32, #tpu.memory_space<hbm>>
    tpu.enqueue_indirect_dma source(%dma_start3A_426 : memref<10000x128xf32, #tpu.memory_space<hbm>>) target(%arg9 : memref<128x128xf32, #tpu.memory_space<vmem>>) offsets(%dma_start3A_423 : memref<128xi32, #tpu.memory_space<vmem>>) semaphore(%arg12 : memref<!tpu.dma_semaphore, #tpu.memory_space<semaphore_mem>>)
    %dma_wait3A_427 = arith.constant 26 : i32
    %dma_wait3A_428 = arith.constant 0 : i32
    %dma_wait3A_429 = tpu.memref_slice %arg6[%dma_wait3A_427, %dma_wait3A_428] : memref<40x128xi32, #tpu.memory_space<vmem>> -> memref<1x128xi32, #tpu.memory_space<vmem>>
    %dma_wait3A_430 = tpu.memref_squeeze %dma_wait3A_429 : memref<1x128xi32, #tpu.memory_space<vmem>> -> memref<128xi32, #tpu.memory_space<vmem>>
    %dma_wait3A_431 = arith.constant 0 : i32
    %dma_wait3A_432 = arith.constant 0 : i32
    %dma_wait3A_433 = tpu.memref_slice %arg4[%dma_wait3A_431, %dma_wait3A_432] : memref<10000x128xf32, #tpu.memory_space<hbm>> -> memref<10000x128xf32, #tpu.memory_space<hbm>>
    tpu.wait_indirect_dma semaphore(%arg11 : memref<!tpu.dma_semaphore, #tpu.memory_space<semaphore_mem>>) src(%dma_wait3A_433 : memref<10000x128xf32, #tpu.memory_space<hbm>>) dst(%arg8 : memref<128x128xf32, #tpu.memory_space<vmem>>)
    %run_scoped3A_434 = arith.constant 26 : i32
    "tpu.region"() ({
      %run_scoped3A_644 = tpu.sem_alloc : memref<!tpu.dma_semaphore, #tpu.memory_space<semaphore_mem>>
      %dma_start3A_645 = arith.constant 0 : i32
      %dma_start3A_646 = tpu.memref_slice %arg7[%run_scoped3A_434, %dma_start3A_645] : memref<40x128xi32, #tpu.memory_space<vmem>> -> memref<1x128xi32, #tpu.memory_space<vmem>>
      %dma_start3A_647 = tpu.memref_squeeze %dma_start3A_646 : memref<1x128xi32, #tpu.memory_space<vmem>> -> memref<128xi32, #tpu.memory_space<vmem>>
      %dma_start3A_648 = arith.constant 0 : i32
      %dma_start3A_649 = arith.constant 0 : i32
      %dma_start3A_650 = tpu.memref_slice %arg10[%dma_start3A_648, %dma_start3A_649] : memref<10240x128xf32, #tpu.memory_space<vmem_shared>> -> memref<10240x128xf32, #tpu.memory_space<vmem_shared>>
      tpu.enqueue_indirect_dma source(%arg8 : memref<128x128xf32, #tpu.memory_space<vmem>>) target(%dma_start3A_650 : memref<10240x128xf32, #tpu.memory_space<vmem_shared>>) offsets(%dma_start3A_647 : memref<128xi32, #tpu.memory_space<vmem>>) semaphore(%run_scoped3A_644 : memref<!tpu.dma_semaphore, #tpu.memory_space<semaphore_mem>>) {add = true}
      %dma_wait3A_651 = arith.constant 0 : i32
      %dma_wait3A_652 = tpu.memref_slice %arg7[%run_scoped3A_434, %dma_wait3A_651] : memref<40x128xi32, #tpu.memory_space<vmem>> -> memref<1x128xi32, #tpu.memory_space<vmem>>
      %dma_wait3A_653 = tpu.memref_squeeze %dma_wait3A_652 : memref<1x128xi32, #tpu.memory_space<vmem>> -> memref<128xi32, #tpu.memory_space<vmem>>
      %dma_wait3A_654 = arith.constant 0 : i32
      %dma_wait3A_655 = arith.constant 0 : i32
      %dma_wait3A_656 = tpu.memref_slice %arg10[%dma_wait3A_654, %dma_wait3A_655] : memref<10240x128xf32, #tpu.memory_space<vmem_shared>> -> memref<10240x128xf32, #tpu.memory_space<vmem_shared>>
      tpu.wait_indirect_dma semaphore(%run_scoped3A_644 : memref<!tpu.dma_semaphore, #tpu.memory_space<semaphore_mem>>) src(%arg8 : memref<128x128xf32, #tpu.memory_space<vmem>>) dst(%dma_wait3A_656 : memref<10240x128xf32, #tpu.memory_space<vmem_shared>>)
      tpu.yield
    }) : () -> ()
    %dma_start3A_435 = arith.constant 28 : i32
    %dma_start3A_436 = arith.constant 0 : i32
    %dma_start3A_437 = tpu.memref_slice %arg6[%dma_start3A_435, %dma_start3A_436] : memref<40x128xi32, #tpu.memory_space<vmem>> -> memref<1x128xi32, #tpu.memory_space<vmem>>
    %dma_start3A_438 = tpu.memref_squeeze %dma_start3A_437 : memref<1x128xi32, #tpu.memory_space<vmem>> -> memref<128xi32, #tpu.memory_space<vmem>>
    %dma_start3A_439 = arith.constant 0 : i32
    %dma_start3A_440 = arith.constant 0 : i32
    %dma_start3A_441 = tpu.memref_slice %arg4[%dma_start3A_439, %dma_start3A_440] : memref<10000x128xf32, #tpu.memory_space<hbm>> -> memref<10000x128xf32, #tpu.memory_space<hbm>>
    tpu.enqueue_indirect_dma source(%dma_start3A_441 : memref<10000x128xf32, #tpu.memory_space<hbm>>) target(%arg8 : memref<128x128xf32, #tpu.memory_space<vmem>>) offsets(%dma_start3A_438 : memref<128xi32, #tpu.memory_space<vmem>>) semaphore(%arg11 : memref<!tpu.dma_semaphore, #tpu.memory_space<semaphore_mem>>)
    %dma_wait3A_442 = arith.constant 27 : i32
    %dma_wait3A_443 = arith.constant 0 : i32
    %dma_wait3A_444 = tpu.memref_slice %arg6[%dma_wait3A_442, %dma_wait3A_443] : memref<40x128xi32, #tpu.memory_space<vmem>> -> memref<1x128xi32, #tpu.memory_space<vmem>>
    %dma_wait3A_445 = tpu.memref_squeeze %dma_wait3A_444 : memref<1x128xi32, #tpu.memory_space<vmem>> -> memref<128xi32, #tpu.memory_space<vmem>>
    %dma_wait3A_446 = arith.constant 0 : i32
    %dma_wait3A_447 = arith.constant 0 : i32
    %dma_wait3A_448 = tpu.memref_slice %arg4[%dma_wait3A_446, %dma_wait3A_447] : memref<10000x128xf32, #tpu.memory_space<hbm>> -> memref<10000x128xf32, #tpu.memory_space<hbm>>
    tpu.wait_indirect_dma semaphore(%arg12 : memref<!tpu.dma_semaphore, #tpu.memory_space<semaphore_mem>>) src(%dma_wait3A_448 : memref<10000x128xf32, #tpu.memory_space<hbm>>) dst(%arg9 : memref<128x128xf32, #tpu.memory_space<vmem>>)
    %run_scoped3A_449 = arith.constant 27 : i32
    "tpu.region"() ({
      %run_scoped3A_644 = tpu.sem_alloc : memref<!tpu.dma_semaphore, #tpu.memory_space<semaphore_mem>>
      %dma_start3A_645 = arith.constant 0 : i32
      %dma_start3A_646 = tpu.memref_slice %arg7[%run_scoped3A_449, %dma_start3A_645] : memref<40x128xi32, #tpu.memory_space<vmem>> -> memref<1x128xi32, #tpu.memory_space<vmem>>
      %dma_start3A_647 = tpu.memref_squeeze %dma_start3A_646 : memref<1x128xi32, #tpu.memory_space<vmem>> -> memref<128xi32, #tpu.memory_space<vmem>>
      %dma_start3A_648 = arith.constant 0 : i32
      %dma_start3A_649 = arith.constant 0 : i32
      %dma_start3A_650 = tpu.memref_slice %arg10[%dma_start3A_648, %dma_start3A_649] : memref<10240x128xf32, #tpu.memory_space<vmem_shared>> -> memref<10240x128xf32, #tpu.memory_space<vmem_shared>>
      tpu.enqueue_indirect_dma source(%arg9 : memref<128x128xf32, #tpu.memory_space<vmem>>) target(%dma_start3A_650 : memref<10240x128xf32, #tpu.memory_space<vmem_shared>>) offsets(%dma_start3A_647 : memref<128xi32, #tpu.memory_space<vmem>>) semaphore(%run_scoped3A_644 : memref<!tpu.dma_semaphore, #tpu.memory_space<semaphore_mem>>) {add = true}
      %dma_wait3A_651 = arith.constant 0 : i32
      %dma_wait3A_652 = tpu.memref_slice %arg7[%run_scoped3A_449, %dma_wait3A_651] : memref<40x128xi32, #tpu.memory_space<vmem>> -> memref<1x128xi32, #tpu.memory_space<vmem>>
      %dma_wait3A_653 = tpu.memref_squeeze %dma_wait3A_652 : memref<1x128xi32, #tpu.memory_space<vmem>> -> memref<128xi32, #tpu.memory_space<vmem>>
      %dma_wait3A_654 = arith.constant 0 : i32
      %dma_wait3A_655 = arith.constant 0 : i32
      %dma_wait3A_656 = tpu.memref_slice %arg10[%dma_wait3A_654, %dma_wait3A_655] : memref<10240x128xf32, #tpu.memory_space<vmem_shared>> -> memref<10240x128xf32, #tpu.memory_space<vmem_shared>>
      tpu.wait_indirect_dma semaphore(%run_scoped3A_644 : memref<!tpu.dma_semaphore, #tpu.memory_space<semaphore_mem>>) src(%arg9 : memref<128x128xf32, #tpu.memory_space<vmem>>) dst(%dma_wait3A_656 : memref<10240x128xf32, #tpu.memory_space<vmem_shared>>)
      tpu.yield
    }) : () -> ()
    %dma_start3A_450 = arith.constant 29 : i32
    %dma_start3A_451 = arith.constant 0 : i32
    %dma_start3A_452 = tpu.memref_slice %arg6[%dma_start3A_450, %dma_start3A_451] : memref<40x128xi32, #tpu.memory_space<vmem>> -> memref<1x128xi32, #tpu.memory_space<vmem>>
    %dma_start3A_453 = tpu.memref_squeeze %dma_start3A_452 : memref<1x128xi32, #tpu.memory_space<vmem>> -> memref<128xi32, #tpu.memory_space<vmem>>
    %dma_start3A_454 = arith.constant 0 : i32
    %dma_start3A_455 = arith.constant 0 : i32
    %dma_start3A_456 = tpu.memref_slice %arg4[%dma_start3A_454, %dma_start3A_455] : memref<10000x128xf32, #tpu.memory_space<hbm>> -> memref<10000x128xf32, #tpu.memory_space<hbm>>
    tpu.enqueue_indirect_dma source(%dma_start3A_456 : memref<10000x128xf32, #tpu.memory_space<hbm>>) target(%arg9 : memref<128x128xf32, #tpu.memory_space<vmem>>) offsets(%dma_start3A_453 : memref<128xi32, #tpu.memory_space<vmem>>) semaphore(%arg12 : memref<!tpu.dma_semaphore, #tpu.memory_space<semaphore_mem>>)
    %dma_wait3A_457 = arith.constant 28 : i32
    %dma_wait3A_458 = arith.constant 0 : i32
    %dma_wait3A_459 = tpu.memref_slice %arg6[%dma_wait3A_457, %dma_wait3A_458] : memref<40x128xi32, #tpu.memory_space<vmem>> -> memref<1x128xi32, #tpu.memory_space<vmem>>
    %dma_wait3A_460 = tpu.memref_squeeze %dma_wait3A_459 : memref<1x128xi32, #tpu.memory_space<vmem>> -> memref<128xi32, #tpu.memory_space<vmem>>
    %dma_wait3A_461 = arith.constant 0 : i32
    %dma_wait3A_462 = arith.constant 0 : i32
    %dma_wait3A_463 = tpu.memref_slice %arg4[%dma_wait3A_461, %dma_wait3A_462] : memref<10000x128xf32, #tpu.memory_space<hbm>> -> memref<10000x128xf32, #tpu.memory_space<hbm>>
    tpu.wait_indirect_dma semaphore(%arg11 : memref<!tpu.dma_semaphore, #tpu.memory_space<semaphore_mem>>) src(%dma_wait3A_463 : memref<10000x128xf32, #tpu.memory_space<hbm>>) dst(%arg8 : memref<128x128xf32, #tpu.memory_space<vmem>>)
    %run_scoped3A_464 = arith.constant 28 : i32
    "tpu.region"() ({
      %run_scoped3A_644 = tpu.sem_alloc : memref<!tpu.dma_semaphore, #tpu.memory_space<semaphore_mem>>
      %dma_start3A_645 = arith.constant 0 : i32
      %dma_start3A_646 = tpu.memref_slice %arg7[%run_scoped3A_464, %dma_start3A_645] : memref<40x128xi32, #tpu.memory_space<vmem>> -> memref<1x128xi32, #tpu.memory_space<vmem>>
      %dma_start3A_647 = tpu.memref_squeeze %dma_start3A_646 : memref<1x128xi32, #tpu.memory_space<vmem>> -> memref<128xi32, #tpu.memory_space<vmem>>
      %dma_start3A_648 = arith.constant 0 : i32
      %dma_start3A_649 = arith.constant 0 : i32
      %dma_start3A_650 = tpu.memref_slice %arg10[%dma_start3A_648, %dma_start3A_649] : memref<10240x128xf32, #tpu.memory_space<vmem_shared>> -> memref<10240x128xf32, #tpu.memory_space<vmem_shared>>
      tpu.enqueue_indirect_dma source(%arg8 : memref<128x128xf32, #tpu.memory_space<vmem>>) target(%dma_start3A_650 : memref<10240x128xf32, #tpu.memory_space<vmem_shared>>) offsets(%dma_start3A_647 : memref<128xi32, #tpu.memory_space<vmem>>) semaphore(%run_scoped3A_644 : memref<!tpu.dma_semaphore, #tpu.memory_space<semaphore_mem>>) {add = true}
      %dma_wait3A_651 = arith.constant 0 : i32
      %dma_wait3A_652 = tpu.memref_slice %arg7[%run_scoped3A_464, %dma_wait3A_651] : memref<40x128xi32, #tpu.memory_space<vmem>> -> memref<1x128xi32, #tpu.memory_space<vmem>>
      %dma_wait3A_653 = tpu.memref_squeeze %dma_wait3A_652 : memref<1x128xi32, #tpu.memory_space<vmem>> -> memref<128xi32, #tpu.memory_space<vmem>>
      %dma_wait3A_654 = arith.constant 0 : i32
      %dma_wait3A_655 = arith.constant 0 : i32
      %dma_wait3A_656 = tpu.memref_slice %arg10[%dma_wait3A_654, %dma_wait3A_655] : memref<10240x128xf32, #tpu.memory_space<vmem_shared>> -> memref<10240x128xf32, #tpu.memory_space<vmem_shared>>
      tpu.wait_indirect_dma semaphore(%run_scoped3A_644 : memref<!tpu.dma_semaphore, #tpu.memory_space<semaphore_mem>>) src(%arg8 : memref<128x128xf32, #tpu.memory_space<vmem>>) dst(%dma_wait3A_656 : memref<10240x128xf32, #tpu.memory_space<vmem_shared>>)
      tpu.yield
    }) : () -> ()
    %dma_start3A_465 = arith.constant 30 : i32
    %dma_start3A_466 = arith.constant 0 : i32
    %dma_start3A_467 = tpu.memref_slice %arg6[%dma_start3A_465, %dma_start3A_466] : memref<40x128xi32, #tpu.memory_space<vmem>> -> memref<1x128xi32, #tpu.memory_space<vmem>>
    %dma_start3A_468 = tpu.memref_squeeze %dma_start3A_467 : memref<1x128xi32, #tpu.memory_space<vmem>> -> memref<128xi32, #tpu.memory_space<vmem>>
    %dma_start3A_469 = arith.constant 0 : i32
    %dma_start3A_470 = arith.constant 0 : i32
    %dma_start3A_471 = tpu.memref_slice %arg4[%dma_start3A_469, %dma_start3A_470] : memref<10000x128xf32, #tpu.memory_space<hbm>> -> memref<10000x128xf32, #tpu.memory_space<hbm>>
    tpu.enqueue_indirect_dma source(%dma_start3A_471 : memref<10000x128xf32, #tpu.memory_space<hbm>>) target(%arg8 : memref<128x128xf32, #tpu.memory_space<vmem>>) offsets(%dma_start3A_468 : memref<128xi32, #tpu.memory_space<vmem>>) semaphore(%arg11 : memref<!tpu.dma_semaphore, #tpu.memory_space<semaphore_mem>>)
    %dma_wait3A_472 = arith.constant 29 : i32
    %dma_wait3A_473 = arith.constant 0 : i32
    %dma_wait3A_474 = tpu.memref_slice %arg6[%dma_wait3A_472, %dma_wait3A_473] : memref<40x128xi32, #tpu.memory_space<vmem>> -> memref<1x128xi32, #tpu.memory_space<vmem>>
    %dma_wait3A_475 = tpu.memref_squeeze %dma_wait3A_474 : memref<1x128xi32, #tpu.memory_space<vmem>> -> memref<128xi32, #tpu.memory_space<vmem>>
    %dma_wait3A_476 = arith.constant 0 : i32
    %dma_wait3A_477 = arith.constant 0 : i32
    %dma_wait3A_478 = tpu.memref_slice %arg4[%dma_wait3A_476, %dma_wait3A_477] : memref<10000x128xf32, #tpu.memory_space<hbm>> -> memref<10000x128xf32, #tpu.memory_space<hbm>>
    tpu.wait_indirect_dma semaphore(%arg12 : memref<!tpu.dma_semaphore, #tpu.memory_space<semaphore_mem>>) src(%dma_wait3A_478 : memref<10000x128xf32, #tpu.memory_space<hbm>>) dst(%arg9 : memref<128x128xf32, #tpu.memory_space<vmem>>)
    %run_scoped3A_479 = arith.constant 29 : i32
    "tpu.region"() ({
      %run_scoped3A_644 = tpu.sem_alloc : memref<!tpu.dma_semaphore, #tpu.memory_space<semaphore_mem>>
      %dma_start3A_645 = arith.constant 0 : i32
      %dma_start3A_646 = tpu.memref_slice %arg7[%run_scoped3A_479, %dma_start3A_645] : memref<40x128xi32, #tpu.memory_space<vmem>> -> memref<1x128xi32, #tpu.memory_space<vmem>>
      %dma_start3A_647 = tpu.memref_squeeze %dma_start3A_646 : memref<1x128xi32, #tpu.memory_space<vmem>> -> memref<128xi32, #tpu.memory_space<vmem>>
      %dma_start3A_648 = arith.constant 0 : i32
      %dma_start3A_649 = arith.constant 0 : i32
      %dma_start3A_650 = tpu.memref_slice %arg10[%dma_start3A_648, %dma_start3A_649] : memref<10240x128xf32, #tpu.memory_space<vmem_shared>> -> memref<10240x128xf32, #tpu.memory_space<vmem_shared>>
      tpu.enqueue_indirect_dma source(%arg9 : memref<128x128xf32, #tpu.memory_space<vmem>>) target(%dma_start3A_650 : memref<10240x128xf32, #tpu.memory_space<vmem_shared>>) offsets(%dma_start3A_647 : memref<128xi32, #tpu.memory_space<vmem>>) semaphore(%run_scoped3A_644 : memref<!tpu.dma_semaphore, #tpu.memory_space<semaphore_mem>>) {add = true}
      %dma_wait3A_651 = arith.constant 0 : i32
      %dma_wait3A_652 = tpu.memref_slice %arg7[%run_scoped3A_479, %dma_wait3A_651] : memref<40x128xi32, #tpu.memory_space<vmem>> -> memref<1x128xi32, #tpu.memory_space<vmem>>
      %dma_wait3A_653 = tpu.memref_squeeze %dma_wait3A_652 : memref<1x128xi32, #tpu.memory_space<vmem>> -> memref<128xi32, #tpu.memory_space<vmem>>
      %dma_wait3A_654 = arith.constant 0 : i32
      %dma_wait3A_655 = arith.constant 0 : i32
      %dma_wait3A_656 = tpu.memref_slice %arg10[%dma_wait3A_654, %dma_wait3A_655] : memref<10240x128xf32, #tpu.memory_space<vmem_shared>> -> memref<10240x128xf32, #tpu.memory_space<vmem_shared>>
      tpu.wait_indirect_dma semaphore(%run_scoped3A_644 : memref<!tpu.dma_semaphore, #tpu.memory_space<semaphore_mem>>) src(%arg9 : memref<128x128xf32, #tpu.memory_space<vmem>>) dst(%dma_wait3A_656 : memref<10240x128xf32, #tpu.memory_space<vmem_shared>>)
      tpu.yield
    }) : () -> ()
    %dma_start3A_480 = arith.constant 31 : i32
    %dma_start3A_481 = arith.constant 0 : i32
    %dma_start3A_482 = tpu.memref_slice %arg6[%dma_start3A_480, %dma_start3A_481] : memref<40x128xi32, #tpu.memory_space<vmem>> -> memref<1x128xi32, #tpu.memory_space<vmem>>
    %dma_start3A_483 = tpu.memref_squeeze %dma_start3A_482 : memref<1x128xi32, #tpu.memory_space<vmem>> -> memref<128xi32, #tpu.memory_space<vmem>>
    %dma_start3A_484 = arith.constant 0 : i32
    %dma_start3A_485 = arith.constant 0 : i32
    %dma_start3A_486 = tpu.memref_slice %arg4[%dma_start3A_484, %dma_start3A_485] : memref<10000x128xf32, #tpu.memory_space<hbm>> -> memref<10000x128xf32, #tpu.memory_space<hbm>>
    tpu.enqueue_indirect_dma source(%dma_start3A_486 : memref<10000x128xf32, #tpu.memory_space<hbm>>) target(%arg9 : memref<128x128xf32, #tpu.memory_space<vmem>>) offsets(%dma_start3A_483 : memref<128xi32, #tpu.memory_space<vmem>>) semaphore(%arg12 : memref<!tpu.dma_semaphore, #tpu.memory_space<semaphore_mem>>)
    %dma_wait3A_487 = arith.constant 30 : i32
    %dma_wait3A_488 = arith.constant 0 : i32
    %dma_wait3A_489 = tpu.memref_slice %arg6[%dma_wait3A_487, %dma_wait3A_488] : memref<40x128xi32, #tpu.memory_space<vmem>> -> memref<1x128xi32, #tpu.memory_space<vmem>>
    %dma_wait3A_490 = tpu.memref_squeeze %dma_wait3A_489 : memref<1x128xi32, #tpu.memory_space<vmem>> -> memref<128xi32, #tpu.memory_space<vmem>>
    %dma_wait3A_491 = arith.constant 0 : i32
    %dma_wait3A_492 = arith.constant 0 : i32
    %dma_wait3A_493 = tpu.memref_slice %arg4[%dma_wait3A_491, %dma_wait3A_492] : memref<10000x128xf32, #tpu.memory_space<hbm>> -> memref<10000x128xf32, #tpu.memory_space<hbm>>
    tpu.wait_indirect_dma semaphore(%arg11 : memref<!tpu.dma_semaphore, #tpu.memory_space<semaphore_mem>>) src(%dma_wait3A_493 : memref<10000x128xf32, #tpu.memory_space<hbm>>) dst(%arg8 : memref<128x128xf32, #tpu.memory_space<vmem>>)
    %run_scoped3A_494 = arith.constant 30 : i32
    "tpu.region"() ({
      %run_scoped3A_644 = tpu.sem_alloc : memref<!tpu.dma_semaphore, #tpu.memory_space<semaphore_mem>>
      %dma_start3A_645 = arith.constant 0 : i32
      %dma_start3A_646 = tpu.memref_slice %arg7[%run_scoped3A_494, %dma_start3A_645] : memref<40x128xi32, #tpu.memory_space<vmem>> -> memref<1x128xi32, #tpu.memory_space<vmem>>
      %dma_start3A_647 = tpu.memref_squeeze %dma_start3A_646 : memref<1x128xi32, #tpu.memory_space<vmem>> -> memref<128xi32, #tpu.memory_space<vmem>>
      %dma_start3A_648 = arith.constant 0 : i32
      %dma_start3A_649 = arith.constant 0 : i32
      %dma_start3A_650 = tpu.memref_slice %arg10[%dma_start3A_648, %dma_start3A_649] : memref<10240x128xf32, #tpu.memory_space<vmem_shared>> -> memref<10240x128xf32, #tpu.memory_space<vmem_shared>>
      tpu.enqueue_indirect_dma source(%arg8 : memref<128x128xf32, #tpu.memory_space<vmem>>) target(%dma_start3A_650 : memref<10240x128xf32, #tpu.memory_space<vmem_shared>>) offsets(%dma_start3A_647 : memref<128xi32, #tpu.memory_space<vmem>>) semaphore(%run_scoped3A_644 : memref<!tpu.dma_semaphore, #tpu.memory_space<semaphore_mem>>) {add = true}
      %dma_wait3A_651 = arith.constant 0 : i32
      %dma_wait3A_652 = tpu.memref_slice %arg7[%run_scoped3A_494, %dma_wait3A_651] : memref<40x128xi32, #tpu.memory_space<vmem>> -> memref<1x128xi32, #tpu.memory_space<vmem>>
      %dma_wait3A_653 = tpu.memref_squeeze %dma_wait3A_652 : memref<1x128xi32, #tpu.memory_space<vmem>> -> memref<128xi32, #tpu.memory_space<vmem>>
      %dma_wait3A_654 = arith.constant 0 : i32
      %dma_wait3A_655 = arith.constant 0 : i32
      %dma_wait3A_656 = tpu.memref_slice %arg10[%dma_wait3A_654, %dma_wait3A_655] : memref<10240x128xf32, #tpu.memory_space<vmem_shared>> -> memref<10240x128xf32, #tpu.memory_space<vmem_shared>>
      tpu.wait_indirect_dma semaphore(%run_scoped3A_644 : memref<!tpu.dma_semaphore, #tpu.memory_space<semaphore_mem>>) src(%arg8 : memref<128x128xf32, #tpu.memory_space<vmem>>) dst(%dma_wait3A_656 : memref<10240x128xf32, #tpu.memory_space<vmem_shared>>)
      tpu.yield
    }) : () -> ()
    %dma_start3A_495 = arith.constant 32 : i32
    %dma_start3A_496 = arith.constant 0 : i32
    %dma_start3A_497 = tpu.memref_slice %arg6[%dma_start3A_495, %dma_start3A_496] : memref<40x128xi32, #tpu.memory_space<vmem>> -> memref<1x128xi32, #tpu.memory_space<vmem>>
    %dma_start3A_498 = tpu.memref_squeeze %dma_start3A_497 : memref<1x128xi32, #tpu.memory_space<vmem>> -> memref<128xi32, #tpu.memory_space<vmem>>
    %dma_start3A_499 = arith.constant 0 : i32
    %dma_start3A_500 = arith.constant 0 : i32
    %dma_start3A_501 = tpu.memref_slice %arg4[%dma_start3A_499, %dma_start3A_500] : memref<10000x128xf32, #tpu.memory_space<hbm>> -> memref<10000x128xf32, #tpu.memory_space<hbm>>
    tpu.enqueue_indirect_dma source(%dma_start3A_501 : memref<10000x128xf32, #tpu.memory_space<hbm>>) target(%arg8 : memref<128x128xf32, #tpu.memory_space<vmem>>) offsets(%dma_start3A_498 : memref<128xi32, #tpu.memory_space<vmem>>) semaphore(%arg11 : memref<!tpu.dma_semaphore, #tpu.memory_space<semaphore_mem>>)
    %dma_wait3A_502 = arith.constant 31 : i32
    %dma_wait3A_503 = arith.constant 0 : i32
    %dma_wait3A_504 = tpu.memref_slice %arg6[%dma_wait3A_502, %dma_wait3A_503] : memref<40x128xi32, #tpu.memory_space<vmem>> -> memref<1x128xi32, #tpu.memory_space<vmem>>
    %dma_wait3A_505 = tpu.memref_squeeze %dma_wait3A_504 : memref<1x128xi32, #tpu.memory_space<vmem>> -> memref<128xi32, #tpu.memory_space<vmem>>
    %dma_wait3A_506 = arith.constant 0 : i32
    %dma_wait3A_507 = arith.constant 0 : i32
    %dma_wait3A_508 = tpu.memref_slice %arg4[%dma_wait3A_506, %dma_wait3A_507] : memref<10000x128xf32, #tpu.memory_space<hbm>> -> memref<10000x128xf32, #tpu.memory_space<hbm>>
    tpu.wait_indirect_dma semaphore(%arg12 : memref<!tpu.dma_semaphore, #tpu.memory_space<semaphore_mem>>) src(%dma_wait3A_508 : memref<10000x128xf32, #tpu.memory_space<hbm>>) dst(%arg9 : memref<128x128xf32, #tpu.memory_space<vmem>>)
    %run_scoped3A_509 = arith.constant 31 : i32
    "tpu.region"() ({
      %run_scoped3A_644 = tpu.sem_alloc : memref<!tpu.dma_semaphore, #tpu.memory_space<semaphore_mem>>
      %dma_start3A_645 = arith.constant 0 : i32
      %dma_start3A_646 = tpu.memref_slice %arg7[%run_scoped3A_509, %dma_start3A_645] : memref<40x128xi32, #tpu.memory_space<vmem>> -> memref<1x128xi32, #tpu.memory_space<vmem>>
      %dma_start3A_647 = tpu.memref_squeeze %dma_start3A_646 : memref<1x128xi32, #tpu.memory_space<vmem>> -> memref<128xi32, #tpu.memory_space<vmem>>
      %dma_start3A_648 = arith.constant 0 : i32
      %dma_start3A_649 = arith.constant 0 : i32
      %dma_start3A_650 = tpu.memref_slice %arg10[%dma_start3A_648, %dma_start3A_649] : memref<10240x128xf32, #tpu.memory_space<vmem_shared>> -> memref<10240x128xf32, #tpu.memory_space<vmem_shared>>
      tpu.enqueue_indirect_dma source(%arg9 : memref<128x128xf32, #tpu.memory_space<vmem>>) target(%dma_start3A_650 : memref<10240x128xf32, #tpu.memory_space<vmem_shared>>) offsets(%dma_start3A_647 : memref<128xi32, #tpu.memory_space<vmem>>) semaphore(%run_scoped3A_644 : memref<!tpu.dma_semaphore, #tpu.memory_space<semaphore_mem>>) {add = true}
      %dma_wait3A_651 = arith.constant 0 : i32
      %dma_wait3A_652 = tpu.memref_slice %arg7[%run_scoped3A_509, %dma_wait3A_651] : memref<40x128xi32, #tpu.memory_space<vmem>> -> memref<1x128xi32, #tpu.memory_space<vmem>>
      %dma_wait3A_653 = tpu.memref_squeeze %dma_wait3A_652 : memref<1x128xi32, #tpu.memory_space<vmem>> -> memref<128xi32, #tpu.memory_space<vmem>>
      %dma_wait3A_654 = arith.constant 0 : i32
      %dma_wait3A_655 = arith.constant 0 : i32
      %dma_wait3A_656 = tpu.memref_slice %arg10[%dma_wait3A_654, %dma_wait3A_655] : memref<10240x128xf32, #tpu.memory_space<vmem_shared>> -> memref<10240x128xf32, #tpu.memory_space<vmem_shared>>
      tpu.wait_indirect_dma semaphore(%run_scoped3A_644 : memref<!tpu.dma_semaphore, #tpu.memory_space<semaphore_mem>>) src(%arg9 : memref<128x128xf32, #tpu.memory_space<vmem>>) dst(%dma_wait3A_656 : memref<10240x128xf32, #tpu.memory_space<vmem_shared>>)
      tpu.yield
    }) : () -> ()
    %dma_start3A_510 = arith.constant 33 : i32
    %dma_start3A_511 = arith.constant 0 : i32
    %dma_start3A_512 = tpu.memref_slice %arg6[%dma_start3A_510, %dma_start3A_511] : memref<40x128xi32, #tpu.memory_space<vmem>> -> memref<1x128xi32, #tpu.memory_space<vmem>>
    %dma_start3A_513 = tpu.memref_squeeze %dma_start3A_512 : memref<1x128xi32, #tpu.memory_space<vmem>> -> memref<128xi32, #tpu.memory_space<vmem>>
    %dma_start3A_514 = arith.constant 0 : i32
    %dma_start3A_515 = arith.constant 0 : i32
    %dma_start3A_516 = tpu.memref_slice %arg4[%dma_start3A_514, %dma_start3A_515] : memref<10000x128xf32, #tpu.memory_space<hbm>> -> memref<10000x128xf32, #tpu.memory_space<hbm>>
    tpu.enqueue_indirect_dma source(%dma_start3A_516 : memref<10000x128xf32, #tpu.memory_space<hbm>>) target(%arg9 : memref<128x128xf32, #tpu.memory_space<vmem>>) offsets(%dma_start3A_513 : memref<128xi32, #tpu.memory_space<vmem>>) semaphore(%arg12 : memref<!tpu.dma_semaphore, #tpu.memory_space<semaphore_mem>>)
    %dma_wait3A_517 = arith.constant 32 : i32
    %dma_wait3A_518 = arith.constant 0 : i32
    %dma_wait3A_519 = tpu.memref_slice %arg6[%dma_wait3A_517, %dma_wait3A_518] : memref<40x128xi32, #tpu.memory_space<vmem>> -> memref<1x128xi32, #tpu.memory_space<vmem>>
    %dma_wait3A_520 = tpu.memref_squeeze %dma_wait3A_519 : memref<1x128xi32, #tpu.memory_space<vmem>> -> memref<128xi32, #tpu.memory_space<vmem>>
    %dma_wait3A_521 = arith.constant 0 : i32
    %dma_wait3A_522 = arith.constant 0 : i32
    %dma_wait3A_523 = tpu.memref_slice %arg4[%dma_wait3A_521, %dma_wait3A_522] : memref<10000x128xf32, #tpu.memory_space<hbm>> -> memref<10000x128xf32, #tpu.memory_space<hbm>>
    tpu.wait_indirect_dma semaphore(%arg11 : memref<!tpu.dma_semaphore, #tpu.memory_space<semaphore_mem>>) src(%dma_wait3A_523 : memref<10000x128xf32, #tpu.memory_space<hbm>>) dst(%arg8 : memref<128x128xf32, #tpu.memory_space<vmem>>)
    %run_scoped3A_524 = arith.constant 32 : i32
    "tpu.region"() ({
      %run_scoped3A_644 = tpu.sem_alloc : memref<!tpu.dma_semaphore, #tpu.memory_space<semaphore_mem>>
      %dma_start3A_645 = arith.constant 0 : i32
      %dma_start3A_646 = tpu.memref_slice %arg7[%run_scoped3A_524, %dma_start3A_645] : memref<40x128xi32, #tpu.memory_space<vmem>> -> memref<1x128xi32, #tpu.memory_space<vmem>>
      %dma_start3A_647 = tpu.memref_squeeze %dma_start3A_646 : memref<1x128xi32, #tpu.memory_space<vmem>> -> memref<128xi32, #tpu.memory_space<vmem>>
      %dma_start3A_648 = arith.constant 0 : i32
      %dma_start3A_649 = arith.constant 0 : i32
      %dma_start3A_650 = tpu.memref_slice %arg10[%dma_start3A_648, %dma_start3A_649] : memref<10240x128xf32, #tpu.memory_space<vmem_shared>> -> memref<10240x128xf32, #tpu.memory_space<vmem_shared>>
      tpu.enqueue_indirect_dma source(%arg8 : memref<128x128xf32, #tpu.memory_space<vmem>>) target(%dma_start3A_650 : memref<10240x128xf32, #tpu.memory_space<vmem_shared>>) offsets(%dma_start3A_647 : memref<128xi32, #tpu.memory_space<vmem>>) semaphore(%run_scoped3A_644 : memref<!tpu.dma_semaphore, #tpu.memory_space<semaphore_mem>>) {add = true}
      %dma_wait3A_651 = arith.constant 0 : i32
      %dma_wait3A_652 = tpu.memref_slice %arg7[%run_scoped3A_524, %dma_wait3A_651] : memref<40x128xi32, #tpu.memory_space<vmem>> -> memref<1x128xi32, #tpu.memory_space<vmem>>
      %dma_wait3A_653 = tpu.memref_squeeze %dma_wait3A_652 : memref<1x128xi32, #tpu.memory_space<vmem>> -> memref<128xi32, #tpu.memory_space<vmem>>
      %dma_wait3A_654 = arith.constant 0 : i32
      %dma_wait3A_655 = arith.constant 0 : i32
      %dma_wait3A_656 = tpu.memref_slice %arg10[%dma_wait3A_654, %dma_wait3A_655] : memref<10240x128xf32, #tpu.memory_space<vmem_shared>> -> memref<10240x128xf32, #tpu.memory_space<vmem_shared>>
      tpu.wait_indirect_dma semaphore(%run_scoped3A_644 : memref<!tpu.dma_semaphore, #tpu.memory_space<semaphore_mem>>) src(%arg8 : memref<128x128xf32, #tpu.memory_space<vmem>>) dst(%dma_wait3A_656 : memref<10240x128xf32, #tpu.memory_space<vmem_shared>>)
      tpu.yield
    }) : () -> ()
    %dma_start3A_525 = arith.constant 34 : i32
    %dma_start3A_526 = arith.constant 0 : i32
    %dma_start3A_527 = tpu.memref_slice %arg6[%dma_start3A_525, %dma_start3A_526] : memref<40x128xi32, #tpu.memory_space<vmem>> -> memref<1x128xi32, #tpu.memory_space<vmem>>
    %dma_start3A_528 = tpu.memref_squeeze %dma_start3A_527 : memref<1x128xi32, #tpu.memory_space<vmem>> -> memref<128xi32, #tpu.memory_space<vmem>>
    %dma_start3A_529 = arith.constant 0 : i32
    %dma_start3A_530 = arith.constant 0 : i32
    %dma_start3A_531 = tpu.memref_slice %arg4[%dma_start3A_529, %dma_start3A_530] : memref<10000x128xf32, #tpu.memory_space<hbm>> -> memref<10000x128xf32, #tpu.memory_space<hbm>>
    tpu.enqueue_indirect_dma source(%dma_start3A_531 : memref<10000x128xf32, #tpu.memory_space<hbm>>) target(%arg8 : memref<128x128xf32, #tpu.memory_space<vmem>>) offsets(%dma_start3A_528 : memref<128xi32, #tpu.memory_space<vmem>>) semaphore(%arg11 : memref<!tpu.dma_semaphore, #tpu.memory_space<semaphore_mem>>)
    %dma_wait3A_532 = arith.constant 33 : i32
    %dma_wait3A_533 = arith.constant 0 : i32
    %dma_wait3A_534 = tpu.memref_slice %arg6[%dma_wait3A_532, %dma_wait3A_533] : memref<40x128xi32, #tpu.memory_space<vmem>> -> memref<1x128xi32, #tpu.memory_space<vmem>>
    %dma_wait3A_535 = tpu.memref_squeeze %dma_wait3A_534 : memref<1x128xi32, #tpu.memory_space<vmem>> -> memref<128xi32, #tpu.memory_space<vmem>>
    %dma_wait3A_536 = arith.constant 0 : i32
    %dma_wait3A_537 = arith.constant 0 : i32
    %dma_wait3A_538 = tpu.memref_slice %arg4[%dma_wait3A_536, %dma_wait3A_537] : memref<10000x128xf32, #tpu.memory_space<hbm>> -> memref<10000x128xf32, #tpu.memory_space<hbm>>
    tpu.wait_indirect_dma semaphore(%arg12 : memref<!tpu.dma_semaphore, #tpu.memory_space<semaphore_mem>>) src(%dma_wait3A_538 : memref<10000x128xf32, #tpu.memory_space<hbm>>) dst(%arg9 : memref<128x128xf32, #tpu.memory_space<vmem>>)
    %run_scoped3A_539 = arith.constant 33 : i32
    "tpu.region"() ({
      %run_scoped3A_644 = tpu.sem_alloc : memref<!tpu.dma_semaphore, #tpu.memory_space<semaphore_mem>>
      %dma_start3A_645 = arith.constant 0 : i32
      %dma_start3A_646 = tpu.memref_slice %arg7[%run_scoped3A_539, %dma_start3A_645] : memref<40x128xi32, #tpu.memory_space<vmem>> -> memref<1x128xi32, #tpu.memory_space<vmem>>
      %dma_start3A_647 = tpu.memref_squeeze %dma_start3A_646 : memref<1x128xi32, #tpu.memory_space<vmem>> -> memref<128xi32, #tpu.memory_space<vmem>>
      %dma_start3A_648 = arith.constant 0 : i32
      %dma_start3A_649 = arith.constant 0 : i32
      %dma_start3A_650 = tpu.memref_slice %arg10[%dma_start3A_648, %dma_start3A_649] : memref<10240x128xf32, #tpu.memory_space<vmem_shared>> -> memref<10240x128xf32, #tpu.memory_space<vmem_shared>>
      tpu.enqueue_indirect_dma source(%arg9 : memref<128x128xf32, #tpu.memory_space<vmem>>) target(%dma_start3A_650 : memref<10240x128xf32, #tpu.memory_space<vmem_shared>>) offsets(%dma_start3A_647 : memref<128xi32, #tpu.memory_space<vmem>>) semaphore(%run_scoped3A_644 : memref<!tpu.dma_semaphore, #tpu.memory_space<semaphore_mem>>) {add = true}
      %dma_wait3A_651 = arith.constant 0 : i32
      %dma_wait3A_652 = tpu.memref_slice %arg7[%run_scoped3A_539, %dma_wait3A_651] : memref<40x128xi32, #tpu.memory_space<vmem>> -> memref<1x128xi32, #tpu.memory_space<vmem>>
      %dma_wait3A_653 = tpu.memref_squeeze %dma_wait3A_652 : memref<1x128xi32, #tpu.memory_space<vmem>> -> memref<128xi32, #tpu.memory_space<vmem>>
      %dma_wait3A_654 = arith.constant 0 : i32
      %dma_wait3A_655 = arith.constant 0 : i32
      %dma_wait3A_656 = tpu.memref_slice %arg10[%dma_wait3A_654, %dma_wait3A_655] : memref<10240x128xf32, #tpu.memory_space<vmem_shared>> -> memref<10240x128xf32, #tpu.memory_space<vmem_shared>>
      tpu.wait_indirect_dma semaphore(%run_scoped3A_644 : memref<!tpu.dma_semaphore, #tpu.memory_space<semaphore_mem>>) src(%arg9 : memref<128x128xf32, #tpu.memory_space<vmem>>) dst(%dma_wait3A_656 : memref<10240x128xf32, #tpu.memory_space<vmem_shared>>)
      tpu.yield
    }) : () -> ()
    %dma_start3A_540 = arith.constant 35 : i32
    %dma_start3A_541 = arith.constant 0 : i32
    %dma_start3A_542 = tpu.memref_slice %arg6[%dma_start3A_540, %dma_start3A_541] : memref<40x128xi32, #tpu.memory_space<vmem>> -> memref<1x128xi32, #tpu.memory_space<vmem>>
    %dma_start3A_543 = tpu.memref_squeeze %dma_start3A_542 : memref<1x128xi32, #tpu.memory_space<vmem>> -> memref<128xi32, #tpu.memory_space<vmem>>
    %dma_start3A_544 = arith.constant 0 : i32
    %dma_start3A_545 = arith.constant 0 : i32
    %dma_start3A_546 = tpu.memref_slice %arg4[%dma_start3A_544, %dma_start3A_545] : memref<10000x128xf32, #tpu.memory_space<hbm>> -> memref<10000x128xf32, #tpu.memory_space<hbm>>
    tpu.enqueue_indirect_dma source(%dma_start3A_546 : memref<10000x128xf32, #tpu.memory_space<hbm>>) target(%arg9 : memref<128x128xf32, #tpu.memory_space<vmem>>) offsets(%dma_start3A_543 : memref<128xi32, #tpu.memory_space<vmem>>) semaphore(%arg12 : memref<!tpu.dma_semaphore, #tpu.memory_space<semaphore_mem>>)
    %dma_wait3A_547 = arith.constant 34 : i32
    %dma_wait3A_548 = arith.constant 0 : i32
    %dma_wait3A_549 = tpu.memref_slice %arg6[%dma_wait3A_547, %dma_wait3A_548] : memref<40x128xi32, #tpu.memory_space<vmem>> -> memref<1x128xi32, #tpu.memory_space<vmem>>
    %dma_wait3A_550 = tpu.memref_squeeze %dma_wait3A_549 : memref<1x128xi32, #tpu.memory_space<vmem>> -> memref<128xi32, #tpu.memory_space<vmem>>
    %dma_wait3A_551 = arith.constant 0 : i32
    %dma_wait3A_552 = arith.constant 0 : i32
    %dma_wait3A_553 = tpu.memref_slice %arg4[%dma_wait3A_551, %dma_wait3A_552] : memref<10000x128xf32, #tpu.memory_space<hbm>> -> memref<10000x128xf32, #tpu.memory_space<hbm>>
    tpu.wait_indirect_dma semaphore(%arg11 : memref<!tpu.dma_semaphore, #tpu.memory_space<semaphore_mem>>) src(%dma_wait3A_553 : memref<10000x128xf32, #tpu.memory_space<hbm>>) dst(%arg8 : memref<128x128xf32, #tpu.memory_space<vmem>>)
    %run_scoped3A_554 = arith.constant 34 : i32
    "tpu.region"() ({
      %run_scoped3A_644 = tpu.sem_alloc : memref<!tpu.dma_semaphore, #tpu.memory_space<semaphore_mem>>
      %dma_start3A_645 = arith.constant 0 : i32
      %dma_start3A_646 = tpu.memref_slice %arg7[%run_scoped3A_554, %dma_start3A_645] : memref<40x128xi32, #tpu.memory_space<vmem>> -> memref<1x128xi32, #tpu.memory_space<vmem>>
      %dma_start3A_647 = tpu.memref_squeeze %dma_start3A_646 : memref<1x128xi32, #tpu.memory_space<vmem>> -> memref<128xi32, #tpu.memory_space<vmem>>
      %dma_start3A_648 = arith.constant 0 : i32
      %dma_start3A_649 = arith.constant 0 : i32
      %dma_start3A_650 = tpu.memref_slice %arg10[%dma_start3A_648, %dma_start3A_649] : memref<10240x128xf32, #tpu.memory_space<vmem_shared>> -> memref<10240x128xf32, #tpu.memory_space<vmem_shared>>
      tpu.enqueue_indirect_dma source(%arg8 : memref<128x128xf32, #tpu.memory_space<vmem>>) target(%dma_start3A_650 : memref<10240x128xf32, #tpu.memory_space<vmem_shared>>) offsets(%dma_start3A_647 : memref<128xi32, #tpu.memory_space<vmem>>) semaphore(%run_scoped3A_644 : memref<!tpu.dma_semaphore, #tpu.memory_space<semaphore_mem>>) {add = true}
      %dma_wait3A_651 = arith.constant 0 : i32
      %dma_wait3A_652 = tpu.memref_slice %arg7[%run_scoped3A_554, %dma_wait3A_651] : memref<40x128xi32, #tpu.memory_space<vmem>> -> memref<1x128xi32, #tpu.memory_space<vmem>>
      %dma_wait3A_653 = tpu.memref_squeeze %dma_wait3A_652 : memref<1x128xi32, #tpu.memory_space<vmem>> -> memref<128xi32, #tpu.memory_space<vmem>>
      %dma_wait3A_654 = arith.constant 0 : i32
      %dma_wait3A_655 = arith.constant 0 : i32
      %dma_wait3A_656 = tpu.memref_slice %arg10[%dma_wait3A_654, %dma_wait3A_655] : memref<10240x128xf32, #tpu.memory_space<vmem_shared>> -> memref<10240x128xf32, #tpu.memory_space<vmem_shared>>
      tpu.wait_indirect_dma semaphore(%run_scoped3A_644 : memref<!tpu.dma_semaphore, #tpu.memory_space<semaphore_mem>>) src(%arg8 : memref<128x128xf32, #tpu.memory_space<vmem>>) dst(%dma_wait3A_656 : memref<10240x128xf32, #tpu.memory_space<vmem_shared>>)
      tpu.yield
    }) : () -> ()
    %dma_start3A_555 = arith.constant 36 : i32
    %dma_start3A_556 = arith.constant 0 : i32
    %dma_start3A_557 = tpu.memref_slice %arg6[%dma_start3A_555, %dma_start3A_556] : memref<40x128xi32, #tpu.memory_space<vmem>> -> memref<1x128xi32, #tpu.memory_space<vmem>>
    %dma_start3A_558 = tpu.memref_squeeze %dma_start3A_557 : memref<1x128xi32, #tpu.memory_space<vmem>> -> memref<128xi32, #tpu.memory_space<vmem>>
    %dma_start3A_559 = arith.constant 0 : i32
    %dma_start3A_560 = arith.constant 0 : i32
    %dma_start3A_561 = tpu.memref_slice %arg4[%dma_start3A_559, %dma_start3A_560] : memref<10000x128xf32, #tpu.memory_space<hbm>> -> memref<10000x128xf32, #tpu.memory_space<hbm>>
    tpu.enqueue_indirect_dma source(%dma_start3A_561 : memref<10000x128xf32, #tpu.memory_space<hbm>>) target(%arg8 : memref<128x128xf32, #tpu.memory_space<vmem>>) offsets(%dma_start3A_558 : memref<128xi32, #tpu.memory_space<vmem>>) semaphore(%arg11 : memref<!tpu.dma_semaphore, #tpu.memory_space<semaphore_mem>>)
    %dma_wait3A_562 = arith.constant 35 : i32
    %dma_wait3A_563 = arith.constant 0 : i32
    %dma_wait3A_564 = tpu.memref_slice %arg6[%dma_wait3A_562, %dma_wait3A_563] : memref<40x128xi32, #tpu.memory_space<vmem>> -> memref<1x128xi32, #tpu.memory_space<vmem>>
    %dma_wait3A_565 = tpu.memref_squeeze %dma_wait3A_564 : memref<1x128xi32, #tpu.memory_space<vmem>> -> memref<128xi32, #tpu.memory_space<vmem>>
    %dma_wait3A_566 = arith.constant 0 : i32
    %dma_wait3A_567 = arith.constant 0 : i32
    %dma_wait3A_568 = tpu.memref_slice %arg4[%dma_wait3A_566, %dma_wait3A_567] : memref<10000x128xf32, #tpu.memory_space<hbm>> -> memref<10000x128xf32, #tpu.memory_space<hbm>>
    tpu.wait_indirect_dma semaphore(%arg12 : memref<!tpu.dma_semaphore, #tpu.memory_space<semaphore_mem>>) src(%dma_wait3A_568 : memref<10000x128xf32, #tpu.memory_space<hbm>>) dst(%arg9 : memref<128x128xf32, #tpu.memory_space<vmem>>)
    %run_scoped3A_569 = arith.constant 35 : i32
    "tpu.region"() ({
      %run_scoped3A_644 = tpu.sem_alloc : memref<!tpu.dma_semaphore, #tpu.memory_space<semaphore_mem>>
      %dma_start3A_645 = arith.constant 0 : i32
      %dma_start3A_646 = tpu.memref_slice %arg7[%run_scoped3A_569, %dma_start3A_645] : memref<40x128xi32, #tpu.memory_space<vmem>> -> memref<1x128xi32, #tpu.memory_space<vmem>>
      %dma_start3A_647 = tpu.memref_squeeze %dma_start3A_646 : memref<1x128xi32, #tpu.memory_space<vmem>> -> memref<128xi32, #tpu.memory_space<vmem>>
      %dma_start3A_648 = arith.constant 0 : i32
      %dma_start3A_649 = arith.constant 0 : i32
      %dma_start3A_650 = tpu.memref_slice %arg10[%dma_start3A_648, %dma_start3A_649] : memref<10240x128xf32, #tpu.memory_space<vmem_shared>> -> memref<10240x128xf32, #tpu.memory_space<vmem_shared>>
      tpu.enqueue_indirect_dma source(%arg9 : memref<128x128xf32, #tpu.memory_space<vmem>>) target(%dma_start3A_650 : memref<10240x128xf32, #tpu.memory_space<vmem_shared>>) offsets(%dma_start3A_647 : memref<128xi32, #tpu.memory_space<vmem>>) semaphore(%run_scoped3A_644 : memref<!tpu.dma_semaphore, #tpu.memory_space<semaphore_mem>>) {add = true}
      %dma_wait3A_651 = arith.constant 0 : i32
      %dma_wait3A_652 = tpu.memref_slice %arg7[%run_scoped3A_569, %dma_wait3A_651] : memref<40x128xi32, #tpu.memory_space<vmem>> -> memref<1x128xi32, #tpu.memory_space<vmem>>
      %dma_wait3A_653 = tpu.memref_squeeze %dma_wait3A_652 : memref<1x128xi32, #tpu.memory_space<vmem>> -> memref<128xi32, #tpu.memory_space<vmem>>
      %dma_wait3A_654 = arith.constant 0 : i32
      %dma_wait3A_655 = arith.constant 0 : i32
      %dma_wait3A_656 = tpu.memref_slice %arg10[%dma_wait3A_654, %dma_wait3A_655] : memref<10240x128xf32, #tpu.memory_space<vmem_shared>> -> memref<10240x128xf32, #tpu.memory_space<vmem_shared>>
      tpu.wait_indirect_dma semaphore(%run_scoped3A_644 : memref<!tpu.dma_semaphore, #tpu.memory_space<semaphore_mem>>) src(%arg9 : memref<128x128xf32, #tpu.memory_space<vmem>>) dst(%dma_wait3A_656 : memref<10240x128xf32, #tpu.memory_space<vmem_shared>>)
      tpu.yield
    }) : () -> ()
    %dma_start3A_570 = arith.constant 37 : i32
    %dma_start3A_571 = arith.constant 0 : i32
    %dma_start3A_572 = tpu.memref_slice %arg6[%dma_start3A_570, %dma_start3A_571] : memref<40x128xi32, #tpu.memory_space<vmem>> -> memref<1x128xi32, #tpu.memory_space<vmem>>
    %dma_start3A_573 = tpu.memref_squeeze %dma_start3A_572 : memref<1x128xi32, #tpu.memory_space<vmem>> -> memref<128xi32, #tpu.memory_space<vmem>>
    %dma_start3A_574 = arith.constant 0 : i32
    %dma_start3A_575 = arith.constant 0 : i32
    %dma_start3A_576 = tpu.memref_slice %arg4[%dma_start3A_574, %dma_start3A_575] : memref<10000x128xf32, #tpu.memory_space<hbm>> -> memref<10000x128xf32, #tpu.memory_space<hbm>>
    tpu.enqueue_indirect_dma source(%dma_start3A_576 : memref<10000x128xf32, #tpu.memory_space<hbm>>) target(%arg9 : memref<128x128xf32, #tpu.memory_space<vmem>>) offsets(%dma_start3A_573 : memref<128xi32, #tpu.memory_space<vmem>>) semaphore(%arg12 : memref<!tpu.dma_semaphore, #tpu.memory_space<semaphore_mem>>)
    %dma_wait3A_577 = arith.constant 36 : i32
    %dma_wait3A_578 = arith.constant 0 : i32
    %dma_wait3A_579 = tpu.memref_slice %arg6[%dma_wait3A_577, %dma_wait3A_578] : memref<40x128xi32, #tpu.memory_space<vmem>> -> memref<1x128xi32, #tpu.memory_space<vmem>>
    %dma_wait3A_580 = tpu.memref_squeeze %dma_wait3A_579 : memref<1x128xi32, #tpu.memory_space<vmem>> -> memref<128xi32, #tpu.memory_space<vmem>>
    %dma_wait3A_581 = arith.constant 0 : i32
    %dma_wait3A_582 = arith.constant 0 : i32
    %dma_wait3A_583 = tpu.memref_slice %arg4[%dma_wait3A_581, %dma_wait3A_582] : memref<10000x128xf32, #tpu.memory_space<hbm>> -> memref<10000x128xf32, #tpu.memory_space<hbm>>
    tpu.wait_indirect_dma semaphore(%arg11 : memref<!tpu.dma_semaphore, #tpu.memory_space<semaphore_mem>>) src(%dma_wait3A_583 : memref<10000x128xf32, #tpu.memory_space<hbm>>) dst(%arg8 : memref<128x128xf32, #tpu.memory_space<vmem>>)
    %run_scoped3A_584 = arith.constant 36 : i32
    "tpu.region"() ({
      %run_scoped3A_644 = tpu.sem_alloc : memref<!tpu.dma_semaphore, #tpu.memory_space<semaphore_mem>>
      %dma_start3A_645 = arith.constant 0 : i32
      %dma_start3A_646 = tpu.memref_slice %arg7[%run_scoped3A_584, %dma_start3A_645] : memref<40x128xi32, #tpu.memory_space<vmem>> -> memref<1x128xi32, #tpu.memory_space<vmem>>
      %dma_start3A_647 = tpu.memref_squeeze %dma_start3A_646 : memref<1x128xi32, #tpu.memory_space<vmem>> -> memref<128xi32, #tpu.memory_space<vmem>>
      %dma_start3A_648 = arith.constant 0 : i32
      %dma_start3A_649 = arith.constant 0 : i32
      %dma_start3A_650 = tpu.memref_slice %arg10[%dma_start3A_648, %dma_start3A_649] : memref<10240x128xf32, #tpu.memory_space<vmem_shared>> -> memref<10240x128xf32, #tpu.memory_space<vmem_shared>>
      tpu.enqueue_indirect_dma source(%arg8 : memref<128x128xf32, #tpu.memory_space<vmem>>) target(%dma_start3A_650 : memref<10240x128xf32, #tpu.memory_space<vmem_shared>>) offsets(%dma_start3A_647 : memref<128xi32, #tpu.memory_space<vmem>>) semaphore(%run_scoped3A_644 : memref<!tpu.dma_semaphore, #tpu.memory_space<semaphore_mem>>) {add = true}
      %dma_wait3A_651 = arith.constant 0 : i32
      %dma_wait3A_652 = tpu.memref_slice %arg7[%run_scoped3A_584, %dma_wait3A_651] : memref<40x128xi32, #tpu.memory_space<vmem>> -> memref<1x128xi32, #tpu.memory_space<vmem>>
      %dma_wait3A_653 = tpu.memref_squeeze %dma_wait3A_652 : memref<1x128xi32, #tpu.memory_space<vmem>> -> memref<128xi32, #tpu.memory_space<vmem>>
      %dma_wait3A_654 = arith.constant 0 : i32
      %dma_wait3A_655 = arith.constant 0 : i32
      %dma_wait3A_656 = tpu.memref_slice %arg10[%dma_wait3A_654, %dma_wait3A_655] : memref<10240x128xf32, #tpu.memory_space<vmem_shared>> -> memref<10240x128xf32, #tpu.memory_space<vmem_shared>>
      tpu.wait_indirect_dma semaphore(%run_scoped3A_644 : memref<!tpu.dma_semaphore, #tpu.memory_space<semaphore_mem>>) src(%arg8 : memref<128x128xf32, #tpu.memory_space<vmem>>) dst(%dma_wait3A_656 : memref<10240x128xf32, #tpu.memory_space<vmem_shared>>)
      tpu.yield
    }) : () -> ()
    %dma_start3A_585 = arith.constant 38 : i32
    %dma_start3A_586 = arith.constant 0 : i32
    %dma_start3A_587 = tpu.memref_slice %arg6[%dma_start3A_585, %dma_start3A_586] : memref<40x128xi32, #tpu.memory_space<vmem>> -> memref<1x128xi32, #tpu.memory_space<vmem>>
    %dma_start3A_588 = tpu.memref_squeeze %dma_start3A_587 : memref<1x128xi32, #tpu.memory_space<vmem>> -> memref<128xi32, #tpu.memory_space<vmem>>
    %dma_start3A_589 = arith.constant 0 : i32
    %dma_start3A_590 = arith.constant 0 : i32
    %dma_start3A_591 = tpu.memref_slice %arg4[%dma_start3A_589, %dma_start3A_590] : memref<10000x128xf32, #tpu.memory_space<hbm>> -> memref<10000x128xf32, #tpu.memory_space<hbm>>
    tpu.enqueue_indirect_dma source(%dma_start3A_591 : memref<10000x128xf32, #tpu.memory_space<hbm>>) target(%arg8 : memref<128x128xf32, #tpu.memory_space<vmem>>) offsets(%dma_start3A_588 : memref<128xi32, #tpu.memory_space<vmem>>) semaphore(%arg11 : memref<!tpu.dma_semaphore, #tpu.memory_space<semaphore_mem>>)
    %dma_wait3A_592 = arith.constant 37 : i32
    %dma_wait3A_593 = arith.constant 0 : i32
    %dma_wait3A_594 = tpu.memref_slice %arg6[%dma_wait3A_592, %dma_wait3A_593] : memref<40x128xi32, #tpu.memory_space<vmem>> -> memref<1x128xi32, #tpu.memory_space<vmem>>
    %dma_wait3A_595 = tpu.memref_squeeze %dma_wait3A_594 : memref<1x128xi32, #tpu.memory_space<vmem>> -> memref<128xi32, #tpu.memory_space<vmem>>
    %dma_wait3A_596 = arith.constant 0 : i32
    %dma_wait3A_597 = arith.constant 0 : i32
    %dma_wait3A_598 = tpu.memref_slice %arg4[%dma_wait3A_596, %dma_wait3A_597] : memref<10000x128xf32, #tpu.memory_space<hbm>> -> memref<10000x128xf32, #tpu.memory_space<hbm>>
    tpu.wait_indirect_dma semaphore(%arg12 : memref<!tpu.dma_semaphore, #tpu.memory_space<semaphore_mem>>) src(%dma_wait3A_598 : memref<10000x128xf32, #tpu.memory_space<hbm>>) dst(%arg9 : memref<128x128xf32, #tpu.memory_space<vmem>>)
    %run_scoped3A_599 = arith.constant 37 : i32
    "tpu.region"() ({
      %run_scoped3A_644 = tpu.sem_alloc : memref<!tpu.dma_semaphore, #tpu.memory_space<semaphore_mem>>
      %dma_start3A_645 = arith.constant 0 : i32
      %dma_start3A_646 = tpu.memref_slice %arg7[%run_scoped3A_599, %dma_start3A_645] : memref<40x128xi32, #tpu.memory_space<vmem>> -> memref<1x128xi32, #tpu.memory_space<vmem>>
      %dma_start3A_647 = tpu.memref_squeeze %dma_start3A_646 : memref<1x128xi32, #tpu.memory_space<vmem>> -> memref<128xi32, #tpu.memory_space<vmem>>
      %dma_start3A_648 = arith.constant 0 : i32
      %dma_start3A_649 = arith.constant 0 : i32
      %dma_start3A_650 = tpu.memref_slice %arg10[%dma_start3A_648, %dma_start3A_649] : memref<10240x128xf32, #tpu.memory_space<vmem_shared>> -> memref<10240x128xf32, #tpu.memory_space<vmem_shared>>
      tpu.enqueue_indirect_dma source(%arg9 : memref<128x128xf32, #tpu.memory_space<vmem>>) target(%dma_start3A_650 : memref<10240x128xf32, #tpu.memory_space<vmem_shared>>) offsets(%dma_start3A_647 : memref<128xi32, #tpu.memory_space<vmem>>) semaphore(%run_scoped3A_644 : memref<!tpu.dma_semaphore, #tpu.memory_space<semaphore_mem>>) {add = true}
      %dma_wait3A_651 = arith.constant 0 : i32
      %dma_wait3A_652 = tpu.memref_slice %arg7[%run_scoped3A_599, %dma_wait3A_651] : memref<40x128xi32, #tpu.memory_space<vmem>> -> memref<1x128xi32, #tpu.memory_space<vmem>>
      %dma_wait3A_653 = tpu.memref_squeeze %dma_wait3A_652 : memref<1x128xi32, #tpu.memory_space<vmem>> -> memref<128xi32, #tpu.memory_space<vmem>>
      %dma_wait3A_654 = arith.constant 0 : i32
      %dma_wait3A_655 = arith.constant 0 : i32
      %dma_wait3A_656 = tpu.memref_slice %arg10[%dma_wait3A_654, %dma_wait3A_655] : memref<10240x128xf32, #tpu.memory_space<vmem_shared>> -> memref<10240x128xf32, #tpu.memory_space<vmem_shared>>
      tpu.wait_indirect_dma semaphore(%run_scoped3A_644 : memref<!tpu.dma_semaphore, #tpu.memory_space<semaphore_mem>>) src(%arg9 : memref<128x128xf32, #tpu.memory_space<vmem>>) dst(%dma_wait3A_656 : memref<10240x128xf32, #tpu.memory_space<vmem_shared>>)
      tpu.yield
    }) : () -> ()
    %dma_start3A_600 = arith.constant 39 : i32
    %dma_start3A_601 = arith.constant 0 : i32
    %dma_start3A_602 = tpu.memref_slice %arg6[%dma_start3A_600, %dma_start3A_601] : memref<40x128xi32, #tpu.memory_space<vmem>> -> memref<1x128xi32, #tpu.memory_space<vmem>>
    %dma_start3A_603 = tpu.memref_squeeze %dma_start3A_602 : memref<1x128xi32, #tpu.memory_space<vmem>> -> memref<128xi32, #tpu.memory_space<vmem>>
    %dma_start3A_604 = arith.constant 0 : i32
    %dma_start3A_605 = arith.constant 0 : i32
    %dma_start3A_606 = tpu.memref_slice %arg4[%dma_start3A_604, %dma_start3A_605] : memref<10000x128xf32, #tpu.memory_space<hbm>> -> memref<10000x128xf32, #tpu.memory_space<hbm>>
    tpu.enqueue_indirect_dma source(%dma_start3A_606 : memref<10000x128xf32, #tpu.memory_space<hbm>>) target(%arg9 : memref<128x128xf32, #tpu.memory_space<vmem>>) offsets(%dma_start3A_603 : memref<128xi32, #tpu.memory_space<vmem>>) semaphore(%arg12 : memref<!tpu.dma_semaphore, #tpu.memory_space<semaphore_mem>>)
    %dma_wait3A_607 = arith.constant 38 : i32
    %dma_wait3A_608 = arith.constant 0 : i32
    %dma_wait3A_609 = tpu.memref_slice %arg6[%dma_wait3A_607, %dma_wait3A_608] : memref<40x128xi32, #tpu.memory_space<vmem>> -> memref<1x128xi32, #tpu.memory_space<vmem>>
    %dma_wait3A_610 = tpu.memref_squeeze %dma_wait3A_609 : memref<1x128xi32, #tpu.memory_space<vmem>> -> memref<128xi32, #tpu.memory_space<vmem>>
    %dma_wait3A_611 = arith.constant 0 : i32
    %dma_wait3A_612 = arith.constant 0 : i32
    %dma_wait3A_613 = tpu.memref_slice %arg4[%dma_wait3A_611, %dma_wait3A_612] : memref<10000x128xf32, #tpu.memory_space<hbm>> -> memref<10000x128xf32, #tpu.memory_space<hbm>>
    tpu.wait_indirect_dma semaphore(%arg11 : memref<!tpu.dma_semaphore, #tpu.memory_space<semaphore_mem>>) src(%dma_wait3A_613 : memref<10000x128xf32, #tpu.memory_space<hbm>>) dst(%arg8 : memref<128x128xf32, #tpu.memory_space<vmem>>)
    %run_scoped3A_614 = arith.constant 38 : i32
    "tpu.region"() ({
      %run_scoped3A_644 = tpu.sem_alloc : memref<!tpu.dma_semaphore, #tpu.memory_space<semaphore_mem>>
      %dma_start3A_645 = arith.constant 0 : i32
      %dma_start3A_646 = tpu.memref_slice %arg7[%run_scoped3A_614, %dma_start3A_645] : memref<40x128xi32, #tpu.memory_space<vmem>> -> memref<1x128xi32, #tpu.memory_space<vmem>>
      %dma_start3A_647 = tpu.memref_squeeze %dma_start3A_646 : memref<1x128xi32, #tpu.memory_space<vmem>> -> memref<128xi32, #tpu.memory_space<vmem>>
      %dma_start3A_648 = arith.constant 0 : i32
      %dma_start3A_649 = arith.constant 0 : i32
      %dma_start3A_650 = tpu.memref_slice %arg10[%dma_start3A_648, %dma_start3A_649] : memref<10240x128xf32, #tpu.memory_space<vmem_shared>> -> memref<10240x128xf32, #tpu.memory_space<vmem_shared>>
      tpu.enqueue_indirect_dma source(%arg8 : memref<128x128xf32, #tpu.memory_space<vmem>>) target(%dma_start3A_650 : memref<10240x128xf32, #tpu.memory_space<vmem_shared>>) offsets(%dma_start3A_647 : memref<128xi32, #tpu.memory_space<vmem>>) semaphore(%run_scoped3A_644 : memref<!tpu.dma_semaphore, #tpu.memory_space<semaphore_mem>>) {add = true}
      %dma_wait3A_651 = arith.constant 0 : i32
      %dma_wait3A_652 = tpu.memref_slice %arg7[%run_scoped3A_614, %dma_wait3A_651] : memref<40x128xi32, #tpu.memory_space<vmem>> -> memref<1x128xi32, #tpu.memory_space<vmem>>
      %dma_wait3A_653 = tpu.memref_squeeze %dma_wait3A_652 : memref<1x128xi32, #tpu.memory_space<vmem>> -> memref<128xi32, #tpu.memory_space<vmem>>
      %dma_wait3A_654 = arith.constant 0 : i32
      %dma_wait3A_655 = arith.constant 0 : i32
      %dma_wait3A_656 = tpu.memref_slice %arg10[%dma_wait3A_654, %dma_wait3A_655] : memref<10240x128xf32, #tpu.memory_space<vmem_shared>> -> memref<10240x128xf32, #tpu.memory_space<vmem_shared>>
      tpu.wait_indirect_dma semaphore(%run_scoped3A_644 : memref<!tpu.dma_semaphore, #tpu.memory_space<semaphore_mem>>) src(%arg8 : memref<128x128xf32, #tpu.memory_space<vmem>>) dst(%dma_wait3A_656 : memref<10240x128xf32, #tpu.memory_space<vmem_shared>>)
      tpu.yield
    }) : () -> ()
    %dma_wait3A_615 = arith.constant 39 : i32
    %dma_wait3A_616 = arith.constant 0 : i32
    %dma_wait3A_617 = tpu.memref_slice %arg6[%dma_wait3A_615, %dma_wait3A_616] : memref<40x128xi32, #tpu.memory_space<vmem>> -> memref<1x128xi32, #tpu.memory_space<vmem>>
    %dma_wait3A_618 = tpu.memref_squeeze %dma_wait3A_617 : memref<1x128xi32, #tpu.memory_space<vmem>> -> memref<128xi32, #tpu.memory_space<vmem>>
    %dma_wait3A_619 = arith.constant 0 : i32
    %dma_wait3A_620 = arith.constant 0 : i32
    %dma_wait3A_621 = tpu.memref_slice %arg4[%dma_wait3A_619, %dma_wait3A_620] : memref<10000x128xf32, #tpu.memory_space<hbm>> -> memref<10000x128xf32, #tpu.memory_space<hbm>>
    tpu.wait_indirect_dma semaphore(%arg12 : memref<!tpu.dma_semaphore, #tpu.memory_space<semaphore_mem>>) src(%dma_wait3A_621 : memref<10000x128xf32, #tpu.memory_space<hbm>>) dst(%arg9 : memref<128x128xf32, #tpu.memory_space<vmem>>)
    %run_scoped3A_622 = arith.constant 39 : i32
    "tpu.region"() ({
      %run_scoped3A_644 = tpu.sem_alloc : memref<!tpu.dma_semaphore, #tpu.memory_space<semaphore_mem>>
      %dma_start3A_645 = arith.constant 0 : i32
      %dma_start3A_646 = tpu.memref_slice %arg7[%run_scoped3A_622, %dma_start3A_645] : memref<40x128xi32, #tpu.memory_space<vmem>> -> memref<1x128xi32, #tpu.memory_space<vmem>>
      %dma_start3A_647 = tpu.memref_squeeze %dma_start3A_646 : memref<1x128xi32, #tpu.memory_space<vmem>> -> memref<128xi32, #tpu.memory_space<vmem>>
      %dma_start3A_648 = arith.constant 0 : i32
      %dma_start3A_649 = arith.constant 0 : i32
      %dma_start3A_650 = tpu.memref_slice %arg10[%dma_start3A_648, %dma_start3A_649] : memref<10240x128xf32, #tpu.memory_space<vmem_shared>> -> memref<10240x128xf32, #tpu.memory_space<vmem_shared>>
      tpu.enqueue_indirect_dma source(%arg9 : memref<128x128xf32, #tpu.memory_space<vmem>>) target(%dma_start3A_650 : memref<10240x128xf32, #tpu.memory_space<vmem_shared>>) offsets(%dma_start3A_647 : memref<128xi32, #tpu.memory_space<vmem>>) semaphore(%run_scoped3A_644 : memref<!tpu.dma_semaphore, #tpu.memory_space<semaphore_mem>>) {add = true}
      %dma_wait3A_651 = arith.constant 0 : i32
      %dma_wait3A_652 = tpu.memref_slice %arg7[%run_scoped3A_622, %dma_wait3A_651] : memref<40x128xi32, #tpu.memory_space<vmem>> -> memref<1x128xi32, #tpu.memory_space<vmem>>
      %dma_wait3A_653 = tpu.memref_squeeze %dma_wait3A_652 : memref<1x128xi32, #tpu.memory_space<vmem>> -> memref<128xi32, #tpu.memory_space<vmem>>
      %dma_wait3A_654 = arith.constant 0 : i32
      %dma_wait3A_655 = arith.constant 0 : i32
      %dma_wait3A_656 = tpu.memref_slice %arg10[%dma_wait3A_654, %dma_wait3A_655] : memref<10240x128xf32, #tpu.memory_space<vmem_shared>> -> memref<10240x128xf32, #tpu.memory_space<vmem_shared>>
      tpu.wait_indirect_dma semaphore(%run_scoped3A_644 : memref<!tpu.dma_semaphore, #tpu.memory_space<semaphore_mem>>) src(%arg9 : memref<128x128xf32, #tpu.memory_space<vmem>>) dst(%dma_wait3A_656 : memref<10240x128xf32, #tpu.memory_space<vmem_shared>>)
      tpu.yield
    }) : () -> ()
    %barrier3A_623 = arith.constant 0 : index
    tpu.barrier barrier_id(%barrier3A_623)
    %mul3A_624 = arith.constant 640 : i32
    %mul3A_625 = arith.muli %arg1, %mul3A_624 : i32
    %add3A_626 = arith.constant 0 : i32
    %add3A_627 = arith.addi %mul3A_625, %add3A_626 : i32
    "tpu.region"() ({
      %run_scoped3A_644 = tpu.sem_alloc : memref<!tpu.dma_semaphore, #tpu.memory_space<semaphore_mem>>
      %dma_start3A_645 = arith.constant 0 : i32
      %dma_start3A_646 = tpu.memref_slice %arg5[%arg0, %add3A_627, %dma_start3A_645] : memref<2x10240x128xf32, #tpu.memory_space<hbm>> -> memref<1x128x128xf32, #tpu.memory_space<hbm>>
      %dma_start3A_647 = tpu.memref_squeeze %dma_start3A_646 : memref<1x128x128xf32, #tpu.memory_space<hbm>> -> memref<128x128xf32, #tpu.memory_space<hbm>>
      %dma_start3A_648 = arith.constant 0 : i32
      %dma_start3A_649 = tpu.memref_slice %arg10[%add3A_627, %dma_start3A_648] : memref<10240x128xf32, #tpu.memory_space<vmem_shared>> -> memref<128x128xf32, #tpu.memory_space<vmem_shared>>
      tpu.enqueue_dma source(%dma_start3A_649 : memref<128x128xf32, #tpu.memory_space<vmem_shared>>) target(%dma_start3A_647 : memref<128x128xf32, #tpu.memory_space<hbm>>) target_semaphore(%run_scoped3A_644 : memref<!tpu.dma_semaphore, #tpu.memory_space<semaphore_mem>>)
      %dma_wait3A_650 = arith.constant 0 : i32
      %dma_wait3A_651 = tpu.memref_slice %arg5[%arg0, %add3A_627, %dma_wait3A_650] : memref<2x10240x128xf32, #tpu.memory_space<hbm>> -> memref<1x128x128xf32, #tpu.memory_space<hbm>>
      %dma_wait3A_652 = tpu.memref_squeeze %dma_wait3A_651 : memref<1x128x128xf32, #tpu.memory_space<hbm>> -> memref<128x128xf32, #tpu.memory_space<hbm>>
      %dma_wait3A_653 = arith.constant 0 : i32
      %dma_wait3A_654 = tpu.memref_slice %arg10[%add3A_627, %dma_wait3A_653] : memref<10240x128xf32, #tpu.memory_space<vmem_shared>> -> memref<128x128xf32, #tpu.memory_space<vmem_shared>>
      tpu.wait_dma2 semaphore(%run_scoped3A_644 : memref<!tpu.dma_semaphore, #tpu.memory_space<semaphore_mem>>) src(%dma_wait3A_654 : memref<128x128xf32, #tpu.memory_space<vmem_shared>>) dst(%dma_wait3A_652 : memref<128x128xf32, #tpu.memory_space<hbm>>)
      tpu.yield
    }) : () -> ()
    %mul3A_628 = arith.constant 640 : i32
    %mul3A_629 = arith.muli %arg1, %mul3A_628 : i32
    %add3A_630 = arith.constant 128 : i32
    %add3A_631 = arith.addi %mul3A_629, %add3A_630 : i32
    "tpu.region"() ({
      %run_scoped3A_644 = tpu.sem_alloc : memref<!tpu.dma_semaphore, #tpu.memory_space<semaphore_mem>>
      %dma_start3A_645 = arith.constant 0 : i32
      %dma_start3A_646 = tpu.memref_slice %arg5[%arg0, %add3A_631, %dma_start3A_645] : memref<2x10240x128xf32, #tpu.memory_space<hbm>> -> memref<1x128x128xf32, #tpu.memory_space<hbm>>
      %dma_start3A_647 = tpu.memref_squeeze %dma_start3A_646 : memref<1x128x128xf32, #tpu.memory_space<hbm>> -> memref<128x128xf32, #tpu.memory_space<hbm>>
      %dma_start3A_648 = arith.constant 0 : i32
      %dma_start3A_649 = tpu.memref_slice %arg10[%add3A_631, %dma_start3A_648] : memref<10240x128xf32, #tpu.memory_space<vmem_shared>> -> memref<128x128xf32, #tpu.memory_space<vmem_shared>>
      tpu.enqueue_dma source(%dma_start3A_649 : memref<128x128xf32, #tpu.memory_space<vmem_shared>>) target(%dma_start3A_647 : memref<128x128xf32, #tpu.memory_space<hbm>>) target_semaphore(%run_scoped3A_644 : memref<!tpu.dma_semaphore, #tpu.memory_space<semaphore_mem>>)
      %dma_wait3A_650 = arith.constant 0 : i32
      %dma_wait3A_651 = tpu.memref_slice %arg5[%arg0, %add3A_631, %dma_wait3A_650] : memref<2x10240x128xf32, #tpu.memory_space<hbm>> -> memref<1x128x128xf32, #tpu.memory_space<hbm>>
      %dma_wait3A_652 = tpu.memref_squeeze %dma_wait3A_651 : memref<1x128x128xf32, #tpu.memory_space<hbm>> -> memref<128x128xf32, #tpu.memory_space<hbm>>
      %dma_wait3A_653 = arith.constant 0 : i32
      %dma_wait3A_654 = tpu.memref_slice %arg10[%add3A_631, %dma_wait3A_653] : memref<10240x128xf32, #tpu.memory_space<vmem_shared>> -> memref<128x128xf32, #tpu.memory_space<vmem_shared>>
      tpu.wait_dma2 semaphore(%run_scoped3A_644 : memref<!tpu.dma_semaphore, #tpu.memory_space<semaphore_mem>>) src(%dma_wait3A_654 : memref<128x128xf32, #tpu.memory_space<vmem_shared>>) dst(%dma_wait3A_652 : memref<128x128xf32, #tpu.memory_space<hbm>>)
      tpu.yield
    }) : () -> ()
    %mul3A_632 = arith.constant 640 : i32
    %mul3A_633 = arith.muli %arg1, %mul3A_632 : i32
    %add3A_634 = arith.constant 256 : i32
    %add3A_635 = arith.addi %mul3A_633, %add3A_634 : i32
    "tpu.region"() ({
      %run_scoped3A_644 = tpu.sem_alloc : memref<!tpu.dma_semaphore, #tpu.memory_space<semaphore_mem>>
      %dma_start3A_645 = arith.constant 0 : i32
      %dma_start3A_646 = tpu.memref_slice %arg5[%arg0, %add3A_635, %dma_start3A_645] : memref<2x10240x128xf32, #tpu.memory_space<hbm>> -> memref<1x128x128xf32, #tpu.memory_space<hbm>>
      %dma_start3A_647 = tpu.memref_squeeze %dma_start3A_646 : memref<1x128x128xf32, #tpu.memory_space<hbm>> -> memref<128x128xf32, #tpu.memory_space<hbm>>
      %dma_start3A_648 = arith.constant 0 : i32
      %dma_start3A_649 = tpu.memref_slice %arg10[%add3A_635, %dma_start3A_648] : memref<10240x128xf32, #tpu.memory_space<vmem_shared>> -> memref<128x128xf32, #tpu.memory_space<vmem_shared>>
      tpu.enqueue_dma source(%dma_start3A_649 : memref<128x128xf32, #tpu.memory_space<vmem_shared>>) target(%dma_start3A_647 : memref<128x128xf32, #tpu.memory_space<hbm>>) target_semaphore(%run_scoped3A_644 : memref<!tpu.dma_semaphore, #tpu.memory_space<semaphore_mem>>)
      %dma_wait3A_650 = arith.constant 0 : i32
      %dma_wait3A_651 = tpu.memref_slice %arg5[%arg0, %add3A_635, %dma_wait3A_650] : memref<2x10240x128xf32, #tpu.memory_space<hbm>> -> memref<1x128x128xf32, #tpu.memory_space<hbm>>
      %dma_wait3A_652 = tpu.memref_squeeze %dma_wait3A_651 : memref<1x128x128xf32, #tpu.memory_space<hbm>> -> memref<128x128xf32, #tpu.memory_space<hbm>>
      %dma_wait3A_653 = arith.constant 0 : i32
      %dma_wait3A_654 = tpu.memref_slice %arg10[%add3A_635, %dma_wait3A_653] : memref<10240x128xf32, #tpu.memory_space<vmem_shared>> -> memref<128x128xf32, #tpu.memory_space<vmem_shared>>
      tpu.wait_dma2 semaphore(%run_scoped3A_644 : memref<!tpu.dma_semaphore, #tpu.memory_space<semaphore_mem>>) src(%dma_wait3A_654 : memref<128x128xf32, #tpu.memory_space<vmem_shared>>) dst(%dma_wait3A_652 : memref<128x128xf32, #tpu.memory_space<hbm>>)
      tpu.yield
    }) : () -> ()
    %mul3A_636 = arith.constant 640 : i32
    %mul3A_637 = arith.muli %arg1, %mul3A_636 : i32
    %add3A_638 = arith.constant 384 : i32
    %add3A_639 = arith.addi %mul3A_637, %add3A_638 : i32
    "tpu.region"() ({
      %run_scoped3A_644 = tpu.sem_alloc : memref<!tpu.dma_semaphore, #tpu.memory_space<semaphore_mem>>
      %dma_start3A_645 = arith.constant 0 : i32
      %dma_start3A_646 = tpu.memref_slice %arg5[%arg0, %add3A_639, %dma_start3A_645] : memref<2x10240x128xf32, #tpu.memory_space<hbm>> -> memref<1x128x128xf32, #tpu.memory_space<hbm>>
      %dma_start3A_647 = tpu.memref_squeeze %dma_start3A_646 : memref<1x128x128xf32, #tpu.memory_space<hbm>> -> memref<128x128xf32, #tpu.memory_space<hbm>>
      %dma_start3A_648 = arith.constant 0 : i32
      %dma_start3A_649 = tpu.memref_slice %arg10[%add3A_639, %dma_start3A_648] : memref<10240x128xf32, #tpu.memory_space<vmem_shared>> -> memref<128x128xf32, #tpu.memory_space<vmem_shared>>
      tpu.enqueue_dma source(%dma_start3A_649 : memref<128x128xf32, #tpu.memory_space<vmem_shared>>) target(%dma_start3A_647 : memref<128x128xf32, #tpu.memory_space<hbm>>) target_semaphore(%run_scoped3A_644 : memref<!tpu.dma_semaphore, #tpu.memory_space<semaphore_mem>>)
      %dma_wait3A_650 = arith.constant 0 : i32
      %dma_wait3A_651 = tpu.memref_slice %arg5[%arg0, %add3A_639, %dma_wait3A_650] : memref<2x10240x128xf32, #tpu.memory_space<hbm>> -> memref<1x128x128xf32, #tpu.memory_space<hbm>>
      %dma_wait3A_652 = tpu.memref_squeeze %dma_wait3A_651 : memref<1x128x128xf32, #tpu.memory_space<hbm>> -> memref<128x128xf32, #tpu.memory_space<hbm>>
      %dma_wait3A_653 = arith.constant 0 : i32
      %dma_wait3A_654 = tpu.memref_slice %arg10[%add3A_639, %dma_wait3A_653] : memref<10240x128xf32, #tpu.memory_space<vmem_shared>> -> memref<128x128xf32, #tpu.memory_space<vmem_shared>>
      tpu.wait_dma2 semaphore(%run_scoped3A_644 : memref<!tpu.dma_semaphore, #tpu.memory_space<semaphore_mem>>) src(%dma_wait3A_654 : memref<128x128xf32, #tpu.memory_space<vmem_shared>>) dst(%dma_wait3A_652 : memref<128x128xf32, #tpu.memory_space<hbm>>)
      tpu.yield
    }) : () -> ()
    %mul3A_640 = arith.constant 640 : i32
    %mul3A_641 = arith.muli %arg1, %mul3A_640 : i32
    %add3A_642 = arith.constant 512 : i32
    %add3A_643 = arith.addi %mul3A_641, %add3A_642 : i32
    "tpu.region"() ({
      %run_scoped3A_644 = tpu.sem_alloc : memref<!tpu.dma_semaphore, #tpu.memory_space<semaphore_mem>>
      %dma_start3A_645 = arith.constant 0 : i32
      %dma_start3A_646 = tpu.memref_slice %arg5[%arg0, %add3A_643, %dma_start3A_645] : memref<2x10240x128xf32, #tpu.memory_space<hbm>> -> memref<1x128x128xf32, #tpu.memory_space<hbm>>
      %dma_start3A_647 = tpu.memref_squeeze %dma_start3A_646 : memref<1x128x128xf32, #tpu.memory_space<hbm>> -> memref<128x128xf32, #tpu.memory_space<hbm>>
      %dma_start3A_648 = arith.constant 0 : i32
      %dma_start3A_649 = tpu.memref_slice %arg10[%add3A_643, %dma_start3A_648] : memref<10240x128xf32, #tpu.memory_space<vmem_shared>> -> memref<128x128xf32, #tpu.memory_space<vmem_shared>>
      tpu.enqueue_dma source(%dma_start3A_649 : memref<128x128xf32, #tpu.memory_space<vmem_shared>>) target(%dma_start3A_647 : memref<128x128xf32, #tpu.memory_space<hbm>>) target_semaphore(%run_scoped3A_644 : memref<!tpu.dma_semaphore, #tpu.memory_space<semaphore_mem>>)
      %dma_wait3A_650 = arith.constant 0 : i32
      %dma_wait3A_651 = tpu.memref_slice %arg5[%arg0, %add3A_643, %dma_wait3A_650] : memref<2x10240x128xf32, #tpu.memory_space<hbm>> -> memref<1x128x128xf32, #tpu.memory_space<hbm>>
      %dma_wait3A_652 = tpu.memref_squeeze %dma_wait3A_651 : memref<1x128x128xf32, #tpu.memory_space<hbm>> -> memref<128x128xf32, #tpu.memory_space<hbm>>
      %dma_wait3A_653 = arith.constant 0 : i32
      %dma_wait3A_654 = tpu.memref_slice %arg10[%add3A_643, %dma_wait3A_653] : memref<10240x128xf32, #tpu.memory_space<vmem_shared>> -> memref<128x128xf32, #tpu.memory_space<vmem_shared>>
      tpu.wait_dma2 semaphore(%run_scoped3A_644 : memref<!tpu.dma_semaphore, #tpu.memory_space<semaphore_mem>>) src(%dma_wait3A_654 : memref<128x128xf32, #tpu.memory_space<vmem_shared>>) dst(%dma_wait3A_652 : memref<128x128xf32, #tpu.memory_space<hbm>>)
      tpu.yield
    }) : () -> ()
    return
  }
}

#map = affine_map<(d0, d1) -> (0, 0, 0)>
module attributes {stable_mosaic.version = 14 : i64} {
  func.func @_deg_body(%arg0: i32, %arg1: i32, %arg2: memref<32x40x128xi32, #tpu.memory_space<hbm>>, %arg3: memref<2x10240x16xf32, #tpu.memory_space<hbm>>, %arg4: memref<40x128xi32, #tpu.memory_space<vmem>>, %arg5: memref<128x16xf32, #tpu.memory_space<vmem>>, %arg6: memref<128x16xf32, #tpu.memory_space<vmem>>, %arg7: memref<10240x16xf32, #tpu.memory_space<vmem_shared>>) attributes {dimension_semantics = [#tpu.dimension_semantics<core_parallel>, #tpu.dimension_semantics<subcore_parallel>], iteration_bounds = array<i64: 2, 16>, scalar_prefetch = 0 : i64, scratch_operands = 4 : i64, tpu.core_type = #tpu.core_type<sc_vector_subcore>, window_params = [{transform_indices = #map}, {transform_indices = #map}]} {
    %mul3A = arith.constant 2 : i32
    %mul3A_0 = arith.muli %arg1, %mul3A : i32
    %add3A = arith.addi %mul3A_0, %arg0 : i32
    "tpu.region"() ({
      %run_scoped3A_70 = tpu.sem_alloc : memref<!tpu.dma_semaphore, #tpu.memory_space<semaphore_mem>>
      %dma_start3A = arith.constant 0 : i32
      %dma_start3A_71 = arith.constant 0 : i32
      %dma_start3A_72 = tpu.memref_slice %arg2[%add3A, %dma_start3A, %dma_start3A_71] : memref<32x40x128xi32, #tpu.memory_space<hbm>> -> memref<1x40x128xi32, #tpu.memory_space<hbm>>
      %dma_start3A_73 = tpu.memref_squeeze %dma_start3A_72 : memref<1x40x128xi32, #tpu.memory_space<hbm>> -> memref<40x128xi32, #tpu.memory_space<hbm>>
      %dma_start3A_74 = arith.constant 0 : i32
      %dma_start3A_75 = arith.constant 0 : i32
      %dma_start3A_76 = tpu.memref_slice %arg2[%add3A, %dma_start3A_74, %dma_start3A_75] : memref<32x40x128xi32, #tpu.memory_space<hbm>> -> memref<1x40x128xi32, #tpu.memory_space<hbm>>
      %dma_start3A_77 = tpu.memref_squeeze %dma_start3A_76 : memref<1x40x128xi32, #tpu.memory_space<hbm>> -> memref<40x128xi32, #tpu.memory_space<hbm>>
      tpu.enqueue_dma source(%dma_start3A_77 : memref<40x128xi32, #tpu.memory_space<hbm>>) target(%arg4 : memref<40x128xi32, #tpu.memory_space<vmem>>) target_semaphore(%run_scoped3A_70 : memref<!tpu.dma_semaphore, #tpu.memory_space<semaphore_mem>>)
      %dma_wait3A = arith.constant 0 : i32
      %dma_wait3A_78 = arith.constant 0 : i32
      %dma_wait3A_79 = tpu.memref_slice %arg2[%add3A, %dma_wait3A, %dma_wait3A_78] : memref<32x40x128xi32, #tpu.memory_space<hbm>> -> memref<1x40x128xi32, #tpu.memory_space<hbm>>
      %dma_wait3A_80 = tpu.memref_squeeze %dma_wait3A_79 : memref<1x40x128xi32, #tpu.memory_space<hbm>> -> memref<40x128xi32, #tpu.memory_space<hbm>>
      %dma_wait3A_81 = arith.constant 0 : i32
      %dma_wait3A_82 = arith.constant 0 : i32
      %dma_wait3A_83 = tpu.memref_slice %arg2[%add3A, %dma_wait3A_81, %dma_wait3A_82] : memref<32x40x128xi32, #tpu.memory_space<hbm>> -> memref<1x40x128xi32, #tpu.memory_space<hbm>>
      %dma_wait3A_84 = tpu.memref_squeeze %dma_wait3A_83 : memref<1x40x128xi32, #tpu.memory_space<hbm>> -> memref<40x128xi32, #tpu.memory_space<hbm>>
      tpu.wait_dma2 semaphore(%run_scoped3A_70 : memref<!tpu.dma_semaphore, #tpu.memory_space<semaphore_mem>>) src(%dma_wait3A_84 : memref<40x128xi32, #tpu.memory_space<hbm>>) dst(%arg4 : memref<40x128xi32, #tpu.memory_space<vmem>>)
      tpu.yield
    }) : () -> ()
    %scan3A = arith.constant 0 : i32
    %scan3A_1 = arith.constant 0 : i32
    %scan3A_2 = arith.constant 128 : i32
    %scan3A_3 = arith.addi %scan3A_1, %scan3A_2 : i32
    %scan3A_4 = arith.constant 1 : i32
    scf.for %scan3A_70 = %scan3A_1 to %scan3A_3 step %scan3A_4  : i32 {
      %broadcast_in_dim3A = arith.constant 1.000000e+00 : f32
      %broadcast_in_dim3A_71 = vector.broadcast %broadcast_in_dim3A : f32 to vector<16xf32>
      %swap3A = arith.index_cast %scan3A_70 : i32 to index
      %swap3A_72 = arith.constant 0 : index
      %swap3A_73 = tpu.vector_load %arg5[%swap3A, %swap3A_72] {strides = array<i32>} : memref<128x16xf32, #tpu.memory_space<vmem>>, vector<1x16xf32>,
      %swap3A_74 = vector.shape_cast %swap3A_73 : vector<1x16xf32> to vector<16xf32>
      %swap3A_75 = vector.shape_cast %broadcast_in_dim3A_71 : vector<16xf32> to vector<1x16xf32>
      tpu.vector_store %arg5[%swap3A, %swap3A_72], %swap3A_75 {strides = array<i32>} : memref<128x16xf32, #tpu.memory_space<vmem>>, vector<1x16xf32>,
      %broadcast_in_dim3A_76 = arith.constant 0.000000e+00 : f32
      %broadcast_in_dim3A_77 = vector.broadcast %broadcast_in_dim3A_76 : f32 to vector<16xf32>
      %swap3A_78 = arith.index_cast %scan3A_70 : i32 to index
      %swap3A_79 = arith.constant 0 : index
      %swap3A_80 = tpu.vector_load %arg6[%swap3A_78, %swap3A_79] {strides = array<i32>} : memref<128x16xf32, #tpu.memory_space<vmem>>, vector<1x16xf32>,
      %swap3A_81 = vector.shape_cast %swap3A_80 : vector<1x16xf32> to vector<16xf32>
      %swap3A_82 = vector.shape_cast %broadcast_in_dim3A_77 : vector<16xf32> to vector<1x16xf32>
      tpu.vector_store %arg6[%swap3A_78, %swap3A_79], %swap3A_82 {strides = array<i32>} : memref<128x16xf32, #tpu.memory_space<vmem>>, vector<1x16xf32>,
    }
    %scan3A_5 = arith.constant 128 : i32
    %mul3A_6 = arith.constant 640 : i32
    %mul3A_7 = arith.muli %arg1, %mul3A_6 : i32
    %add3A_8 = arith.constant 0 : i32
    %add3A_9 = arith.addi %mul3A_7, %add3A_8 : i32
    "tpu.region"() ({
      %run_scoped3A_70 = tpu.sem_alloc : memref<!tpu.dma_semaphore, #tpu.memory_space<semaphore_mem>>
      %dma_start3A = arith.constant 0 : i32
      %dma_start3A_71 = tpu.memref_slice %arg7[%add3A_9, %dma_start3A] : memref<10240x16xf32, #tpu.memory_space<vmem_shared>> -> memref<128x16xf32, #tpu.memory_space<vmem_shared>>
      %dma_start3A_72 = arith.constant 0 : i32
      %dma_start3A_73 = tpu.memref_slice %arg7[%add3A_9, %dma_start3A_72] : memref<10240x16xf32, #tpu.memory_space<vmem_shared>> -> memref<128x16xf32, #tpu.memory_space<vmem_shared>>
      tpu.enqueue_dma source(%arg6 : memref<128x16xf32, #tpu.memory_space<vmem>>) target(%dma_start3A_73 : memref<128x16xf32, #tpu.memory_space<vmem_shared>>) target_semaphore(%run_scoped3A_70 : memref<!tpu.dma_semaphore, #tpu.memory_space<semaphore_mem>>)
      %dma_wait3A = arith.constant 0 : i32
      %dma_wait3A_74 = tpu.memref_slice %arg7[%add3A_9, %dma_wait3A] : memref<10240x16xf32, #tpu.memory_space<vmem_shared>> -> memref<128x16xf32, #tpu.memory_space<vmem_shared>>
      %dma_wait3A_75 = arith.constant 0 : i32
      %dma_wait3A_76 = tpu.memref_slice %arg7[%add3A_9, %dma_wait3A_75] : memref<10240x16xf32, #tpu.memory_space<vmem_shared>> -> memref<128x16xf32, #tpu.memory_space<vmem_shared>>
      tpu.wait_dma2 semaphore(%run_scoped3A_70 : memref<!tpu.dma_semaphore, #tpu.memory_space<semaphore_mem>>) src(%arg6 : memref<128x16xf32, #tpu.memory_space<vmem>>) dst(%dma_wait3A_76 : memref<128x16xf32, #tpu.memory_space<vmem_shared>>)
      tpu.yield
    }) : () -> ()
    %mul3A_10 = arith.constant 640 : i32
    %mul3A_11 = arith.muli %arg1, %mul3A_10 : i32
    %add3A_12 = arith.constant 128 : i32
    %add3A_13 = arith.addi %mul3A_11, %add3A_12 : i32
    "tpu.region"() ({
      %run_scoped3A_70 = tpu.sem_alloc : memref<!tpu.dma_semaphore, #tpu.memory_space<semaphore_mem>>
      %dma_start3A = arith.constant 0 : i32
      %dma_start3A_71 = tpu.memref_slice %arg7[%add3A_13, %dma_start3A] : memref<10240x16xf32, #tpu.memory_space<vmem_shared>> -> memref<128x16xf32, #tpu.memory_space<vmem_shared>>
      %dma_start3A_72 = arith.constant 0 : i32
      %dma_start3A_73 = tpu.memref_slice %arg7[%add3A_13, %dma_start3A_72] : memref<10240x16xf32, #tpu.memory_space<vmem_shared>> -> memref<128x16xf32, #tpu.memory_space<vmem_shared>>
      tpu.enqueue_dma source(%arg6 : memref<128x16xf32, #tpu.memory_space<vmem>>) target(%dma_start3A_73 : memref<128x16xf32, #tpu.memory_space<vmem_shared>>) target_semaphore(%run_scoped3A_70 : memref<!tpu.dma_semaphore, #tpu.memory_space<semaphore_mem>>)
      %dma_wait3A = arith.constant 0 : i32
      %dma_wait3A_74 = tpu.memref_slice %arg7[%add3A_13, %dma_wait3A] : memref<10240x16xf32, #tpu.memory_space<vmem_shared>> -> memref<128x16xf32, #tpu.memory_space<vmem_shared>>
      %dma_wait3A_75 = arith.constant 0 : i32
      %dma_wait3A_76 = tpu.memref_slice %arg7[%add3A_13, %dma_wait3A_75] : memref<10240x16xf32, #tpu.memory_space<vmem_shared>> -> memref<128x16xf32, #tpu.memory_space<vmem_shared>>
      tpu.wait_dma2 semaphore(%run_scoped3A_70 : memref<!tpu.dma_semaphore, #tpu.memory_space<semaphore_mem>>) src(%arg6 : memref<128x16xf32, #tpu.memory_space<vmem>>) dst(%dma_wait3A_76 : memref<128x16xf32, #tpu.memory_space<vmem_shared>>)
      tpu.yield
    }) : () -> ()
    %mul3A_14 = arith.constant 640 : i32
    %mul3A_15 = arith.muli %arg1, %mul3A_14 : i32
    %add3A_16 = arith.constant 256 : i32
    %add3A_17 = arith.addi %mul3A_15, %add3A_16 : i32
    "tpu.region"() ({
      %run_scoped3A_70 = tpu.sem_alloc : memref<!tpu.dma_semaphore, #tpu.memory_space<semaphore_mem>>
      %dma_start3A = arith.constant 0 : i32
      %dma_start3A_71 = tpu.memref_slice %arg7[%add3A_17, %dma_start3A] : memref<10240x16xf32, #tpu.memory_space<vmem_shared>> -> memref<128x16xf32, #tpu.memory_space<vmem_shared>>
      %dma_start3A_72 = arith.constant 0 : i32
      %dma_start3A_73 = tpu.memref_slice %arg7[%add3A_17, %dma_start3A_72] : memref<10240x16xf32, #tpu.memory_space<vmem_shared>> -> memref<128x16xf32, #tpu.memory_space<vmem_shared>>
      tpu.enqueue_dma source(%arg6 : memref<128x16xf32, #tpu.memory_space<vmem>>) target(%dma_start3A_73 : memref<128x16xf32, #tpu.memory_space<vmem_shared>>) target_semaphore(%run_scoped3A_70 : memref<!tpu.dma_semaphore, #tpu.memory_space<semaphore_mem>>)
      %dma_wait3A = arith.constant 0 : i32
      %dma_wait3A_74 = tpu.memref_slice %arg7[%add3A_17, %dma_wait3A] : memref<10240x16xf32, #tpu.memory_space<vmem_shared>> -> memref<128x16xf32, #tpu.memory_space<vmem_shared>>
      %dma_wait3A_75 = arith.constant 0 : i32
      %dma_wait3A_76 = tpu.memref_slice %arg7[%add3A_17, %dma_wait3A_75] : memref<10240x16xf32, #tpu.memory_space<vmem_shared>> -> memref<128x16xf32, #tpu.memory_space<vmem_shared>>
      tpu.wait_dma2 semaphore(%run_scoped3A_70 : memref<!tpu.dma_semaphore, #tpu.memory_space<semaphore_mem>>) src(%arg6 : memref<128x16xf32, #tpu.memory_space<vmem>>) dst(%dma_wait3A_76 : memref<128x16xf32, #tpu.memory_space<vmem_shared>>)
      tpu.yield
    }) : () -> ()
    %mul3A_18 = arith.constant 640 : i32
    %mul3A_19 = arith.muli %arg1, %mul3A_18 : i32
    %add3A_20 = arith.constant 384 : i32
    %add3A_21 = arith.addi %mul3A_19, %add3A_20 : i32
    "tpu.region"() ({
      %run_scoped3A_70 = tpu.sem_alloc : memref<!tpu.dma_semaphore, #tpu.memory_space<semaphore_mem>>
      %dma_start3A = arith.constant 0 : i32
      %dma_start3A_71 = tpu.memref_slice %arg7[%add3A_21, %dma_start3A] : memref<10240x16xf32, #tpu.memory_space<vmem_shared>> -> memref<128x16xf32, #tpu.memory_space<vmem_shared>>
      %dma_start3A_72 = arith.constant 0 : i32
      %dma_start3A_73 = tpu.memref_slice %arg7[%add3A_21, %dma_start3A_72] : memref<10240x16xf32, #tpu.memory_space<vmem_shared>> -> memref<128x16xf32, #tpu.memory_space<vmem_shared>>
      tpu.enqueue_dma source(%arg6 : memref<128x16xf32, #tpu.memory_space<vmem>>) target(%dma_start3A_73 : memref<128x16xf32, #tpu.memory_space<vmem_shared>>) target_semaphore(%run_scoped3A_70 : memref<!tpu.dma_semaphore, #tpu.memory_space<semaphore_mem>>)
      %dma_wait3A = arith.constant 0 : i32
      %dma_wait3A_74 = tpu.memref_slice %arg7[%add3A_21, %dma_wait3A] : memref<10240x16xf32, #tpu.memory_space<vmem_shared>> -> memref<128x16xf32, #tpu.memory_space<vmem_shared>>
      %dma_wait3A_75 = arith.constant 0 : i32
      %dma_wait3A_76 = tpu.memref_slice %arg7[%add3A_21, %dma_wait3A_75] : memref<10240x16xf32, #tpu.memory_space<vmem_shared>> -> memref<128x16xf32, #tpu.memory_space<vmem_shared>>
      tpu.wait_dma2 semaphore(%run_scoped3A_70 : memref<!tpu.dma_semaphore, #tpu.memory_space<semaphore_mem>>) src(%arg6 : memref<128x16xf32, #tpu.memory_space<vmem>>) dst(%dma_wait3A_76 : memref<128x16xf32, #tpu.memory_space<vmem_shared>>)
      tpu.yield
    }) : () -> ()
    %mul3A_22 = arith.constant 640 : i32
    %mul3A_23 = arith.muli %arg1, %mul3A_22 : i32
    %add3A_24 = arith.constant 512 : i32
    %add3A_25 = arith.addi %mul3A_23, %add3A_24 : i32
    "tpu.region"() ({
      %run_scoped3A_70 = tpu.sem_alloc : memref<!tpu.dma_semaphore, #tpu.memory_space<semaphore_mem>>
      %dma_start3A = arith.constant 0 : i32
      %dma_start3A_71 = tpu.memref_slice %arg7[%add3A_25, %dma_start3A] : memref<10240x16xf32, #tpu.memory_space<vmem_shared>> -> memref<128x16xf32, #tpu.memory_space<vmem_shared>>
      %dma_start3A_72 = arith.constant 0 : i32
      %dma_start3A_73 = tpu.memref_slice %arg7[%add3A_25, %dma_start3A_72] : memref<10240x16xf32, #tpu.memory_space<vmem_shared>> -> memref<128x16xf32, #tpu.memory_space<vmem_shared>>
      tpu.enqueue_dma source(%arg6 : memref<128x16xf32, #tpu.memory_space<vmem>>) target(%dma_start3A_73 : memref<128x16xf32, #tpu.memory_space<vmem_shared>>) target_semaphore(%run_scoped3A_70 : memref<!tpu.dma_semaphore, #tpu.memory_space<semaphore_mem>>)
      %dma_wait3A = arith.constant 0 : i32
      %dma_wait3A_74 = tpu.memref_slice %arg7[%add3A_25, %dma_wait3A] : memref<10240x16xf32, #tpu.memory_space<vmem_shared>> -> memref<128x16xf32, #tpu.memory_space<vmem_shared>>
      %dma_wait3A_75 = arith.constant 0 : i32
      %dma_wait3A_76 = tpu.memref_slice %arg7[%add3A_25, %dma_wait3A_75] : memref<10240x16xf32, #tpu.memory_space<vmem_shared>> -> memref<128x16xf32, #tpu.memory_space<vmem_shared>>
      tpu.wait_dma2 semaphore(%run_scoped3A_70 : memref<!tpu.dma_semaphore, #tpu.memory_space<semaphore_mem>>) src(%arg6 : memref<128x16xf32, #tpu.memory_space<vmem>>) dst(%dma_wait3A_76 : memref<128x16xf32, #tpu.memory_space<vmem_shared>>)
      tpu.yield
    }) : () -> ()
    %barrier3A = arith.constant 0 : index
    tpu.barrier barrier_id(%barrier3A)
    %run_scoped3A = arith.constant 0 : i32
    "tpu.region"() ({
      %run_scoped3A_70 = tpu.sem_alloc : memref<!tpu.dma_semaphore, #tpu.memory_space<semaphore_mem>>
      %dma_start3A = arith.constant 0 : i32
      %dma_start3A_71 = tpu.memref_slice %arg4[%run_scoped3A, %dma_start3A] : memref<40x128xi32, #tpu.memory_space<vmem>> -> memref<1x128xi32, #tpu.memory_space<vmem>>
      %dma_start3A_72 = tpu.memref_squeeze %dma_start3A_71 : memref<1x128xi32, #tpu.memory_space<vmem>> -> memref<128xi32, #tpu.memory_space<vmem>>
      %dma_start3A_73 = arith.constant 0 : i32
      %dma_start3A_74 = arith.constant 0 : i32
      %dma_start3A_75 = tpu.memref_slice %arg7[%dma_start3A_73, %dma_start3A_74] : memref<10240x16xf32, #tpu.memory_space<vmem_shared>> -> memref<10240x16xf32, #tpu.memory_space<vmem_shared>>
      tpu.enqueue_indirect_dma source(%arg5 : memref<128x16xf32, #tpu.memory_space<vmem>>) target(%dma_start3A_75 : memref<10240x16xf32, #tpu.memory_space<vmem_shared>>) offsets(%dma_start3A_72 : memref<128xi32, #tpu.memory_space<vmem>>) semaphore(%run_scoped3A_70 : memref<!tpu.dma_semaphore, #tpu.memory_space<semaphore_mem>>) {add = true}
      %dma_wait3A = arith.constant 0 : i32
      %dma_wait3A_76 = tpu.memref_slice %arg4[%run_scoped3A, %dma_wait3A] : memref<40x128xi32, #tpu.memory_space<vmem>> -> memref<1x128xi32, #tpu.memory_space<vmem>>
      %dma_wait3A_77 = tpu.memref_squeeze %dma_wait3A_76 : memref<1x128xi32, #tpu.memory_space<vmem>> -> memref<128xi32, #tpu.memory_space<vmem>>
      %dma_wait3A_78 = arith.constant 0 : i32
      %dma_wait3A_79 = arith.constant 0 : i32
      %dma_wait3A_80 = tpu.memref_slice %arg7[%dma_wait3A_78, %dma_wait3A_79] : memref<10240x16xf32, #tpu.memory_space<vmem_shared>> -> memref<10240x16xf32, #tpu.memory_space<vmem_shared>>
      tpu.wait_indirect_dma semaphore(%run_scoped3A_70 : memref<!tpu.dma_semaphore, #tpu.memory_space<semaphore_mem>>) src(%arg5 : memref<128x16xf32, #tpu.memory_space<vmem>>) dst(%dma_wait3A_80 : memref<10240x16xf32, #tpu.memory_space<vmem_shared>>)
      tpu.yield
    }) : () -> ()
    %run_scoped3A_26 = arith.constant 1 : i32
    "tpu.region"() ({
      %run_scoped3A_70 = tpu.sem_alloc : memref<!tpu.dma_semaphore, #tpu.memory_space<semaphore_mem>>
      %dma_start3A = arith.constant 0 : i32
      %dma_start3A_71 = tpu.memref_slice %arg4[%run_scoped3A_26, %dma_start3A] : memref<40x128xi32, #tpu.memory_space<vmem>> -> memref<1x128xi32, #tpu.memory_space<vmem>>
      %dma_start3A_72 = tpu.memref_squeeze %dma_start3A_71 : memref<1x128xi32, #tpu.memory_space<vmem>> -> memref<128xi32, #tpu.memory_space<vmem>>
      %dma_start3A_73 = arith.constant 0 : i32
      %dma_start3A_74 = arith.constant 0 : i32
      %dma_start3A_75 = tpu.memref_slice %arg7[%dma_start3A_73, %dma_start3A_74] : memref<10240x16xf32, #tpu.memory_space<vmem_shared>> -> memref<10240x16xf32, #tpu.memory_space<vmem_shared>>
      tpu.enqueue_indirect_dma source(%arg5 : memref<128x16xf32, #tpu.memory_space<vmem>>) target(%dma_start3A_75 : memref<10240x16xf32, #tpu.memory_space<vmem_shared>>) offsets(%dma_start3A_72 : memref<128xi32, #tpu.memory_space<vmem>>) semaphore(%run_scoped3A_70 : memref<!tpu.dma_semaphore, #tpu.memory_space<semaphore_mem>>) {add = true}
      %dma_wait3A = arith.constant 0 : i32
      %dma_wait3A_76 = tpu.memref_slice %arg4[%run_scoped3A_26, %dma_wait3A] : memref<40x128xi32, #tpu.memory_space<vmem>> -> memref<1x128xi32, #tpu.memory_space<vmem>>
      %dma_wait3A_77 = tpu.memref_squeeze %dma_wait3A_76 : memref<1x128xi32, #tpu.memory_space<vmem>> -> memref<128xi32, #tpu.memory_space<vmem>>
      %dma_wait3A_78 = arith.constant 0 : i32
      %dma_wait3A_79 = arith.constant 0 : i32
      %dma_wait3A_80 = tpu.memref_slice %arg7[%dma_wait3A_78, %dma_wait3A_79] : memref<10240x16xf32, #tpu.memory_space<vmem_shared>> -> memref<10240x16xf32, #tpu.memory_space<vmem_shared>>
      tpu.wait_indirect_dma semaphore(%run_scoped3A_70 : memref<!tpu.dma_semaphore, #tpu.memory_space<semaphore_mem>>) src(%arg5 : memref<128x16xf32, #tpu.memory_space<vmem>>) dst(%dma_wait3A_80 : memref<10240x16xf32, #tpu.memory_space<vmem_shared>>)
      tpu.yield
    }) : () -> ()
    %run_scoped3A_27 = arith.constant 2 : i32
    "tpu.region"() ({
      %run_scoped3A_70 = tpu.sem_alloc : memref<!tpu.dma_semaphore, #tpu.memory_space<semaphore_mem>>
      %dma_start3A = arith.constant 0 : i32
      %dma_start3A_71 = tpu.memref_slice %arg4[%run_scoped3A_27, %dma_start3A] : memref<40x128xi32, #tpu.memory_space<vmem>> -> memref<1x128xi32, #tpu.memory_space<vmem>>
      %dma_start3A_72 = tpu.memref_squeeze %dma_start3A_71 : memref<1x128xi32, #tpu.memory_space<vmem>> -> memref<128xi32, #tpu.memory_space<vmem>>
      %dma_start3A_73 = arith.constant 0 : i32
      %dma_start3A_74 = arith.constant 0 : i32
      %dma_start3A_75 = tpu.memref_slice %arg7[%dma_start3A_73, %dma_start3A_74] : memref<10240x16xf32, #tpu.memory_space<vmem_shared>> -> memref<10240x16xf32, #tpu.memory_space<vmem_shared>>
      tpu.enqueue_indirect_dma source(%arg5 : memref<128x16xf32, #tpu.memory_space<vmem>>) target(%dma_start3A_75 : memref<10240x16xf32, #tpu.memory_space<vmem_shared>>) offsets(%dma_start3A_72 : memref<128xi32, #tpu.memory_space<vmem>>) semaphore(%run_scoped3A_70 : memref<!tpu.dma_semaphore, #tpu.memory_space<semaphore_mem>>) {add = true}
      %dma_wait3A = arith.constant 0 : i32
      %dma_wait3A_76 = tpu.memref_slice %arg4[%run_scoped3A_27, %dma_wait3A] : memref<40x128xi32, #tpu.memory_space<vmem>> -> memref<1x128xi32, #tpu.memory_space<vmem>>
      %dma_wait3A_77 = tpu.memref_squeeze %dma_wait3A_76 : memref<1x128xi32, #tpu.memory_space<vmem>> -> memref<128xi32, #tpu.memory_space<vmem>>
      %dma_wait3A_78 = arith.constant 0 : i32
      %dma_wait3A_79 = arith.constant 0 : i32
      %dma_wait3A_80 = tpu.memref_slice %arg7[%dma_wait3A_78, %dma_wait3A_79] : memref<10240x16xf32, #tpu.memory_space<vmem_shared>> -> memref<10240x16xf32, #tpu.memory_space<vmem_shared>>
      tpu.wait_indirect_dma semaphore(%run_scoped3A_70 : memref<!tpu.dma_semaphore, #tpu.memory_space<semaphore_mem>>) src(%arg5 : memref<128x16xf32, #tpu.memory_space<vmem>>) dst(%dma_wait3A_80 : memref<10240x16xf32, #tpu.memory_space<vmem_shared>>)
      tpu.yield
    }) : () -> ()
    %run_scoped3A_28 = arith.constant 3 : i32
    "tpu.region"() ({
      %run_scoped3A_70 = tpu.sem_alloc : memref<!tpu.dma_semaphore, #tpu.memory_space<semaphore_mem>>
      %dma_start3A = arith.constant 0 : i32
      %dma_start3A_71 = tpu.memref_slice %arg4[%run_scoped3A_28, %dma_start3A] : memref<40x128xi32, #tpu.memory_space<vmem>> -> memref<1x128xi32, #tpu.memory_space<vmem>>
      %dma_start3A_72 = tpu.memref_squeeze %dma_start3A_71 : memref<1x128xi32, #tpu.memory_space<vmem>> -> memref<128xi32, #tpu.memory_space<vmem>>
      %dma_start3A_73 = arith.constant 0 : i32
      %dma_start3A_74 = arith.constant 0 : i32
      %dma_start3A_75 = tpu.memref_slice %arg7[%dma_start3A_73, %dma_start3A_74] : memref<10240x16xf32, #tpu.memory_space<vmem_shared>> -> memref<10240x16xf32, #tpu.memory_space<vmem_shared>>
      tpu.enqueue_indirect_dma source(%arg5 : memref<128x16xf32, #tpu.memory_space<vmem>>) target(%dma_start3A_75 : memref<10240x16xf32, #tpu.memory_space<vmem_shared>>) offsets(%dma_start3A_72 : memref<128xi32, #tpu.memory_space<vmem>>) semaphore(%run_scoped3A_70 : memref<!tpu.dma_semaphore, #tpu.memory_space<semaphore_mem>>) {add = true}
      %dma_wait3A = arith.constant 0 : i32
      %dma_wait3A_76 = tpu.memref_slice %arg4[%run_scoped3A_28, %dma_wait3A] : memref<40x128xi32, #tpu.memory_space<vmem>> -> memref<1x128xi32, #tpu.memory_space<vmem>>
      %dma_wait3A_77 = tpu.memref_squeeze %dma_wait3A_76 : memref<1x128xi32, #tpu.memory_space<vmem>> -> memref<128xi32, #tpu.memory_space<vmem>>
      %dma_wait3A_78 = arith.constant 0 : i32
      %dma_wait3A_79 = arith.constant 0 : i32
      %dma_wait3A_80 = tpu.memref_slice %arg7[%dma_wait3A_78, %dma_wait3A_79] : memref<10240x16xf32, #tpu.memory_space<vmem_shared>> -> memref<10240x16xf32, #tpu.memory_space<vmem_shared>>
      tpu.wait_indirect_dma semaphore(%run_scoped3A_70 : memref<!tpu.dma_semaphore, #tpu.memory_space<semaphore_mem>>) src(%arg5 : memref<128x16xf32, #tpu.memory_space<vmem>>) dst(%dma_wait3A_80 : memref<10240x16xf32, #tpu.memory_space<vmem_shared>>)
      tpu.yield
    }) : () -> ()
    %run_scoped3A_29 = arith.constant 4 : i32
    "tpu.region"() ({
      %run_scoped3A_70 = tpu.sem_alloc : memref<!tpu.dma_semaphore, #tpu.memory_space<semaphore_mem>>
      %dma_start3A = arith.constant 0 : i32
      %dma_start3A_71 = tpu.memref_slice %arg4[%run_scoped3A_29, %dma_start3A] : memref<40x128xi32, #tpu.memory_space<vmem>> -> memref<1x128xi32, #tpu.memory_space<vmem>>
      %dma_start3A_72 = tpu.memref_squeeze %dma_start3A_71 : memref<1x128xi32, #tpu.memory_space<vmem>> -> memref<128xi32, #tpu.memory_space<vmem>>
      %dma_start3A_73 = arith.constant 0 : i32
      %dma_start3A_74 = arith.constant 0 : i32
      %dma_start3A_75 = tpu.memref_slice %arg7[%dma_start3A_73, %dma_start3A_74] : memref<10240x16xf32, #tpu.memory_space<vmem_shared>> -> memref<10240x16xf32, #tpu.memory_space<vmem_shared>>
      tpu.enqueue_indirect_dma source(%arg5 : memref<128x16xf32, #tpu.memory_space<vmem>>) target(%dma_start3A_75 : memref<10240x16xf32, #tpu.memory_space<vmem_shared>>) offsets(%dma_start3A_72 : memref<128xi32, #tpu.memory_space<vmem>>) semaphore(%run_scoped3A_70 : memref<!tpu.dma_semaphore, #tpu.memory_space<semaphore_mem>>) {add = true}
      %dma_wait3A = arith.constant 0 : i32
      %dma_wait3A_76 = tpu.memref_slice %arg4[%run_scoped3A_29, %dma_wait3A] : memref<40x128xi32, #tpu.memory_space<vmem>> -> memref<1x128xi32, #tpu.memory_space<vmem>>
      %dma_wait3A_77 = tpu.memref_squeeze %dma_wait3A_76 : memref<1x128xi32, #tpu.memory_space<vmem>> -> memref<128xi32, #tpu.memory_space<vmem>>
      %dma_wait3A_78 = arith.constant 0 : i32
      %dma_wait3A_79 = arith.constant 0 : i32
      %dma_wait3A_80 = tpu.memref_slice %arg7[%dma_wait3A_78, %dma_wait3A_79] : memref<10240x16xf32, #tpu.memory_space<vmem_shared>> -> memref<10240x16xf32, #tpu.memory_space<vmem_shared>>
      tpu.wait_indirect_dma semaphore(%run_scoped3A_70 : memref<!tpu.dma_semaphore, #tpu.memory_space<semaphore_mem>>) src(%arg5 : memref<128x16xf32, #tpu.memory_space<vmem>>) dst(%dma_wait3A_80 : memref<10240x16xf32, #tpu.memory_space<vmem_shared>>)
      tpu.yield
    }) : () -> ()
    %run_scoped3A_30 = arith.constant 5 : i32
    "tpu.region"() ({
      %run_scoped3A_70 = tpu.sem_alloc : memref<!tpu.dma_semaphore, #tpu.memory_space<semaphore_mem>>
      %dma_start3A = arith.constant 0 : i32
      %dma_start3A_71 = tpu.memref_slice %arg4[%run_scoped3A_30, %dma_start3A] : memref<40x128xi32, #tpu.memory_space<vmem>> -> memref<1x128xi32, #tpu.memory_space<vmem>>
      %dma_start3A_72 = tpu.memref_squeeze %dma_start3A_71 : memref<1x128xi32, #tpu.memory_space<vmem>> -> memref<128xi32, #tpu.memory_space<vmem>>
      %dma_start3A_73 = arith.constant 0 : i32
      %dma_start3A_74 = arith.constant 0 : i32
      %dma_start3A_75 = tpu.memref_slice %arg7[%dma_start3A_73, %dma_start3A_74] : memref<10240x16xf32, #tpu.memory_space<vmem_shared>> -> memref<10240x16xf32, #tpu.memory_space<vmem_shared>>
      tpu.enqueue_indirect_dma source(%arg5 : memref<128x16xf32, #tpu.memory_space<vmem>>) target(%dma_start3A_75 : memref<10240x16xf32, #tpu.memory_space<vmem_shared>>) offsets(%dma_start3A_72 : memref<128xi32, #tpu.memory_space<vmem>>) semaphore(%run_scoped3A_70 : memref<!tpu.dma_semaphore, #tpu.memory_space<semaphore_mem>>) {add = true}
      %dma_wait3A = arith.constant 0 : i32
      %dma_wait3A_76 = tpu.memref_slice %arg4[%run_scoped3A_30, %dma_wait3A] : memref<40x128xi32, #tpu.memory_space<vmem>> -> memref<1x128xi32, #tpu.memory_space<vmem>>
      %dma_wait3A_77 = tpu.memref_squeeze %dma_wait3A_76 : memref<1x128xi32, #tpu.memory_space<vmem>> -> memref<128xi32, #tpu.memory_space<vmem>>
      %dma_wait3A_78 = arith.constant 0 : i32
      %dma_wait3A_79 = arith.constant 0 : i32
      %dma_wait3A_80 = tpu.memref_slice %arg7[%dma_wait3A_78, %dma_wait3A_79] : memref<10240x16xf32, #tpu.memory_space<vmem_shared>> -> memref<10240x16xf32, #tpu.memory_space<vmem_shared>>
      tpu.wait_indirect_dma semaphore(%run_scoped3A_70 : memref<!tpu.dma_semaphore, #tpu.memory_space<semaphore_mem>>) src(%arg5 : memref<128x16xf32, #tpu.memory_space<vmem>>) dst(%dma_wait3A_80 : memref<10240x16xf32, #tpu.memory_space<vmem_shared>>)
      tpu.yield
    }) : () -> ()
    %run_scoped3A_31 = arith.constant 6 : i32
    "tpu.region"() ({
      %run_scoped3A_70 = tpu.sem_alloc : memref<!tpu.dma_semaphore, #tpu.memory_space<semaphore_mem>>
      %dma_start3A = arith.constant 0 : i32
      %dma_start3A_71 = tpu.memref_slice %arg4[%run_scoped3A_31, %dma_start3A] : memref<40x128xi32, #tpu.memory_space<vmem>> -> memref<1x128xi32, #tpu.memory_space<vmem>>
      %dma_start3A_72 = tpu.memref_squeeze %dma_start3A_71 : memref<1x128xi32, #tpu.memory_space<vmem>> -> memref<128xi32, #tpu.memory_space<vmem>>
      %dma_start3A_73 = arith.constant 0 : i32
      %dma_start3A_74 = arith.constant 0 : i32
      %dma_start3A_75 = tpu.memref_slice %arg7[%dma_start3A_73, %dma_start3A_74] : memref<10240x16xf32, #tpu.memory_space<vmem_shared>> -> memref<10240x16xf32, #tpu.memory_space<vmem_shared>>
      tpu.enqueue_indirect_dma source(%arg5 : memref<128x16xf32, #tpu.memory_space<vmem>>) target(%dma_start3A_75 : memref<10240x16xf32, #tpu.memory_space<vmem_shared>>) offsets(%dma_start3A_72 : memref<128xi32, #tpu.memory_space<vmem>>) semaphore(%run_scoped3A_70 : memref<!tpu.dma_semaphore, #tpu.memory_space<semaphore_mem>>) {add = true}
      %dma_wait3A = arith.constant 0 : i32
      %dma_wait3A_76 = tpu.memref_slice %arg4[%run_scoped3A_31, %dma_wait3A] : memref<40x128xi32, #tpu.memory_space<vmem>> -> memref<1x128xi32, #tpu.memory_space<vmem>>
      %dma_wait3A_77 = tpu.memref_squeeze %dma_wait3A_76 : memref<1x128xi32, #tpu.memory_space<vmem>> -> memref<128xi32, #tpu.memory_space<vmem>>
      %dma_wait3A_78 = arith.constant 0 : i32
      %dma_wait3A_79 = arith.constant 0 : i32
      %dma_wait3A_80 = tpu.memref_slice %arg7[%dma_wait3A_78, %dma_wait3A_79] : memref<10240x16xf32, #tpu.memory_space<vmem_shared>> -> memref<10240x16xf32, #tpu.memory_space<vmem_shared>>
      tpu.wait_indirect_dma semaphore(%run_scoped3A_70 : memref<!tpu.dma_semaphore, #tpu.memory_space<semaphore_mem>>) src(%arg5 : memref<128x16xf32, #tpu.memory_space<vmem>>) dst(%dma_wait3A_80 : memref<10240x16xf32, #tpu.memory_space<vmem_shared>>)
      tpu.yield
    }) : () -> ()
    %run_scoped3A_32 = arith.constant 7 : i32
    "tpu.region"() ({
      %run_scoped3A_70 = tpu.sem_alloc : memref<!tpu.dma_semaphore, #tpu.memory_space<semaphore_mem>>
      %dma_start3A = arith.constant 0 : i32
      %dma_start3A_71 = tpu.memref_slice %arg4[%run_scoped3A_32, %dma_start3A] : memref<40x128xi32, #tpu.memory_space<vmem>> -> memref<1x128xi32, #tpu.memory_space<vmem>>
      %dma_start3A_72 = tpu.memref_squeeze %dma_start3A_71 : memref<1x128xi32, #tpu.memory_space<vmem>> -> memref<128xi32, #tpu.memory_space<vmem>>
      %dma_start3A_73 = arith.constant 0 : i32
      %dma_start3A_74 = arith.constant 0 : i32
      %dma_start3A_75 = tpu.memref_slice %arg7[%dma_start3A_73, %dma_start3A_74] : memref<10240x16xf32, #tpu.memory_space<vmem_shared>> -> memref<10240x16xf32, #tpu.memory_space<vmem_shared>>
      tpu.enqueue_indirect_dma source(%arg5 : memref<128x16xf32, #tpu.memory_space<vmem>>) target(%dma_start3A_75 : memref<10240x16xf32, #tpu.memory_space<vmem_shared>>) offsets(%dma_start3A_72 : memref<128xi32, #tpu.memory_space<vmem>>) semaphore(%run_scoped3A_70 : memref<!tpu.dma_semaphore, #tpu.memory_space<semaphore_mem>>) {add = true}
      %dma_wait3A = arith.constant 0 : i32
      %dma_wait3A_76 = tpu.memref_slice %arg4[%run_scoped3A_32, %dma_wait3A] : memref<40x128xi32, #tpu.memory_space<vmem>> -> memref<1x128xi32, #tpu.memory_space<vmem>>
      %dma_wait3A_77 = tpu.memref_squeeze %dma_wait3A_76 : memref<1x128xi32, #tpu.memory_space<vmem>> -> memref<128xi32, #tpu.memory_space<vmem>>
      %dma_wait3A_78 = arith.constant 0 : i32
      %dma_wait3A_79 = arith.constant 0 : i32
      %dma_wait3A_80 = tpu.memref_slice %arg7[%dma_wait3A_78, %dma_wait3A_79] : memref<10240x16xf32, #tpu.memory_space<vmem_shared>> -> memref<10240x16xf32, #tpu.memory_space<vmem_shared>>
      tpu.wait_indirect_dma semaphore(%run_scoped3A_70 : memref<!tpu.dma_semaphore, #tpu.memory_space<semaphore_mem>>) src(%arg5 : memref<128x16xf32, #tpu.memory_space<vmem>>) dst(%dma_wait3A_80 : memref<10240x16xf32, #tpu.memory_space<vmem_shared>>)
      tpu.yield
    }) : () -> ()
    %run_scoped3A_33 = arith.constant 8 : i32
    "tpu.region"() ({
      %run_scoped3A_70 = tpu.sem_alloc : memref<!tpu.dma_semaphore, #tpu.memory_space<semaphore_mem>>
      %dma_start3A = arith.constant 0 : i32
      %dma_start3A_71 = tpu.memref_slice %arg4[%run_scoped3A_33, %dma_start3A] : memref<40x128xi32, #tpu.memory_space<vmem>> -> memref<1x128xi32, #tpu.memory_space<vmem>>
      %dma_start3A_72 = tpu.memref_squeeze %dma_start3A_71 : memref<1x128xi32, #tpu.memory_space<vmem>> -> memref<128xi32, #tpu.memory_space<vmem>>
      %dma_start3A_73 = arith.constant 0 : i32
      %dma_start3A_74 = arith.constant 0 : i32
      %dma_start3A_75 = tpu.memref_slice %arg7[%dma_start3A_73, %dma_start3A_74] : memref<10240x16xf32, #tpu.memory_space<vmem_shared>> -> memref<10240x16xf32, #tpu.memory_space<vmem_shared>>
      tpu.enqueue_indirect_dma source(%arg5 : memref<128x16xf32, #tpu.memory_space<vmem>>) target(%dma_start3A_75 : memref<10240x16xf32, #tpu.memory_space<vmem_shared>>) offsets(%dma_start3A_72 : memref<128xi32, #tpu.memory_space<vmem>>) semaphore(%run_scoped3A_70 : memref<!tpu.dma_semaphore, #tpu.memory_space<semaphore_mem>>) {add = true}
      %dma_wait3A = arith.constant 0 : i32
      %dma_wait3A_76 = tpu.memref_slice %arg4[%run_scoped3A_33, %dma_wait3A] : memref<40x128xi32, #tpu.memory_space<vmem>> -> memref<1x128xi32, #tpu.memory_space<vmem>>
      %dma_wait3A_77 = tpu.memref_squeeze %dma_wait3A_76 : memref<1x128xi32, #tpu.memory_space<vmem>> -> memref<128xi32, #tpu.memory_space<vmem>>
      %dma_wait3A_78 = arith.constant 0 : i32
      %dma_wait3A_79 = arith.constant 0 : i32
      %dma_wait3A_80 = tpu.memref_slice %arg7[%dma_wait3A_78, %dma_wait3A_79] : memref<10240x16xf32, #tpu.memory_space<vmem_shared>> -> memref<10240x16xf32, #tpu.memory_space<vmem_shared>>
      tpu.wait_indirect_dma semaphore(%run_scoped3A_70 : memref<!tpu.dma_semaphore, #tpu.memory_space<semaphore_mem>>) src(%arg5 : memref<128x16xf32, #tpu.memory_space<vmem>>) dst(%dma_wait3A_80 : memref<10240x16xf32, #tpu.memory_space<vmem_shared>>)
      tpu.yield
    }) : () -> ()
    %run_scoped3A_34 = arith.constant 9 : i32
    "tpu.region"() ({
      %run_scoped3A_70 = tpu.sem_alloc : memref<!tpu.dma_semaphore, #tpu.memory_space<semaphore_mem>>
      %dma_start3A = arith.constant 0 : i32
      %dma_start3A_71 = tpu.memref_slice %arg4[%run_scoped3A_34, %dma_start3A] : memref<40x128xi32, #tpu.memory_space<vmem>> -> memref<1x128xi32, #tpu.memory_space<vmem>>
      %dma_start3A_72 = tpu.memref_squeeze %dma_start3A_71 : memref<1x128xi32, #tpu.memory_space<vmem>> -> memref<128xi32, #tpu.memory_space<vmem>>
      %dma_start3A_73 = arith.constant 0 : i32
      %dma_start3A_74 = arith.constant 0 : i32
      %dma_start3A_75 = tpu.memref_slice %arg7[%dma_start3A_73, %dma_start3A_74] : memref<10240x16xf32, #tpu.memory_space<vmem_shared>> -> memref<10240x16xf32, #tpu.memory_space<vmem_shared>>
      tpu.enqueue_indirect_dma source(%arg5 : memref<128x16xf32, #tpu.memory_space<vmem>>) target(%dma_start3A_75 : memref<10240x16xf32, #tpu.memory_space<vmem_shared>>) offsets(%dma_start3A_72 : memref<128xi32, #tpu.memory_space<vmem>>) semaphore(%run_scoped3A_70 : memref<!tpu.dma_semaphore, #tpu.memory_space<semaphore_mem>>) {add = true}
      %dma_wait3A = arith.constant 0 : i32
      %dma_wait3A_76 = tpu.memref_slice %arg4[%run_scoped3A_34, %dma_wait3A] : memref<40x128xi32, #tpu.memory_space<vmem>> -> memref<1x128xi32, #tpu.memory_space<vmem>>
      %dma_wait3A_77 = tpu.memref_squeeze %dma_wait3A_76 : memref<1x128xi32, #tpu.memory_space<vmem>> -> memref<128xi32, #tpu.memory_space<vmem>>
      %dma_wait3A_78 = arith.constant 0 : i32
      %dma_wait3A_79 = arith.constant 0 : i32
      %dma_wait3A_80 = tpu.memref_slice %arg7[%dma_wait3A_78, %dma_wait3A_79] : memref<10240x16xf32, #tpu.memory_space<vmem_shared>> -> memref<10240x16xf32, #tpu.memory_space<vmem_shared>>
      tpu.wait_indirect_dma semaphore(%run_scoped3A_70 : memref<!tpu.dma_semaphore, #tpu.memory_space<semaphore_mem>>) src(%arg5 : memref<128x16xf32, #tpu.memory_space<vmem>>) dst(%dma_wait3A_80 : memref<10240x16xf32, #tpu.memory_space<vmem_shared>>)
      tpu.yield
    }) : () -> ()
    %run_scoped3A_35 = arith.constant 10 : i32
    "tpu.region"() ({
      %run_scoped3A_70 = tpu.sem_alloc : memref<!tpu.dma_semaphore, #tpu.memory_space<semaphore_mem>>
      %dma_start3A = arith.constant 0 : i32
      %dma_start3A_71 = tpu.memref_slice %arg4[%run_scoped3A_35, %dma_start3A] : memref<40x128xi32, #tpu.memory_space<vmem>> -> memref<1x128xi32, #tpu.memory_space<vmem>>
      %dma_start3A_72 = tpu.memref_squeeze %dma_start3A_71 : memref<1x128xi32, #tpu.memory_space<vmem>> -> memref<128xi32, #tpu.memory_space<vmem>>
      %dma_start3A_73 = arith.constant 0 : i32
      %dma_start3A_74 = arith.constant 0 : i32
      %dma_start3A_75 = tpu.memref_slice %arg7[%dma_start3A_73, %dma_start3A_74] : memref<10240x16xf32, #tpu.memory_space<vmem_shared>> -> memref<10240x16xf32, #tpu.memory_space<vmem_shared>>
      tpu.enqueue_indirect_dma source(%arg5 : memref<128x16xf32, #tpu.memory_space<vmem>>) target(%dma_start3A_75 : memref<10240x16xf32, #tpu.memory_space<vmem_shared>>) offsets(%dma_start3A_72 : memref<128xi32, #tpu.memory_space<vmem>>) semaphore(%run_scoped3A_70 : memref<!tpu.dma_semaphore, #tpu.memory_space<semaphore_mem>>) {add = true}
      %dma_wait3A = arith.constant 0 : i32
      %dma_wait3A_76 = tpu.memref_slice %arg4[%run_scoped3A_35, %dma_wait3A] : memref<40x128xi32, #tpu.memory_space<vmem>> -> memref<1x128xi32, #tpu.memory_space<vmem>>
      %dma_wait3A_77 = tpu.memref_squeeze %dma_wait3A_76 : memref<1x128xi32, #tpu.memory_space<vmem>> -> memref<128xi32, #tpu.memory_space<vmem>>
      %dma_wait3A_78 = arith.constant 0 : i32
      %dma_wait3A_79 = arith.constant 0 : i32
      %dma_wait3A_80 = tpu.memref_slice %arg7[%dma_wait3A_78, %dma_wait3A_79] : memref<10240x16xf32, #tpu.memory_space<vmem_shared>> -> memref<10240x16xf32, #tpu.memory_space<vmem_shared>>
      tpu.wait_indirect_dma semaphore(%run_scoped3A_70 : memref<!tpu.dma_semaphore, #tpu.memory_space<semaphore_mem>>) src(%arg5 : memref<128x16xf32, #tpu.memory_space<vmem>>) dst(%dma_wait3A_80 : memref<10240x16xf32, #tpu.memory_space<vmem_shared>>)
      tpu.yield
    }) : () -> ()
    %run_scoped3A_36 = arith.constant 11 : i32
    "tpu.region"() ({
      %run_scoped3A_70 = tpu.sem_alloc : memref<!tpu.dma_semaphore, #tpu.memory_space<semaphore_mem>>
      %dma_start3A = arith.constant 0 : i32
      %dma_start3A_71 = tpu.memref_slice %arg4[%run_scoped3A_36, %dma_start3A] : memref<40x128xi32, #tpu.memory_space<vmem>> -> memref<1x128xi32, #tpu.memory_space<vmem>>
      %dma_start3A_72 = tpu.memref_squeeze %dma_start3A_71 : memref<1x128xi32, #tpu.memory_space<vmem>> -> memref<128xi32, #tpu.memory_space<vmem>>
      %dma_start3A_73 = arith.constant 0 : i32
      %dma_start3A_74 = arith.constant 0 : i32
      %dma_start3A_75 = tpu.memref_slice %arg7[%dma_start3A_73, %dma_start3A_74] : memref<10240x16xf32, #tpu.memory_space<vmem_shared>> -> memref<10240x16xf32, #tpu.memory_space<vmem_shared>>
      tpu.enqueue_indirect_dma source(%arg5 : memref<128x16xf32, #tpu.memory_space<vmem>>) target(%dma_start3A_75 : memref<10240x16xf32, #tpu.memory_space<vmem_shared>>) offsets(%dma_start3A_72 : memref<128xi32, #tpu.memory_space<vmem>>) semaphore(%run_scoped3A_70 : memref<!tpu.dma_semaphore, #tpu.memory_space<semaphore_mem>>) {add = true}
      %dma_wait3A = arith.constant 0 : i32
      %dma_wait3A_76 = tpu.memref_slice %arg4[%run_scoped3A_36, %dma_wait3A] : memref<40x128xi32, #tpu.memory_space<vmem>> -> memref<1x128xi32, #tpu.memory_space<vmem>>
      %dma_wait3A_77 = tpu.memref_squeeze %dma_wait3A_76 : memref<1x128xi32, #tpu.memory_space<vmem>> -> memref<128xi32, #tpu.memory_space<vmem>>
      %dma_wait3A_78 = arith.constant 0 : i32
      %dma_wait3A_79 = arith.constant 0 : i32
      %dma_wait3A_80 = tpu.memref_slice %arg7[%dma_wait3A_78, %dma_wait3A_79] : memref<10240x16xf32, #tpu.memory_space<vmem_shared>> -> memref<10240x16xf32, #tpu.memory_space<vmem_shared>>
      tpu.wait_indirect_dma semaphore(%run_scoped3A_70 : memref<!tpu.dma_semaphore, #tpu.memory_space<semaphore_mem>>) src(%arg5 : memref<128x16xf32, #tpu.memory_space<vmem>>) dst(%dma_wait3A_80 : memref<10240x16xf32, #tpu.memory_space<vmem_shared>>)
      tpu.yield
    }) : () -> ()
    %run_scoped3A_37 = arith.constant 12 : i32
    "tpu.region"() ({
      %run_scoped3A_70 = tpu.sem_alloc : memref<!tpu.dma_semaphore, #tpu.memory_space<semaphore_mem>>
      %dma_start3A = arith.constant 0 : i32
      %dma_start3A_71 = tpu.memref_slice %arg4[%run_scoped3A_37, %dma_start3A] : memref<40x128xi32, #tpu.memory_space<vmem>> -> memref<1x128xi32, #tpu.memory_space<vmem>>
      %dma_start3A_72 = tpu.memref_squeeze %dma_start3A_71 : memref<1x128xi32, #tpu.memory_space<vmem>> -> memref<128xi32, #tpu.memory_space<vmem>>
      %dma_start3A_73 = arith.constant 0 : i32
      %dma_start3A_74 = arith.constant 0 : i32
      %dma_start3A_75 = tpu.memref_slice %arg7[%dma_start3A_73, %dma_start3A_74] : memref<10240x16xf32, #tpu.memory_space<vmem_shared>> -> memref<10240x16xf32, #tpu.memory_space<vmem_shared>>
      tpu.enqueue_indirect_dma source(%arg5 : memref<128x16xf32, #tpu.memory_space<vmem>>) target(%dma_start3A_75 : memref<10240x16xf32, #tpu.memory_space<vmem_shared>>) offsets(%dma_start3A_72 : memref<128xi32, #tpu.memory_space<vmem>>) semaphore(%run_scoped3A_70 : memref<!tpu.dma_semaphore, #tpu.memory_space<semaphore_mem>>) {add = true}
      %dma_wait3A = arith.constant 0 : i32
      %dma_wait3A_76 = tpu.memref_slice %arg4[%run_scoped3A_37, %dma_wait3A] : memref<40x128xi32, #tpu.memory_space<vmem>> -> memref<1x128xi32, #tpu.memory_space<vmem>>
      %dma_wait3A_77 = tpu.memref_squeeze %dma_wait3A_76 : memref<1x128xi32, #tpu.memory_space<vmem>> -> memref<128xi32, #tpu.memory_space<vmem>>
      %dma_wait3A_78 = arith.constant 0 : i32
      %dma_wait3A_79 = arith.constant 0 : i32
      %dma_wait3A_80 = tpu.memref_slice %arg7[%dma_wait3A_78, %dma_wait3A_79] : memref<10240x16xf32, #tpu.memory_space<vmem_shared>> -> memref<10240x16xf32, #tpu.memory_space<vmem_shared>>
      tpu.wait_indirect_dma semaphore(%run_scoped3A_70 : memref<!tpu.dma_semaphore, #tpu.memory_space<semaphore_mem>>) src(%arg5 : memref<128x16xf32, #tpu.memory_space<vmem>>) dst(%dma_wait3A_80 : memref<10240x16xf32, #tpu.memory_space<vmem_shared>>)
      tpu.yield
    }) : () -> ()
    %run_scoped3A_38 = arith.constant 13 : i32
    "tpu.region"() ({
      %run_scoped3A_70 = tpu.sem_alloc : memref<!tpu.dma_semaphore, #tpu.memory_space<semaphore_mem>>
      %dma_start3A = arith.constant 0 : i32
      %dma_start3A_71 = tpu.memref_slice %arg4[%run_scoped3A_38, %dma_start3A] : memref<40x128xi32, #tpu.memory_space<vmem>> -> memref<1x128xi32, #tpu.memory_space<vmem>>
      %dma_start3A_72 = tpu.memref_squeeze %dma_start3A_71 : memref<1x128xi32, #tpu.memory_space<vmem>> -> memref<128xi32, #tpu.memory_space<vmem>>
      %dma_start3A_73 = arith.constant 0 : i32
      %dma_start3A_74 = arith.constant 0 : i32
      %dma_start3A_75 = tpu.memref_slice %arg7[%dma_start3A_73, %dma_start3A_74] : memref<10240x16xf32, #tpu.memory_space<vmem_shared>> -> memref<10240x16xf32, #tpu.memory_space<vmem_shared>>
      tpu.enqueue_indirect_dma source(%arg5 : memref<128x16xf32, #tpu.memory_space<vmem>>) target(%dma_start3A_75 : memref<10240x16xf32, #tpu.memory_space<vmem_shared>>) offsets(%dma_start3A_72 : memref<128xi32, #tpu.memory_space<vmem>>) semaphore(%run_scoped3A_70 : memref<!tpu.dma_semaphore, #tpu.memory_space<semaphore_mem>>) {add = true}
      %dma_wait3A = arith.constant 0 : i32
      %dma_wait3A_76 = tpu.memref_slice %arg4[%run_scoped3A_38, %dma_wait3A] : memref<40x128xi32, #tpu.memory_space<vmem>> -> memref<1x128xi32, #tpu.memory_space<vmem>>
      %dma_wait3A_77 = tpu.memref_squeeze %dma_wait3A_76 : memref<1x128xi32, #tpu.memory_space<vmem>> -> memref<128xi32, #tpu.memory_space<vmem>>
      %dma_wait3A_78 = arith.constant 0 : i32
      %dma_wait3A_79 = arith.constant 0 : i32
      %dma_wait3A_80 = tpu.memref_slice %arg7[%dma_wait3A_78, %dma_wait3A_79] : memref<10240x16xf32, #tpu.memory_space<vmem_shared>> -> memref<10240x16xf32, #tpu.memory_space<vmem_shared>>
      tpu.wait_indirect_dma semaphore(%run_scoped3A_70 : memref<!tpu.dma_semaphore, #tpu.memory_space<semaphore_mem>>) src(%arg5 : memref<128x16xf32, #tpu.memory_space<vmem>>) dst(%dma_wait3A_80 : memref<10240x16xf32, #tpu.memory_space<vmem_shared>>)
      tpu.yield
    }) : () -> ()
    %run_scoped3A_39 = arith.constant 14 : i32
    "tpu.region"() ({
      %run_scoped3A_70 = tpu.sem_alloc : memref<!tpu.dma_semaphore, #tpu.memory_space<semaphore_mem>>
      %dma_start3A = arith.constant 0 : i32
      %dma_start3A_71 = tpu.memref_slice %arg4[%run_scoped3A_39, %dma_start3A] : memref<40x128xi32, #tpu.memory_space<vmem>> -> memref<1x128xi32, #tpu.memory_space<vmem>>
      %dma_start3A_72 = tpu.memref_squeeze %dma_start3A_71 : memref<1x128xi32, #tpu.memory_space<vmem>> -> memref<128xi32, #tpu.memory_space<vmem>>
      %dma_start3A_73 = arith.constant 0 : i32
      %dma_start3A_74 = arith.constant 0 : i32
      %dma_start3A_75 = tpu.memref_slice %arg7[%dma_start3A_73, %dma_start3A_74] : memref<10240x16xf32, #tpu.memory_space<vmem_shared>> -> memref<10240x16xf32, #tpu.memory_space<vmem_shared>>
      tpu.enqueue_indirect_dma source(%arg5 : memref<128x16xf32, #tpu.memory_space<vmem>>) target(%dma_start3A_75 : memref<10240x16xf32, #tpu.memory_space<vmem_shared>>) offsets(%dma_start3A_72 : memref<128xi32, #tpu.memory_space<vmem>>) semaphore(%run_scoped3A_70 : memref<!tpu.dma_semaphore, #tpu.memory_space<semaphore_mem>>) {add = true}
      %dma_wait3A = arith.constant 0 : i32
      %dma_wait3A_76 = tpu.memref_slice %arg4[%run_scoped3A_39, %dma_wait3A] : memref<40x128xi32, #tpu.memory_space<vmem>> -> memref<1x128xi32, #tpu.memory_space<vmem>>
      %dma_wait3A_77 = tpu.memref_squeeze %dma_wait3A_76 : memref<1x128xi32, #tpu.memory_space<vmem>> -> memref<128xi32, #tpu.memory_space<vmem>>
      %dma_wait3A_78 = arith.constant 0 : i32
      %dma_wait3A_79 = arith.constant 0 : i32
      %dma_wait3A_80 = tpu.memref_slice %arg7[%dma_wait3A_78, %dma_wait3A_79] : memref<10240x16xf32, #tpu.memory_space<vmem_shared>> -> memref<10240x16xf32, #tpu.memory_space<vmem_shared>>
      tpu.wait_indirect_dma semaphore(%run_scoped3A_70 : memref<!tpu.dma_semaphore, #tpu.memory_space<semaphore_mem>>) src(%arg5 : memref<128x16xf32, #tpu.memory_space<vmem>>) dst(%dma_wait3A_80 : memref<10240x16xf32, #tpu.memory_space<vmem_shared>>)
      tpu.yield
    }) : () -> ()
    %run_scoped3A_40 = arith.constant 15 : i32
    "tpu.region"() ({
      %run_scoped3A_70 = tpu.sem_alloc : memref<!tpu.dma_semaphore, #tpu.memory_space<semaphore_mem>>
      %dma_start3A = arith.constant 0 : i32
      %dma_start3A_71 = tpu.memref_slice %arg4[%run_scoped3A_40, %dma_start3A] : memref<40x128xi32, #tpu.memory_space<vmem>> -> memref<1x128xi32, #tpu.memory_space<vmem>>
      %dma_start3A_72 = tpu.memref_squeeze %dma_start3A_71 : memref<1x128xi32, #tpu.memory_space<vmem>> -> memref<128xi32, #tpu.memory_space<vmem>>
      %dma_start3A_73 = arith.constant 0 : i32
      %dma_start3A_74 = arith.constant 0 : i32
      %dma_start3A_75 = tpu.memref_slice %arg7[%dma_start3A_73, %dma_start3A_74] : memref<10240x16xf32, #tpu.memory_space<vmem_shared>> -> memref<10240x16xf32, #tpu.memory_space<vmem_shared>>
      tpu.enqueue_indirect_dma source(%arg5 : memref<128x16xf32, #tpu.memory_space<vmem>>) target(%dma_start3A_75 : memref<10240x16xf32, #tpu.memory_space<vmem_shared>>) offsets(%dma_start3A_72 : memref<128xi32, #tpu.memory_space<vmem>>) semaphore(%run_scoped3A_70 : memref<!tpu.dma_semaphore, #tpu.memory_space<semaphore_mem>>) {add = true}
      %dma_wait3A = arith.constant 0 : i32
      %dma_wait3A_76 = tpu.memref_slice %arg4[%run_scoped3A_40, %dma_wait3A] : memref<40x128xi32, #tpu.memory_space<vmem>> -> memref<1x128xi32, #tpu.memory_space<vmem>>
      %dma_wait3A_77 = tpu.memref_squeeze %dma_wait3A_76 : memref<1x128xi32, #tpu.memory_space<vmem>> -> memref<128xi32, #tpu.memory_space<vmem>>
      %dma_wait3A_78 = arith.constant 0 : i32
      %dma_wait3A_79 = arith.constant 0 : i32
      %dma_wait3A_80 = tpu.memref_slice %arg7[%dma_wait3A_78, %dma_wait3A_79] : memref<10240x16xf32, #tpu.memory_space<vmem_shared>> -> memref<10240x16xf32, #tpu.memory_space<vmem_shared>>
      tpu.wait_indirect_dma semaphore(%run_scoped3A_70 : memref<!tpu.dma_semaphore, #tpu.memory_space<semaphore_mem>>) src(%arg5 : memref<128x16xf32, #tpu.memory_space<vmem>>) dst(%dma_wait3A_80 : memref<10240x16xf32, #tpu.memory_space<vmem_shared>>)
      tpu.yield
    }) : () -> ()
    %run_scoped3A_41 = arith.constant 16 : i32
    "tpu.region"() ({
      %run_scoped3A_70 = tpu.sem_alloc : memref<!tpu.dma_semaphore, #tpu.memory_space<semaphore_mem>>
      %dma_start3A = arith.constant 0 : i32
      %dma_start3A_71 = tpu.memref_slice %arg4[%run_scoped3A_41, %dma_start3A] : memref<40x128xi32, #tpu.memory_space<vmem>> -> memref<1x128xi32, #tpu.memory_space<vmem>>
      %dma_start3A_72 = tpu.memref_squeeze %dma_start3A_71 : memref<1x128xi32, #tpu.memory_space<vmem>> -> memref<128xi32, #tpu.memory_space<vmem>>
      %dma_start3A_73 = arith.constant 0 : i32
      %dma_start3A_74 = arith.constant 0 : i32
      %dma_start3A_75 = tpu.memref_slice %arg7[%dma_start3A_73, %dma_start3A_74] : memref<10240x16xf32, #tpu.memory_space<vmem_shared>> -> memref<10240x16xf32, #tpu.memory_space<vmem_shared>>
      tpu.enqueue_indirect_dma source(%arg5 : memref<128x16xf32, #tpu.memory_space<vmem>>) target(%dma_start3A_75 : memref<10240x16xf32, #tpu.memory_space<vmem_shared>>) offsets(%dma_start3A_72 : memref<128xi32, #tpu.memory_space<vmem>>) semaphore(%run_scoped3A_70 : memref<!tpu.dma_semaphore, #tpu.memory_space<semaphore_mem>>) {add = true}
      %dma_wait3A = arith.constant 0 : i32
      %dma_wait3A_76 = tpu.memref_slice %arg4[%run_scoped3A_41, %dma_wait3A] : memref<40x128xi32, #tpu.memory_space<vmem>> -> memref<1x128xi32, #tpu.memory_space<vmem>>
      %dma_wait3A_77 = tpu.memref_squeeze %dma_wait3A_76 : memref<1x128xi32, #tpu.memory_space<vmem>> -> memref<128xi32, #tpu.memory_space<vmem>>
      %dma_wait3A_78 = arith.constant 0 : i32
      %dma_wait3A_79 = arith.constant 0 : i32
      %dma_wait3A_80 = tpu.memref_slice %arg7[%dma_wait3A_78, %dma_wait3A_79] : memref<10240x16xf32, #tpu.memory_space<vmem_shared>> -> memref<10240x16xf32, #tpu.memory_space<vmem_shared>>
      tpu.wait_indirect_dma semaphore(%run_scoped3A_70 : memref<!tpu.dma_semaphore, #tpu.memory_space<semaphore_mem>>) src(%arg5 : memref<128x16xf32, #tpu.memory_space<vmem>>) dst(%dma_wait3A_80 : memref<10240x16xf32, #tpu.memory_space<vmem_shared>>)
      tpu.yield
    }) : () -> ()
    %run_scoped3A_42 = arith.constant 17 : i32
    "tpu.region"() ({
      %run_scoped3A_70 = tpu.sem_alloc : memref<!tpu.dma_semaphore, #tpu.memory_space<semaphore_mem>>
      %dma_start3A = arith.constant 0 : i32
      %dma_start3A_71 = tpu.memref_slice %arg4[%run_scoped3A_42, %dma_start3A] : memref<40x128xi32, #tpu.memory_space<vmem>> -> memref<1x128xi32, #tpu.memory_space<vmem>>
      %dma_start3A_72 = tpu.memref_squeeze %dma_start3A_71 : memref<1x128xi32, #tpu.memory_space<vmem>> -> memref<128xi32, #tpu.memory_space<vmem>>
      %dma_start3A_73 = arith.constant 0 : i32
      %dma_start3A_74 = arith.constant 0 : i32
      %dma_start3A_75 = tpu.memref_slice %arg7[%dma_start3A_73, %dma_start3A_74] : memref<10240x16xf32, #tpu.memory_space<vmem_shared>> -> memref<10240x16xf32, #tpu.memory_space<vmem_shared>>
      tpu.enqueue_indirect_dma source(%arg5 : memref<128x16xf32, #tpu.memory_space<vmem>>) target(%dma_start3A_75 : memref<10240x16xf32, #tpu.memory_space<vmem_shared>>) offsets(%dma_start3A_72 : memref<128xi32, #tpu.memory_space<vmem>>) semaphore(%run_scoped3A_70 : memref<!tpu.dma_semaphore, #tpu.memory_space<semaphore_mem>>) {add = true}
      %dma_wait3A = arith.constant 0 : i32
      %dma_wait3A_76 = tpu.memref_slice %arg4[%run_scoped3A_42, %dma_wait3A] : memref<40x128xi32, #tpu.memory_space<vmem>> -> memref<1x128xi32, #tpu.memory_space<vmem>>
      %dma_wait3A_77 = tpu.memref_squeeze %dma_wait3A_76 : memref<1x128xi32, #tpu.memory_space<vmem>> -> memref<128xi32, #tpu.memory_space<vmem>>
      %dma_wait3A_78 = arith.constant 0 : i32
      %dma_wait3A_79 = arith.constant 0 : i32
      %dma_wait3A_80 = tpu.memref_slice %arg7[%dma_wait3A_78, %dma_wait3A_79] : memref<10240x16xf32, #tpu.memory_space<vmem_shared>> -> memref<10240x16xf32, #tpu.memory_space<vmem_shared>>
      tpu.wait_indirect_dma semaphore(%run_scoped3A_70 : memref<!tpu.dma_semaphore, #tpu.memory_space<semaphore_mem>>) src(%arg5 : memref<128x16xf32, #tpu.memory_space<vmem>>) dst(%dma_wait3A_80 : memref<10240x16xf32, #tpu.memory_space<vmem_shared>>)
      tpu.yield
    }) : () -> ()
    %run_scoped3A_43 = arith.constant 18 : i32
    "tpu.region"() ({
      %run_scoped3A_70 = tpu.sem_alloc : memref<!tpu.dma_semaphore, #tpu.memory_space<semaphore_mem>>
      %dma_start3A = arith.constant 0 : i32
      %dma_start3A_71 = tpu.memref_slice %arg4[%run_scoped3A_43, %dma_start3A] : memref<40x128xi32, #tpu.memory_space<vmem>> -> memref<1x128xi32, #tpu.memory_space<vmem>>
      %dma_start3A_72 = tpu.memref_squeeze %dma_start3A_71 : memref<1x128xi32, #tpu.memory_space<vmem>> -> memref<128xi32, #tpu.memory_space<vmem>>
      %dma_start3A_73 = arith.constant 0 : i32
      %dma_start3A_74 = arith.constant 0 : i32
      %dma_start3A_75 = tpu.memref_slice %arg7[%dma_start3A_73, %dma_start3A_74] : memref<10240x16xf32, #tpu.memory_space<vmem_shared>> -> memref<10240x16xf32, #tpu.memory_space<vmem_shared>>
      tpu.enqueue_indirect_dma source(%arg5 : memref<128x16xf32, #tpu.memory_space<vmem>>) target(%dma_start3A_75 : memref<10240x16xf32, #tpu.memory_space<vmem_shared>>) offsets(%dma_start3A_72 : memref<128xi32, #tpu.memory_space<vmem>>) semaphore(%run_scoped3A_70 : memref<!tpu.dma_semaphore, #tpu.memory_space<semaphore_mem>>) {add = true}
      %dma_wait3A = arith.constant 0 : i32
      %dma_wait3A_76 = tpu.memref_slice %arg4[%run_scoped3A_43, %dma_wait3A] : memref<40x128xi32, #tpu.memory_space<vmem>> -> memref<1x128xi32, #tpu.memory_space<vmem>>
      %dma_wait3A_77 = tpu.memref_squeeze %dma_wait3A_76 : memref<1x128xi32, #tpu.memory_space<vmem>> -> memref<128xi32, #tpu.memory_space<vmem>>
      %dma_wait3A_78 = arith.constant 0 : i32
      %dma_wait3A_79 = arith.constant 0 : i32
      %dma_wait3A_80 = tpu.memref_slice %arg7[%dma_wait3A_78, %dma_wait3A_79] : memref<10240x16xf32, #tpu.memory_space<vmem_shared>> -> memref<10240x16xf32, #tpu.memory_space<vmem_shared>>
      tpu.wait_indirect_dma semaphore(%run_scoped3A_70 : memref<!tpu.dma_semaphore, #tpu.memory_space<semaphore_mem>>) src(%arg5 : memref<128x16xf32, #tpu.memory_space<vmem>>) dst(%dma_wait3A_80 : memref<10240x16xf32, #tpu.memory_space<vmem_shared>>)
      tpu.yield
    }) : () -> ()
    %run_scoped3A_44 = arith.constant 19 : i32
    "tpu.region"() ({
      %run_scoped3A_70 = tpu.sem_alloc : memref<!tpu.dma_semaphore, #tpu.memory_space<semaphore_mem>>
      %dma_start3A = arith.constant 0 : i32
      %dma_start3A_71 = tpu.memref_slice %arg4[%run_scoped3A_44, %dma_start3A] : memref<40x128xi32, #tpu.memory_space<vmem>> -> memref<1x128xi32, #tpu.memory_space<vmem>>
      %dma_start3A_72 = tpu.memref_squeeze %dma_start3A_71 : memref<1x128xi32, #tpu.memory_space<vmem>> -> memref<128xi32, #tpu.memory_space<vmem>>
      %dma_start3A_73 = arith.constant 0 : i32
      %dma_start3A_74 = arith.constant 0 : i32
      %dma_start3A_75 = tpu.memref_slice %arg7[%dma_start3A_73, %dma_start3A_74] : memref<10240x16xf32, #tpu.memory_space<vmem_shared>> -> memref<10240x16xf32, #tpu.memory_space<vmem_shared>>
      tpu.enqueue_indirect_dma source(%arg5 : memref<128x16xf32, #tpu.memory_space<vmem>>) target(%dma_start3A_75 : memref<10240x16xf32, #tpu.memory_space<vmem_shared>>) offsets(%dma_start3A_72 : memref<128xi32, #tpu.memory_space<vmem>>) semaphore(%run_scoped3A_70 : memref<!tpu.dma_semaphore, #tpu.memory_space<semaphore_mem>>) {add = true}
      %dma_wait3A = arith.constant 0 : i32
      %dma_wait3A_76 = tpu.memref_slice %arg4[%run_scoped3A_44, %dma_wait3A] : memref<40x128xi32, #tpu.memory_space<vmem>> -> memref<1x128xi32, #tpu.memory_space<vmem>>
      %dma_wait3A_77 = tpu.memref_squeeze %dma_wait3A_76 : memref<1x128xi32, #tpu.memory_space<vmem>> -> memref<128xi32, #tpu.memory_space<vmem>>
      %dma_wait3A_78 = arith.constant 0 : i32
      %dma_wait3A_79 = arith.constant 0 : i32
      %dma_wait3A_80 = tpu.memref_slice %arg7[%dma_wait3A_78, %dma_wait3A_79] : memref<10240x16xf32, #tpu.memory_space<vmem_shared>> -> memref<10240x16xf32, #tpu.memory_space<vmem_shared>>
      tpu.wait_indirect_dma semaphore(%run_scoped3A_70 : memref<!tpu.dma_semaphore, #tpu.memory_space<semaphore_mem>>) src(%arg5 : memref<128x16xf32, #tpu.memory_space<vmem>>) dst(%dma_wait3A_80 : memref<10240x16xf32, #tpu.memory_space<vmem_shared>>)
      tpu.yield
    }) : () -> ()
    %run_scoped3A_45 = arith.constant 20 : i32
    "tpu.region"() ({
      %run_scoped3A_70 = tpu.sem_alloc : memref<!tpu.dma_semaphore, #tpu.memory_space<semaphore_mem>>
      %dma_start3A = arith.constant 0 : i32
      %dma_start3A_71 = tpu.memref_slice %arg4[%run_scoped3A_45, %dma_start3A] : memref<40x128xi32, #tpu.memory_space<vmem>> -> memref<1x128xi32, #tpu.memory_space<vmem>>
      %dma_start3A_72 = tpu.memref_squeeze %dma_start3A_71 : memref<1x128xi32, #tpu.memory_space<vmem>> -> memref<128xi32, #tpu.memory_space<vmem>>
      %dma_start3A_73 = arith.constant 0 : i32
      %dma_start3A_74 = arith.constant 0 : i32
      %dma_start3A_75 = tpu.memref_slice %arg7[%dma_start3A_73, %dma_start3A_74] : memref<10240x16xf32, #tpu.memory_space<vmem_shared>> -> memref<10240x16xf32, #tpu.memory_space<vmem_shared>>
      tpu.enqueue_indirect_dma source(%arg5 : memref<128x16xf32, #tpu.memory_space<vmem>>) target(%dma_start3A_75 : memref<10240x16xf32, #tpu.memory_space<vmem_shared>>) offsets(%dma_start3A_72 : memref<128xi32, #tpu.memory_space<vmem>>) semaphore(%run_scoped3A_70 : memref<!tpu.dma_semaphore, #tpu.memory_space<semaphore_mem>>) {add = true}
      %dma_wait3A = arith.constant 0 : i32
      %dma_wait3A_76 = tpu.memref_slice %arg4[%run_scoped3A_45, %dma_wait3A] : memref<40x128xi32, #tpu.memory_space<vmem>> -> memref<1x128xi32, #tpu.memory_space<vmem>>
      %dma_wait3A_77 = tpu.memref_squeeze %dma_wait3A_76 : memref<1x128xi32, #tpu.memory_space<vmem>> -> memref<128xi32, #tpu.memory_space<vmem>>
      %dma_wait3A_78 = arith.constant 0 : i32
      %dma_wait3A_79 = arith.constant 0 : i32
      %dma_wait3A_80 = tpu.memref_slice %arg7[%dma_wait3A_78, %dma_wait3A_79] : memref<10240x16xf32, #tpu.memory_space<vmem_shared>> -> memref<10240x16xf32, #tpu.memory_space<vmem_shared>>
      tpu.wait_indirect_dma semaphore(%run_scoped3A_70 : memref<!tpu.dma_semaphore, #tpu.memory_space<semaphore_mem>>) src(%arg5 : memref<128x16xf32, #tpu.memory_space<vmem>>) dst(%dma_wait3A_80 : memref<10240x16xf32, #tpu.memory_space<vmem_shared>>)
      tpu.yield
    }) : () -> ()
    %run_scoped3A_46 = arith.constant 21 : i32
    "tpu.region"() ({
      %run_scoped3A_70 = tpu.sem_alloc : memref<!tpu.dma_semaphore, #tpu.memory_space<semaphore_mem>>
      %dma_start3A = arith.constant 0 : i32
      %dma_start3A_71 = tpu.memref_slice %arg4[%run_scoped3A_46, %dma_start3A] : memref<40x128xi32, #tpu.memory_space<vmem>> -> memref<1x128xi32, #tpu.memory_space<vmem>>
      %dma_start3A_72 = tpu.memref_squeeze %dma_start3A_71 : memref<1x128xi32, #tpu.memory_space<vmem>> -> memref<128xi32, #tpu.memory_space<vmem>>
      %dma_start3A_73 = arith.constant 0 : i32
      %dma_start3A_74 = arith.constant 0 : i32
      %dma_start3A_75 = tpu.memref_slice %arg7[%dma_start3A_73, %dma_start3A_74] : memref<10240x16xf32, #tpu.memory_space<vmem_shared>> -> memref<10240x16xf32, #tpu.memory_space<vmem_shared>>
      tpu.enqueue_indirect_dma source(%arg5 : memref<128x16xf32, #tpu.memory_space<vmem>>) target(%dma_start3A_75 : memref<10240x16xf32, #tpu.memory_space<vmem_shared>>) offsets(%dma_start3A_72 : memref<128xi32, #tpu.memory_space<vmem>>) semaphore(%run_scoped3A_70 : memref<!tpu.dma_semaphore, #tpu.memory_space<semaphore_mem>>) {add = true}
      %dma_wait3A = arith.constant 0 : i32
      %dma_wait3A_76 = tpu.memref_slice %arg4[%run_scoped3A_46, %dma_wait3A] : memref<40x128xi32, #tpu.memory_space<vmem>> -> memref<1x128xi32, #tpu.memory_space<vmem>>
      %dma_wait3A_77 = tpu.memref_squeeze %dma_wait3A_76 : memref<1x128xi32, #tpu.memory_space<vmem>> -> memref<128xi32, #tpu.memory_space<vmem>>
      %dma_wait3A_78 = arith.constant 0 : i32
      %dma_wait3A_79 = arith.constant 0 : i32
      %dma_wait3A_80 = tpu.memref_slice %arg7[%dma_wait3A_78, %dma_wait3A_79] : memref<10240x16xf32, #tpu.memory_space<vmem_shared>> -> memref<10240x16xf32, #tpu.memory_space<vmem_shared>>
      tpu.wait_indirect_dma semaphore(%run_scoped3A_70 : memref<!tpu.dma_semaphore, #tpu.memory_space<semaphore_mem>>) src(%arg5 : memref<128x16xf32, #tpu.memory_space<vmem>>) dst(%dma_wait3A_80 : memref<10240x16xf32, #tpu.memory_space<vmem_shared>>)
      tpu.yield
    }) : () -> ()
    %run_scoped3A_47 = arith.constant 22 : i32
    "tpu.region"() ({
      %run_scoped3A_70 = tpu.sem_alloc : memref<!tpu.dma_semaphore, #tpu.memory_space<semaphore_mem>>
      %dma_start3A = arith.constant 0 : i32
      %dma_start3A_71 = tpu.memref_slice %arg4[%run_scoped3A_47, %dma_start3A] : memref<40x128xi32, #tpu.memory_space<vmem>> -> memref<1x128xi32, #tpu.memory_space<vmem>>
      %dma_start3A_72 = tpu.memref_squeeze %dma_start3A_71 : memref<1x128xi32, #tpu.memory_space<vmem>> -> memref<128xi32, #tpu.memory_space<vmem>>
      %dma_start3A_73 = arith.constant 0 : i32
      %dma_start3A_74 = arith.constant 0 : i32
      %dma_start3A_75 = tpu.memref_slice %arg7[%dma_start3A_73, %dma_start3A_74] : memref<10240x16xf32, #tpu.memory_space<vmem_shared>> -> memref<10240x16xf32, #tpu.memory_space<vmem_shared>>
      tpu.enqueue_indirect_dma source(%arg5 : memref<128x16xf32, #tpu.memory_space<vmem>>) target(%dma_start3A_75 : memref<10240x16xf32, #tpu.memory_space<vmem_shared>>) offsets(%dma_start3A_72 : memref<128xi32, #tpu.memory_space<vmem>>) semaphore(%run_scoped3A_70 : memref<!tpu.dma_semaphore, #tpu.memory_space<semaphore_mem>>) {add = true}
      %dma_wait3A = arith.constant 0 : i32
      %dma_wait3A_76 = tpu.memref_slice %arg4[%run_scoped3A_47, %dma_wait3A] : memref<40x128xi32, #tpu.memory_space<vmem>> -> memref<1x128xi32, #tpu.memory_space<vmem>>
      %dma_wait3A_77 = tpu.memref_squeeze %dma_wait3A_76 : memref<1x128xi32, #tpu.memory_space<vmem>> -> memref<128xi32, #tpu.memory_space<vmem>>
      %dma_wait3A_78 = arith.constant 0 : i32
      %dma_wait3A_79 = arith.constant 0 : i32
      %dma_wait3A_80 = tpu.memref_slice %arg7[%dma_wait3A_78, %dma_wait3A_79] : memref<10240x16xf32, #tpu.memory_space<vmem_shared>> -> memref<10240x16xf32, #tpu.memory_space<vmem_shared>>
      tpu.wait_indirect_dma semaphore(%run_scoped3A_70 : memref<!tpu.dma_semaphore, #tpu.memory_space<semaphore_mem>>) src(%arg5 : memref<128x16xf32, #tpu.memory_space<vmem>>) dst(%dma_wait3A_80 : memref<10240x16xf32, #tpu.memory_space<vmem_shared>>)
      tpu.yield
    }) : () -> ()
    %run_scoped3A_48 = arith.constant 23 : i32
    "tpu.region"() ({
      %run_scoped3A_70 = tpu.sem_alloc : memref<!tpu.dma_semaphore, #tpu.memory_space<semaphore_mem>>
      %dma_start3A = arith.constant 0 : i32
      %dma_start3A_71 = tpu.memref_slice %arg4[%run_scoped3A_48, %dma_start3A] : memref<40x128xi32, #tpu.memory_space<vmem>> -> memref<1x128xi32, #tpu.memory_space<vmem>>
      %dma_start3A_72 = tpu.memref_squeeze %dma_start3A_71 : memref<1x128xi32, #tpu.memory_space<vmem>> -> memref<128xi32, #tpu.memory_space<vmem>>
      %dma_start3A_73 = arith.constant 0 : i32
      %dma_start3A_74 = arith.constant 0 : i32
      %dma_start3A_75 = tpu.memref_slice %arg7[%dma_start3A_73, %dma_start3A_74] : memref<10240x16xf32, #tpu.memory_space<vmem_shared>> -> memref<10240x16xf32, #tpu.memory_space<vmem_shared>>
      tpu.enqueue_indirect_dma source(%arg5 : memref<128x16xf32, #tpu.memory_space<vmem>>) target(%dma_start3A_75 : memref<10240x16xf32, #tpu.memory_space<vmem_shared>>) offsets(%dma_start3A_72 : memref<128xi32, #tpu.memory_space<vmem>>) semaphore(%run_scoped3A_70 : memref<!tpu.dma_semaphore, #tpu.memory_space<semaphore_mem>>) {add = true}
      %dma_wait3A = arith.constant 0 : i32
      %dma_wait3A_76 = tpu.memref_slice %arg4[%run_scoped3A_48, %dma_wait3A] : memref<40x128xi32, #tpu.memory_space<vmem>> -> memref<1x128xi32, #tpu.memory_space<vmem>>
      %dma_wait3A_77 = tpu.memref_squeeze %dma_wait3A_76 : memref<1x128xi32, #tpu.memory_space<vmem>> -> memref<128xi32, #tpu.memory_space<vmem>>
      %dma_wait3A_78 = arith.constant 0 : i32
      %dma_wait3A_79 = arith.constant 0 : i32
      %dma_wait3A_80 = tpu.memref_slice %arg7[%dma_wait3A_78, %dma_wait3A_79] : memref<10240x16xf32, #tpu.memory_space<vmem_shared>> -> memref<10240x16xf32, #tpu.memory_space<vmem_shared>>
      tpu.wait_indirect_dma semaphore(%run_scoped3A_70 : memref<!tpu.dma_semaphore, #tpu.memory_space<semaphore_mem>>) src(%arg5 : memref<128x16xf32, #tpu.memory_space<vmem>>) dst(%dma_wait3A_80 : memref<10240x16xf32, #tpu.memory_space<vmem_shared>>)
      tpu.yield
    }) : () -> ()
    %run_scoped3A_49 = arith.constant 24 : i32
    "tpu.region"() ({
      %run_scoped3A_70 = tpu.sem_alloc : memref<!tpu.dma_semaphore, #tpu.memory_space<semaphore_mem>>
      %dma_start3A = arith.constant 0 : i32
      %dma_start3A_71 = tpu.memref_slice %arg4[%run_scoped3A_49, %dma_start3A] : memref<40x128xi32, #tpu.memory_space<vmem>> -> memref<1x128xi32, #tpu.memory_space<vmem>>
      %dma_start3A_72 = tpu.memref_squeeze %dma_start3A_71 : memref<1x128xi32, #tpu.memory_space<vmem>> -> memref<128xi32, #tpu.memory_space<vmem>>
      %dma_start3A_73 = arith.constant 0 : i32
      %dma_start3A_74 = arith.constant 0 : i32
      %dma_start3A_75 = tpu.memref_slice %arg7[%dma_start3A_73, %dma_start3A_74] : memref<10240x16xf32, #tpu.memory_space<vmem_shared>> -> memref<10240x16xf32, #tpu.memory_space<vmem_shared>>
      tpu.enqueue_indirect_dma source(%arg5 : memref<128x16xf32, #tpu.memory_space<vmem>>) target(%dma_start3A_75 : memref<10240x16xf32, #tpu.memory_space<vmem_shared>>) offsets(%dma_start3A_72 : memref<128xi32, #tpu.memory_space<vmem>>) semaphore(%run_scoped3A_70 : memref<!tpu.dma_semaphore, #tpu.memory_space<semaphore_mem>>) {add = true}
      %dma_wait3A = arith.constant 0 : i32
      %dma_wait3A_76 = tpu.memref_slice %arg4[%run_scoped3A_49, %dma_wait3A] : memref<40x128xi32, #tpu.memory_space<vmem>> -> memref<1x128xi32, #tpu.memory_space<vmem>>
      %dma_wait3A_77 = tpu.memref_squeeze %dma_wait3A_76 : memref<1x128xi32, #tpu.memory_space<vmem>> -> memref<128xi32, #tpu.memory_space<vmem>>
      %dma_wait3A_78 = arith.constant 0 : i32
      %dma_wait3A_79 = arith.constant 0 : i32
      %dma_wait3A_80 = tpu.memref_slice %arg7[%dma_wait3A_78, %dma_wait3A_79] : memref<10240x16xf32, #tpu.memory_space<vmem_shared>> -> memref<10240x16xf32, #tpu.memory_space<vmem_shared>>
      tpu.wait_indirect_dma semaphore(%run_scoped3A_70 : memref<!tpu.dma_semaphore, #tpu.memory_space<semaphore_mem>>) src(%arg5 : memref<128x16xf32, #tpu.memory_space<vmem>>) dst(%dma_wait3A_80 : memref<10240x16xf32, #tpu.memory_space<vmem_shared>>)
      tpu.yield
    }) : () -> ()
    %run_scoped3A_50 = arith.constant 25 : i32
    "tpu.region"() ({
      %run_scoped3A_70 = tpu.sem_alloc : memref<!tpu.dma_semaphore, #tpu.memory_space<semaphore_mem>>
      %dma_start3A = arith.constant 0 : i32
      %dma_start3A_71 = tpu.memref_slice %arg4[%run_scoped3A_50, %dma_start3A] : memref<40x128xi32, #tpu.memory_space<vmem>> -> memref<1x128xi32, #tpu.memory_space<vmem>>
      %dma_start3A_72 = tpu.memref_squeeze %dma_start3A_71 : memref<1x128xi32, #tpu.memory_space<vmem>> -> memref<128xi32, #tpu.memory_space<vmem>>
      %dma_start3A_73 = arith.constant 0 : i32
      %dma_start3A_74 = arith.constant 0 : i32
      %dma_start3A_75 = tpu.memref_slice %arg7[%dma_start3A_73, %dma_start3A_74] : memref<10240x16xf32, #tpu.memory_space<vmem_shared>> -> memref<10240x16xf32, #tpu.memory_space<vmem_shared>>
      tpu.enqueue_indirect_dma source(%arg5 : memref<128x16xf32, #tpu.memory_space<vmem>>) target(%dma_start3A_75 : memref<10240x16xf32, #tpu.memory_space<vmem_shared>>) offsets(%dma_start3A_72 : memref<128xi32, #tpu.memory_space<vmem>>) semaphore(%run_scoped3A_70 : memref<!tpu.dma_semaphore, #tpu.memory_space<semaphore_mem>>) {add = true}
      %dma_wait3A = arith.constant 0 : i32
      %dma_wait3A_76 = tpu.memref_slice %arg4[%run_scoped3A_50, %dma_wait3A] : memref<40x128xi32, #tpu.memory_space<vmem>> -> memref<1x128xi32, #tpu.memory_space<vmem>>
      %dma_wait3A_77 = tpu.memref_squeeze %dma_wait3A_76 : memref<1x128xi32, #tpu.memory_space<vmem>> -> memref<128xi32, #tpu.memory_space<vmem>>
      %dma_wait3A_78 = arith.constant 0 : i32
      %dma_wait3A_79 = arith.constant 0 : i32
      %dma_wait3A_80 = tpu.memref_slice %arg7[%dma_wait3A_78, %dma_wait3A_79] : memref<10240x16xf32, #tpu.memory_space<vmem_shared>> -> memref<10240x16xf32, #tpu.memory_space<vmem_shared>>
      tpu.wait_indirect_dma semaphore(%run_scoped3A_70 : memref<!tpu.dma_semaphore, #tpu.memory_space<semaphore_mem>>) src(%arg5 : memref<128x16xf32, #tpu.memory_space<vmem>>) dst(%dma_wait3A_80 : memref<10240x16xf32, #tpu.memory_space<vmem_shared>>)
      tpu.yield
    }) : () -> ()
    %run_scoped3A_51 = arith.constant 26 : i32
    "tpu.region"() ({
      %run_scoped3A_70 = tpu.sem_alloc : memref<!tpu.dma_semaphore, #tpu.memory_space<semaphore_mem>>
      %dma_start3A = arith.constant 0 : i32
      %dma_start3A_71 = tpu.memref_slice %arg4[%run_scoped3A_51, %dma_start3A] : memref<40x128xi32, #tpu.memory_space<vmem>> -> memref<1x128xi32, #tpu.memory_space<vmem>>
      %dma_start3A_72 = tpu.memref_squeeze %dma_start3A_71 : memref<1x128xi32, #tpu.memory_space<vmem>> -> memref<128xi32, #tpu.memory_space<vmem>>
      %dma_start3A_73 = arith.constant 0 : i32
      %dma_start3A_74 = arith.constant 0 : i32
      %dma_start3A_75 = tpu.memref_slice %arg7[%dma_start3A_73, %dma_start3A_74] : memref<10240x16xf32, #tpu.memory_space<vmem_shared>> -> memref<10240x16xf32, #tpu.memory_space<vmem_shared>>
      tpu.enqueue_indirect_dma source(%arg5 : memref<128x16xf32, #tpu.memory_space<vmem>>) target(%dma_start3A_75 : memref<10240x16xf32, #tpu.memory_space<vmem_shared>>) offsets(%dma_start3A_72 : memref<128xi32, #tpu.memory_space<vmem>>) semaphore(%run_scoped3A_70 : memref<!tpu.dma_semaphore, #tpu.memory_space<semaphore_mem>>) {add = true}
      %dma_wait3A = arith.constant 0 : i32
      %dma_wait3A_76 = tpu.memref_slice %arg4[%run_scoped3A_51, %dma_wait3A] : memref<40x128xi32, #tpu.memory_space<vmem>> -> memref<1x128xi32, #tpu.memory_space<vmem>>
      %dma_wait3A_77 = tpu.memref_squeeze %dma_wait3A_76 : memref<1x128xi32, #tpu.memory_space<vmem>> -> memref<128xi32, #tpu.memory_space<vmem>>
      %dma_wait3A_78 = arith.constant 0 : i32
      %dma_wait3A_79 = arith.constant 0 : i32
      %dma_wait3A_80 = tpu.memref_slice %arg7[%dma_wait3A_78, %dma_wait3A_79] : memref<10240x16xf32, #tpu.memory_space<vmem_shared>> -> memref<10240x16xf32, #tpu.memory_space<vmem_shared>>
      tpu.wait_indirect_dma semaphore(%run_scoped3A_70 : memref<!tpu.dma_semaphore, #tpu.memory_space<semaphore_mem>>) src(%arg5 : memref<128x16xf32, #tpu.memory_space<vmem>>) dst(%dma_wait3A_80 : memref<10240x16xf32, #tpu.memory_space<vmem_shared>>)
      tpu.yield
    }) : () -> ()
    %run_scoped3A_52 = arith.constant 27 : i32
    "tpu.region"() ({
      %run_scoped3A_70 = tpu.sem_alloc : memref<!tpu.dma_semaphore, #tpu.memory_space<semaphore_mem>>
      %dma_start3A = arith.constant 0 : i32
      %dma_start3A_71 = tpu.memref_slice %arg4[%run_scoped3A_52, %dma_start3A] : memref<40x128xi32, #tpu.memory_space<vmem>> -> memref<1x128xi32, #tpu.memory_space<vmem>>
      %dma_start3A_72 = tpu.memref_squeeze %dma_start3A_71 : memref<1x128xi32, #tpu.memory_space<vmem>> -> memref<128xi32, #tpu.memory_space<vmem>>
      %dma_start3A_73 = arith.constant 0 : i32
      %dma_start3A_74 = arith.constant 0 : i32
      %dma_start3A_75 = tpu.memref_slice %arg7[%dma_start3A_73, %dma_start3A_74] : memref<10240x16xf32, #tpu.memory_space<vmem_shared>> -> memref<10240x16xf32, #tpu.memory_space<vmem_shared>>
      tpu.enqueue_indirect_dma source(%arg5 : memref<128x16xf32, #tpu.memory_space<vmem>>) target(%dma_start3A_75 : memref<10240x16xf32, #tpu.memory_space<vmem_shared>>) offsets(%dma_start3A_72 : memref<128xi32, #tpu.memory_space<vmem>>) semaphore(%run_scoped3A_70 : memref<!tpu.dma_semaphore, #tpu.memory_space<semaphore_mem>>) {add = true}
      %dma_wait3A = arith.constant 0 : i32
      %dma_wait3A_76 = tpu.memref_slice %arg4[%run_scoped3A_52, %dma_wait3A] : memref<40x128xi32, #tpu.memory_space<vmem>> -> memref<1x128xi32, #tpu.memory_space<vmem>>
      %dma_wait3A_77 = tpu.memref_squeeze %dma_wait3A_76 : memref<1x128xi32, #tpu.memory_space<vmem>> -> memref<128xi32, #tpu.memory_space<vmem>>
      %dma_wait3A_78 = arith.constant 0 : i32
      %dma_wait3A_79 = arith.constant 0 : i32
      %dma_wait3A_80 = tpu.memref_slice %arg7[%dma_wait3A_78, %dma_wait3A_79] : memref<10240x16xf32, #tpu.memory_space<vmem_shared>> -> memref<10240x16xf32, #tpu.memory_space<vmem_shared>>
      tpu.wait_indirect_dma semaphore(%run_scoped3A_70 : memref<!tpu.dma_semaphore, #tpu.memory_space<semaphore_mem>>) src(%arg5 : memref<128x16xf32, #tpu.memory_space<vmem>>) dst(%dma_wait3A_80 : memref<10240x16xf32, #tpu.memory_space<vmem_shared>>)
      tpu.yield
    }) : () -> ()
    %run_scoped3A_53 = arith.constant 28 : i32
    "tpu.region"() ({
      %run_scoped3A_70 = tpu.sem_alloc : memref<!tpu.dma_semaphore, #tpu.memory_space<semaphore_mem>>
      %dma_start3A = arith.constant 0 : i32
      %dma_start3A_71 = tpu.memref_slice %arg4[%run_scoped3A_53, %dma_start3A] : memref<40x128xi32, #tpu.memory_space<vmem>> -> memref<1x128xi32, #tpu.memory_space<vmem>>
      %dma_start3A_72 = tpu.memref_squeeze %dma_start3A_71 : memref<1x128xi32, #tpu.memory_space<vmem>> -> memref<128xi32, #tpu.memory_space<vmem>>
      %dma_start3A_73 = arith.constant 0 : i32
      %dma_start3A_74 = arith.constant 0 : i32
      %dma_start3A_75 = tpu.memref_slice %arg7[%dma_start3A_73, %dma_start3A_74] : memref<10240x16xf32, #tpu.memory_space<vmem_shared>> -> memref<10240x16xf32, #tpu.memory_space<vmem_shared>>
      tpu.enqueue_indirect_dma source(%arg5 : memref<128x16xf32, #tpu.memory_space<vmem>>) target(%dma_start3A_75 : memref<10240x16xf32, #tpu.memory_space<vmem_shared>>) offsets(%dma_start3A_72 : memref<128xi32, #tpu.memory_space<vmem>>) semaphore(%run_scoped3A_70 : memref<!tpu.dma_semaphore, #tpu.memory_space<semaphore_mem>>) {add = true}
      %dma_wait3A = arith.constant 0 : i32
      %dma_wait3A_76 = tpu.memref_slice %arg4[%run_scoped3A_53, %dma_wait3A] : memref<40x128xi32, #tpu.memory_space<vmem>> -> memref<1x128xi32, #tpu.memory_space<vmem>>
      %dma_wait3A_77 = tpu.memref_squeeze %dma_wait3A_76 : memref<1x128xi32, #tpu.memory_space<vmem>> -> memref<128xi32, #tpu.memory_space<vmem>>
      %dma_wait3A_78 = arith.constant 0 : i32
      %dma_wait3A_79 = arith.constant 0 : i32
      %dma_wait3A_80 = tpu.memref_slice %arg7[%dma_wait3A_78, %dma_wait3A_79] : memref<10240x16xf32, #tpu.memory_space<vmem_shared>> -> memref<10240x16xf32, #tpu.memory_space<vmem_shared>>
      tpu.wait_indirect_dma semaphore(%run_scoped3A_70 : memref<!tpu.dma_semaphore, #tpu.memory_space<semaphore_mem>>) src(%arg5 : memref<128x16xf32, #tpu.memory_space<vmem>>) dst(%dma_wait3A_80 : memref<10240x16xf32, #tpu.memory_space<vmem_shared>>)
      tpu.yield
    }) : () -> ()
    %run_scoped3A_54 = arith.constant 29 : i32
    "tpu.region"() ({
      %run_scoped3A_70 = tpu.sem_alloc : memref<!tpu.dma_semaphore, #tpu.memory_space<semaphore_mem>>
      %dma_start3A = arith.constant 0 : i32
      %dma_start3A_71 = tpu.memref_slice %arg4[%run_scoped3A_54, %dma_start3A] : memref<40x128xi32, #tpu.memory_space<vmem>> -> memref<1x128xi32, #tpu.memory_space<vmem>>
      %dma_start3A_72 = tpu.memref_squeeze %dma_start3A_71 : memref<1x128xi32, #tpu.memory_space<vmem>> -> memref<128xi32, #tpu.memory_space<vmem>>
      %dma_start3A_73 = arith.constant 0 : i32
      %dma_start3A_74 = arith.constant 0 : i32
      %dma_start3A_75 = tpu.memref_slice %arg7[%dma_start3A_73, %dma_start3A_74] : memref<10240x16xf32, #tpu.memory_space<vmem_shared>> -> memref<10240x16xf32, #tpu.memory_space<vmem_shared>>
      tpu.enqueue_indirect_dma source(%arg5 : memref<128x16xf32, #tpu.memory_space<vmem>>) target(%dma_start3A_75 : memref<10240x16xf32, #tpu.memory_space<vmem_shared>>) offsets(%dma_start3A_72 : memref<128xi32, #tpu.memory_space<vmem>>) semaphore(%run_scoped3A_70 : memref<!tpu.dma_semaphore, #tpu.memory_space<semaphore_mem>>) {add = true}
      %dma_wait3A = arith.constant 0 : i32
      %dma_wait3A_76 = tpu.memref_slice %arg4[%run_scoped3A_54, %dma_wait3A] : memref<40x128xi32, #tpu.memory_space<vmem>> -> memref<1x128xi32, #tpu.memory_space<vmem>>
      %dma_wait3A_77 = tpu.memref_squeeze %dma_wait3A_76 : memref<1x128xi32, #tpu.memory_space<vmem>> -> memref<128xi32, #tpu.memory_space<vmem>>
      %dma_wait3A_78 = arith.constant 0 : i32
      %dma_wait3A_79 = arith.constant 0 : i32
      %dma_wait3A_80 = tpu.memref_slice %arg7[%dma_wait3A_78, %dma_wait3A_79] : memref<10240x16xf32, #tpu.memory_space<vmem_shared>> -> memref<10240x16xf32, #tpu.memory_space<vmem_shared>>
      tpu.wait_indirect_dma semaphore(%run_scoped3A_70 : memref<!tpu.dma_semaphore, #tpu.memory_space<semaphore_mem>>) src(%arg5 : memref<128x16xf32, #tpu.memory_space<vmem>>) dst(%dma_wait3A_80 : memref<10240x16xf32, #tpu.memory_space<vmem_shared>>)
      tpu.yield
    }) : () -> ()
    %run_scoped3A_55 = arith.constant 30 : i32
    "tpu.region"() ({
      %run_scoped3A_70 = tpu.sem_alloc : memref<!tpu.dma_semaphore, #tpu.memory_space<semaphore_mem>>
      %dma_start3A = arith.constant 0 : i32
      %dma_start3A_71 = tpu.memref_slice %arg4[%run_scoped3A_55, %dma_start3A] : memref<40x128xi32, #tpu.memory_space<vmem>> -> memref<1x128xi32, #tpu.memory_space<vmem>>
      %dma_start3A_72 = tpu.memref_squeeze %dma_start3A_71 : memref<1x128xi32, #tpu.memory_space<vmem>> -> memref<128xi32, #tpu.memory_space<vmem>>
      %dma_start3A_73 = arith.constant 0 : i32
      %dma_start3A_74 = arith.constant 0 : i32
      %dma_start3A_75 = tpu.memref_slice %arg7[%dma_start3A_73, %dma_start3A_74] : memref<10240x16xf32, #tpu.memory_space<vmem_shared>> -> memref<10240x16xf32, #tpu.memory_space<vmem_shared>>
      tpu.enqueue_indirect_dma source(%arg5 : memref<128x16xf32, #tpu.memory_space<vmem>>) target(%dma_start3A_75 : memref<10240x16xf32, #tpu.memory_space<vmem_shared>>) offsets(%dma_start3A_72 : memref<128xi32, #tpu.memory_space<vmem>>) semaphore(%run_scoped3A_70 : memref<!tpu.dma_semaphore, #tpu.memory_space<semaphore_mem>>) {add = true}
      %dma_wait3A = arith.constant 0 : i32
      %dma_wait3A_76 = tpu.memref_slice %arg4[%run_scoped3A_55, %dma_wait3A] : memref<40x128xi32, #tpu.memory_space<vmem>> -> memref<1x128xi32, #tpu.memory_space<vmem>>
      %dma_wait3A_77 = tpu.memref_squeeze %dma_wait3A_76 : memref<1x128xi32, #tpu.memory_space<vmem>> -> memref<128xi32, #tpu.memory_space<vmem>>
      %dma_wait3A_78 = arith.constant 0 : i32
      %dma_wait3A_79 = arith.constant 0 : i32
      %dma_wait3A_80 = tpu.memref_slice %arg7[%dma_wait3A_78, %dma_wait3A_79] : memref<10240x16xf32, #tpu.memory_space<vmem_shared>> -> memref<10240x16xf32, #tpu.memory_space<vmem_shared>>
      tpu.wait_indirect_dma semaphore(%run_scoped3A_70 : memref<!tpu.dma_semaphore, #tpu.memory_space<semaphore_mem>>) src(%arg5 : memref<128x16xf32, #tpu.memory_space<vmem>>) dst(%dma_wait3A_80 : memref<10240x16xf32, #tpu.memory_space<vmem_shared>>)
      tpu.yield
    }) : () -> ()
    %run_scoped3A_56 = arith.constant 31 : i32
    "tpu.region"() ({
      %run_scoped3A_70 = tpu.sem_alloc : memref<!tpu.dma_semaphore, #tpu.memory_space<semaphore_mem>>
      %dma_start3A = arith.constant 0 : i32
      %dma_start3A_71 = tpu.memref_slice %arg4[%run_scoped3A_56, %dma_start3A] : memref<40x128xi32, #tpu.memory_space<vmem>> -> memref<1x128xi32, #tpu.memory_space<vmem>>
      %dma_start3A_72 = tpu.memref_squeeze %dma_start3A_71 : memref<1x128xi32, #tpu.memory_space<vmem>> -> memref<128xi32, #tpu.memory_space<vmem>>
      %dma_start3A_73 = arith.constant 0 : i32
      %dma_start3A_74 = arith.constant 0 : i32
      %dma_start3A_75 = tpu.memref_slice %arg7[%dma_start3A_73, %dma_start3A_74] : memref<10240x16xf32, #tpu.memory_space<vmem_shared>> -> memref<10240x16xf32, #tpu.memory_space<vmem_shared>>
      tpu.enqueue_indirect_dma source(%arg5 : memref<128x16xf32, #tpu.memory_space<vmem>>) target(%dma_start3A_75 : memref<10240x16xf32, #tpu.memory_space<vmem_shared>>) offsets(%dma_start3A_72 : memref<128xi32, #tpu.memory_space<vmem>>) semaphore(%run_scoped3A_70 : memref<!tpu.dma_semaphore, #tpu.memory_space<semaphore_mem>>) {add = true}
      %dma_wait3A = arith.constant 0 : i32
      %dma_wait3A_76 = tpu.memref_slice %arg4[%run_scoped3A_56, %dma_wait3A] : memref<40x128xi32, #tpu.memory_space<vmem>> -> memref<1x128xi32, #tpu.memory_space<vmem>>
      %dma_wait3A_77 = tpu.memref_squeeze %dma_wait3A_76 : memref<1x128xi32, #tpu.memory_space<vmem>> -> memref<128xi32, #tpu.memory_space<vmem>>
      %dma_wait3A_78 = arith.constant 0 : i32
      %dma_wait3A_79 = arith.constant 0 : i32
      %dma_wait3A_80 = tpu.memref_slice %arg7[%dma_wait3A_78, %dma_wait3A_79] : memref<10240x16xf32, #tpu.memory_space<vmem_shared>> -> memref<10240x16xf32, #tpu.memory_space<vmem_shared>>
      tpu.wait_indirect_dma semaphore(%run_scoped3A_70 : memref<!tpu.dma_semaphore, #tpu.memory_space<semaphore_mem>>) src(%arg5 : memref<128x16xf32, #tpu.memory_space<vmem>>) dst(%dma_wait3A_80 : memref<10240x16xf32, #tpu.memory_space<vmem_shared>>)
      tpu.yield
    }) : () -> ()
    %run_scoped3A_57 = arith.constant 32 : i32
    "tpu.region"() ({
      %run_scoped3A_70 = tpu.sem_alloc : memref<!tpu.dma_semaphore, #tpu.memory_space<semaphore_mem>>
      %dma_start3A = arith.constant 0 : i32
      %dma_start3A_71 = tpu.memref_slice %arg4[%run_scoped3A_57, %dma_start3A] : memref<40x128xi32, #tpu.memory_space<vmem>> -> memref<1x128xi32, #tpu.memory_space<vmem>>
      %dma_start3A_72 = tpu.memref_squeeze %dma_start3A_71 : memref<1x128xi32, #tpu.memory_space<vmem>> -> memref<128xi32, #tpu.memory_space<vmem>>
      %dma_start3A_73 = arith.constant 0 : i32
      %dma_start3A_74 = arith.constant 0 : i32
      %dma_start3A_75 = tpu.memref_slice %arg7[%dma_start3A_73, %dma_start3A_74] : memref<10240x16xf32, #tpu.memory_space<vmem_shared>> -> memref<10240x16xf32, #tpu.memory_space<vmem_shared>>
      tpu.enqueue_indirect_dma source(%arg5 : memref<128x16xf32, #tpu.memory_space<vmem>>) target(%dma_start3A_75 : memref<10240x16xf32, #tpu.memory_space<vmem_shared>>) offsets(%dma_start3A_72 : memref<128xi32, #tpu.memory_space<vmem>>) semaphore(%run_scoped3A_70 : memref<!tpu.dma_semaphore, #tpu.memory_space<semaphore_mem>>) {add = true}
      %dma_wait3A = arith.constant 0 : i32
      %dma_wait3A_76 = tpu.memref_slice %arg4[%run_scoped3A_57, %dma_wait3A] : memref<40x128xi32, #tpu.memory_space<vmem>> -> memref<1x128xi32, #tpu.memory_space<vmem>>
      %dma_wait3A_77 = tpu.memref_squeeze %dma_wait3A_76 : memref<1x128xi32, #tpu.memory_space<vmem>> -> memref<128xi32, #tpu.memory_space<vmem>>
      %dma_wait3A_78 = arith.constant 0 : i32
      %dma_wait3A_79 = arith.constant 0 : i32
      %dma_wait3A_80 = tpu.memref_slice %arg7[%dma_wait3A_78, %dma_wait3A_79] : memref<10240x16xf32, #tpu.memory_space<vmem_shared>> -> memref<10240x16xf32, #tpu.memory_space<vmem_shared>>
      tpu.wait_indirect_dma semaphore(%run_scoped3A_70 : memref<!tpu.dma_semaphore, #tpu.memory_space<semaphore_mem>>) src(%arg5 : memref<128x16xf32, #tpu.memory_space<vmem>>) dst(%dma_wait3A_80 : memref<10240x16xf32, #tpu.memory_space<vmem_shared>>)
      tpu.yield
    }) : () -> ()
    %run_scoped3A_58 = arith.constant 33 : i32
    "tpu.region"() ({
      %run_scoped3A_70 = tpu.sem_alloc : memref<!tpu.dma_semaphore, #tpu.memory_space<semaphore_mem>>
      %dma_start3A = arith.constant 0 : i32
      %dma_start3A_71 = tpu.memref_slice %arg4[%run_scoped3A_58, %dma_start3A] : memref<40x128xi32, #tpu.memory_space<vmem>> -> memref<1x128xi32, #tpu.memory_space<vmem>>
      %dma_start3A_72 = tpu.memref_squeeze %dma_start3A_71 : memref<1x128xi32, #tpu.memory_space<vmem>> -> memref<128xi32, #tpu.memory_space<vmem>>
      %dma_start3A_73 = arith.constant 0 : i32
      %dma_start3A_74 = arith.constant 0 : i32
      %dma_start3A_75 = tpu.memref_slice %arg7[%dma_start3A_73, %dma_start3A_74] : memref<10240x16xf32, #tpu.memory_space<vmem_shared>> -> memref<10240x16xf32, #tpu.memory_space<vmem_shared>>
      tpu.enqueue_indirect_dma source(%arg5 : memref<128x16xf32, #tpu.memory_space<vmem>>) target(%dma_start3A_75 : memref<10240x16xf32, #tpu.memory_space<vmem_shared>>) offsets(%dma_start3A_72 : memref<128xi32, #tpu.memory_space<vmem>>) semaphore(%run_scoped3A_70 : memref<!tpu.dma_semaphore, #tpu.memory_space<semaphore_mem>>) {add = true}
      %dma_wait3A = arith.constant 0 : i32
      %dma_wait3A_76 = tpu.memref_slice %arg4[%run_scoped3A_58, %dma_wait3A] : memref<40x128xi32, #tpu.memory_space<vmem>> -> memref<1x128xi32, #tpu.memory_space<vmem>>
      %dma_wait3A_77 = tpu.memref_squeeze %dma_wait3A_76 : memref<1x128xi32, #tpu.memory_space<vmem>> -> memref<128xi32, #tpu.memory_space<vmem>>
      %dma_wait3A_78 = arith.constant 0 : i32
      %dma_wait3A_79 = arith.constant 0 : i32
      %dma_wait3A_80 = tpu.memref_slice %arg7[%dma_wait3A_78, %dma_wait3A_79] : memref<10240x16xf32, #tpu.memory_space<vmem_shared>> -> memref<10240x16xf32, #tpu.memory_space<vmem_shared>>
      tpu.wait_indirect_dma semaphore(%run_scoped3A_70 : memref<!tpu.dma_semaphore, #tpu.memory_space<semaphore_mem>>) src(%arg5 : memref<128x16xf32, #tpu.memory_space<vmem>>) dst(%dma_wait3A_80 : memref<10240x16xf32, #tpu.memory_space<vmem_shared>>)
      tpu.yield
    }) : () -> ()
    %run_scoped3A_59 = arith.constant 34 : i32
    "tpu.region"() ({
      %run_scoped3A_70 = tpu.sem_alloc : memref<!tpu.dma_semaphore, #tpu.memory_space<semaphore_mem>>
      %dma_start3A = arith.constant 0 : i32
      %dma_start3A_71 = tpu.memref_slice %arg4[%run_scoped3A_59, %dma_start3A] : memref<40x128xi32, #tpu.memory_space<vmem>> -> memref<1x128xi32, #tpu.memory_space<vmem>>
      %dma_start3A_72 = tpu.memref_squeeze %dma_start3A_71 : memref<1x128xi32, #tpu.memory_space<vmem>> -> memref<128xi32, #tpu.memory_space<vmem>>
      %dma_start3A_73 = arith.constant 0 : i32
      %dma_start3A_74 = arith.constant 0 : i32
      %dma_start3A_75 = tpu.memref_slice %arg7[%dma_start3A_73, %dma_start3A_74] : memref<10240x16xf32, #tpu.memory_space<vmem_shared>> -> memref<10240x16xf32, #tpu.memory_space<vmem_shared>>
      tpu.enqueue_indirect_dma source(%arg5 : memref<128x16xf32, #tpu.memory_space<vmem>>) target(%dma_start3A_75 : memref<10240x16xf32, #tpu.memory_space<vmem_shared>>) offsets(%dma_start3A_72 : memref<128xi32, #tpu.memory_space<vmem>>) semaphore(%run_scoped3A_70 : memref<!tpu.dma_semaphore, #tpu.memory_space<semaphore_mem>>) {add = true}
      %dma_wait3A = arith.constant 0 : i32
      %dma_wait3A_76 = tpu.memref_slice %arg4[%run_scoped3A_59, %dma_wait3A] : memref<40x128xi32, #tpu.memory_space<vmem>> -> memref<1x128xi32, #tpu.memory_space<vmem>>
      %dma_wait3A_77 = tpu.memref_squeeze %dma_wait3A_76 : memref<1x128xi32, #tpu.memory_space<vmem>> -> memref<128xi32, #tpu.memory_space<vmem>>
      %dma_wait3A_78 = arith.constant 0 : i32
      %dma_wait3A_79 = arith.constant 0 : i32
      %dma_wait3A_80 = tpu.memref_slice %arg7[%dma_wait3A_78, %dma_wait3A_79] : memref<10240x16xf32, #tpu.memory_space<vmem_shared>> -> memref<10240x16xf32, #tpu.memory_space<vmem_shared>>
      tpu.wait_indirect_dma semaphore(%run_scoped3A_70 : memref<!tpu.dma_semaphore, #tpu.memory_space<semaphore_mem>>) src(%arg5 : memref<128x16xf32, #tpu.memory_space<vmem>>) dst(%dma_wait3A_80 : memref<10240x16xf32, #tpu.memory_space<vmem_shared>>)
      tpu.yield
    }) : () -> ()
    %run_scoped3A_60 = arith.constant 35 : i32
    "tpu.region"() ({
      %run_scoped3A_70 = tpu.sem_alloc : memref<!tpu.dma_semaphore, #tpu.memory_space<semaphore_mem>>
      %dma_start3A = arith.constant 0 : i32
      %dma_start3A_71 = tpu.memref_slice %arg4[%run_scoped3A_60, %dma_start3A] : memref<40x128xi32, #tpu.memory_space<vmem>> -> memref<1x128xi32, #tpu.memory_space<vmem>>
      %dma_start3A_72 = tpu.memref_squeeze %dma_start3A_71 : memref<1x128xi32, #tpu.memory_space<vmem>> -> memref<128xi32, #tpu.memory_space<vmem>>
      %dma_start3A_73 = arith.constant 0 : i32
      %dma_start3A_74 = arith.constant 0 : i32
      %dma_start3A_75 = tpu.memref_slice %arg7[%dma_start3A_73, %dma_start3A_74] : memref<10240x16xf32, #tpu.memory_space<vmem_shared>> -> memref<10240x16xf32, #tpu.memory_space<vmem_shared>>
      tpu.enqueue_indirect_dma source(%arg5 : memref<128x16xf32, #tpu.memory_space<vmem>>) target(%dma_start3A_75 : memref<10240x16xf32, #tpu.memory_space<vmem_shared>>) offsets(%dma_start3A_72 : memref<128xi32, #tpu.memory_space<vmem>>) semaphore(%run_scoped3A_70 : memref<!tpu.dma_semaphore, #tpu.memory_space<semaphore_mem>>) {add = true}
      %dma_wait3A = arith.constant 0 : i32
      %dma_wait3A_76 = tpu.memref_slice %arg4[%run_scoped3A_60, %dma_wait3A] : memref<40x128xi32, #tpu.memory_space<vmem>> -> memref<1x128xi32, #tpu.memory_space<vmem>>
      %dma_wait3A_77 = tpu.memref_squeeze %dma_wait3A_76 : memref<1x128xi32, #tpu.memory_space<vmem>> -> memref<128xi32, #tpu.memory_space<vmem>>
      %dma_wait3A_78 = arith.constant 0 : i32
      %dma_wait3A_79 = arith.constant 0 : i32
      %dma_wait3A_80 = tpu.memref_slice %arg7[%dma_wait3A_78, %dma_wait3A_79] : memref<10240x16xf32, #tpu.memory_space<vmem_shared>> -> memref<10240x16xf32, #tpu.memory_space<vmem_shared>>
      tpu.wait_indirect_dma semaphore(%run_scoped3A_70 : memref<!tpu.dma_semaphore, #tpu.memory_space<semaphore_mem>>) src(%arg5 : memref<128x16xf32, #tpu.memory_space<vmem>>) dst(%dma_wait3A_80 : memref<10240x16xf32, #tpu.memory_space<vmem_shared>>)
      tpu.yield
    }) : () -> ()
    %run_scoped3A_61 = arith.constant 36 : i32
    "tpu.region"() ({
      %run_scoped3A_70 = tpu.sem_alloc : memref<!tpu.dma_semaphore, #tpu.memory_space<semaphore_mem>>
      %dma_start3A = arith.constant 0 : i32
      %dma_start3A_71 = tpu.memref_slice %arg4[%run_scoped3A_61, %dma_start3A] : memref<40x128xi32, #tpu.memory_space<vmem>> -> memref<1x128xi32, #tpu.memory_space<vmem>>
      %dma_start3A_72 = tpu.memref_squeeze %dma_start3A_71 : memref<1x128xi32, #tpu.memory_space<vmem>> -> memref<128xi32, #tpu.memory_space<vmem>>
      %dma_start3A_73 = arith.constant 0 : i32
      %dma_start3A_74 = arith.constant 0 : i32
      %dma_start3A_75 = tpu.memref_slice %arg7[%dma_start3A_73, %dma_start3A_74] : memref<10240x16xf32, #tpu.memory_space<vmem_shared>> -> memref<10240x16xf32, #tpu.memory_space<vmem_shared>>
      tpu.enqueue_indirect_dma source(%arg5 : memref<128x16xf32, #tpu.memory_space<vmem>>) target(%dma_start3A_75 : memref<10240x16xf32, #tpu.memory_space<vmem_shared>>) offsets(%dma_start3A_72 : memref<128xi32, #tpu.memory_space<vmem>>) semaphore(%run_scoped3A_70 : memref<!tpu.dma_semaphore, #tpu.memory_space<semaphore_mem>>) {add = true}
      %dma_wait3A = arith.constant 0 : i32
      %dma_wait3A_76 = tpu.memref_slice %arg4[%run_scoped3A_61, %dma_wait3A] : memref<40x128xi32, #tpu.memory_space<vmem>> -> memref<1x128xi32, #tpu.memory_space<vmem>>
      %dma_wait3A_77 = tpu.memref_squeeze %dma_wait3A_76 : memref<1x128xi32, #tpu.memory_space<vmem>> -> memref<128xi32, #tpu.memory_space<vmem>>
      %dma_wait3A_78 = arith.constant 0 : i32
      %dma_wait3A_79 = arith.constant 0 : i32
      %dma_wait3A_80 = tpu.memref_slice %arg7[%dma_wait3A_78, %dma_wait3A_79] : memref<10240x16xf32, #tpu.memory_space<vmem_shared>> -> memref<10240x16xf32, #tpu.memory_space<vmem_shared>>
      tpu.wait_indirect_dma semaphore(%run_scoped3A_70 : memref<!tpu.dma_semaphore, #tpu.memory_space<semaphore_mem>>) src(%arg5 : memref<128x16xf32, #tpu.memory_space<vmem>>) dst(%dma_wait3A_80 : memref<10240x16xf32, #tpu.memory_space<vmem_shared>>)
      tpu.yield
    }) : () -> ()
    %run_scoped3A_62 = arith.constant 37 : i32
    "tpu.region"() ({
      %run_scoped3A_70 = tpu.sem_alloc : memref<!tpu.dma_semaphore, #tpu.memory_space<semaphore_mem>>
      %dma_start3A = arith.constant 0 : i32
      %dma_start3A_71 = tpu.memref_slice %arg4[%run_scoped3A_62, %dma_start3A] : memref<40x128xi32, #tpu.memory_space<vmem>> -> memref<1x128xi32, #tpu.memory_space<vmem>>
      %dma_start3A_72 = tpu.memref_squeeze %dma_start3A_71 : memref<1x128xi32, #tpu.memory_space<vmem>> -> memref<128xi32, #tpu.memory_space<vmem>>
      %dma_start3A_73 = arith.constant 0 : i32
      %dma_start3A_74 = arith.constant 0 : i32
      %dma_start3A_75 = tpu.memref_slice %arg7[%dma_start3A_73, %dma_start3A_74] : memref<10240x16xf32, #tpu.memory_space<vmem_shared>> -> memref<10240x16xf32, #tpu.memory_space<vmem_shared>>
      tpu.enqueue_indirect_dma source(%arg5 : memref<128x16xf32, #tpu.memory_space<vmem>>) target(%dma_start3A_75 : memref<10240x16xf32, #tpu.memory_space<vmem_shared>>) offsets(%dma_start3A_72 : memref<128xi32, #tpu.memory_space<vmem>>) semaphore(%run_scoped3A_70 : memref<!tpu.dma_semaphore, #tpu.memory_space<semaphore_mem>>) {add = true}
      %dma_wait3A = arith.constant 0 : i32
      %dma_wait3A_76 = tpu.memref_slice %arg4[%run_scoped3A_62, %dma_wait3A] : memref<40x128xi32, #tpu.memory_space<vmem>> -> memref<1x128xi32, #tpu.memory_space<vmem>>
      %dma_wait3A_77 = tpu.memref_squeeze %dma_wait3A_76 : memref<1x128xi32, #tpu.memory_space<vmem>> -> memref<128xi32, #tpu.memory_space<vmem>>
      %dma_wait3A_78 = arith.constant 0 : i32
      %dma_wait3A_79 = arith.constant 0 : i32
      %dma_wait3A_80 = tpu.memref_slice %arg7[%dma_wait3A_78, %dma_wait3A_79] : memref<10240x16xf32, #tpu.memory_space<vmem_shared>> -> memref<10240x16xf32, #tpu.memory_space<vmem_shared>>
      tpu.wait_indirect_dma semaphore(%run_scoped3A_70 : memref<!tpu.dma_semaphore, #tpu.memory_space<semaphore_mem>>) src(%arg5 : memref<128x16xf32, #tpu.memory_space<vmem>>) dst(%dma_wait3A_80 : memref<10240x16xf32, #tpu.memory_space<vmem_shared>>)
      tpu.yield
    }) : () -> ()
    %run_scoped3A_63 = arith.constant 38 : i32
    "tpu.region"() ({
      %run_scoped3A_70 = tpu.sem_alloc : memref<!tpu.dma_semaphore, #tpu.memory_space<semaphore_mem>>
      %dma_start3A = arith.constant 0 : i32
      %dma_start3A_71 = tpu.memref_slice %arg4[%run_scoped3A_63, %dma_start3A] : memref<40x128xi32, #tpu.memory_space<vmem>> -> memref<1x128xi32, #tpu.memory_space<vmem>>
      %dma_start3A_72 = tpu.memref_squeeze %dma_start3A_71 : memref<1x128xi32, #tpu.memory_space<vmem>> -> memref<128xi32, #tpu.memory_space<vmem>>
      %dma_start3A_73 = arith.constant 0 : i32
      %dma_start3A_74 = arith.constant 0 : i32
      %dma_start3A_75 = tpu.memref_slice %arg7[%dma_start3A_73, %dma_start3A_74] : memref<10240x16xf32, #tpu.memory_space<vmem_shared>> -> memref<10240x16xf32, #tpu.memory_space<vmem_shared>>
      tpu.enqueue_indirect_dma source(%arg5 : memref<128x16xf32, #tpu.memory_space<vmem>>) target(%dma_start3A_75 : memref<10240x16xf32, #tpu.memory_space<vmem_shared>>) offsets(%dma_start3A_72 : memref<128xi32, #tpu.memory_space<vmem>>) semaphore(%run_scoped3A_70 : memref<!tpu.dma_semaphore, #tpu.memory_space<semaphore_mem>>) {add = true}
      %dma_wait3A = arith.constant 0 : i32
      %dma_wait3A_76 = tpu.memref_slice %arg4[%run_scoped3A_63, %dma_wait3A] : memref<40x128xi32, #tpu.memory_space<vmem>> -> memref<1x128xi32, #tpu.memory_space<vmem>>
      %dma_wait3A_77 = tpu.memref_squeeze %dma_wait3A_76 : memref<1x128xi32, #tpu.memory_space<vmem>> -> memref<128xi32, #tpu.memory_space<vmem>>
      %dma_wait3A_78 = arith.constant 0 : i32
      %dma_wait3A_79 = arith.constant 0 : i32
      %dma_wait3A_80 = tpu.memref_slice %arg7[%dma_wait3A_78, %dma_wait3A_79] : memref<10240x16xf32, #tpu.memory_space<vmem_shared>> -> memref<10240x16xf32, #tpu.memory_space<vmem_shared>>
      tpu.wait_indirect_dma semaphore(%run_scoped3A_70 : memref<!tpu.dma_semaphore, #tpu.memory_space<semaphore_mem>>) src(%arg5 : memref<128x16xf32, #tpu.memory_space<vmem>>) dst(%dma_wait3A_80 : memref<10240x16xf32, #tpu.memory_space<vmem_shared>>)
      tpu.yield
    }) : () -> ()
    %run_scoped3A_64 = arith.constant 39 : i32
    "tpu.region"() ({
      %run_scoped3A_70 = tpu.sem_alloc : memref<!tpu.dma_semaphore, #tpu.memory_space<semaphore_mem>>
      %dma_start3A = arith.constant 0 : i32
      %dma_start3A_71 = tpu.memref_slice %arg4[%run_scoped3A_64, %dma_start3A] : memref<40x128xi32, #tpu.memory_space<vmem>> -> memref<1x128xi32, #tpu.memory_space<vmem>>
      %dma_start3A_72 = tpu.memref_squeeze %dma_start3A_71 : memref<1x128xi32, #tpu.memory_space<vmem>> -> memref<128xi32, #tpu.memory_space<vmem>>
      %dma_start3A_73 = arith.constant 0 : i32
      %dma_start3A_74 = arith.constant 0 : i32
      %dma_start3A_75 = tpu.memref_slice %arg7[%dma_start3A_73, %dma_start3A_74] : memref<10240x16xf32, #tpu.memory_space<vmem_shared>> -> memref<10240x16xf32, #tpu.memory_space<vmem_shared>>
      tpu.enqueue_indirect_dma source(%arg5 : memref<128x16xf32, #tpu.memory_space<vmem>>) target(%dma_start3A_75 : memref<10240x16xf32, #tpu.memory_space<vmem_shared>>) offsets(%dma_start3A_72 : memref<128xi32, #tpu.memory_space<vmem>>) semaphore(%run_scoped3A_70 : memref<!tpu.dma_semaphore, #tpu.memory_space<semaphore_mem>>) {add = true}
      %dma_wait3A = arith.constant 0 : i32
      %dma_wait3A_76 = tpu.memref_slice %arg4[%run_scoped3A_64, %dma_wait3A] : memref<40x128xi32, #tpu.memory_space<vmem>> -> memref<1x128xi32, #tpu.memory_space<vmem>>
      %dma_wait3A_77 = tpu.memref_squeeze %dma_wait3A_76 : memref<1x128xi32, #tpu.memory_space<vmem>> -> memref<128xi32, #tpu.memory_space<vmem>>
      %dma_wait3A_78 = arith.constant 0 : i32
      %dma_wait3A_79 = arith.constant 0 : i32
      %dma_wait3A_80 = tpu.memref_slice %arg7[%dma_wait3A_78, %dma_wait3A_79] : memref<10240x16xf32, #tpu.memory_space<vmem_shared>> -> memref<10240x16xf32, #tpu.memory_space<vmem_shared>>
      tpu.wait_indirect_dma semaphore(%run_scoped3A_70 : memref<!tpu.dma_semaphore, #tpu.memory_space<semaphore_mem>>) src(%arg5 : memref<128x16xf32, #tpu.memory_space<vmem>>) dst(%dma_wait3A_80 : memref<10240x16xf32, #tpu.memory_space<vmem_shared>>)
      tpu.yield
    }) : () -> ()
    %barrier3A_65 = arith.constant 0 : index
    tpu.barrier barrier_id(%barrier3A_65)
    %mul3A_66 = arith.constant 640 : i32
    %mul3A_67 = arith.muli %arg1, %mul3A_66 : i32
    %mul3A_68 = arith.constant 640 : i32
    %mul3A_69 = arith.muli %arg1, %mul3A_68 : i32
    "tpu.region"() ({
      %run_scoped3A_70 = tpu.sem_alloc : memref<!tpu.dma_semaphore, #tpu.memory_space<semaphore_mem>>
      %dma_start3A = arith.constant 0 : i32
      %dma_start3A_71 = tpu.memref_slice %arg3[%arg0, %mul3A_69, %dma_start3A] : memref<2x10240x16xf32, #tpu.memory_space<hbm>> -> memref<1x640x16xf32, #tpu.memory_space<hbm>>
      %dma_start3A_72 = tpu.memref_squeeze %dma_start3A_71 : memref<1x640x16xf32, #tpu.memory_space<hbm>> -> memref<640x16xf32, #tpu.memory_space<hbm>>
      %dma_start3A_73 = arith.constant 0 : i32
      %dma_start3A_74 = tpu.memref_slice %arg7[%mul3A_67, %dma_start3A_73] : memref<10240x16xf32, #tpu.memory_space<vmem_shared>> -> memref<640x16xf32, #tpu.memory_space<vmem_shared>>
      tpu.enqueue_dma source(%dma_start3A_74 : memref<640x16xf32, #tpu.memory_space<vmem_shared>>) target(%dma_start3A_72 : memref<640x16xf32, #tpu.memory_space<hbm>>) target_semaphore(%run_scoped3A_70 : memref<!tpu.dma_semaphore, #tpu.memory_space<semaphore_mem>>)
      %dma_wait3A = arith.constant 0 : i32
      %dma_wait3A_75 = tpu.memref_slice %arg3[%arg0, %mul3A_69, %dma_wait3A] : memref<2x10240x16xf32, #tpu.memory_space<hbm>> -> memref<1x640x16xf32, #tpu.memory_space<hbm>>
      %dma_wait3A_76 = tpu.memref_squeeze %dma_wait3A_75 : memref<1x640x16xf32, #tpu.memory_space<hbm>> -> memref<640x16xf32, #tpu.memory_space<hbm>>
      %dma_wait3A_77 = arith.constant 0 : i32
      %dma_wait3A_78 = tpu.memref_slice %arg7[%mul3A_67, %dma_wait3A_77] : memref<10240x16xf32, #tpu.memory_space<vmem_shared>> -> memref<640x16xf32, #tpu.memory_space<vmem_shared>>
      tpu.wait_dma2 semaphore(%run_scoped3A_70 : memref<!tpu.dma_semaphore, #tpu.memory_space<semaphore_mem>>) src(%dma_wait3A_78 : memref<640x16xf32, #tpu.memory_space<vmem_shared>>) dst(%dma_wait3A_76 : memref<640x16xf32, #tpu.memory_space<hbm>>)
      tpu.yield
    }) : () -> ()
    return
  }
}

module attributes {stable_mosaic.version = 14 : i64} {
  func.func @_mm_body(%arg0: i32, %arg1: memref<2x1000x16xf32, #tpu.memory_space<vmem>>, %arg2: memref<1000x128xf32, #tpu.memory_space<vmem>>, %arg3: memref<128x128xf32, #tpu.memory_space<vmem>>, %arg4: memref<1000x128xf32, #tpu.memory_space<vmem>>) attributes {dimension_semantics = [#tpu.dimension_semantics<arbitrary>], iteration_bounds = array<i64: 10>, scalar_prefetch = 0 : i64, scratch_operands = 0 : i64, tpu.core_type = #tpu.core_type<tc>, window_params = [{transform_indices = @transform_0, window_bounds = array<i64: 2, 1000, 16>}, {transform_indices = @transform_1, window_bounds = array<i64: 1000, 128>}, {pipeline_mode = #tpu.pipeline_mode<synchronous>, transform_indices = @transform_2, window_bounds = array<i64: 128, 128>}, {transform_indices = @transform_3, window_bounds = array<i64: 1000, 128>}]} {
    %get3A = arith.constant 0 : index
    %get3A_0 = arith.constant 0 : index
    %get3A_1 = arith.constant 0 : index
    %get3A_2 = vector.load %arg1[%get3A, %get3A_0, %get3A_1] : memref<2x1000x16xf32, #tpu.memory_space<vmem>>, vector<1x1000x1xf32>
    %get3A_3 = vector.shape_cast %get3A_2 : vector<1x1000x1xf32> to vector<1000x1xf32>
    %get3A_4 = arith.constant 1 : index
    %get3A_5 = arith.constant 0 : index
    %get3A_6 = arith.constant 0 : index
    %get3A_7 = vector.load %arg1[%get3A_4, %get3A_5, %get3A_6] : memref<2x1000x16xf32, #tpu.memory_space<vmem>>, vector<1x1000x1xf32>
    %get3A_8 = vector.shape_cast %get3A_7 : vector<1x1000x1xf32> to vector<1000x1xf32>
    %add3A = arith.addf %get3A_3, %get3A_8 : vector<1000x1xf32>
    %add3A_9 = arith.constant 1.000000e+00 : f32
    %add3A_10 = vector.broadcast %add3A_9 : f32 to vector<1000x1xf32>
    %add3A_11 = arith.addf %add3A, %add3A_10 : vector<1000x1xf32>
    %rsqrt3A = math.rsqrt %add3A_11 : vector<1000x1xf32>
    %get3A_12 = arith.constant 0 : index
    %get3A_13 = arith.constant 0 : index
    %get3A_14 = vector.load %arg2[%get3A_12, %get3A_13] : memref<1000x128xf32, #tpu.memory_space<vmem>>, vector<1000x128xf32>
    %get3A_15 = arith.constant 0 : index
    %get3A_16 = arith.constant 0 : index
    %get3A_17 = vector.load %arg3[%get3A_15, %get3A_16] : memref<128x128xf32, #tpu.memory_space<vmem>>, vector<128x128xf32>
    %dot_general3A = arith.constant dense<0.000000e+00> : vector<1000x128xf32>
    %dot_general3A_18 = tpu.matmul %get3A_14, %get3A_17, %dot_general3A {dimension_numbers = #tpu.dot_dimension_numbers<[1], [0], [0], [1], [0, 0, 1, 1], [], []>, transpose_lhs_hint = false} : vector<1000x128xf32>, vector<128x128xf32>, vector<1000x128xf32> -> vector<1000x128xf32>
    %mul3A = vector.broadcast %rsqrt3A : vector<1000x1xf32> to vector<1000x128xf32>
    %mul3A_19 = arith.mulf %mul3A, %dot_general3A_18 : vector<1000x128xf32>
    %swap3A = arith.constant 0 : index
    %swap3A_20 = arith.constant 0 : index
    %swap3A_21 = vector.load %arg4[%swap3A, %swap3A_20] : memref<1000x128xf32, #tpu.memory_space<vmem>>, vector<1000x128xf32>
    tpu.vector_store %arg4[%swap3A, %swap3A_20], %mul3A_19 {strides = array<i32>} : memref<1000x128xf32, #tpu.memory_space<vmem>>, vector<1000x128xf32>,
    return
  }
  func.func @transform_0(%arg0: i32) -> (i32, i32, i32) {
    %c0_i32 = arith.constant 0 : i32
    %c0_i32_0 = arith.constant 0 : i32
    %c0_i32_1 = arith.constant 0 : i32
    return %c0_i32, %arg0, %c0_i32_0 : i32, i32, i32
  }
  func.func @transform_1(%arg0: i32) -> (i32, i32) {
    %c0_i32 = arith.constant 0 : i32
    %c0_i32_0 = arith.constant 0 : i32
    return %arg0, %c0_i32 : i32, i32
  }
  func.func @transform_2(%arg0: i32) -> (i32, i32) {
    %c0_i32 = arith.constant 0 : i32
    %c0_i32_0 = arith.constant 0 : i32
    %c0_i32_1 = arith.constant 0 : i32
    return %c0_i32, %c0_i32_0 : i32, i32
  }
  func.func @transform_3(%arg0: i32) -> (i32, i32) {
    %c0_i32 = arith.constant 0 : i32
    %c0_i32_0 = arith.constant 0 : i32
    return %arg0, %c0_i32 : i32, i32
  }
}

module attributes {stable_mosaic.version = 14 : i64} {
  func.func @_stat_body(%arg0: i32, %arg1: memref<2x1000x128xf32, #tpu.memory_space<vmem>>, %arg2: memref<1000x128xf32, #tpu.memory_space<vmem>>, %arg3: memref<2x1000x16xf32, #tpu.memory_space<vmem>>, %arg4: memref<1x128xf32, #tpu.memory_space<vmem>>, %arg5: memref<1000x128xf32, #tpu.memory_space<vmem>>, %arg6: memref<1x128xf32, #tpu.memory_space<vmem>>, %arg7: memref<1x128xf32, #tpu.memory_space<vmem>>) attributes {dimension_semantics = [#tpu.dimension_semantics<arbitrary>], iteration_bounds = array<i64: 10>, scalar_prefetch = 0 : i64, scratch_operands = 0 : i64, tpu.core_type = #tpu.core_type<tc>, window_params = [{transform_indices = @transform_0, window_bounds = array<i64: 2, 1000, 128>}, {transform_indices = @transform_1, window_bounds = array<i64: 1000, 128>}, {transform_indices = @transform_2, window_bounds = array<i64: 2, 1000, 16>}, {pipeline_mode = #tpu.pipeline_mode<synchronous>, transform_indices = @transform_3, window_bounds = array<i64: 1, 128>}, {transform_indices = @transform_4, window_bounds = array<i64: 1000, 128>}, {pipeline_mode = #tpu.pipeline_mode<synchronous>, transform_indices = @transform_5, window_bounds = array<i64: 1, 128>}, {pipeline_mode = #tpu.pipeline_mode<synchronous>, transform_indices = @transform_6, window_bounds = array<i64: 1, 128>}]} {
    %get3A = arith.constant 0 : index
    %get3A_0 = arith.constant 0 : index
    %get3A_1 = arith.constant 0 : index
    %get3A_2 = vector.load %arg3[%get3A, %get3A_0, %get3A_1] : memref<2x1000x16xf32, #tpu.memory_space<vmem>>, vector<1x1000x1xf32>
    %get3A_3 = vector.shape_cast %get3A_2 : vector<1x1000x1xf32> to vector<1000x1xf32>
    %get3A_4 = arith.constant 1 : index
    %get3A_5 = arith.constant 0 : index
    %get3A_6 = arith.constant 0 : index
    %get3A_7 = vector.load %arg3[%get3A_4, %get3A_5, %get3A_6] : memref<2x1000x16xf32, #tpu.memory_space<vmem>>, vector<1x1000x1xf32>
    %get3A_8 = vector.shape_cast %get3A_7 : vector<1x1000x1xf32> to vector<1000x1xf32>
    %add3A = arith.addf %get3A_3, %get3A_8 : vector<1000x1xf32>
    %add3A_9 = arith.constant 1.000000e+00 : f32
    %add3A_10 = vector.broadcast %add3A_9 : f32 to vector<1000x1xf32>
    %add3A_11 = arith.addf %add3A, %add3A_10 : vector<1000x1xf32>
    %rsqrt3A = math.rsqrt %add3A_11 : vector<1000x1xf32>
    %get3A_12 = arith.constant 0 : index
    %get3A_13 = arith.constant 0 : index
    %get3A_14 = arith.constant 0 : index
    %get3A_15 = vector.load %arg1[%get3A_12, %get3A_13, %get3A_14] : memref<2x1000x128xf32, #tpu.memory_space<vmem>>, vector<1x1000x128xf32>
    %get3A_16 = vector.shape_cast %get3A_15 : vector<1x1000x128xf32> to vector<1000x128xf32>
    %get3A_17 = arith.constant 1 : index
    %get3A_18 = arith.constant 0 : index
    %get3A_19 = arith.constant 0 : index
    %get3A_20 = vector.load %arg1[%get3A_17, %get3A_18, %get3A_19] : memref<2x1000x128xf32, #tpu.memory_space<vmem>>, vector<1x1000x128xf32>
    %get3A_21 = vector.shape_cast %get3A_20 : vector<1x1000x128xf32> to vector<1000x128xf32>
    %add3A_22 = arith.addf %get3A_16, %get3A_21 : vector<1000x128xf32>
    %get3A_23 = arith.constant 0 : index
    %get3A_24 = arith.constant 0 : index
    %get3A_25 = vector.load %arg2[%get3A_23, %get3A_24] : memref<1000x128xf32, #tpu.memory_space<vmem>>, vector<1000x128xf32>
    %add3A_26 = arith.addf %add3A_22, %get3A_25 : vector<1000x128xf32>
    %mul3A = vector.broadcast %rsqrt3A : vector<1000x1xf32> to vector<1000x128xf32>
    %mul3A_27 = arith.mulf %mul3A, %add3A_26 : vector<1000x128xf32>
    %get3A_28 = arith.constant 0 : index
    %get3A_29 = arith.constant 0 : index
    %get3A_30 = vector.load %arg4[%get3A_28, %get3A_29] : memref<1x128xf32, #tpu.memory_space<vmem>>, vector<1x128xf32>
    %add3A_31 = vector.broadcast %get3A_30 : vector<1x128xf32> to vector<1000x128xf32>
    %add3A_32 = arith.addf %mul3A_27, %add3A_31 : vector<1000x128xf32>
    %swap3A = arith.constant 0 : index
    %swap3A_33 = arith.constant 0 : index
    %swap3A_34 = vector.load %arg5[%swap3A, %swap3A_33] : memref<1000x128xf32, #tpu.memory_space<vmem>>, vector<1000x128xf32>
    tpu.vector_store %arg5[%swap3A, %swap3A_33], %add3A_32 {strides = array<i32>} : memref<1000x128xf32, #tpu.memory_space<vmem>>, vector<1000x128xf32>,
    %eq3A = arith.constant 0 : i32
    %eq3A_35 = arith.cmpi eq, %arg0, %eq3A : i32
    %convert_element_type3A = arith.extui %eq3A_35 : i1 to i32
    %cond3A = arith.constant 0 : i32
    %cond3A_36 = arith.cmpi ne, %convert_element_type3A, %cond3A : i32
    scf.if %cond3A_36 {
      %broadcast_in_dim3A_56 = arith.constant 0.000000e+00 : f32
      %broadcast_in_dim3A_57 = vector.broadcast %broadcast_in_dim3A_56 : f32 to vector<1x128xf32>
      %swap3A_58 = arith.constant 0 : index
      %swap3A_59 = arith.constant 0 : index
      %swap3A_60 = vector.load %arg6[%swap3A_58, %swap3A_59] : memref<1x128xf32, #tpu.memory_space<vmem>>, vector<1x128xf32>
      tpu.vector_store %arg6[%swap3A_58, %swap3A_59], %broadcast_in_dim3A_57 {strides = array<i32>} : memref<1x128xf32, #tpu.memory_space<vmem>>, vector<1x128xf32>,
      %broadcast_in_dim3A_61 = arith.constant 0.000000e+00 : f32
      %broadcast_in_dim3A_62 = vector.broadcast %broadcast_in_dim3A_61 : f32 to vector<1x128xf32>
      %swap3A_63 = arith.constant 0 : index
      %swap3A_64 = arith.constant 0 : index
      %swap3A_65 = vector.load %arg7[%swap3A_63, %swap3A_64] : memref<1x128xf32, #tpu.memory_space<vmem>>, vector<1x128xf32>
      tpu.vector_store %arg7[%swap3A_63, %swap3A_64], %broadcast_in_dim3A_62 {strides = array<i32>} : memref<1x128xf32, #tpu.memory_space<vmem>>, vector<1x128xf32>,
    } else {
    }
    %get3A_37 = arith.constant 0 : index
    %get3A_38 = arith.constant 0 : index
    %get3A_39 = vector.load %arg6[%get3A_37, %get3A_38] : memref<1x128xf32, #tpu.memory_space<vmem>>, vector<1x128xf32>
    %reduce_sum3A = arith.constant dense<0.000000e+00> : vector<128xf32>
    %reduce_sum3A_40 = vector.multi_reduction <add>, %add3A_32, %reduce_sum3A [0] : vector<1000x128xf32> to vector<128xf32>
    %broadcast_in_dim3A = vector.shape_cast %reduce_sum3A_40 : vector<128xf32> to vector<1x128xf32>
    %add3A_41 = arith.addf %get3A_39, %broadcast_in_dim3A : vector<1x128xf32>
    %swap3A_42 = arith.constant 0 : index
    %swap3A_43 = arith.constant 0 : index
    %swap3A_44 = vector.load %arg6[%swap3A_42, %swap3A_43] : memref<1x128xf32, #tpu.memory_space<vmem>>, vector<1x128xf32>
    tpu.vector_store %arg6[%swap3A_42, %swap3A_43], %add3A_41 {strides = array<i32>} : memref<1x128xf32, #tpu.memory_space<vmem>>, vector<1x128xf32>,
    %get3A_45 = arith.constant 0 : index
    %get3A_46 = arith.constant 0 : index
    %get3A_47 = vector.load %arg7[%get3A_45, %get3A_46] : memref<1x128xf32, #tpu.memory_space<vmem>>, vector<1x128xf32>
    %mul3A_48 = arith.mulf %add3A_32, %add3A_32 : vector<1000x128xf32>
    %reduce_sum3A_49 = arith.constant dense<0.000000e+00> : vector<128xf32>
    %reduce_sum3A_50 = vector.multi_reduction <add>, %mul3A_48, %reduce_sum3A_49 [0] : vector<1000x128xf32> to vector<128xf32>
    %broadcast_in_dim3A_51 = vector.shape_cast %reduce_sum3A_50 : vector<128xf32> to vector<1x128xf32>
    %add3A_52 = arith.addf %get3A_47, %broadcast_in_dim3A_51 : vector<1x128xf32>
    %swap3A_53 = arith.constant 0 : index
    %swap3A_54 = arith.constant 0 : index
    %swap3A_55 = vector.load %arg7[%swap3A_53, %swap3A_54] : memref<1x128xf32, #tpu.memory_space<vmem>>, vector<1x128xf32>
    tpu.vector_store %arg7[%swap3A_53, %swap3A_54], %add3A_52 {strides = array<i32>} : memref<1x128xf32, #tpu.memory_space<vmem>>, vector<1x128xf32>,
    return
  }
  func.func @transform_0(%arg0: i32) -> (i32, i32, i32) {
    %c0_i32 = arith.constant 0 : i32
    %c0_i32_0 = arith.constant 0 : i32
    %c0_i32_1 = arith.constant 0 : i32
    return %c0_i32, %arg0, %c0_i32_0 : i32, i32, i32
  }
  func.func @transform_1(%arg0: i32) -> (i32, i32) {
    %c0_i32 = arith.constant 0 : i32
    %c0_i32_0 = arith.constant 0 : i32
    return %arg0, %c0_i32 : i32, i32
  }
  func.func @transform_2(%arg0: i32) -> (i32, i32, i32) {
    %c0_i32 = arith.constant 0 : i32
    %c0_i32_0 = arith.constant 0 : i32
    %c0_i32_1 = arith.constant 0 : i32
    return %c0_i32, %arg0, %c0_i32_0 : i32, i32, i32
  }
  func.func @transform_3(%arg0: i32) -> (i32, i32) {
    %c0_i32 = arith.constant 0 : i32
    %c0_i32_0 = arith.constant 0 : i32
    %c0_i32_1 = arith.constant 0 : i32
    return %c0_i32, %c0_i32_0 : i32, i32
  }
  func.func @transform_4(%arg0: i32) -> (i32, i32) {
    %c0_i32 = arith.constant 0 : i32
    %c0_i32_0 = arith.constant 0 : i32
    return %arg0, %c0_i32 : i32, i32
  }
  func.func @transform_5(%arg0: i32) -> (i32, i32) {
    %c0_i32 = arith.constant 0 : i32
    %c0_i32_0 = arith.constant 0 : i32
    %c0_i32_1 = arith.constant 0 : i32
    return %c0_i32, %c0_i32_0 : i32, i32
  }
  func.func @transform_6(%arg0: i32) -> (i32, i32) {
    %c0_i32 = arith.constant 0 : i32
    %c0_i32_0 = arith.constant 0 : i32
    %c0_i32_1 = arith.constant 0 : i32
    return %c0_i32, %c0_i32_0 : i32, i32
  }
}

module attributes {stable_mosaic.version = 14 : i64} {
  func.func @_bn_body(%arg0: i32, %arg1: memref<1000x128xf32, #tpu.memory_space<vmem>>, %arg2: memref<1x128xf32, #tpu.memory_space<vmem>>, %arg3: memref<1x128xf32, #tpu.memory_space<vmem>>, %arg4: memref<1x128xf32, #tpu.memory_space<vmem>>, %arg5: memref<1x128xf32, #tpu.memory_space<vmem>>, %arg6: memref<1000x128xf32, #tpu.memory_space<vmem>>) attributes {dimension_semantics = [#tpu.dimension_semantics<arbitrary>], iteration_bounds = array<i64: 10>, scalar_prefetch = 0 : i64, scratch_operands = 0 : i64, tpu.core_type = #tpu.core_type<tc>, window_params = [{transform_indices = @transform_0, window_bounds = array<i64: 1000, 128>}, {pipeline_mode = #tpu.pipeline_mode<synchronous>, transform_indices = @transform_1, window_bounds = array<i64: 1, 128>}, {pipeline_mode = #tpu.pipeline_mode<synchronous>, transform_indices = @transform_2, window_bounds = array<i64: 1, 128>}, {pipeline_mode = #tpu.pipeline_mode<synchronous>, transform_indices = @transform_3, window_bounds = array<i64: 1, 128>}, {pipeline_mode = #tpu.pipeline_mode<synchronous>, transform_indices = @transform_4, window_bounds = array<i64: 1, 128>}, {transform_indices = @transform_5, window_bounds = array<i64: 1000, 128>}]} {
    %get3A = arith.constant 0 : index
    %get3A_0 = arith.constant 0 : index
    %get3A_1 = vector.load %arg2[%get3A, %get3A_0] : memref<1x128xf32, #tpu.memory_space<vmem>>, vector<1x128xf32>
    %div3A = arith.constant 1.000000e+04 : f32
    %div3A_2 = vector.broadcast %div3A : f32 to vector<1x128xf32>
    %div3A_3 = arith.divf %get3A_1, %div3A_2 : vector<1x128xf32>
    %get3A_4 = arith.constant 0 : index
    %get3A_5 = arith.constant 0 : index
    %get3A_6 = vector.load %arg3[%get3A_4, %get3A_5] : memref<1x128xf32, #tpu.memory_space<vmem>>, vector<1x128xf32>
    %div3A_7 = arith.constant 1.000000e+04 : f32
    %div3A_8 = vector.broadcast %div3A_7 : f32 to vector<1x128xf32>
    %div3A_9 = arith.divf %get3A_6, %div3A_8 : vector<1x128xf32>
    %mul3A = arith.mulf %div3A_3, %div3A_3 : vector<1x128xf32>
    %sub3A = arith.subf %div3A_9, %mul3A : vector<1x128xf32>
    %get3A_10 = arith.constant 0 : index
    %get3A_11 = arith.constant 0 : index
    %get3A_12 = vector.load %arg4[%get3A_10, %get3A_11] : memref<1x128xf32, #tpu.memory_space<vmem>>, vector<1x128xf32>
    %add3A = arith.constant 9.99999974E-6 : f32
    %add3A_13 = vector.broadcast %add3A : f32 to vector<1x128xf32>
    %add3A_14 = arith.addf %sub3A, %add3A_13 : vector<1x128xf32>
    %rsqrt3A = math.rsqrt %add3A_14 : vector<1x128xf32>
    %mul3A_15 = arith.mulf %get3A_12, %rsqrt3A : vector<1x128xf32>
    %get3A_16 = arith.constant 0 : index
    %get3A_17 = arith.constant 0 : index
    %get3A_18 = vector.load %arg5[%get3A_16, %get3A_17] : memref<1x128xf32, #tpu.memory_space<vmem>>, vector<1x128xf32>
    %mul3A_19 = arith.mulf %div3A_3, %mul3A_15 : vector<1x128xf32>
    %sub3A_20 = arith.subf %get3A_18, %mul3A_19 : vector<1x128xf32>
    %get3A_21 = arith.constant 0 : index
    %get3A_22 = arith.constant 0 : index
    %get3A_23 = vector.load %arg1[%get3A_21, %get3A_22] : memref<1000x128xf32, #tpu.memory_space<vmem>>, vector<1000x128xf32>
    %mul3A_24 = vector.broadcast %mul3A_15 : vector<1x128xf32> to vector<1000x128xf32>
    %mul3A_25 = arith.mulf %get3A_23, %mul3A_24 : vector<1000x128xf32>
    %add3A_26 = vector.broadcast %sub3A_20 : vector<1x128xf32> to vector<1000x128xf32>
    %add3A_27 = arith.addf %mul3A_25, %add3A_26 : vector<1000x128xf32>
    %max3A = arith.constant 0.000000e+00 : f32
    %max3A_28 = vector.broadcast %max3A : f32 to vector<1000x128xf32>
    %max3A_29 = arith.maximumf %add3A_27, %max3A_28 : vector<1000x128xf32>
    %swap3A = arith.constant 0 : index
    %swap3A_30 = arith.constant 0 : index
    %swap3A_31 = vector.load %arg6[%swap3A, %swap3A_30] : memref<1000x128xf32, #tpu.memory_space<vmem>>, vector<1000x128xf32>
    tpu.vector_store %arg6[%swap3A, %swap3A_30], %max3A_29 {strides = array<i32>} : memref<1000x128xf32, #tpu.memory_space<vmem>>, vector<1000x128xf32>,
    return
  }
  func.func @transform_0(%arg0: i32) -> (i32, i32) {
    %c0_i32 = arith.constant 0 : i32
    %c0_i32_0 = arith.constant 0 : i32
    return %arg0, %c0_i32 : i32, i32
  }
  func.func @transform_1(%arg0: i32) -> (i32, i32) {
    %c0_i32 = arith.constant 0 : i32
    %c0_i32_0 = arith.constant 0 : i32
    %c0_i32_1 = arith.constant 0 : i32
    return %c0_i32, %c0_i32_0 : i32, i32
  }
  func.func @transform_2(%arg0: i32) -> (i32, i32) {
    %c0_i32 = arith.constant 0 : i32
    %c0_i32_0 = arith.constant 0 : i32
    %c0_i32_1 = arith.constant 0 : i32
    return %c0_i32, %c0_i32_0 : i32, i32
  }
  func.func @transform_3(%arg0: i32) -> (i32, i32) {
    %c0_i32 = arith.constant 0 : i32
    %c0_i32_0 = arith.constant 0 : i32
    %c0_i32_1 = arith.constant 0 : i32
    return %c0_i32, %c0_i32_0 : i32, i32
  }
  func.func @transform_4(%arg0: i32) -> (i32, i32) {
    %c0_i32 = arith.constant 0 : i32
    %c0_i32_0 = arith.constant 0 : i32
    %c0_i32_1 = arith.constant 0 : i32
    return %c0_i32, %c0_i32_0 : i32, i32
  }
  func.func @transform_5(%arg0: i32) -> (i32, i32) {
    %c0_i32 = arith.constant 0 : i32
    %c0_i32_0 = arith.constant 0 : i32
    return %arg0, %c0_i32 : i32, i32
  }
}

</mosaic_0001>

<sc_bundles>
// kernel: kernel.10.cloned.1.call-start
scs
__scs_entry_jumppad:
0x0: {  	(pc) =	sbr.rel $0x88, $3  }
0x1: {  	(tag) =	ssettag $0x0;
	lr =	simm.s32 $0x1  }
0x2: {  	[smem:$0x3F9B] =	sst lr;
	_ =	strace $0xD0000000  }
0x3: {  	_ = 	snop  }
0x4: {  	_ = 	snop  }
0x5: {  	_ = 	snop  }
0x6: {  	_ = 	snop  }
0x7: {  	_ = 	snop  }
__scs_overlays_trampoline_lowered:
0x8: {  	[smem:$0x3FAA] =	sst s0  }
0x9: {  	[smem:$0x3FAB] =	sst s1  }
0xa: {  	[smem:$0x3FAC] =	sst s2  }
0xb: {  	[smem:$0x3FAD] =	sst s3  }
0xc: {  	[smem:$0x3FAE] =	sst s4  }
0xd: {  	[smem:$0x3FAF] =	sst s5  }
0xe: {  	[smem:$0x3FB0] =	sst s6  }
0xf: {  	[smem:$0x3FB1] =	sst s7  }
0x10: {  	[smem:$0x3FB2] =	sst s8  }
0x11: {  	[smem:$0x3FB3] =	sst s9;
	s0 =	simm.s32 @!p0 $0x0  }
0x12: {  	s1 =	sld [smem:$0x3F99];
	s0 =	simm.s32 @p0 $0x1  }
0x13: {  	[smem:$0x3FB4] =	sst s0;
	s0 =	simm.s32 @!p1 $0x0  }
0x14: {  	s2 =	sld [smem:$0x3F98];
	s0 =	simm.s32 @p1 $0x1  }
0x15: {  	[smem:$0x3FB5] =	sst s0;
	s0 =	simm.s32 @!p2 $0x0  }
0x16: {  	s3 =	sld [smem:$0x3FDB];
	s0 =	simm.s32 @p2 $0x1  }
0x17: {  	s4 =	simm.s32 $0x1BF5;
	[smem:$0x3FB7] =	sst s0  }
0x18: {  	s0 =	sld [smem:$0x3F9A];
	_ =	swait.ge [sflag:s4], $0x0  }
0x19: {  	s7 =	sld [smem:$0x3F9B]  }
0x1a: {  	s8 =	sadd.s32 $0xFFFFE003, lr  }
0x1b: {  	s9 =	sadd.s32 $0xFFFFFEF7, lr;
	s5 =	simm.s32 $0xFFFFFFFF;
	p2 =	slt.u32 s8, $0xFFFFF086  }
0x1c: {  	p1 =	slt.u32 s9, $0xF7A;
	s5 =	simm.s32 @!p2 $0x0  }
0x1d: {  	s5 =	simm.s32 @p1 $0x1;
	p0 =	seq.s32 s7, s2  }
0x1e: {  	s7 =	smul.u32 @!p0 $0xF7A, s2;
	p2 =	seq.s32 @!p0 s5, $0x0  }
0x1f: {  	s9 =	smul.u32 $0xF7A, s1;
	s8 =	simm.s32 @!p0 $0x1BF5;
	p2 =	por !p2, p0  }
0x20: {  	[sflag:s8] =	ssyncset.s32 @!p0 $0xFFFFF086;
	s6 =	sadd.s32 @!p0 s3, s7;
	s7 =	simm.s32 @!p0 $0x108  }
0x21: {  	s3 =	sadd.s32 s3, s9;
	s6 =	sadd.s32 @!p0 $0x88, s6;
	s7 =	simm.s32 @p2 $0x1082  }
0x22: {  	[simem:s7], [sflag:s8] =	dma.local @!p0 [hbm:s6], $0xF7A  }
0x23: {  	s9 =	sor.u32 $0xD0000000, s2;
	s6 =	simm.s32 $0x108;
	_ =	swait.ge @!p0 [sflag:s8], $0x0  }
0x24: {  	s3 =	sadd.s32 $0x88, s3;
	s6 =	simm.s32 @!p1 $0x1082;
	[sflag:s4] =	ssyncset.s32 $0xFFFFF086  }
0x25: {  	[simem:s6], [sflag:s4] =	dma.local [hbm:s3], $0xF7A  }
0x26: {  	[smem:$0x3F9B] =	sst s1;
	(tag) =	ssettag s2;
	_ =	strace s9  }
0x27: {  	s1 =	sld [smem:$0x3FAB]  }
0x28: {  	s2 =	sld [smem:$0x3FAC]  }
0x29: {  	s4 =	sld [smem:$0x3FAE]  }
0x2a: {  	p0 =	seq.s32 s5, $0x0;
	s5 =	sld [smem:$0x3FAF]  }
0x2b: {  	s6 =	sld [smem:$0x3FB0]  }
0x2c: {  	s7 =	sld [smem:$0x3FB1]  }
0x2d: {  	s3 =	simm.s32 $0x108;
	s8 =	sld [smem:$0x3FB2]  }
0x2e: {  	s3 =	simm.s32 @!p0 $0x1082;
	s9 =	sld [smem:$0x3FB3]  }
0x2f: {  	lr =	sadd.s32 s0, s3;
	s0 =	sld [smem:$0x3FAA]  }
0x30: {  	s3 =	sld [smem:$0x3FAD]  }
0x31: {  	[smem:$0x3FB6] =	sst s10  }
0x32: {  	s10 =	sld [smem:$0x3FB4];
	_ =	sdelay $0x3  }
0x33: {  	p0 =	seq.s32 s10, $0x1;
	s10 =	sld [smem:$0x3FB6];
	_ =	sdelay $0x3  }
0x34: {  	[smem:$0x3FB6] =	sst s10  }
0x35: {  	s10 =	sld [smem:$0x3FB5];
	_ =	sdelay $0x3  }
0x36: {  	p1 =	seq.s32 s10, $0x1;
	s10 =	sld [smem:$0x3FB6];
	_ =	sdelay $0x3  }
0x37: {  	[smem:$0x3FB6] =	sst s10  }
0x38: {  	s10 =	sld [smem:$0x3FB7]  }
0x39: {  	_ = 	snop;
	(pc) =	sbr.ind lr, $3  }
0x3a: {  	_ = 	snop  }
0x3b: {  	_ = 	snop  }
0x3c: {  	p2 =	seq.s32 s10, $0x1;
	s10 =	sld [smem:$0x3FB6]  }
0x3d: {  	_ =	shalt  }
0x3e: {  	_ =	shalt  }
0x3f: {  	_ =	shalt  }
0x40: {  	_ =	shalt  }
0x41: {  	_ =	shalt  }
0x42: {  	_ =	shalt  }
0x43: {  	_ =	shalt  }
0x44: {  	_ =	shalt  }
0x45: {  	_ =	shalt  }
0x46: {  	_ =	shalt  }
0x47: {  	_ =	shalt  }
0x48: {  	_ =	shalt  }
0x49: {  	_ =	shalt  }
0x4a: {  	_ =	shalt  }
0x4b: {  	_ =	shalt  }
0x4c: {  	_ =	shalt  }
0x4d: {  	_ =	shalt  }
0x4e: {  	_ =	shalt  }
0x4f: {  	_ =	shalt  }
0x50: {  	_ =	shalt  }
0x51: {  	_ =	shalt  }
0x52: {  	_ =	shalt  }
0x53: {  	_ =	shalt  }
0x54: {  	_ =	shalt  }
0x55: {  	_ =	shalt  }
0x56: {  	_ =	shalt  }
0x57: {  	_ =	shalt  }
0x58: {  	_ =	shalt  }
0x59: {  	_ =	shalt  }
0x5a: {  	_ =	shalt  }
0x5b: {  	_ =	shalt  }
0x5c: {  	_ =	shalt  }
0x5d: {  	_ =	shalt  }
0x5e: {  	_ =	shalt  }
0x5f: {  	_ =	shalt  }
0x60: {  	_ =	shalt  }
0x61: {  	_ =	shalt  }
0x62: {  	_ =	shalt  }
0x63: {  	_ =	shalt  }
0x64: {  	_ =	shalt  }
0x65: {  	_ =	shalt  }
0x66: {  	_ =	shalt  }
0x67: {  	_ =	shalt  }
0x68: {  	_ =	shalt  }
0x69: {  	_ =	shalt  }
0x6a: {  	_ =	shalt  }
0x6b: {  	_ =	shalt  }
0x6c: {  	_ =	shalt  }
0x6d: {  	_ =	shalt  }
0x6e: {  	_ =	shalt  }
0x6f: {  	_ =	shalt  }
0x70: {  	_ =	shalt  }
0x71: {  	_ =	shalt  }
0x72: {  	_ =	shalt  }
0x73: {  	_ =	shalt  }
0x74: {  	_ =	shalt  }
0x75: {  	_ =	shalt  }
0x76: {  	_ =	shalt  }
0x77: {  	_ =	shalt  }
0x78: {  	_ =	shalt  }
0x79: {  	_ =	shalt  }
0x7a: {  	_ =	shalt  }
0x7b: {  	_ =	shalt  }
0x7c: {  	_ =	shalt  }
0x7d: {  	_ =	shalt  }
0x7e: {  	_ =	shalt  }
0x7f: {  	_ =	shalt  }
0x80: {  	_ =	shalt  }
0x81: {  	_ =	shalt  }
0x82: {  	_ =	shalt  }
0x83: {  	_ =	shalt  }
0x84: {  	_ =	shalt  }
0x85: {  	_ =	shalt  }
0x86: {  	_ =	shalt  }
0x87: {  	_ =	shalt  }
.Lfunc_end0:
.L_simem_size_0:
called_computation.1_lowered:
.L_overlay_start_0:
0x88: {  	s2 =	sld [smem:$0x3FD9]  }
0x89: {  	s3 =	sld [smem:$0x3FFE];
	_ =	sdelay $0x1  }
0x8a: {  	s1 =	srdreg.scid  }
0x8b: {  	s0 =	sand.u32 $0x1, s1  }
0x8c: {  	s17 =	sshll.u32 s0, $0xA;
	s2 =	sadd.s32 s3, s2  }
0x8d: {  	s2 =	sadd.s32 s2, s17  }
0x8e: {  	[smem:$0x3FC2] =	sst s2  }
0x8f: {  	_ = 	snop  }
0x90: {  	s2 =	sld [smem:$0x3FD0];
	(tm) =	ssettm $0x1  }
0x91: {  	s18 =	sld [smem:$0x3FFB];
	_ =	sdelay $0x3  }
0x92: {  	_ =	strace s18  }
0x93: {  	s3 =	sld [smem:$0x3FFC];
	_ =	sdelay $0x3  }
0x94: {  	_ =	strace s3  }
0x95: {  	s3 =	sld [smem:$0x3FFD];
	_ =	sdelay $0x3  }
0x96: {  	_ =	strace s3  }
0x97: {  	_ =	strace $0x8FFFFFFF  }
0x98: {  	s19 =	sld [smem:$0x3FDB];
	_ =	sdelay $0x1  }
0x99: {  	s4 =	simm.s32 $_scs_section_size  }
0x9a: {  	s5 =	simm.s32 $_size__tile_overlayer_lowered;
	s6 =	simm.s32 $_tile_overlayer_lowered  }
0x9b: {  	s22 =	simm.s32 $0x1BFF;
	s21 =	sshll.u32 s6, $0x1;
	s3 =	sadd.s32 s4, s19  }
0x9c: {  	s7 =	simm.s32 $0x0;
	s20 =	sshll.u32 s5, $0x1;
	s5 =	sadd.s32 s21, s3  }
0x9d: {  	[timem:s7], [sflag:s22] =	dma.local [hbm:s5], s20  }
0x9e: {  	_ =	swait.ge [sflag:s22], s20  }
0x9f: {  	s4 =	ssub.s32 $0x0, s20;
	[sflag:s22] =	ssyncset.done $0x0  }
0xa0: {  	[sflag:s22] =	ssyncadd.s32 s4;
	_ =	sdelay $0x1  }
0xa1: {  	s23 =	simm.s32 $0x1B8B  }
0xa2: {  	_ =	swait.ge [sflag:s23], $0x1  }
0xa3: {  	[sflag:s23] =	ssyncset.done $0x0  }
0xa4: {  	s25 =	simm.s32 $0x1B8E;
	s24 =	sld [smem:$0x3FFE];
	[sflag:s23] =	ssyncadd.s32 $0xFFFFFFFF  }
0xa5: {  	s26 =	simm.s32 $execute0_lowered;
	[smem:$0x3FD2] =	sst s25  }
0xa6: {  	s5 =	sshll.u32 s26, $0x1;
	_ =	strace $0x80000049;
	[dreg:$0x1] =	wrdreg $0xFFFFFFFF  }
0xa7: {  	s28 =	simm.s32 $_size_execute0_lowered;
	s3 =	sadd.s32 s3, s5;
	[dreg:$0x0] =	wrdreg $0x0  }
0xa8: {  	s5 =	sshll.u32 s28, $0x1;
	[dreg:$0x2] =	wrdreg s3  }
0xa9: {  	[dreg:$0x3] =	wrdreg s5  }
0xaa: {  	[dreg:$0x4] =	wrdreg $0xC0  }
0xab: {  	_ =	task [dreg:s7], $0x5FFFF  }
0xac: {  	[dreg:$0x1] =	wrdreg $0xFFFFFFFF  }
0xad: {  	[dreg:$0x0] =	wrdreg $0x60  }
0xae: {  	[dreg:$0x2] =	wrdreg s24  }
0xaf: {  	[dreg:$0x3] =	wrdreg s2  }
0xb0: {  	[dreg:$0x4] =	wrdreg $0xA8000  }
0xb1: {  	[dreg:$0x5] =	wrdreg $0x9  }
0xb2: {  	_ =	task.clear_ibuf [dreg:s7], $0x6FFFF;
	_ =	strace $0x90000049  }
0xb3: {  	s29 =	simm.s32 $0x9;
	_ =	strace $0x8000004B  }
0xb4: {  	_ =	swait.ge [sflag:s29], $0x1  }
0xb5: {  	[sflag:s29] =	ssyncadd.s32 $0xFFFFFFFF  }
0xb6: {  	_ =	strace $0x9000004B  }
0xb7: {  	_ =	sfence  }
0xb8: {  	s30 =	sld [smem:$0x0];
	_ =	sdelay $0x2  }
0xb9: {  	s31 =	sshll.u32 s1, $0xD;
	s1 =	sshrl.u32 s1, $0x2  }
0xba: {  	s3 =	sand.u32 $0x4000, s31;
	s1 =	sadd.s32 s1, s30  }
0xbb: {  	s0 =	sor.u32 s3, s0;
	s1 =	sshll.u32 s1, $0x11  }
0xbc: {  	s0 =	sor.u32 s1, s0  }
0xbd: {  	s0 =	sadd.s32 $0x8F2B, s0  }
0xbe: {  	[sflag:s0] =	ssyncadd.remote.s32 $0x1  }
0xbf: {  	_ =	sfence.sel $0xFFFF  }
0xc0: {  	[dreg:$0x0] =	wrdreg $0xFFFFFFFF;
	(pc) =	sbr.abs _section_cstart, $3  }
0xc1: {  	[dreg:$0x1] =	wrdreg $0xFFFFFFFF  }
0xc2: {  	_ =	task.clear_ibuf [dreg:s7], $0x2FFFF;
	_ =	strace $0x9FFFFFFF  }
0xc3: {  	(tm) =	ssettm $0x7FFFFFFF  }
tec
execute0_lowered:
.L_overlay_start_1:
0x0: {  	(tag) =	ssettag $0x1  }
0x1: {  	s0 =	rddreg [dreg:$0x0]  }
0x2: {  	s2 =	rddreg [dreg:$0x1]  }
0x3: {  	s1 =	srdreg.scid;
	s9 =	stileid.u32  }
0x4: {  	s3 =	rddreg [dreg:$0x2];
	s4 =	simm.s32 $0x0;
	s19 =	simm.s32 $0x1400  }
0x5: {  	s20 =	simm.s32 $0x2800;
	s21 =	simm.s32 $0x80;
	s22 =	simm.s32 $0x6800  }
0x6: {  	s23 =	simm.s32 $0x1;
	s28 =	simm.s32 $0x2680;
	s29 =	simm.s32 $0x1380  }
0x7: {  	s30 =	simm.s32 $0x2700;
	s1 =	sand.u32 $0x1, s1;
	s8 =	smul.u32 $0x50000, s9  }
0x8: {  	s5 =	sshll.u32 s9, $0x1;
	[smem:$0x7FF] =	sst s4;
	s11 =	smul.u32 $0x14000, s9  }
0x9: {  	s5 =	sor.u32 s1, s5;
	s6 =	ssub.s32 $0x2, s1;
	s1 =	smul.u32 $0x140000, s1  }
0xa: {  	s31 =	simm.s32 $0x2780;
	_ =	strace $0x8000004A;
	s5 =	smul.u32 $0x280, s5  }
0xb: {  	s24 =	sshrl.u32 s6, $0x1;
	s25 =	sshrl.u32 s8, $0x2;
	s12 =	sadd.s32 $0x4000, s11  }
0xc: {  	s14 =	sadd.s32 $0x8000, s11;
	s15 =	sadd.s32 $0xC000, s11;
	s16 =	sadd.s32 $0x10000, s11  }
0xd: {  	s17 =	ssub.s32 s6, s24;
	s8 =	sadd.s32 s12, s3;
	s9 =	sadd.s32 s14, s3  }
0xe: {  	s10 =	sadd.s32 s15, s3;
	s13 =	sadd.s32 s11, s1;
	s18 =	sadd.s32 s1, s12  }
0xf: {  	s11 =	sadd.s32 s16, s3;
	s14 =	sadd.s32 s1, s14;
	s15 =	sadd.s32 s1, s15  }
0x10: {  	s1 =	sadd.s32 s1, s16;
	s7 =	sadd.s32 s5, s0;
	s0 =	sadd.s32 $0x5BA00, s0  }
0x11: {  	s13 =	sshrl.u32 s13, $0x3;
	s26 =	sshrl.u32 s18, $0x3;
	s14 =	sshrl.u32 s14, $0x3  }
0x12: {  	s15 =	sshrl.u32 s15, $0x3;
	s1 =	sshrl.u32 s1, $0x3;
	s17 =	smax.u32 s17, $0x1  }
0x13: {  	s18 =	simm.s32 $0x3;
	s5 =	sadd.s32 $0x56A00, s7;
	s6 =	sadd.s32 $0x1A00, s7  }
0x14: {  	s7 =	sadd.s32 s25, s3;
	s12 =	sadd.s32 s0, s13;
	s13 =	sadd.s32 s0, s26  }
0x15: {  	s14 =	sadd.s32 s0, s14;
	s15 =	sadd.s32 s0, s15;
	s16 =	sadd.s32 s0, s1  }
0x16: {  	v0 =	vimm.f32 $0.0e+00;
	s25 =	simm.s32 $0x2;
	s26 =	simm.s32 $0x1300;
	s0 =	simm.s32 $0x0  }
.LBB2_1:
0x17: {  	[tilespmem:s4], [sflag:$0x3] =	stream.linear.gather [hbm4b:s5+s4], $0x1400, $0x38;
	[tilespmem:$0x1E800] =	vst v63  }
0x18: {  	_ =	swait.ge [sflag:s18], $0x1400  }
0x19: {  	[sflag:s18] =	ssyncset.done $0x0  }
0x1a: {  	[sflag:s18] =	ssyncadd.s32 $0xFFFFEC00  }
0x1b: {  	[tilespmem:s19], [sflag:$0x3] =	stream.linear.gather [hbm4b:s6+s4], $0x1400, $0x38;
	[tilespmem:$0x1E800] =	vst v63  }
0x1c: {  	_ =	swait.ge [sflag:s18], $0x1400  }
0x1d: {  	[sflag:s18] =	ssyncset.done $0x0  }
0x1e: {  	s1 =	simm.s32 $0x0;
	s24 =	simm.s32 $0x200;
	[sflag:s18] =	ssyncadd.s32 $0xFFFFEC00  }
.LBB2_2:
0x1f: {  	p0 =	sne.s32 s24, $0xFE00;
	[tilespmem:s1+$0x2870] =	vst v0  }
0x20: {  	[tilespmem:s1+$0x2800] =	vst v0  }
0x21: {  	[tilespmem:s1+$0x2810] =	vst v0  }
.Ltmp0:
0x22: {  	[tilespmem:s1+$0x2820] =	vst v0;
	(pc) =	sbr.rel @p0 .LBB2_2-.Ltmp0, $4  }
0x23: {  	[tilespmem:s1+$0x2830] =	vst v0  }
0x24: {  	[tilespmem:s1+$0x2840] =	vst v0  }
0x25: {  	[tilespmem:s1+$0x2850] =	vst v0  }
0x26: {  	[tilespmem:s1+$0x2860] =	vst v0;
	s1 =	sshra.s32 s24, $0x2;
	s24 =	sadd.s32 $0x200, s24  }
0x27: {  	[tilespmem:s1+$0x2870] =	vst v0  }
0x28: {  	[tilespmem:s1+$0x2800] =	vst v0  }
0x29: {  	[tilespmem:s1+$0x2810] =	vst v0  }
0x2a: {  	[tilespmem:s1+$0x2820] =	vst v0  }
0x2b: {  	[tilespmem:s1+$0x2830] =	vst v0  }
0x2c: {  	[tilespmem:s1+$0x2840] =	vst v0  }
0x2d: {  	[tilespmem:s1+$0x2850] =	vst v0  }
0x2e: {  	[tilespmem:s1+$0x2860] =	vst v0  }
0x2f: {  	[spmem:s7] =	stream.linear.scatter [tilespmem:s20], [sflag:$0x3], $0x4000, $0x38;
	[tilespmem:$0x1E800] =	vst v63  }
0x30: {  	_ =	swait.ge [sflag:s18], $0x4000  }
0x31: {  	[sflag:s18] =	ssyncset.done $0x0  }
0x32: {  	[sflag:s18] =	ssyncadd.s32 $0xFFFFC000  }
0x33: {  	[spmem:s8] =	stream.linear.scatter [tilespmem:s20], [sflag:$0x3], $0x4000, $0x38;
	[tilespmem:$0x1E800] =	vst v63  }
0x34: {  	_ =	swait.ge [sflag:s18], $0x4000  }
0x35: {  	[sflag:s18] =	ssyncset.done $0x0  }
0x36: {  	[sflag:s18] =	ssyncadd.s32 $0xFFFFC000  }
0x37: {  	[spmem:s9] =	stream.linear.scatter [tilespmem:s20], [sflag:$0x3], $0x4000, $0x38;
	[tilespmem:$0x1E800] =	vst v63  }
0x38: {  	_ =	swait.ge [sflag:s18], $0x4000  }
0x39: {  	[sflag:s18] =	ssyncset.done $0x0  }
0x3a: {  	[sflag:s18] =	ssyncadd.s32 $0xFFFFC000  }
0x3b: {  	[spmem:s10] =	stream.linear.scatter [tilespmem:s20], [sflag:$0x3], $0x4000, $0x38;
	[tilespmem:$0x1E800] =	vst v63  }
0x3c: {  	_ =	swait.ge [sflag:s18], $0x4000  }
0x3d: {  	[sflag:s18] =	ssyncset.done $0x0  }
0x3e: {  	[sflag:s18] =	ssyncadd.s32 $0xFFFFC000  }
0x3f: {  	[spmem:s11] =	stream.linear.scatter [tilespmem:s20], [sflag:$0x3], $0x4000, $0x38;
	[tilespmem:$0x1E800] =	vst v63  }
0x40: {  	_ =	swait.ge [sflag:s18], $0x4000  }
0x41: {  	[sflag:s18] =	ssyncset.done $0x0  }
0x42: {  	[sflag:s18] =	ssyncadd.s32 $0xFFFFC000  }
0x43: {  	[bflag:$0x0] =	sbarrier.arrive $0xFFFF  }
0x44: {  	[tilespmem:s20], [sflag:$0x1] =	stream.indirect.gather [hbm4b:s2+s21], $0x80, s4, s21, $0xb8;
	[tilespmem:$0x1E800] =	vst v63  }
0x45: {  	_ = 	snop  }
0x46: {  	[tilespmem:s22], [sflag:$0x2] =	stream.indirect.gather [hbm4b:s2+s21], $0x80, s21, s21, $0xb8;
	[tilespmem:$0x1E800] =	vst v63  }
0x47: {  	_ =	swait.ge [sflag:s23], $0x4000  }
0x48: {  	[sflag:s23] =	ssyncset.done $0x0  }
0x49: {  	[sflag:s23] =	ssyncadd.s32 $0xFFFFC000  }
0x4a: {  	[spmem:s3] =	stream.indirect.scatter.add.f32 [tilespmem:s20], [sflag:$0x3], $0x80, s19, s21, $0xb8;
	[tilespmem:$0x1E800] =	vst v63  }
0x4b: {  	_ =	swait.ge [sflag:s18], $0x4000  }
0x4c: {  	[sflag:s18] =	ssyncset.done $0x0  }
0x4d: {  	s24 =	simm.s32 $0x100;
	[sflag:s18] =	ssyncadd.s32 $0xFFFFC000  }
0x4e: {  	[tilespmem:s20], [sflag:$0x1] =	stream.indirect.gather [hbm4b:s2+s21], $0x80, s24, s21, $0xb8;
	[tilespmem:$0x1E800] =	vst v63  }
0x4f: {  	_ =	swait.ge [sflag:s25], $0x4000  }
0x50: {  	[sflag:s25] =	ssyncset.done $0x0  }
0x51: {  	s24 =	simm.s32 $0x1480;
	[sflag:s25] =	ssyncadd.s32 $0xFFFFC000  }
0x52: {  	[spmem:s3] =	stream.indirect.scatter.add.f32 [tilespmem:s22], [sflag:$0x3], $0x80, s24, s21, $0xb8;
	[tilespmem:$0x1E800] =	vst v63  }
0x53: {  	_ =	swait.ge [sflag:s18], $0x4000  }
0x54: {  	[sflag:s18] =	ssyncset.done $0x0  }
0x55: {  	s24 =	simm.s32 $0x180;
	[sflag:s18] =	ssyncadd.s32 $0xFFFFC000  }
0x56: {  	[tilespmem:s22], [sflag:$0x2] =	stream.indirect.gather [hbm4b:s2+s21], $0x80, s24, s21, $0xb8;
	[tilespmem:$0x1E800] =	vst v63  }
0x57: {  	_ =	swait.ge [sflag:s23], $0x4000  }
0x58: {  	[sflag:s23] =	ssyncset.done $0x0  }
0x59: {  	s24 =	simm.s32 $0x1500;
	[sflag:s23] =	ssyncadd.s32 $0xFFFFC000  }
0x5a: {  	[spmem:s3] =	stream.indirect.scatter.add.f32 [tilespmem:s20], [sflag:$0x3], $0x80, s24, s21, $0xb8;
	[tilespmem:$0x1E800] =	vst v63  }
0x5b: {  	_ =	swait.ge [sflag:s18], $0x4000  }
0x5c: {  	[sflag:s18] =	ssyncset.done $0x0  }
0x5d: {  	s24 =	simm.s32 $0x200;
	[sflag:s18] =	ssyncadd.s32 $0xFFFFC000  }
0x5e: {  	[tilespmem:s20], [sflag:$0x1] =	stream.indirect.gather [hbm4b:s2+s21], $0x80, s24, s21, $0xb8;
	[tilespmem:$0x1E800] =	vst v63  }
0x5f: {  	_ =	swait.ge [sflag:s25], $0x4000  }
0x60: {  	[sflag:s25] =	ssyncset.done $0x0  }
0x61: {  	s24 =	simm.s32 $0x1580;
	[sflag:s25] =	ssyncadd.s32 $0xFFFFC000  }
0x62: {  	[spmem:s3] =	stream.indirect.scatter.add.f32 [tilespmem:s22], [sflag:$0x3], $0x80, s24, s21, $0xb8;
	[tilespmem:$0x1E800] =	vst v63  }
0x63: {  	_ =	swait.ge [sflag:s18], $0x4000  }
0x64: {  	[sflag:s18] =	ssyncset.done $0x0  }
0x65: {  	s24 =	simm.s32 $0x280;
	[sflag:s18] =	ssyncadd.s32 $0xFFFFC000  }
0x66: {  	[tilespmem:s22], [sflag:$0x2] =	stream.indirect.gather [hbm4b:s2+s21], $0x80, s24, s21, $0xb8;
	[tilespmem:$0x1E800] =	vst v63  }
0x67: {  	_ =	swait.ge [sflag:s23], $0x4000  }
0x68: {  	[sflag:s23] =	ssyncset.done $0x0  }
0x69: {  	s24 =	simm.s32 $0x1600;
	[sflag:s23] =	ssyncadd.s32 $0xFFFFC000  }
0x6a: {  	[spmem:s3] =	stream.indirect.scatter.add.f32 [tilespmem:s20], [sflag:$0x3], $0x80, s24, s21, $0xb8;
	[tilespmem:$0x1E800] =	vst v63  }
0x6b: {  	_ =	swait.ge [sflag:s18], $0x4000  }
0x6c: {  	[sflag:s18] =	ssyncset.done $0x0  }
0x6d: {  	s24 =	simm.s32 $0x300;
	[sflag:s18] =	ssyncadd.s32 $0xFFFFC000  }
0x6e: {  	[tilespmem:s20], [sflag:$0x1] =	stream.indirect.gather [hbm4b:s2+s21], $0x80, s24, s21, $0xb8;
	[tilespmem:$0x1E800] =	vst v63  }
0x6f: {  	_ =	swait.ge [sflag:s25], $0x4000  }
0x70: {  	[sflag:s25] =	ssyncset.done $0x0  }
0x71: {  	s24 =	simm.s32 $0x1680;
	[sflag:s25] =	ssyncadd.s32 $0xFFFFC000  }
0x72: {  	[spmem:s3] =	stream.indirect.scatter.add.f32 [tilespmem:s22], [sflag:$0x3], $0x80, s24, s21, $0xb8;
	[tilespmem:$0x1E800] =	vst v63  }
0x73: {  	_ =	swait.ge [sflag:s18], $0x4000  }
0x74: {  	[sflag:s18] =	ssyncset.done $0x0  }
0x75: {  	s24 =	simm.s32 $0x380;
	[sflag:s18] =	ssyncadd.s32 $0xFFFFC000  }
0x76: {  	[tilespmem:s22], [sflag:$0x2] =	stream.indirect.gather [hbm4b:s2+s21], $0x80, s24, s21, $0xb8;
	[tilespmem:$0x1E800] =	vst v63  }
0x77: {  	_ =	swait.ge [sflag:s23], $0x4000  }
0x78: {  	[sflag:s23] =	ssyncset.done $0x0  }
0x79: {  	s24 =	simm.s32 $0x1700;
	[sflag:s23] =	ssyncadd.s32 $0xFFFFC000  }
0x7a: {  	[spmem:s3] =	stream.indirect.scatter.add.f32 [tilespmem:s20], [sflag:$0x3], $0x80, s24, s21, $0xb8;
	[tilespmem:$0x1E800] =	vst v63  }
0x7b: {  	_ =	swait.ge [sflag:s18], $0x4000  }
0x7c: {  	[sflag:s18] =	ssyncset.done $0x0  }
0x7d: {  	s24 =	simm.s32 $0x400;
	[sflag:s18] =	ssyncadd.s32 $0xFFFFC000  }
0x7e: {  	[tilespmem:s20], [sflag:$0x1] =	stream.indirect.gather [hbm4b:s2+s21], $0x80, s24, s21, $0xb8;
	[tilespmem:$0x1E800] =	vst v63  }
0x7f: {  	_ =	swait.ge [sflag:s25], $0x4000  }
0x80: {  	[sflag:s25] =	ssyncset.done $0x0  }
0x81: {  	s24 =	simm.s32 $0x1780;
	[sflag:s25] =	ssyncadd.s32 $0xFFFFC000  }
0x82: {  	[spmem:s3] =	stream.indirect.scatter.add.f32 [tilespmem:s22], [sflag:$0x3], $0x80, s24, s21, $0xb8;
	[tilespmem:$0x1E800] =	vst v63  }
0x83: {  	_ =	swait.ge [sflag:s18], $0x4000  }
0x84: {  	[sflag:s18] =	ssyncset.done $0x0  }
0x85: {  	s24 =	simm.s32 $0x480;
	[sflag:s18] =	ssyncadd.s32 $0xFFFFC000  }
0x86: {  	[tilespmem:s22], [sflag:$0x2] =	stream.indirect.gather [hbm4b:s2+s21], $0x80, s24, s21, $0xb8;
	[tilespmem:$0x1E800] =	vst v63  }
0x87: {  	_ =	swait.ge [sflag:s23], $0x4000  }
0x88: {  	[sflag:s23] =	ssyncset.done $0x0  }
0x89: {  	s24 =	simm.s32 $0x1800;
	[sflag:s23] =	ssyncadd.s32 $0xFFFFC000  }
0x8a: {  	[spmem:s3] =	stream.indirect.scatter.add.f32 [tilespmem:s20], [sflag:$0x3], $0x80, s24, s21, $0xb8;
	[tilespmem:$0x1E800] =	vst v63  }
0x8b: {  	_ =	swait.ge [sflag:s18], $0x4000  }
0x8c: {  	[sflag:s18] =	ssyncset.done $0x0  }
0x8d: {  	s24 =	simm.s32 $0x500;
	[sflag:s18] =	ssyncadd.s32 $0xFFFFC000  }
0x8e: {  	[tilespmem:s20], [sflag:$0x1] =	stream.indirect.gather [hbm4b:s2+s21], $0x80, s24, s21, $0xb8;
	[tilespmem:$0x1E800] =	vst v63  }
0x8f: {  	_ =	swait.ge [sflag:s25], $0x4000  }
0x90: {  	[sflag:s25] =	ssyncset.done $0x0  }
0x91: {  	s24 =	simm.s32 $0x1880;
	[sflag:s25] =	ssyncadd.s32 $0xFFFFC000  }
0x92: {  	[spmem:s3] =	stream.indirect.scatter.add.f32 [tilespmem:s22], [sflag:$0x3], $0x80, s24, s21, $0xb8;
	[tilespmem:$0x1E800] =	vst v63  }
0x93: {  	_ =	swait.ge [sflag:s18], $0x4000  }
0x94: {  	[sflag:s18] =	ssyncset.done $0x0  }
0x95: {  	s24 =	simm.s32 $0x580;
	[sflag:s18] =	ssyncadd.s32 $0xFFFFC000  }
0x96: {  	[tilespmem:s22], [sflag:$0x2] =	stream.indirect.gather [hbm4b:s2+s21], $0x80, s24, s21, $0xb8;
	[tilespmem:$0x1E800] =	vst v63  }
0x97: {  	_ =	swait.ge [sflag:s23], $0x4000  }
0x98: {  	[sflag:s23] =	ssyncset.done $0x0  }
0x99: {  	s24 =	simm.s32 $0x1900;
	[sflag:s23] =	ssyncadd.s32 $0xFFFFC000  }
0x9a: {  	[spmem:s3] =	stream.indirect.scatter.add.f32 [tilespmem:s20], [sflag:$0x3], $0x80, s24, s21, $0xb8;
	[tilespmem:$0x1E800] =	vst v63  }
0x9b: {  	_ =	swait.ge [sflag:s18], $0x4000  }
0x9c: {  	[sflag:s18] =	ssyncset.done $0x0  }
0x9d: {  	s24 =	simm.s32 $0x600;
	[sflag:s18] =	ssyncadd.s32 $0xFFFFC000  }
0x9e: {  	[tilespmem:s20], [sflag:$0x1] =	stream.indirect.gather [hbm4b:s2+s21], $0x80, s24, s21, $0xb8;
	[tilespmem:$0x1E800] =	vst v63  }
0x9f: {  	_ =	swait.ge [sflag:s25], $0x4000  }
0xa0: {  	[sflag:s25] =	ssyncset.done $0x0  }
0xa1: {  	s24 =	simm.s32 $0x1980;
	[sflag:s25] =	ssyncadd.s32 $0xFFFFC000  }
0xa2: {  	[spmem:s3] =	stream.indirect.scatter.add.f32 [tilespmem:s22], [sflag:$0x3], $0x80, s24, s21, $0xb8;
	[tilespmem:$0x1E800] =	vst v63  }
0xa3: {  	_ =	swait.ge [sflag:s18], $0x4000  }
0xa4: {  	[sflag:s18] =	ssyncset.done $0x0  }
0xa5: {  	s24 =	simm.s32 $0x680;
	[sflag:s18] =	ssyncadd.s32 $0xFFFFC000  }
0xa6: {  	[tilespmem:s22], [sflag:$0x2] =	stream.indirect.gather [hbm4b:s2+s21], $0x80, s24, s21, $0xb8;
	[tilespmem:$0x1E800] =	vst v63  }
0xa7: {  	_ =	swait.ge [sflag:s23], $0x4000  }
0xa8: {  	[sflag:s23] =	ssyncset.done $0x0  }
0xa9: {  	s24 =	simm.s32 $0x1A00;
	[sflag:s23] =	ssyncadd.s32 $0xFFFFC000  }
0xaa: {  	[spmem:s3] =	stream.indirect.scatter.add.f32 [tilespmem:s20], [sflag:$0x3], $0x80, s24, s21, $0xb8;
	[tilespmem:$0x1E800] =	vst v63  }
0xab: {  	_ =	swait.ge [sflag:s18], $0x4000  }
0xac: {  	[sflag:s18] =	ssyncset.done $0x0  }
0xad: {  	s24 =	simm.s32 $0x700;
	[sflag:s18] =	ssyncadd.s32 $0xFFFFC000  }
0xae: {  	[tilespmem:s20], [sflag:$0x1] =	stream.indirect.gather [hbm4b:s2+s21], $0x80, s24, s21, $0xb8;
	[tilespmem:$0x1E800] =	vst v63  }
0xaf: {  	_ =	swait.ge [sflag:s25], $0x4000  }
0xb0: {  	[sflag:s25] =	ssyncset.done $0x0  }
0xb1: {  	s24 =	simm.s32 $0x1A80;
	[sflag:s25] =	ssyncadd.s32 $0xFFFFC000  }
0xb2: {  	[spmem:s3] =	stream.indirect.scatter.add.f32 [tilespmem:s22], [sflag:$0x3], $0x80, s24, s21, $0xb8;
	[tilespmem:$0x1E800] =	vst v63  }
0xb3: {  	_ =	swait.ge [sflag:s18], $0x4000  }
0xb4: {  	[sflag:s18] =	ssyncset.done $0x0  }
0xb5: {  	s24 =	simm.s32 $0x780;
	[sflag:s18] =	ssyncadd.s32 $0xFFFFC000  }
0xb6: {  	[tilespmem:s22], [sflag:$0x2] =	stream.indirect.gather [hbm4b:s2+s21], $0x80, s24, s21, $0xb8;
	[tilespmem:$0x1E800] =	vst v63  }
0xb7: {  	_ =	swait.ge [sflag:s23], $0x4000  }
0xb8: {  	[sflag:s23] =	ssyncset.done $0x0  }
0xb9: {  	s24 =	simm.s32 $0x1B00;
	[sflag:s23] =	ssyncadd.s32 $0xFFFFC000  }
0xba: {  	[spmem:s3] =	stream.indirect.scatter.add.f32 [tilespmem:s20], [sflag:$0x3], $0x80, s24, s21, $0xb8;
	[tilespmem:$0x1E800] =	vst v63  }
0xbb: {  	_ =	swait.ge [sflag:s18], $0x4000  }
0xbc: {  	[sflag:s18] =	ssyncset.done $0x0  }
0xbd: {  	s24 =	simm.s32 $0x800;
	[sflag:s18] =	ssyncadd.s32 $0xFFFFC000  }
0xbe: {  	[tilespmem:s20], [sflag:$0x1] =	stream.indirect.gather [hbm4b:s2+s21], $0x80, s24, s21, $0xb8;
	[tilespmem:$0x1E800] =	vst v63  }
0xbf: {  	_ =	swait.ge [sflag:s25], $0x4000  }
0xc0: {  	[sflag:s25] =	ssyncset.done $0x0  }
0xc1: {  	s24 =	simm.s32 $0x1B80;
	[sflag:s25] =	ssyncadd.s32 $0xFFFFC000  }
0xc2: {  	[spmem:s3] =	stream.indirect.scatter.add.f32 [tilespmem:s22], [sflag:$0x3], $0x80, s24, s21, $0xb8;
	[tilespmem:$0x1E800] =	vst v63  }
0xc3: {  	_ =	swait.ge [sflag:s18], $0x4000  }
0xc4: {  	[sflag:s18] =	ssyncset.done $0x0  }
0xc5: {  	s24 =	simm.s32 $0x880;
	[sflag:s18] =	ssyncadd.s32 $0xFFFFC000  }
0xc6: {  	[tilespmem:s22], [sflag:$0x2] =	stream.indirect.gather [hbm4b:s2+s21], $0x80, s24, s21, $0xb8;
	[tilespmem:$0x1E800] =	vst v63  }
0xc7: {  	_ =	swait.ge [sflag:s23], $0x4000  }
0xc8: {  	[sflag:s23] =	ssyncset.done $0x0  }
0xc9: {  	s24 =	simm.s32 $0x1C00;
	[sflag:s23] =	ssyncadd.s32 $0xFFFFC000  }
0xca: {  	[spmem:s3] =	stream.indirect.scatter.add.f32 [tilespmem:s20], [sflag:$0x3], $0x80, s24, s21, $0xb8;
	[tilespmem:$0x1E800] =	vst v63  }
0xcb: {  	_ =	swait.ge [sflag:s18], $0x4000  }
0xcc: {  	[sflag:s18] =	ssyncset.done $0x0  }
0xcd: {  	s24 =	simm.s32 $0x900;
	[sflag:s18] =	ssyncadd.s32 $0xFFFFC000  }
0xce: {  	[tilespmem:s20], [sflag:$0x1] =	stream.indirect.gather [hbm4b:s2+s21], $0x80, s24, s21, $0xb8;
	[tilespmem:$0x1E800] =	vst v63  }
0xcf: {  	_ =	swait.ge [sflag:s25], $0x4000  }
0xd0: {  	[sflag:s25] =	ssyncset.done $0x0  }
0xd1: {  	s24 =	simm.s32 $0x1C80;
	[sflag:s25] =	ssyncadd.s32 $0xFFFFC000  }
0xd2: {  	[spmem:s3] =	stream.indirect.scatter.add.f32 [tilespmem:s22], [sflag:$0x3], $0x80, s24, s21, $0xb8;
	[tilespmem:$0x1E800] =	vst v63  }
0xd3: {  	_ =	swait.ge [sflag:s18], $0x4000  }
0xd4: {  	[sflag:s18] =	ssyncset.done $0x0  }
0xd5: {  	s24 =	simm.s32 $0x980;
	[sflag:s18] =	ssyncadd.s32 $0xFFFFC000  }
0xd6: {  	[tilespmem:s22], [sflag:$0x2] =	stream.indirect.gather [hbm4b:s2+s21], $0x80, s24, s21, $0xb8;
	[tilespmem:$0x1E800] =	vst v63  }
0xd7: {  	_ =	swait.ge [sflag:s23], $0x4000  }
0xd8: {  	[sflag:s23] =	ssyncset.done $0x0  }
0xd9: {  	s24 =	simm.s32 $0x1D00;
	[sflag:s23] =	ssyncadd.s32 $0xFFFFC000  }
0xda: {  	[spmem:s3] =	stream.indirect.scatter.add.f32 [tilespmem:s20], [sflag:$0x3], $0x80, s24, s21, $0xb8;
	[tilespmem:$0x1E800] =	vst v63  }
0xdb: {  	_ =	swait.ge [sflag:s18], $0x4000  }
0xdc: {  	[sflag:s18] =	ssyncset.done $0x0  }
0xdd: {  	s24 =	simm.s32 $0xA00;
	[sflag:s18] =	ssyncadd.s32 $0xFFFFC000  }
0xde: {  	[tilespmem:s20], [sflag:$0x1] =	stream.indirect.gather [hbm4b:s2+s21], $0x80, s24, s21, $0xb8;
	[tilespmem:$0x1E800] =	vst v63  }
0xdf: {  	_ =	swait.ge [sflag:s25], $0x4000  }
0xe0: {  	[sflag:s25] =	ssyncset.done $0x0  }
0xe1: {  	s24 =	simm.s32 $0x1D80;
	[sflag:s25] =	ssyncadd.s32 $0xFFFFC000  }
0xe2: {  	[spmem:s3] =	stream.indirect.scatter.add.f32 [tilespmem:s22], [sflag:$0x3], $0x80, s24, s21, $0xb8;
	[tilespmem:$0x1E800] =	vst v63  }
0xe3: {  	_ =	swait.ge [sflag:s18], $0x4000  }
0xe4: {  	[sflag:s18] =	ssyncset.done $0x0  }
0xe5: {  	s24 =	simm.s32 $0xA80;
	[sflag:s18] =	ssyncadd.s32 $0xFFFFC000  }
0xe6: {  	[tilespmem:s22], [sflag:$0x2] =	stream.indirect.gather [hbm4b:s2+s21], $0x80, s24, s21, $0xb8;
	[tilespmem:$0x1E800] =	vst v63  }
0xe7: {  	_ =	swait.ge [sflag:s23], $0x4000  }
0xe8: {  	[sflag:s23] =	ssyncset.done $0x0  }
0xe9: {  	s24 =	simm.s32 $0x1E00;
	[sflag:s23] =	ssyncadd.s32 $0xFFFFC000  }
0xea: {  	[spmem:s3] =	stream.indirect.scatter.add.f32 [tilespmem:s20], [sflag:$0x3], $0x80, s24, s21, $0xb8;
	[tilespmem:$0x1E800] =	vst v63  }
0xeb: {  	_ =	swait.ge [sflag:s18], $0x4000  }
0xec: {  	[sflag:s18] =	ssyncset.done $0x0  }
0xed: {  	s24 =	simm.s32 $0xB00;
	[sflag:s18] =	ssyncadd.s32 $0xFFFFC000  }
0xee: {  	[tilespmem:s20], [sflag:$0x1] =	stream.indirect.gather [hbm4b:s2+s21], $0x80, s24, s21, $0xb8;
	[tilespmem:$0x1E800] =	vst v63  }
0xef: {  	_ =	swait.ge [sflag:s25], $0x4000  }
0xf0: {  	[sflag:s25] =	ssyncset.done $0x0  }
0xf1: {  	s24 =	simm.s32 $0x1E80;
	[sflag:s25] =	ssyncadd.s32 $0xFFFFC000  }
0xf2: {  	[spmem:s3] =	stream.indirect.scatter.add.f32 [tilespmem:s22], [sflag:$0x3], $0x80, s24, s21, $0xb8;
	[tilespmem:$0x1E800] =	vst v63  }
0xf3: {  	_ =	swait.ge [sflag:s18], $0x4000  }
0xf4: {  	[sflag:s18] =	ssyncset.done $0x0  }
0xf5: {  	s24 =	simm.s32 $0xB80;
	[sflag:s18] =	ssyncadd.s32 $0xFFFFC000  }
0xf6: {  	[tilespmem:s22], [sflag:$0x2] =	stream.indirect.gather [hbm4b:s2+s21], $0x80, s24, s21, $0xb8;
	[tilespmem:$0x1E800] =	vst v63  }
0xf7: {  	_ =	swait.ge [sflag:s23], $0x4000  }
0xf8: {  	[sflag:s23] =	ssyncset.done $0x0  }
0xf9: {  	s24 =	simm.s32 $0x1F00;
	[sflag:s23] =	ssyncadd.s32 $0xFFFFC000  }
0xfa: {  	[spmem:s3] =	stream.indirect.scatter.add.f32 [tilespmem:s20], [sflag:$0x3], $0x80, s24, s21, $0xb8;
	[tilespmem:$0x1E800] =	vst v63  }
0xfb: {  	_ =	swait.ge [sflag:s18], $0x4000  }
0xfc: {  	[sflag:s18] =	ssyncset.done $0x0  }
0xfd: {  	s24 =	simm.s32 $0xC00;
	[sflag:s18] =	ssyncadd.s32 $0xFFFFC000  }
0xfe: {  	[tilespmem:s20], [sflag:$0x1] =	stream.indirect.gather [hbm4b:s2+s21], $0x80, s24, s21, $0xb8;
	[tilespmem:$0x1E800] =	vst v63  }
0xff: {  	_ =	swait.ge [sflag:s25], $0x4000  }
0x100: {  	[sflag:s25] =	ssyncset.done $0x0  }
0x101: {  	s24 =	simm.s32 $0x1F80;
	[sflag:s25] =	ssyncadd.s32 $0xFFFFC000  }
0x102: {  	[spmem:s3] =	stream.indirect.scatter.add.f32 [tilespmem:s22], [sflag:$0x3], $0x80, s24, s21, $0xb8;
	[tilespmem:$0x1E800] =	vst v63  }
0x103: {  	_ =	swait.ge [sflag:s18], $0x4000  }
0x104: {  	[sflag:s18] =	ssyncset.done $0x0  }
0x105: {  	s24 =	simm.s32 $0xC80;
	[sflag:s18] =	ssyncadd.s32 $0xFFFFC000  }
0x106: {  	[tilespmem:s22], [sflag:$0x2] =	stream.indirect.gather [hbm4b:s2+s21], $0x80, s24, s21, $0xb8;
	[tilespmem:$0x1E800] =	vst v63  }
0x107: {  	_ =	swait.ge [sflag:s23], $0x4000  }
0x108: {  	[sflag:s23] =	ssyncset.done $0x0  }
0x109: {  	s24 =	simm.s32 $0x2000;
	[sflag:s23] =	ssyncadd.s32 $0xFFFFC000  }
0x10a: {  	[spmem:s3] =	stream.indirect.scatter.add.f32 [tilespmem:s20], [sflag:$0x3], $0x80, s24, s21, $0xb8;
	[tilespmem:$0x1E800] =	vst v63  }
0x10b: {  	_ =	swait.ge [sflag:s18], $0x4000  }
0x10c: {  	[sflag:s18] =	ssyncset.done $0x0  }
0x10d: {  	s24 =	simm.s32 $0xD00;
	[sflag:s18] =	ssyncadd.s32 $0xFFFFC000  }
0x10e: {  	[tilespmem:s20], [sflag:$0x1] =	stream.indirect.gather [hbm4b:s2+s21], $0x80, s24, s21, $0xb8;
	[tilespmem:$0x1E800] =	vst v63  }
0x10f: {  	_ =	swait.ge [sflag:s25], $0x4000  }
0x110: {  	[sflag:s25] =	ssyncset.done $0x0  }
0x111: {  	s24 =	simm.s32 $0x2080;
	[sflag:s25] =	ssyncadd.s32 $0xFFFFC000  }
0x112: {  	[spmem:s3] =	stream.indirect.scatter.add.f32 [tilespmem:s22], [sflag:$0x3], $0x80, s24, s21, $0xb8;
	[tilespmem:$0x1E800] =	vst v63  }
0x113: {  	_ =	swait.ge [sflag:s18], $0x4000  }
0x114: {  	[sflag:s18] =	ssyncset.done $0x0  }
0x115: {  	s24 =	simm.s32 $0xD80;
	[sflag:s18] =	ssyncadd.s32 $0xFFFFC000  }
0x116: {  	[tilespmem:s22], [sflag:$0x2] =	stream.indirect.gather [hbm4b:s2+s21], $0x80, s24, s21, $0xb8;
	[tilespmem:$0x1E800] =	vst v63  }
0x117: {  	_ =	swait.ge [sflag:s23], $0x4000  }
0x118: {  	[sflag:s23] =	ssyncset.done $0x0  }
0x119: {  	s24 =	simm.s32 $0x2100;
	[sflag:s23] =	ssyncadd.s32 $0xFFFFC000  }
0x11a: {  	[spmem:s3] =	stream.indirect.scatter.add.f32 [tilespmem:s20], [sflag:$0x3], $0x80, s24, s21, $0xb8;
	[tilespmem:$0x1E800] =	vst v63  }
0x11b: {  	_ =	swait.ge [sflag:s18], $0x4000  }
0x11c: {  	[sflag:s18] =	ssyncset.done $0x0  }
0x11d: {  	s24 =	simm.s32 $0xE00;
	[sflag:s18] =	ssyncadd.s32 $0xFFFFC000  }
0x11e: {  	[tilespmem:s20], [sflag:$0x1] =	stream.indirect.gather [hbm4b:s2+s21], $0x80, s24, s21, $0xb8;
	[tilespmem:$0x1E800] =	vst v63  }
0x11f: {  	_ =	swait.ge [sflag:s25], $0x4000  }
0x120: {  	[sflag:s25] =	ssyncset.done $0x0  }
0x121: {  	s24 =	simm.s32 $0x2180;
	[sflag:s25] =	ssyncadd.s32 $0xFFFFC000  }
0x122: {  	[spmem:s3] =	stream.indirect.scatter.add.f32 [tilespmem:s22], [sflag:$0x3], $0x80, s24, s21, $0xb8;
	[tilespmem:$0x1E800] =	vst v63  }
0x123: {  	_ =	swait.ge [sflag:s18], $0x4000  }
0x124: {  	[sflag:s18] =	ssyncset.done $0x0  }
0x125: {  	s24 =	simm.s32 $0xE80;
	[sflag:s18] =	ssyncadd.s32 $0xFFFFC000  }
0x126: {  	[tilespmem:s22], [sflag:$0x2] =	stream.indirect.gather [hbm4b:s2+s21], $0x80, s24, s21, $0xb8;
	[tilespmem:$0x1E800] =	vst v63  }
0x127: {  	_ =	swait.ge [sflag:s23], $0x4000  }
0x128: {  	[sflag:s23] =	ssyncset.done $0x0  }
0x129: {  	s24 =	simm.s32 $0x2200;
	[sflag:s23] =	ssyncadd.s32 $0xFFFFC000  }
0x12a: {  	[spmem:s3] =	stream.indirect.scatter.add.f32 [tilespmem:s20], [sflag:$0x3], $0x80, s24, s21, $0xb8;
	[tilespmem:$0x1E800] =	vst v63  }
0x12b: {  	_ =	swait.ge [sflag:s18], $0x4000  }
0x12c: {  	[sflag:s18] =	ssyncset.done $0x0  }
0x12d: {  	s24 =	simm.s32 $0xF00;
	[sflag:s18] =	ssyncadd.s32 $0xFFFFC000  }
0x12e: {  	[tilespmem:s20], [sflag:$0x1] =	stream.indirect.gather [hbm4b:s2+s21], $0x80, s24, s21, $0xb8;
	[tilespmem:$0x1E800] =	vst v63  }
0x12f: {  	_ =	swait.ge [sflag:s25], $0x4000  }
0x130: {  	[sflag:s25] =	ssyncset.done $0x0  }
0x131: {  	s24 =	simm.s32 $0x2280;
	[sflag:s25] =	ssyncadd.s32 $0xFFFFC000  }
0x132: {  	[spmem:s3] =	stream.indirect.scatter.add.f32 [tilespmem:s22], [sflag:$0x3], $0x80, s24, s21, $0xb8;
	[tilespmem:$0x1E800] =	vst v63  }
0x133: {  	_ =	swait.ge [sflag:s18], $0x4000  }
0x134: {  	[sflag:s18] =	ssyncset.done $0x0  }
0x135: {  	s24 =	simm.s32 $0xF80;
	[sflag:s18] =	ssyncadd.s32 $0xFFFFC000  }
0x136: {  	[tilespmem:s22], [sflag:$0x2] =	stream.indirect.gather [hbm4b:s2+s21], $0x80, s24, s21, $0xb8;
	[tilespmem:$0x1E800] =	vst v63  }
0x137: {  	_ =	swait.ge [sflag:s23], $0x4000  }
0x138: {  	[sflag:s23] =	ssyncset.done $0x0  }
0x139: {  	s24 =	simm.s32 $0x2300;
	[sflag:s23] =	ssyncadd.s32 $0xFFFFC000  }
0x13a: {  	[spmem:s3] =	stream.indirect.scatter.add.f32 [tilespmem:s20], [sflag:$0x3], $0x80, s24, s21, $0xb8;
	[tilespmem:$0x1E800] =	vst v63  }
0x13b: {  	_ =	swait.ge [sflag:s18], $0x4000  }
0x13c: {  	[sflag:s18] =	ssyncset.done $0x0  }
0x13d: {  	s24 =	simm.s32 $0x1000;
	[sflag:s18] =	ssyncadd.s32 $0xFFFFC000  }
0x13e: {  	[tilespmem:s20], [sflag:$0x1] =	stream.indirect.gather [hbm4b:s2+s21], $0x80, s24, s21, $0xb8;
	[tilespmem:$0x1E800] =	vst v63  }
0x13f: {  	_ =	swait.ge [sflag:s25], $0x4000  }
0x140: {  	[sflag:s25] =	ssyncset.done $0x0  }
0x141: {  	s24 =	simm.s32 $0x2380;
	[sflag:s25] =	ssyncadd.s32 $0xFFFFC000  }
0x142: {  	[spmem:s3] =	stream.indirect.scatter.add.f32 [tilespmem:s22], [sflag:$0x3], $0x80, s24, s21, $0xb8;
	[tilespmem:$0x1E800] =	vst v63  }
0x143: {  	_ =	swait.ge [sflag:s18], $0x4000  }
0x144: {  	[sflag:s18] =	ssyncset.done $0x0  }
0x145: {  	s24 =	simm.s32 $0x1080;
	[sflag:s18] =	ssyncadd.s32 $0xFFFFC000  }
0x146: {  	[tilespmem:s22], [sflag:$0x2] =	stream.indirect.gather [hbm4b:s2+s21], $0x80, s24, s21, $0xb8;
	[tilespmem:$0x1E800] =	vst v63  }
0x147: {  	_ =	swait.ge [sflag:s23], $0x4000  }
0x148: {  	[sflag:s23] =	ssyncset.done $0x0  }
0x149: {  	s24 =	simm.s32 $0x2400;
	[sflag:s23] =	ssyncadd.s32 $0xFFFFC000  }
0x14a: {  	[spmem:s3] =	stream.indirect.scatter.add.f32 [tilespmem:s20], [sflag:$0x3], $0x80, s24, s21, $0xb8;
	[tilespmem:$0x1E800] =	vst v63  }
0x14b: {  	_ =	swait.ge [sflag:s18], $0x4000  }
0x14c: {  	[sflag:s18] =	ssyncset.done $0x0  }
0x14d: {  	s24 =	simm.s32 $0x1100;
	[sflag:s18] =	ssyncadd.s32 $0xFFFFC000  }
0x14e: {  	[tilespmem:s20], [sflag:$0x1] =	stream.indirect.gather [hbm4b:s2+s21], $0x80, s24, s21, $0xb8;
	[tilespmem:$0x1E800] =	vst v63  }
0x14f: {  	_ =	swait.ge [sflag:s25], $0x4000  }
0x150: {  	[sflag:s25] =	ssyncset.done $0x0  }
0x151: {  	s24 =	simm.s32 $0x2480;
	[sflag:s25] =	ssyncadd.s32 $0xFFFFC000  }
0x152: {  	[spmem:s3] =	stream.indirect.scatter.add.f32 [tilespmem:s22], [sflag:$0x3], $0x80, s24, s21, $0xb8;
	[tilespmem:$0x1E800] =	vst v63  }
0x153: {  	_ =	swait.ge [sflag:s18], $0x4000  }
0x154: {  	[sflag:s18] =	ssyncset.done $0x0  }
0x155: {  	s24 =	simm.s32 $0x1180;
	[sflag:s18] =	ssyncadd.s32 $0xFFFFC000  }
0x156: {  	[tilespmem:s22], [sflag:$0x2] =	stream.indirect.gather [hbm4b:s2+s21], $0x80, s24, s21, $0xb8;
	[tilespmem:$0x1E800] =	vst v63  }
0x157: {  	_ =	swait.ge [sflag:s23], $0x4000  }
0x158: {  	[sflag:s23] =	ssyncset.done $0x0  }
0x159: {  	s24 =	simm.s32 $0x2500;
	[sflag:s23] =	ssyncadd.s32 $0xFFFFC000  }
0x15a: {  	[spmem:s3] =	stream.indirect.scatter.add.f32 [tilespmem:s20], [sflag:$0x3], $0x80, s24, s21, $0xb8;
	[tilespmem:$0x1E800] =	vst v63  }
0x15b: {  	_ =	swait.ge [sflag:s18], $0x4000  }
0x15c: {  	[sflag:s18] =	ssyncset.done $0x0  }
0x15d: {  	s24 =	simm.s32 $0x1200;
	[sflag:s18] =	ssyncadd.s32 $0xFFFFC000  }
0x15e: {  	[tilespmem:s20], [sflag:$0x1] =	stream.indirect.gather [hbm4b:s2+s21], $0x80, s24, s21, $0xb8;
	[tilespmem:$0x1E800] =	vst v63  }
0x15f: {  	_ =	swait.ge [sflag:s25], $0x4000  }
0x160: {  	[sflag:s25] =	ssyncset.done $0x0  }
0x161: {  	s24 =	simm.s32 $0x2580;
	[sflag:s25] =	ssyncadd.s32 $0xFFFFC000  }
0x162: {  	[spmem:s3] =	stream.indirect.scatter.add.f32 [tilespmem:s22], [sflag:$0x3], $0x80, s24, s21, $0xb8;
	[tilespmem:$0x1E800] =	vst v63  }
0x163: {  	_ =	swait.ge [sflag:s18], $0x4000  }
0x164: {  	[sflag:s18] =	ssyncset.done $0x0  }
0x165: {  	s24 =	simm.s32 $0x1280;
	[sflag:s18] =	ssyncadd.s32 $0xFFFFC000  }
0x166: {  	[tilespmem:s22], [sflag:$0x2] =	stream.indirect.gather [hbm4b:s2+s21], $0x80, s24, s21, $0xb8;
	[tilespmem:$0x1E800] =	vst v63  }
0x167: {  	_ =	swait.ge [sflag:s23], $0x4000  }
0x168: {  	[sflag:s23] =	ssyncset.done $0x0  }
0x169: {  	s24 =	simm.s32 $0x2600;
	[sflag:s23] =	ssyncadd.s32 $0xFFFFC000  }
0x16a: {  	[spmem:s3] =	stream.indirect.scatter.add.f32 [tilespmem:s20], [sflag:$0x3], $0x80, s24, s21, $0xb8;
	[tilespmem:$0x1E800] =	vst v63  }
0x16b: {  	_ =	swait.ge [sflag:s18], $0x4000  }
0x16c: {  	[sflag:s18] =	ssyncset.done $0x0  }
0x16d: {  	[sflag:s18] =	ssyncadd.s32 $0xFFFFC000  }
0x16e: {  	[tilespmem:s20], [sflag:$0x1] =	stream.indirect.gather [hbm4b:s2+s21], $0x80, s26, s21, $0xb8;
	[tilespmem:$0x1E800] =	vst v63  }
0x16f: {  	_ =	swait.ge [sflag:s25], $0x4000  }
0x170: {  	[sflag:s25] =	ssyncset.done $0x0  }
0x171: {  	[sflag:s25] =	ssyncadd.s32 $0xFFFFC000  }
0x172: {  	[spmem:s3] =	stream.indirect.scatter.add.f32 [tilespmem:s22], [sflag:$0x3], $0x80, s28, s21, $0xb8;
	[tilespmem:$0x1E800] =	vst v63  }
0x173: {  	_ =	swait.ge [sflag:s18], $0x4000  }
0x174: {  	[sflag:s18] =	ssyncset.done $0x0  }
0x175: {  	[sflag:s18] =	ssyncadd.s32 $0xFFFFC000  }
0x176: {  	[tilespmem:s22], [sflag:$0x2] =	stream.indirect.gather [hbm4b:s2+s21], $0x80, s29, s21, $0xb8;
	[tilespmem:$0x1E800] =	vst v63  }
0x177: {  	_ =	swait.ge [sflag:s23], $0x4000  }
0x178: {  	[sflag:s23] =	ssyncset.done $0x0  }
0x179: {  	[sflag:s23] =	ssyncadd.s32 $0xFFFFC000  }
0x17a: {  	[spmem:s3] =	stream.indirect.scatter.add.f32 [tilespmem:s20], [sflag:$0x3], $0x80, s30, s21, $0xb8;
	[tilespmem:$0x1E800] =	vst v63  }
0x17b: {  	_ =	swait.ge [sflag:s18], $0x4000  }
0x17c: {  	[sflag:s18] =	ssyncset.done $0x0  }
0x17d: {  	[sflag:s18] =	ssyncadd.s32 $0xFFFFC000  }
0x17e: {  	_ =	swait.ge [sflag:s25], $0x4000  }
0x17f: {  	[sflag:s25] =	ssyncset.done $0x0  }
0x180: {  	[sflag:s25] =	ssyncadd.s32 $0xFFFFC000  }
0x181: {  	[spmem:s3] =	stream.indirect.scatter.add.f32 [tilespmem:s22], [sflag:$0x3], $0x80, s31, s21, $0xb8;
	[tilespmem:$0x1E800] =	vst v63  }
0x182: {  	_ =	swait.ge [sflag:s18], $0x4000  }
0x183: {  	s24 =	stileid.u32;
	[sflag:s18] =	ssyncset.done $0x0  }
0x184: {  	s1 =	sshll.u32 s24, $0x6;
	[sflag:s18] =	ssyncadd.s32 $0xFFFFC000  }
0x185: {  	s24 =	sshrl.u32 s7, $0x3;
	s1 =	sor.u32 $0x1C03, s1;
	[bflag:$0x0] =	sbarrier.arrive $0xFFFF  }
0x186: {  	[hbm:s12], [sflag:s1] =	dma.local [spmem:s24], $0x800  }
0x187: {  	_ =	swait.ge [sflag:s18], $0x800  }
0x188: {  	[sflag:s18] =	ssyncset.done $0x0  }
0x189: {  	s24 =	sshrl.u32 s8, $0x3;
	[sflag:s18] =	ssyncadd.s32 $0xFFFFF800  }
0x18a: {  	[hbm:s13], [sflag:s1] =	dma.local [spmem:s24], $0x800  }
0x18b: {  	_ =	swait.ge [sflag:s18], $0x800  }
0x18c: {  	[sflag:s18] =	ssyncset.done $0x0  }
0x18d: {  	s24 =	sshrl.u32 s9, $0x3;
	[sflag:s18] =	ssyncadd.s32 $0xFFFFF800  }
0x18e: {  	[hbm:s14], [sflag:s1] =	dma.local [spmem:s24], $0x800  }
0x18f: {  	_ =	swait.ge [sflag:s18], $0x800  }
0x190: {  	[sflag:s18] =	ssyncset.done $0x0  }
0x191: {  	s24 =	sshrl.u32 s10, $0x3;
	[sflag:s18] =	ssyncadd.s32 $0xFFFFF800  }
0x192: {  	[hbm:s15], [sflag:s1] =	dma.local [spmem:s24], $0x800  }
0x193: {  	s0 =	sadd.s32 $0x1, s0;
	_ =	swait.ge [sflag:s18], $0x800  }
0x194: {  	p0 =	sne.s32 s0, s17;
	[sflag:s18] =	ssyncset.done $0x0  }
.Ltmp1:
0x195: {  	s24 =	sshrl.u32 s11, $0x3;
	[sflag:s18] =	ssyncadd.s32 $0xFFFFF800;
	(pc) =	sbr.rel @p0 .LBB2_1-.Ltmp1, $4  }
0x196: {  	[hbm:s16], [sflag:s1] =	dma.local [spmem:s24], $0x800  }
0x197: {  	_ =	swait.ge [sflag:s18], $0x800  }
0x198: {  	[sflag:s18] =	ssyncset.done $0x0  }
0x199: {  	[sflag:s18] =	ssyncadd.s32 $0xFFFFF800  }
0x19a: {  	_ =	sfence.sel $0x180000  }
0x19b: {  	[bflag:$0x0] =	sbarrier.arrive $0xFFFF  }
0x19c: {  	_ =	strace $0x9000004A  }
0x19d: {  	s0 =	stileid.u32;
	[bflag:$0x2] =	sbarrier.arrive $0xFFFF  }
0x19e: {  	p0 =	sne.s32 s0, $0x0;
	s0 =	rddreg [dreg:$0x3]  }
0x19f: {  	s0 =	sadd.s32 @!p0 $0x100000, s0  }
0x1a0: {  	[sflag:s0] =	ssyncadd.tile.s32 @!p0 $0x1;
	_ =	shalt  }
.Lfunc_end2:
_tile_overlayer_lowered:
.L_overlay_start_2:
0x1a1: {  	(tag) =	ssettag $0x2  }
0x1a2: {  	s0 =	rddreg [dreg:$0x0];
	s2 =	stileid.u32  }
0x1a3: {  	s1 =	rddreg [dreg:$0x1];
	p0 =	sne.s32 s2, $0x0  }
0x1a4: {  	s3 =	rddreg [dreg:$0x2];
	[bflag:$0x3] =	sbarrier.arrive $0xFFFF;
	s2 =	simm.s32 @!p0 $0x1C03  }
0x1a5: {  	[timem:s3], [sflag:s2] =	dma.local @!p0 [hbm:s0], s1  }
0x1a6: {  	s0 =	simm.s32 @!p0 $0x3  }
0x1a7: {  	_ =	swait.ge @!p0 [sflag:s0], s1  }
0x1a8: {  	s1 =	ssub.s32 @!p0 $0x0, s1;
	[sflag:s0] =	ssyncset.done @!p0 $0x0  }
0x1a9: {  	[sflag:s0] =	ssyncadd.s32 @!p0 s1  }
0x1aa: {  	[bflag:$0x3] =	sbarrier.arrive $0xFFFF  }
0x1ab: {  	_ =	shalt  }

// kernel: kernel.7.cloned.1.call-start
scs
__scs_entry_jumppad:
0x0: {  	(pc) =	sbr.rel $0x88, $3  }
0x1: {  	(tag) =	ssettag $0x0;
	lr =	simm.s32 $0x1  }
0x2: {  	[smem:$0x3F9B] =	sst lr;
	_ =	strace $0xD0000000  }
0x3: {  	_ = 	snop  }
0x4: {  	_ = 	snop  }
0x5: {  	_ = 	snop  }
0x6: {  	_ = 	snop  }
0x7: {  	_ = 	snop  }
__scs_overlays_trampoline_lowered:
0x8: {  	[smem:$0x3FAA] =	sst s0  }
0x9: {  	[smem:$0x3FAB] =	sst s1  }
0xa: {  	[smem:$0x3FAC] =	sst s2  }
0xb: {  	[smem:$0x3FAD] =	sst s3  }
0xc: {  	[smem:$0x3FAE] =	sst s4  }
0xd: {  	[smem:$0x3FAF] =	sst s5  }
0xe: {  	[smem:$0x3FB0] =	sst s6  }
0xf: {  	[smem:$0x3FB1] =	sst s7  }
0x10: {  	[smem:$0x3FB2] =	sst s8  }
0x11: {  	[smem:$0x3FB3] =	sst s9;
	s0 =	simm.s32 @!p0 $0x0  }
0x12: {  	s1 =	sld [smem:$0x3F99];
	s0 =	simm.s32 @p0 $0x1  }
0x13: {  	[smem:$0x3FB4] =	sst s0;
	s0 =	simm.s32 @!p1 $0x0  }
0x14: {  	s2 =	sld [smem:$0x3F98];
	s0 =	simm.s32 @p1 $0x1  }
0x15: {  	[smem:$0x3FB5] =	sst s0;
	s0 =	simm.s32 @!p2 $0x0  }
0x16: {  	s3 =	sld [smem:$0x3FDB];
	s0 =	simm.s32 @p2 $0x1  }
0x17: {  	s4 =	simm.s32 $0x1BF5;
	[smem:$0x3FB7] =	sst s0  }
0x18: {  	s0 =	sld [smem:$0x3F9A];
	_ =	swait.ge [sflag:s4], $0x0  }
0x19: {  	s7 =	sld [smem:$0x3F9B]  }
0x1a: {  	s8 =	sadd.s32 $0xFFFFE003, lr  }
0x1b: {  	s9 =	sadd.s32 $0xFFFFFEF7, lr;
	s5 =	simm.s32 $0xFFFFFFFF;
	p2 =	slt.u32 s8, $0xFFFFF086  }
0x1c: {  	p1 =	slt.u32 s9, $0xF7A;
	s5 =	simm.s32 @!p2 $0x0  }
0x1d: {  	s5 =	simm.s32 @p1 $0x1;
	p0 =	seq.s32 s7, s2  }
0x1e: {  	s7 =	smul.u32 @!p0 $0xF7A, s2;
	p2 =	seq.s32 @!p0 s5, $0x0  }
0x1f: {  	s9 =	smul.u32 $0xF7A, s1;
	s8 =	simm.s32 @!p0 $0x1BF5;
	p2 =	por !p2, p0  }
0x20: {  	[sflag:s8] =	ssyncset.s32 @!p0 $0xFFFFF086;
	s6 =	sadd.s32 @!p0 s3, s7;
	s7 =	simm.s32 @!p0 $0x108  }
0x21: {  	s3 =	sadd.s32 s3, s9;
	s6 =	sadd.s32 @!p0 $0x88, s6;
	s7 =	simm.s32 @p2 $0x1082  }
0x22: {  	[simem:s7], [sflag:s8] =	dma.local @!p0 [hbm:s6], $0xF7A  }
0x23: {  	s9 =	sor.u32 $0xD0000000, s2;
	s6 =	simm.s32 $0x108;
	_ =	swait.ge @!p0 [sflag:s8], $0x0  }
0x24: {  	s3 =	sadd.s32 $0x88, s3;
	s6 =	simm.s32 @!p1 $0x1082;
	[sflag:s4] =	ssyncset.s32 $0xFFFFF086  }
0x25: {  	[simem:s6], [sflag:s4] =	dma.local [hbm:s3], $0xF7A  }
0x26: {  	[smem:$0x3F9B] =	sst s1;
	(tag) =	ssettag s2;
	_ =	strace s9  }
0x27: {  	s1 =	sld [smem:$0x3FAB]  }
0x28: {  	s2 =	sld [smem:$0x3FAC]  }
0x29: {  	s4 =	sld [smem:$0x3FAE]  }
0x2a: {  	p0 =	seq.s32 s5, $0x0;
	s5 =	sld [smem:$0x3FAF]  }
0x2b: {  	s6 =	sld [smem:$0x3FB0]  }
0x2c: {  	s7 =	sld [smem:$0x3FB1]  }
0x2d: {  	s3 =	simm.s32 $0x108;
	s8 =	sld [smem:$0x3FB2]  }
0x2e: {  	s3 =	simm.s32 @!p0 $0x1082;
	s9 =	sld [smem:$0x3FB3]  }
0x2f: {  	lr =	sadd.s32 s0, s3;
	s0 =	sld [smem:$0x3FAA]  }
0x30: {  	s3 =	sld [smem:$0x3FAD]  }
0x31: {  	[smem:$0x3FB6] =	sst s10  }
0x32: {  	s10 =	sld [smem:$0x3FB4];
	_ =	sdelay $0x3  }
0x33: {  	p0 =	seq.s32 s10, $0x1;
	s10 =	sld [smem:$0x3FB6];
	_ =	sdelay $0x3  }
0x34: {  	[smem:$0x3FB6] =	sst s10  }
0x35: {  	s10 =	sld [smem:$0x3FB5];
	_ =	sdelay $0x3  }
0x36: {  	p1 =	seq.s32 s10, $0x1;
	s10 =	sld [smem:$0x3FB6];
	_ =	sdelay $0x3  }
0x37: {  	[smem:$0x3FB6] =	sst s10  }
0x38: {  	s10 =	sld [smem:$0x3FB7]  }
0x39: {  	_ = 	snop;
	(pc) =	sbr.ind lr, $3  }
0x3a: {  	_ = 	snop  }
0x3b: {  	_ = 	snop  }
0x3c: {  	p2 =	seq.s32 s10, $0x1;
	s10 =	sld [smem:$0x3FB6]  }
0x3d: {  	_ =	shalt  }
0x3e: {  	_ =	shalt  }
0x3f: {  	_ =	shalt  }
0x40: {  	_ =	shalt  }
0x41: {  	_ =	shalt  }
0x42: {  	_ =	shalt  }
0x43: {  	_ =	shalt  }
0x44: {  	_ =	shalt  }
0x45: {  	_ =	shalt  }
0x46: {  	_ =	shalt  }
0x47: {  	_ =	shalt  }
0x48: {  	_ =	shalt  }
0x49: {  	_ =	shalt  }
0x4a: {  	_ =	shalt  }
0x4b: {  	_ =	shalt  }
0x4c: {  	_ =	shalt  }
0x4d: {  	_ =	shalt  }
0x4e: {  	_ =	shalt  }
0x4f: {  	_ =	shalt  }
0x50: {  	_ =	shalt  }
0x51: {  	_ =	shalt  }
0x52: {  	_ =	shalt  }
0x53: {  	_ =	shalt  }
0x54: {  	_ =	shalt  }
0x55: {  	_ =	shalt  }
0x56: {  	_ =	shalt  }
0x57: {  	_ =	shalt  }
0x58: {  	_ =	shalt  }
0x59: {  	_ =	shalt  }
0x5a: {  	_ =	shalt  }
0x5b: {  	_ =	shalt  }
0x5c: {  	_ =	shalt  }
0x5d: {  	_ =	shalt  }
0x5e: {  	_ =	shalt  }
0x5f: {  	_ =	shalt  }
0x60: {  	_ =	shalt  }
0x61: {  	_ =	shalt  }
0x62: {  	_ =	shalt  }
0x63: {  	_ =	shalt  }
0x64: {  	_ =	shalt  }
0x65: {  	_ =	shalt  }
0x66: {  	_ =	shalt  }
0x67: {  	_ =	shalt  }
0x68: {  	_ =	shalt  }
0x69: {  	_ =	shalt  }
0x6a: {  	_ =	shalt  }
0x6b: {  	_ =	shalt  }
0x6c: {  	_ =	shalt  }
0x6d: {  	_ =	shalt  }
0x6e: {  	_ =	shalt  }
0x6f: {  	_ =	shalt  }
0x70: {  	_ =	shalt  }
0x71: {  	_ =	shalt  }
0x72: {  	_ =	shalt  }
0x73: {  	_ =	shalt  }
0x74: {  	_ =	shalt  }
0x75: {  	_ =	shalt  }
0x76: {  	_ =	shalt  }
0x77: {  	_ =	shalt  }
0x78: {  	_ =	shalt  }
0x79: {  	_ =	shalt  }
0x7a: {  	_ =	shalt  }
0x7b: {  	_ =	shalt  }
0x7c: {  	_ =	shalt  }
0x7d: {  	_ =	shalt  }
0x7e: {  	_ =	shalt  }
0x7f: {  	_ =	shalt  }
0x80: {  	_ =	shalt  }
0x81: {  	_ =	shalt  }
0x82: {  	_ =	shalt  }
0x83: {  	_ =	shalt  }
0x84: {  	_ =	shalt  }
0x85: {  	_ =	shalt  }
0x86: {  	_ =	shalt  }
0x87: {  	_ =	shalt  }
.Lfunc_end0:
.L_simem_size_0:
called_computation_lowered:
.L_overlay_start_0:
0x88: {  	s2 =	sld [smem:$0x3FD9]  }
0x89: {  	s3 =	sld [smem:$0x3FFE];
	_ =	sdelay $0x1  }
0x8a: {  	s1 =	srdreg.scid  }
0x8b: {  	s0 =	sand.u32 $0x1, s1  }
0x8c: {  	s16 =	sshll.u32 s0, $0xA;
	s2 =	sadd.s32 s3, s2  }
0x8d: {  	s2 =	sadd.s32 s2, s16  }
0x8e: {  	[smem:$0x3FC2] =	sst s2  }
0x8f: {  	_ = 	snop  }
0x90: {  	(tm) =	ssettm $0x1  }
0x91: {  	s17 =	sld [smem:$0x3FFB];
	_ =	sdelay $0x3  }
0x92: {  	_ =	strace s17  }
0x93: {  	s2 =	sld [smem:$0x3FFC];
	_ =	sdelay $0x3  }
0x94: {  	_ =	strace s2  }
0x95: {  	s2 =	sld [smem:$0x3FFD];
	_ =	sdelay $0x3  }
0x96: {  	_ =	strace s2  }
0x97: {  	_ =	strace $0x8FFFFFFF  }
0x98: {  	s18 =	sld [smem:$0x3FDB];
	_ =	sdelay $0x1  }
0x99: {  	s19 =	simm.s32 $_scs_section_size  }
0x9a: {  	s4 =	simm.s32 $_size__tile_overlayer_lowered;
	s5 =	simm.s32 $_tile_overlayer_lowered  }
0x9b: {  	s22 =	simm.s32 $0x1BFF;
	s21 =	sshll.u32 s5, $0x1;
	s2 =	sadd.s32 s19, s18  }
0x9c: {  	s6 =	simm.s32 $0x0;
	s20 =	sshll.u32 s4, $0x1;
	s4 =	sadd.s32 s21, s2  }
0x9d: {  	[timem:s6], [sflag:s22] =	dma.local [hbm:s4], s20  }
0x9e: {  	_ =	swait.ge [sflag:s22], s20  }
0x9f: {  	s3 =	ssub.s32 $0x0, s20;
	[sflag:s22] =	ssyncset.done $0x0  }
0xa0: {  	[sflag:s22] =	ssyncadd.s32 s3;
	_ =	sdelay $0x1  }
0xa1: {  	s23 =	simm.s32 $0x1B8B  }
0xa2: {  	_ =	swait.ge [sflag:s23], $0x1  }
0xa3: {  	[sflag:s23] =	ssyncset.done $0x0  }
0xa4: {  	s25 =	simm.s32 $0x1B8E;
	s24 =	sld [smem:$0x3FFE];
	[sflag:s23] =	ssyncadd.s32 $0xFFFFFFFF  }
0xa5: {  	s26 =	simm.s32 $execute0_lowered;
	[smem:$0x3FD2] =	sst s25  }
0xa6: {  	s4 =	sshll.u32 s26, $0x1;
	_ =	strace $0x80000046;
	[dreg:$0x1] =	wrdreg $0xFFFFFFFF  }
0xa7: {  	s28 =	simm.s32 $_size_execute0_lowered;
	s2 =	sadd.s32 s2, s4;
	[dreg:$0x0] =	wrdreg $0x0  }
0xa8: {  	s4 =	sshll.u32 s28, $0x1;
	[dreg:$0x2] =	wrdreg s2  }
0xa9: {  	[dreg:$0x3] =	wrdreg s4  }
0xaa: {  	[dreg:$0x4] =	wrdreg $0xC0  }
0xab: {  	_ =	task [dreg:s6], $0x5FFFF  }
0xac: {  	[dreg:$0x1] =	wrdreg $0xFFFFFFFF  }
0xad: {  	[dreg:$0x0] =	wrdreg $0x60  }
0xae: {  	[dreg:$0x2] =	wrdreg s24  }
0xaf: {  	[dreg:$0x3] =	wrdreg $0x94000  }
0xb0: {  	[dreg:$0x4] =	wrdreg $0x9  }
0xb1: {  	_ =	task.clear_ibuf [dreg:s6], $0x5FFFF;
	_ =	strace $0x90000046  }
0xb2: {  	s29 =	simm.s32 $0x9;
	_ =	strace $0x80000048  }
0xb3: {  	_ =	swait.ge [sflag:s29], $0x1  }
0xb4: {  	[sflag:s29] =	ssyncadd.s32 $0xFFFFFFFF  }
0xb5: {  	_ =	strace $0x90000048  }
0xb6: {  	_ =	sfence  }
0xb7: {  	s30 =	sld [smem:$0x0];
	_ =	sdelay $0x2  }
0xb8: {  	s31 =	sshll.u32 s1, $0xD;
	s1 =	sshrl.u32 s1, $0x2  }
0xb9: {  	s3 =	sand.u32 $0x4000, s31;
	s1 =	sadd.s32 s1, s30  }
0xba: {  	s0 =	sor.u32 s3, s0;
	s1 =	sshll.u32 s1, $0x11  }
0xbb: {  	s0 =	sor.u32 s1, s0  }
0xbc: {  	s0 =	sadd.s32 $0x8F2B, s0  }
0xbd: {  	[sflag:s0] =	ssyncadd.remote.s32 $0x1  }
0xbe: {  	_ =	sfence.sel $0xFFFF  }
0xbf: {  	[dreg:$0x0] =	wrdreg $0xFFFFFFFF;
	(pc) =	sbr.abs _section_cstart, $3  }
0xc0: {  	[dreg:$0x1] =	wrdreg $0xFFFFFFFF  }
0xc1: {  	_ =	task.clear_ibuf [dreg:s6], $0x2FFFF;
	_ =	strace $0x9FFFFFFF  }
0xc2: {  	(tm) =	ssettm $0x7FFFFFFF  }
0xc3: {  	_ =	shalt  }
tec
execute0_lowered:
.L_overlay_start_1:
0x0: {  	(tag) =	ssettag $0x1  }
0x1: {  	s0 =	srdreg.scid  }
0x2: {  	s7 =	stileid.u32;
	s4 =	rddreg [dreg:$0x0]  }
0x3: {  	s2 =	rddreg [dreg:$0x1];
	s3 =	simm.s32 $0x0;
	s12 =	simm.s32 $0x1  }
0x4: {  	s13 =	simm.s32 $0x5400;
	s14 =	simm.s32 $0x80;
	s15 =	simm.s32 $0x1400  }
0x5: {  	s24 =	simm.s32 $0xD80;
	s28 =	simm.s32 $0xF00;
	s29 =	simm.s32 $0xF80  }
0x6: {  	s30 =	simm.s32 $0x1000;
	s31 =	simm.s32 $0x1080;
	s16 =	simm.s32 $0x1200  }
0x7: {  	s17 =	simm.s32 $0x1280;
	s18 =	simm.s32 $0x1300;
	s19 =	simm.s32 $0x1380  }
0x8: {  	s20 =	simm.s32 $0x0;
	s0 =	sand.u32 $0x1, s0;
	s6 =	smul.u32 $0x14000, s7  }
0x9: {  	s1 =	sshll.u32 s7, $0x1;
	[smem:$0x7FF] =	sst s3;
	s7 =	smul.u32 $0x50000, s7  }
0xa: {  	s1 =	sor.u32 s0, s1;
	s5 =	smul.u32 $0x140000, s0;
	s0 =	ssub.s32 $0x2, s0  }
0xb: {  	_ =	strace $0x80000047;
	s1 =	smul.u32 $0x280, s1;
	s26 =	sshrl.u32 s0, $0x1  }
0xc: {  	s25 =	sshrl.u32 s7, $0x2;
	s5 =	sadd.s32 s6, s5;
	s0 =	ssub.s32 s0, s26  }
0xd: {  	s26 =	simm.s32 $0xE80;
	s1 =	sadd.s32 s1, s4;
	s5 =	sshrl.u32 s5, $0x3  }
0xe: {  	s11 =	smax.u32 s0, $0x1;
	s0 =	simm.s32 $0x1180;
	s10 =	sadd.s32 s5, s4  }
0xf: {  	s4 =	sadd.s32 s25, s2;
	s5 =	sadd.s32 $0x1A00, s1;
	s25 =	simm.s32 $0xE00  }
0x10: {  	s1 =	simm.s32 $0x1100;
	s6 =	sadd.s32 $0x4000, s4;
	s7 =	sadd.s32 $0x8000, s4  }
0x11: {  	v0 =	vimm.f32 $1.000000000e+00;
	v1 =	vimm.f32 $0.0e+00;
	s8 =	sadd.s32 $0xC000, s4;
	s9 =	sadd.s32 $0x10000, s4;
	s10 =	sadd.s32 $0x6A00, s10  }
.LBB2_1:
0x12: {  	[tilespmem:s3], [sflag:$0x1] =	stream.linear.gather [hbm4b:s5+s3], $0x1400, $0x38;
	[tilespmem:$0xBC00] =	vst v63  }
0x13: {  	_ =	swait.ge [sflag:s12], $0x1400  }
0x14: {  	[sflag:s12] =	ssyncset.done $0x0  }
0x15: {  	s21 =	simm.s32 $0x200;
	s22 =	simm.s32 $0x0;
	[sflag:s12] =	ssyncadd.s32 $0xFFFFEC00  }
.LBB2_2:
0x16: {  	p0 =	sne.s32 s21, $0xFE00;
	[tilespmem:s22+$0x1400] =	vst v0;
	s23 =	smov.u32 s21;
	s21 =	sadd.s32 $0x200, s21  }
.Ltmp0:
0x17: {  	[tilespmem:s22+$0x5400] =	vst v1;
	(pc) =	sbr.rel @p0 .LBB2_2-.Ltmp0, $2  }
0x18: {  	_ =	sdelay $0x2  }
0x19: {  	s22 =	sshra.s32 s23, $0x2  }
0x1a: {  	[tilespmem:s22+$0x1400] =	vst v0  }
0x1b: {  	[tilespmem:s22+$0x5400] =	vst v1  }
0x1c: {  	[spmem:s4] =	stream.linear.scatter [tilespmem:s13], [sflag:$0x1], $0x4000, $0x38;
	[tilespmem:$0xBC00] =	vst v63  }
0x1d: {  	_ =	swait.ge [sflag:s12], $0x4000  }
0x1e: {  	[sflag:s12] =	ssyncset.done $0x0  }
0x1f: {  	[sflag:s12] =	ssyncadd.s32 $0xFFFFC000  }
0x20: {  	[spmem:s6] =	stream.linear.scatter [tilespmem:s13], [sflag:$0x1], $0x4000, $0x38;
	[tilespmem:$0xBC00] =	vst v63  }
0x21: {  	_ =	swait.ge [sflag:s12], $0x4000  }
0x22: {  	[sflag:s12] =	ssyncset.done $0x0  }
0x23: {  	[sflag:s12] =	ssyncadd.s32 $0xFFFFC000  }
0x24: {  	[spmem:s7] =	stream.linear.scatter [tilespmem:s13], [sflag:$0x1], $0x4000, $0x38;
	[tilespmem:$0xBC00] =	vst v63  }
0x25: {  	_ =	swait.ge [sflag:s12], $0x4000  }
0x26: {  	[sflag:s12] =	ssyncset.done $0x0  }
0x27: {  	[sflag:s12] =	ssyncadd.s32 $0xFFFFC000  }
0x28: {  	[spmem:s8] =	stream.linear.scatter [tilespmem:s13], [sflag:$0x1], $0x4000, $0x38;
	[tilespmem:$0xBC00] =	vst v63  }
0x29: {  	_ =	swait.ge [sflag:s12], $0x4000  }
0x2a: {  	[sflag:s12] =	ssyncset.done $0x0  }
0x2b: {  	[sflag:s12] =	ssyncadd.s32 $0xFFFFC000  }
0x2c: {  	[spmem:s9] =	stream.linear.scatter [tilespmem:s13], [sflag:$0x1], $0x4000, $0x38;
	[tilespmem:$0xBC00] =	vst v63  }
0x2d: {  	_ =	swait.ge [sflag:s12], $0x4000  }
0x2e: {  	[sflag:s12] =	ssyncset.done $0x0  }
0x2f: {  	[sflag:s12] =	ssyncadd.s32 $0xFFFFC000  }
0x30: {  	[bflag:$0x0] =	sbarrier.arrive $0xFFFF  }
0x31: {  	[spmem:s2] =	stream.indirect.scatter.add.f32 [tilespmem:s15], [sflag:$0x1], $0x10, s3, s14, $0xb8;
	[tilespmem:$0xBC00] =	vst v63  }
0x32: {  	_ =	swait.ge [sflag:s12], $0x800  }
0x33: {  	[sflag:s12] =	ssyncset.done $0x0  }
0x34: {  	[sflag:s12] =	ssyncadd.s32 $0xFFFFF800  }
0x35: {  	[spmem:s2] =	stream.indirect.scatter.add.f32 [tilespmem:s15], [sflag:$0x1], $0x10, s14, s14, $0xb8;
	[tilespmem:$0xBC00] =	vst v63  }
0x36: {  	_ =	swait.ge [sflag:s12], $0x800  }
0x37: {  	[sflag:s12] =	ssyncset.done $0x0  }
0x38: {  	s21 =	simm.s32 $0x100;
	[sflag:s12] =	ssyncadd.s32 $0xFFFFF800  }
0x39: {  	[spmem:s2] =	stream.indirect.scatter.add.f32 [tilespmem:s15], [sflag:$0x1], $0x10, s21, s14, $0xb8;
	[tilespmem:$0xBC00] =	vst v63  }
0x3a: {  	_ =	swait.ge [sflag:s12], $0x800  }
0x3b: {  	[sflag:s12] =	ssyncset.done $0x0  }
0x3c: {  	s22 =	simm.s32 $0x180;
	[sflag:s12] =	ssyncadd.s32 $0xFFFFF800  }
0x3d: {  	[spmem:s2] =	stream.indirect.scatter.add.f32 [tilespmem:s15], [sflag:$0x1], $0x10, s22, s14, $0xb8;
	[tilespmem:$0xBC00] =	vst v63  }
0x3e: {  	_ =	swait.ge [sflag:s12], $0x800  }
0x3f: {  	[sflag:s12] =	ssyncset.done $0x0  }
0x40: {  	s23 =	simm.s32 $0x200;
	[sflag:s12] =	ssyncadd.s32 $0xFFFFF800  }
0x41: {  	[spmem:s2] =	stream.indirect.scatter.add.f32 [tilespmem:s15], [sflag:$0x1], $0x10, s23, s14, $0xb8;
	[tilespmem:$0xBC00] =	vst v63  }
0x42: {  	_ =	swait.ge [sflag:s12], $0x800  }
0x43: {  	[sflag:s12] =	ssyncset.done $0x0  }
0x44: {  	s22 =	simm.s32 $0x280;
	[sflag:s12] =	ssyncadd.s32 $0xFFFFF800  }
0x45: {  	[spmem:s2] =	stream.indirect.scatter.add.f32 [tilespmem:s15], [sflag:$0x1], $0x10, s22, s14, $0xb8;
	[tilespmem:$0xBC00] =	vst v63  }
0x46: {  	_ =	swait.ge [sflag:s12], $0x800  }
0x47: {  	[sflag:s12] =	ssyncset.done $0x0  }
0x48: {  	s23 =	simm.s32 $0x300;
	[sflag:s12] =	ssyncadd.s32 $0xFFFFF800  }
0x49: {  	[spmem:s2] =	stream.indirect.scatter.add.f32 [tilespmem:s15], [sflag:$0x1], $0x10, s23, s14, $0xb8;
	[tilespmem:$0xBC00] =	vst v63  }
0x4a: {  	_ =	swait.ge [sflag:s12], $0x800  }
0x4b: {  	[sflag:s12] =	ssyncset.done $0x0  }
0x4c: {  	s22 =	simm.s32 $0x380;
	[sflag:s12] =	ssyncadd.s32 $0xFFFFF800  }
0x4d: {  	[spmem:s2] =	stream.indirect.scatter.add.f32 [tilespmem:s15], [sflag:$0x1], $0x10, s22, s14, $0xb8;
	[tilespmem:$0xBC00] =	vst v63  }
0x4e: {  	_ =	swait.ge [sflag:s12], $0x800  }
0x4f: {  	[sflag:s12] =	ssyncset.done $0x0  }
0x50: {  	s23 =	simm.s32 $0x400;
	[sflag:s12] =	ssyncadd.s32 $0xFFFFF800  }
0x51: {  	[spmem:s2] =	stream.indirect.scatter.add.f32 [tilespmem:s15], [sflag:$0x1], $0x10, s23, s14, $0xb8;
	[tilespmem:$0xBC00] =	vst v63  }
0x52: {  	_ =	swait.ge [sflag:s12], $0x800  }
0x53: {  	[sflag:s12] =	ssyncset.done $0x0  }
0x54: {  	s22 =	simm.s32 $0x480;
	[sflag:s12] =	ssyncadd.s32 $0xFFFFF800  }
0x55: {  	[spmem:s2] =	stream.indirect.scatter.add.f32 [tilespmem:s15], [sflag:$0x1], $0x10, s22, s14, $0xb8;
	[tilespmem:$0xBC00] =	vst v63  }
0x56: {  	_ =	swait.ge [sflag:s12], $0x800  }
0x57: {  	[sflag:s12] =	ssyncset.done $0x0  }
0x58: {  	s23 =	simm.s32 $0x500;
	[sflag:s12] =	ssyncadd.s32 $0xFFFFF800  }
0x59: {  	[spmem:s2] =	stream.indirect.scatter.add.f32 [tilespmem:s15], [sflag:$0x1], $0x10, s23, s14, $0xb8;
	[tilespmem:$0xBC00] =	vst v63  }
0x5a: {  	_ =	swait.ge [sflag:s12], $0x800  }
0x5b: {  	[sflag:s12] =	ssyncset.done $0x0  }
0x5c: {  	s22 =	simm.s32 $0x580;
	[sflag:s12] =	ssyncadd.s32 $0xFFFFF800  }
0x5d: {  	[spmem:s2] =	stream.indirect.scatter.add.f32 [tilespmem:s15], [sflag:$0x1], $0x10, s22, s14, $0xb8;
	[tilespmem:$0xBC00] =	vst v63  }
0x5e: {  	_ =	swait.ge [sflag:s12], $0x800  }
0x5f: {  	[sflag:s12] =	ssyncset.done $0x0  }
0x60: {  	s23 =	simm.s32 $0x600;
	[sflag:s12] =	ssyncadd.s32 $0xFFFFF800  }
0x61: {  	[spmem:s2] =	stream.indirect.scatter.add.f32 [tilespmem:s15], [sflag:$0x1], $0x10, s23, s14, $0xb8;
	[tilespmem:$0xBC00] =	vst v63  }
0x62: {  	_ =	swait.ge [sflag:s12], $0x800  }
0x63: {  	[sflag:s12] =	ssyncset.done $0x0  }
0x64: {  	s22 =	simm.s32 $0x680;
	[sflag:s12] =	ssyncadd.s32 $0xFFFFF800  }
0x65: {  	[spmem:s2] =	stream.indirect.scatter.add.f32 [tilespmem:s15], [sflag:$0x1], $0x10, s22, s14, $0xb8;
	[tilespmem:$0xBC00] =	vst v63  }
0x66: {  	_ =	swait.ge [sflag:s12], $0x800  }
0x67: {  	[sflag:s12] =	ssyncset.done $0x0  }
0x68: {  	s23 =	simm.s32 $0x700;
	[sflag:s12] =	ssyncadd.s32 $0xFFFFF800  }
0x69: {  	[spmem:s2] =	stream.indirect.scatter.add.f32 [tilespmem:s15], [sflag:$0x1], $0x10, s23, s14, $0xb8;
	[tilespmem:$0xBC00] =	vst v63  }
0x6a: {  	_ =	swait.ge [sflag:s12], $0x800  }
0x6b: {  	[sflag:s12] =	ssyncset.done $0x0  }
0x6c: {  	s22 =	simm.s32 $0x780;
	[sflag:s12] =	ssyncadd.s32 $0xFFFFF800  }
0x6d: {  	[spmem:s2] =	stream.indirect.scatter.add.f32 [tilespmem:s15], [sflag:$0x1], $0x10, s22, s14, $0xb8;
	[tilespmem:$0xBC00] =	vst v63  }
0x6e: {  	_ =	swait.ge [sflag:s12], $0x800  }
0x6f: {  	[sflag:s12] =	ssyncset.done $0x0  }
0x70: {  	s23 =	simm.s32 $0x800;
	[sflag:s12] =	ssyncadd.s32 $0xFFFFF800  }
0x71: {  	[spmem:s2] =	stream.indirect.scatter.add.f32 [tilespmem:s15], [sflag:$0x1], $0x10, s23, s14, $0xb8;
	[tilespmem:$0xBC00] =	vst v63  }
0x72: {  	_ =	swait.ge [sflag:s12], $0x800  }
0x73: {  	[sflag:s12] =	ssyncset.done $0x0  }
0x74: {  	s22 =	simm.s32 $0x880;
	[sflag:s12] =	ssyncadd.s32 $0xFFFFF800  }
0x75: {  	[spmem:s2] =	stream.indirect.scatter.add.f32 [tilespmem:s15], [sflag:$0x1], $0x10, s22, s14, $0xb8;
	[tilespmem:$0xBC00] =	vst v63  }
0x76: {  	_ =	swait.ge [sflag:s12], $0x800  }
0x77: {  	[sflag:s12] =	ssyncset.done $0x0  }
0x78: {  	s23 =	simm.s32 $0x900;
	[sflag:s12] =	ssyncadd.s32 $0xFFFFF800  }
0x79: {  	[spmem:s2] =	stream.indirect.scatter.add.f32 [tilespmem:s15], [sflag:$0x1], $0x10, s23, s14, $0xb8;
	[tilespmem:$0xBC00] =	vst v63  }
0x7a: {  	_ =	swait.ge [sflag:s12], $0x800  }
0x7b: {  	[sflag:s12] =	ssyncset.done $0x0  }
0x7c: {  	s22 =	simm.s32 $0x980;
	[sflag:s12] =	ssyncadd.s32 $0xFFFFF800  }
0x7d: {  	[spmem:s2] =	stream.indirect.scatter.add.f32 [tilespmem:s15], [sflag:$0x1], $0x10, s22, s14, $0xb8;
	[tilespmem:$0xBC00] =	vst v63  }
0x7e: {  	_ =	swait.ge [sflag:s12], $0x800  }
0x7f: {  	[sflag:s12] =	ssyncset.done $0x0  }
0x80: {  	s23 =	simm.s32 $0xA00;
	[sflag:s12] =	ssyncadd.s32 $0xFFFFF800  }
0x81: {  	[spmem:s2] =	stream.indirect.scatter.add.f32 [tilespmem:s15], [sflag:$0x1], $0x10, s23, s14, $0xb8;
	[tilespmem:$0xBC00] =	vst v63  }
0x82: {  	_ =	swait.ge [sflag:s12], $0x800  }
0x83: {  	[sflag:s12] =	ssyncset.done $0x0  }
0x84: {  	s22 =	simm.s32 $0xA80;
	[sflag:s12] =	ssyncadd.s32 $0xFFFFF800  }
0x85: {  	[spmem:s2] =	stream.indirect.scatter.add.f32 [tilespmem:s15], [sflag:$0x1], $0x10, s22, s14, $0xb8;
	[tilespmem:$0xBC00] =	vst v63  }
0x86: {  	_ =	swait.ge [sflag:s12], $0x800  }
0x87: {  	[sflag:s12] =	ssyncset.done $0x0  }
0x88: {  	s23 =	simm.s32 $0xB00;
	[sflag:s12] =	ssyncadd.s32 $0xFFFFF800  }
0x89: {  	[spmem:s2] =	stream.indirect.scatter.add.f32 [tilespmem:s15], [sflag:$0x1], $0x10, s23, s14, $0xb8;
	[tilespmem:$0xBC00] =	vst v63  }
0x8a: {  	_ =	swait.ge [sflag:s12], $0x800  }
0x8b: {  	[sflag:s12] =	ssyncset.done $0x0  }
0x8c: {  	s22 =	simm.s32 $0xB80;
	[sflag:s12] =	ssyncadd.s32 $0xFFFFF800  }
0x8d: {  	[spmem:s2] =	stream.indirect.scatter.add.f32 [tilespmem:s15], [sflag:$0x1], $0x10, s22, s14, $0xb8;
	[tilespmem:$0xBC00] =	vst v63  }
0x8e: {  	_ =	swait.ge [sflag:s12], $0x800  }
0x8f: {  	[sflag:s12] =	ssyncset.done $0x0  }
0x90: {  	s23 =	simm.s32 $0xC00;
	[sflag:s12] =	ssyncadd.s32 $0xFFFFF800  }
0x91: {  	[spmem:s2] =	stream.indirect.scatter.add.f32 [tilespmem:s15], [sflag:$0x1], $0x10, s23, s14, $0xb8;
	[tilespmem:$0xBC00] =	vst v63  }
0x92: {  	_ =	swait.ge [sflag:s12], $0x800  }
0x93: {  	[sflag:s12] =	ssyncset.done $0x0  }
0x94: {  	s22 =	simm.s32 $0xC80;
	[sflag:s12] =	ssyncadd.s32 $0xFFFFF800  }
0x95: {  	[spmem:s2] =	stream.indirect.scatter.add.f32 [tilespmem:s15], [sflag:$0x1], $0x10, s22, s14, $0xb8;
	[tilespmem:$0xBC00] =	vst v63  }
0x96: {  	_ =	swait.ge [sflag:s12], $0x800  }
0x97: {  	[sflag:s12] =	ssyncset.done $0x0  }
0x98: {  	s23 =	simm.s32 $0xD00;
	[sflag:s12] =	ssyncadd.s32 $0xFFFFF800  }
0x99: {  	[spmem:s2] =	stream.indirect.scatter.add.f32 [tilespmem:s15], [sflag:$0x1], $0x10, s23, s14, $0xb8;
	[tilespmem:$0xBC00] =	vst v63  }
0x9a: {  	_ =	swait.ge [sflag:s12], $0x800  }
0x9b: {  	[sflag:s12] =	ssyncset.done $0x0  }
0x9c: {  	[sflag:s12] =	ssyncadd.s32 $0xFFFFF800  }
0x9d: {  	[spmem:s2] =	stream.indirect.scatter.add.f32 [tilespmem:s15], [sflag:$0x1], $0x10, s24, s14, $0xb8;
	[tilespmem:$0xBC00] =	vst v63  }
0x9e: {  	_ =	swait.ge [sflag:s12], $0x800  }
0x9f: {  	[sflag:s12] =	ssyncset.done $0x0  }
0xa0: {  	[sflag:s12] =	ssyncadd.s32 $0xFFFFF800  }
0xa1: {  	[spmem:s2] =	stream.indirect.scatter.add.f32 [tilespmem:s15], [sflag:$0x1], $0x10, s25, s14, $0xb8;
	[tilespmem:$0xBC00] =	vst v63  }
0xa2: {  	_ =	swait.ge [sflag:s12], $0x800  }
0xa3: {  	[sflag:s12] =	ssyncset.done $0x0  }
0xa4: {  	[sflag:s12] =	ssyncadd.s32 $0xFFFFF800  }
0xa5: {  	[spmem:s2] =	stream.indirect.scatter.add.f32 [tilespmem:s15], [sflag:$0x1], $0x10, s26, s14, $0xb8;
	[tilespmem:$0xBC00] =	vst v63  }
0xa6: {  	_ =	swait.ge [sflag:s12], $0x800  }
0xa7: {  	[sflag:s12] =	ssyncset.done $0x0  }
0xa8: {  	[sflag:s12] =	ssyncadd.s32 $0xFFFFF800  }
0xa9: {  	[spmem:s2] =	stream.indirect.scatter.add.f32 [tilespmem:s15], [sflag:$0x1], $0x10, s28, s14, $0xb8;
	[tilespmem:$0xBC00] =	vst v63  }
0xaa: {  	_ =	swait.ge [sflag:s12], $0x800  }
0xab: {  	[sflag:s12] =	ssyncset.done $0x0  }
0xac: {  	[sflag:s12] =	ssyncadd.s32 $0xFFFFF800  }
0xad: {  	[spmem:s2] =	stream.indirect.scatter.add.f32 [tilespmem:s15], [sflag:$0x1], $0x10, s29, s14, $0xb8;
	[tilespmem:$0xBC00] =	vst v63  }
0xae: {  	_ =	swait.ge [sflag:s12], $0x800  }
0xaf: {  	[sflag:s12] =	ssyncset.done $0x0  }
0xb0: {  	[sflag:s12] =	ssyncadd.s32 $0xFFFFF800  }
0xb1: {  	[spmem:s2] =	stream.indirect.scatter.add.f32 [tilespmem:s15], [sflag:$0x1], $0x10, s30, s14, $0xb8;
	[tilespmem:$0xBC00] =	vst v63  }
0xb2: {  	_ =	swait.ge [sflag:s12], $0x800  }
0xb3: {  	[sflag:s12] =	ssyncset.done $0x0  }
0xb4: {  	[sflag:s12] =	ssyncadd.s32 $0xFFFFF800  }
0xb5: {  	[spmem:s2] =	stream.indirect.scatter.add.f32 [tilespmem:s15], [sflag:$0x1], $0x10, s31, s14, $0xb8;
	[tilespmem:$0xBC00] =	vst v63  }
0xb6: {  	_ =	swait.ge [sflag:s12], $0x800  }
0xb7: {  	[sflag:s12] =	ssyncset.done $0x0  }
0xb8: {  	[sflag:s12] =	ssyncadd.s32 $0xFFFFF800  }
0xb9: {  	[spmem:s2] =	stream.indirect.scatter.add.f32 [tilespmem:s15], [sflag:$0x1], $0x10, s1, s14, $0xb8;
	[tilespmem:$0xBC00] =	vst v63  }
0xba: {  	_ =	swait.ge [sflag:s12], $0x800  }
0xbb: {  	[sflag:s12] =	ssyncset.done $0x0  }
0xbc: {  	[sflag:s12] =	ssyncadd.s32 $0xFFFFF800  }
0xbd: {  	[spmem:s2] =	stream.indirect.scatter.add.f32 [tilespmem:s15], [sflag:$0x1], $0x10, s0, s14, $0xb8;
	[tilespmem:$0xBC00] =	vst v63  }
0xbe: {  	_ =	swait.ge [sflag:s12], $0x800  }
0xbf: {  	[sflag:s12] =	ssyncset.done $0x0  }
0xc0: {  	[sflag:s12] =	ssyncadd.s32 $0xFFFFF800  }
0xc1: {  	[spmem:s2] =	stream.indirect.scatter.add.f32 [tilespmem:s15], [sflag:$0x1], $0x10, s16, s14, $0xb8;
	[tilespmem:$0xBC00] =	vst v63  }
0xc2: {  	_ =	swait.ge [sflag:s12], $0x800  }
0xc3: {  	[sflag:s12] =	ssyncset.done $0x0  }
0xc4: {  	[sflag:s12] =	ssyncadd.s32 $0xFFFFF800  }
0xc5: {  	[spmem:s2] =	stream.indirect.scatter.add.f32 [tilespmem:s15], [sflag:$0x1], $0x10, s17, s14, $0xb8;
	[tilespmem:$0xBC00] =	vst v63  }
0xc6: {  	_ =	swait.ge [sflag:s12], $0x800  }
0xc7: {  	[sflag:s12] =	ssyncset.done $0x0  }
0xc8: {  	[sflag:s12] =	ssyncadd.s32 $0xFFFFF800  }
0xc9: {  	[spmem:s2] =	stream.indirect.scatter.add.f32 [tilespmem:s15], [sflag:$0x1], $0x10, s18, s14, $0xb8;
	[tilespmem:$0xBC00] =	vst v63  }
0xca: {  	_ =	swait.ge [sflag:s12], $0x800  }
0xcb: {  	[sflag:s12] =	ssyncset.done $0x0  }
0xcc: {  	[sflag:s12] =	ssyncadd.s32 $0xFFFFF800  }
0xcd: {  	[spmem:s2] =	stream.indirect.scatter.add.f32 [tilespmem:s15], [sflag:$0x1], $0x10, s19, s14, $0xb8;
	[tilespmem:$0xBC00] =	vst v63  }
0xce: {  	s22 =	stileid.u32;
	_ =	swait.ge [sflag:s12], $0x800  }
0xcf: {  	s20 =	sadd.s32 $0x1, s20;
	s21 =	sshll.u32 s22, $0x6;
	[sflag:s12] =	ssyncset.done $0x0  }
0xd0: {  	p0 =	sne.s32 s20, s11;
	s21 =	sor.u32 $0x1C01, s21;
	[sflag:s12] =	ssyncadd.s32 $0xFFFFF800  }
.Ltmp1:
0xd1: {  	s23 =	sshrl.u32 s4, $0x3;
	[bflag:$0x0] =	sbarrier.arrive $0xFFFF;
	(pc) =	sbr.rel @p0 .LBB2_1-.Ltmp1, $4  }
0xd2: {  	[hbm:s10], [sflag:s21] =	dma.local [spmem:s23], $0x2800  }
0xd3: {  	_ =	swait.ge [sflag:s12], $0x2800  }
0xd4: {  	[sflag:s12] =	ssyncset.done $0x0  }
0xd5: {  	[sflag:s12] =	ssyncadd.s32 $0xFFFFD800  }
0xd6: {  	_ =	sfence.sel $0x180000  }
0xd7: {  	[bflag:$0x0] =	sbarrier.arrive $0xFFFF  }
0xd8: {  	_ =	strace $0x90000047  }
0xd9: {  	s0 =	stileid.u32;
	[bflag:$0x2] =	sbarrier.arrive $0xFFFF  }
0xda: {  	p0 =	sne.s32 s0, $0x0;
	s0 =	rddreg [dreg:$0x2]  }
0xdb: {  	s0 =	sadd.s32 @!p0 $0x100000, s0  }
0xdc: {  	[sflag:s0] =	ssyncadd.tile.s32 @!p0 $0x1;
	_ =	shalt  }
.Lfunc_end2:
_tile_overlayer_lowered:
.L_overlay_start_2:
0xdd: {  	(tag) =	ssettag $0x2  }
0xde: {  	s0 =	rddreg [dreg:$0x0];
	s2 =	stileid.u32  }
0xdf: {  	s1 =	rddreg [dreg:$0x1];
	p0 =	sne.s32 s2, $0x0  }
0xe0: {  	s3 =	rddreg [dreg:$0x2];
	[bflag:$0x3] =	sbarrier.arrive $0xFFFF;
	s2 =	simm.s32 @!p0 $0x1C01  }
0xe1: {  	[timem:s3], [sflag:s2] =	dma.local @!p0 [hbm:s0], s1  }
0xe2: {  	s0 =	simm.s32 @!p0 $0x1  }
0xe3: {  	_ =	swait.ge @!p0 [sflag:s0], s1  }
0xe4: {  	s1 =	ssub.s32 @!p0 $0x0, s1;
	[sflag:s0] =	ssyncset.done @!p0 $0x0  }
0xe5: {  	[sflag:s0] =	ssyncadd.s32 @!p0 s1  }
0xe6: {  	[bflag:$0x3] =	sbarrier.arrive $0xFFFF  }
0xe7: {  	_ =	shalt  }

</sc_bundles>
